<compile_context>
chip_gen: v7x
topology: tpu7x:2x2x1
jax: 0.10.2.dev20260603
libtpu: 0.0.44.dev20260713+nightly
codegen_flags: <defaults>
</compile_context>

<pallas_src>
import functools

import jax
import jax.numpy as jnp
from jax import lax
from jax.experimental import pallas as pl
from jax.experimental.pallas import tpu as pltpu
from jax.experimental.pallas import tpu_sc as plsc

N_NODES = 10000
N_FEAT = 128
HID = 16
N_EDGES = 320000
SLOPE = 0.01

NC = 2
NS = 16
NW = NC * NS
EPT = N_EDGES // NW
BROWS = 320
HALF = NS * BROWS
TRASH = HALF
CH = 80
REG = 10320
L = 16


def _leaky(v):
    return jnp.where(v >= 0, v, SLOPE * v)



def _bin_body(src_hbm, dst_hbm, gsrc_hbm, gdl_hbm, cnt_hbm,
              src_v, dst_v, hist_v, cur_v, ssrc_v, sdl_v):
    c = lax.axis_index("c")
    s = lax.axis_index("s")
    wid = c * NS + s

    pltpu.sync_copy(src_hbm.at[wid], src_v)
    pltpu.sync_copy(dst_hbm.at[wid], dst_v)

    hist_v[pl.ds(0, L)] = jnp.zeros((L,), jnp.int32)
    hist_v[pl.ds(L, L)] = jnp.zeros((L,), jnp.int32)

    def _count(v, carry):
        d = dst_v[pl.ds(v * L, L)]
        k = d // BROWS
        rank, lastm = plsc.scan_count(k)
        h = plsc.load_gather(hist_v, [k])
        plsc.store_scatter(hist_v, [k], h + rank, mask=lastm)
        return carry
    lax.fori_loop(0, EPT // L, _count, 0)

    h0 = hist_v[pl.ds(0, L)]
    h1 = hist_v[pl.ds(L, L)]
    c80 = ((h0 + 7) // 8) * 8
    c81 = ((h1 + 7) // 8) * 8
    cur_v[pl.ds(0, L)] = plsc.cumsum(c80) - c80
    cur_v[pl.ds(L, L)] = plsc.cumsum(c81) - c81 + jnp.sum(c80)

    def _dist(v, carry):
        d = dst_v[pl.ds(v * L, L)]
        sv = src_v[pl.ds(v * L, L)]
        k = d // BROWS
        dl = d - HALF * (k // NS)
        rank, lastm = plsc.scan_count(k)
        cbase = plsc.load_gather(cur_v, [k])
        pos = cbase + rank - 1
        plsc.store_scatter(ssrc_v, [pos], sv)
        plsc.store_scatter(sdl_v, [pos], dl)
        plsc.store_scatter(cur_v, [k], cbase + rank,
                           mask=lastm)
        return carry
    lax.fori_loop(0, EPT // L, _dist, 0)

    pltpu.sync_copy(ssrc_v, gsrc_hbm.at[wid])
    pltpu.sync_copy(sdl_v, gdl_hbm.at[wid])
    pltpu.sync_copy(hist_v, cnt_hbm.at[wid])


@functools.partial(
    pl.kernel,
    out_type=[
        jax.ShapeDtypeStruct((NW, REG), jnp.int32),
        jax.ShapeDtypeStruct((NW, REG), jnp.int32),
        jax.ShapeDtypeStruct((NW, NW), jnp.int32),
    ],
    mesh=plsc.VectorSubcoreMesh(core_axis_name="c", subcore_axis_name="s"),
    scratch_types=[
        pltpu.VMEM((EPT,), jnp.int32),
        pltpu.VMEM((EPT,), jnp.int32),
        pltpu.VMEM((NW,), jnp.int32),
        pltpu.VMEM((NW,), jnp.int32),
        pltpu.VMEM((REG,), jnp.int32),
        pltpu.VMEM((REG,), jnp.int32),
    ],
    compiler_params=pltpu.CompilerParams(use_tc_tiling_on_sc=False,
                                         needs_layout_passes=False),
)
def _bin_edges(src_hbm, dst_hbm, gsrc_hbm, gdl_hbm, cnt_hbm, *scr):
    _bin_body(src_hbm, dst_hbm, gsrc_hbm, gdl_hbm, cnt_hbm, *scr)



def _seg_body(D, table_hbm, gsrc_hbm, gdl_hbm, cnt_hbm, zz_hbm, out_hbm,
              cnt_v, si, di, rows, acc_sh, sem):
    c = lax.axis_index("c")
    s = lax.axis_index("s")
    k = c * NS + s
    my_lo = s * BROWS

    pltpu.sync_copy(cnt_hbm, cnt_v)
    pltpu.sync_copy(zz_hbm, acc_sh.at[pl.ds(my_lo, BROWS)])

    lanes = lax.iota(jnp.int32, L)
    imin = jnp.int32(-2147483648)

    def _cscal(idx):
        grp = pl.multiple_of((idx // L) * L, L)
        v = cnt_v[pl.ds(grp, L)]
        return jnp.max(jnp.where(lanes == idx - grp, v, imin))

    def _run(t, carry):
        cnt = _cscal(t * NW + k)

        def _loff(kk, o):
            return o + ((_cscal(t * NW + kk) + 7) // 8) * 8
        base = t * REG + lax.fori_loop(0, k, _loff, 0)

        def _chunk(j, cc):
            off = pl.multiple_of(base + CH * j, 8)
            valid = jnp.minimum(cnt - CH * j, CH)
            pltpu.sync_copy(gsrc_hbm.at[pl.ds(off, CH)], si)
            pltpu.sync_copy(gdl_hbm.at[pl.ds(off, CH)], di)
            for g in range(CH // L):
                bad = (lanes + g * L) >= valid
                sg = si[pl.ds(g * L, L)]
                dg = di[pl.ds(g * L, L)]
                si[pl.ds(g * L, L)] = jnp.where(bad, 0, sg)
                di[pl.ds(g * L, L)] = jnp.where(bad, TRASH, dg)
            pltpu.async_copy(table_hbm.at[si], rows, sem).wait()
            pltpu.sync_copy(rows, acc_sh.at[di], add=True)
            return cc
        return lax.fori_loop(0, (cnt + CH - 1) // CH, _chunk, carry)
    lax.fori_loop(0, NW, _run, 0)

    pltpu.sync_copy(acc_sh.at[pl.ds(my_lo, BROWS)],
                    out_hbm.at[pl.ds(k * BROWS, BROWS)])


def _make_seg(D):
    @functools.partial(
        pl.kernel,
        out_type=jax.ShapeDtypeStruct((NW * BROWS, D), jnp.float32),
        mesh=plsc.VectorSubcoreMesh(core_axis_name="c",
                                    subcore_axis_name="s"),
        scratch_types=[
            pltpu.VMEM((NW * NW,), jnp.int32),
            pltpu.VMEM((CH,), jnp.int32),
            pltpu.VMEM((CH,), jnp.int32),
            pltpu.VMEM((CH, D), jnp.float32),
            pltpu.VMEM_SHARED((HALF + 8, D), jnp.float32),
            pltpu.SemaphoreType.DMA,
        ],
        compiler_params=pltpu.CompilerParams(use_tc_tiling_on_sc=False,
                                             needs_layout_passes=False),
    )
    def _seg(table_hbm, gsrc_hbm, gdl_hbm, cnt_hbm, zz_hbm, out_hbm, *scr):
        _seg_body(D, table_hbm, gsrc_hbm, gdl_hbm, cnt_hbm, zz_hbm, out_hbm,
                  *scr)

    return _seg


_seg128 = _make_seg(N_FEAT)
_seg16 = _make_seg(HID)



def _copy_body(x_ref, o_ref):
    o_ref[...] = x_ref[...]


def _copy_x(x):
    return pl.pallas_call(
        _copy_body,
        out_shape=jax.ShapeDtypeStruct((N_NODES, N_FEAT), jnp.float32),
    )(x)


def _layer_body(h_ref, a_ref, w1_ref, b1_ref, w2_ref, b2_ref, o_ref, o2_ref):
    hh = h_ref[...] + a_ref[...]
    hh = _leaky(jnp.dot(hh, w1_ref[...],
                        preferred_element_type=jnp.float32) + b1_ref[...])
    hh = jnp.dot(hh, w2_ref[...],
                 preferred_element_type=jnp.float32) + b2_ref[...]
    out = _leaky(hh)
    o_ref[...] = out
    o2_ref[...] = out


def _layer(h, aggr, w1, b1, w2, b2):
    return pl.pallas_call(
        _layer_body,
        out_shape=[jax.ShapeDtypeStruct((N_NODES, HID), jnp.float32)] * 2,
    )(h, aggr, w1, b1.reshape(1, HID), w2, b2.reshape(1, HID))


def _head_body(h_ref, a_ref, w1_ref, b1_ref, w2_ref, b2_ref, wfc_ref,
               bfc_ref, sc_ref, o_ref):
    hh = h_ref[...] + a_ref[...]
    hh = _leaky(jnp.dot(hh, w1_ref[...],
                        preferred_element_type=jnp.float32) + b1_ref[...])
    h3 = jnp.dot(hh, w2_ref[...],
                 preferred_element_type=jnp.float32) + b2_ref[...]
    h3 = h3 * sc_ref[...]
    o = jnp.dot(_leaky(h3), wfc_ref[...],
                preferred_element_type=jnp.float32) + bfc_ref[...]
    o_ref[...] = o[0:1, :]


def _head(h, aggr, w1, b1, w2, b2, wfc, bfc, scale):
    return pl.pallas_call(
        _head_body,
        out_shape=jax.ShapeDtypeStruct((1, 1), jnp.float32),
    )(h, aggr, w1, b1.reshape(1, HID), w2, b2.reshape(1, HID), wfc,
      bfc.reshape(1, 1), scale)



def kernel(x, edge_index, batch_size,
           W1_1, b1_1, W2_1, b2_1,
           W1_2, b1_2, W2_2, b2_2,
           W1_3, b1_3, W2_3, b2_3,
           Wfc, bfc):
    src = edge_index[0].reshape(NW, EPT)
    dst = edge_index[1].reshape(NW, EPT)

    gsrc, gdl, counts = _bin_edges(src, dst)
    gsrc = gsrc.reshape(NW * REG)
    gdl = gdl.reshape(NW * REG)
    counts = counts.reshape(NW * NW)
    z128 = jnp.zeros((BROWS, N_FEAT), jnp.float32)
    z16 = jnp.zeros((BROWS, HID), jnp.float32)

    a1 = _seg128(_copy_x(x), gsrc, gdl, counts, z128)[:N_NODES]
    h1, h1_sc = _layer(x, a1, W1_1, b1_1, W2_1, b2_1)
    a2 = _seg16(h1_sc, gsrc, gdl, counts, z16)[:N_NODES]
    h2, h2_sc = _layer(h1, a2, W1_2, b1_2, W2_2, b2_2)
    a3 = _seg16(h2_sc, gsrc, gdl, counts, z16)[:N_NODES]

    scale = (jnp.asarray(batch_size) // 1).astype(jnp.float32).reshape(1, 1)
    o = _head(h2, a3, W1_3, b1_3, W2_3, b2_3, Wfc, bfc, scale)
    return o.reshape(())

# --- scband reference (transcript-rebuilt; emitter-appended) ---
"""Pipeline reference for scband-regresor-gin-45088566673984 (READ-ONLY COPY).

The authoritative reference and input builder live on the scoring server;
editing this copy changes nothing except your own understanding.
"""

import jax, jax.numpy as jnp
import numpy as np

N_NODES = 10000
N_FEAT = 128
HID = 16
OUT = 16
N_EDGES = 320000
TGT = 0
SLOPE = 0.01
BATCH = 1


def _leaky(x):
    return jnp.where(x >= 0, x, SLOPE * x)


def setup_inputs(seed: int = 0) -> dict:
    key = jax.random.key(seed)
    ks = jax.random.split(key, 20)
    x = jax.random.normal(ks[0], (N_NODES, N_FEAT), dtype=jnp.float32)
    edge_index = jax.random.randint(ks[1], (2, N_EDGES), 0, N_NODES, dtype=jnp.int32)

    def lin(k, fan_in, fan_out):
        s = 1.0 / np.sqrt(fan_in)
        kw, kb = jax.random.split(k)
        W = jax.random.uniform(kw, (fan_in, fan_out), jnp.float32, -s, s)
        b = jax.random.uniform(kb, (fan_out,), jnp.float32, -s, s)
        return W, b

    W1_1, b1_1 = lin(ks[2], N_FEAT, HID)
    W2_1, b2_1 = lin(ks[3], HID, HID)
    W1_2, b1_2 = lin(ks[4], HID, HID)
    W2_2, b2_2 = lin(ks[5], HID, HID)
    W1_3, b1_3 = lin(ks[6], HID, HID)
    W2_3, b2_3 = lin(ks[7], HID, OUT)
    Wfc, bfc = lin(ks[8], OUT, 1)

    return {
        "x": x, "edge_index": edge_index, "batch_size": BATCH,
        "W1_1": W1_1, "b1_1": b1_1, "W2_1": W2_1, "b2_1": b2_1,
        "W1_2": W1_2, "b1_2": b1_2, "W2_2": W2_2, "b2_2": b2_2,
        "W1_3": W1_3, "b1_3": b1_3, "W2_3": W2_3, "b2_3": b2_3,
        "Wfc": Wfc, "bfc": bfc,
    }


def _gin_conv(x, edge_index, W1, b1, W2, b2):
    # GINConv with eps=0: h = x + sum_{j in N(i)} x_j, then MLP [in->hid, LeakyReLU, hid->out]
    src = edge_index[0]
    dst = edge_index[1]
    aggr = jax.ops.segment_sum(jnp.take(x, src, axis=0), dst, num_segments=x.shape[0])
    h = x + aggr
    h = _leaky(h @ W1 + b1)
    h = h @ W2 + b2
    return h


def reference(x, edge_index, batch_size,
              W1_1, b1_1, W2_1, b2_1,
              W1_2, b1_2, W2_2, b2_2,
              W1_3, b1_3, W2_3, b2_3,
              Wfc, bfc):
    h = _gin_conv(x, edge_index, W1_1, b1_1, W2_1, b2_1)
    h = _leaky(h)  # inter-layer act (act_first=True, no norm, eval-mode dropout = identity)
    h = _gin_conv(h, edge_index, W1_2, b1_2, W2_2, b2_2)
    h = _leaky(h)
    h = _gin_conv(h, edge_index, W1_3, b1_3, W2_3, b2_3)  # last layer: no act after
    scale = (jnp.asarray(batch_size) // BATCH).astype(h.dtype)
    h = h.reshape(BATCH, N_NODES, OUT) * scale
    o = _leaky(h) @ Wfc + bfc
    return o[:, TGT, :].squeeze()

if __name__ == "__main__":
    import jax
    _d = setup_inputs()
    print(jax.jit(kernel)(*tuple(_d.values())))

</pallas_src>

<mosaic_0001>
#map = affine_map<(d0, d1) -> (0, 0)>
module attributes {stable_mosaic.version = 14 : i64} {
  func.func @_bin_edges(%arg0: i32, %arg1: i32, %arg2: memref<32x10000xi32, #tpu.memory_space<hbm>>, %arg3: memref<32x10000xi32, #tpu.memory_space<hbm>>, %arg4: memref<32x10320xi32, #tpu.memory_space<hbm>>, %arg5: memref<32x10320xi32, #tpu.memory_space<hbm>>, %arg6: memref<32x32xi32, #tpu.memory_space<hbm>>, %arg7: memref<10000xi32, #tpu.memory_space<vmem>>, %arg8: memref<10000xi32, #tpu.memory_space<vmem>>, %arg9: memref<32xi32, #tpu.memory_space<vmem>>, %arg10: memref<32xi32, #tpu.memory_space<vmem>>, %arg11: memref<10320xi32, #tpu.memory_space<vmem>>, %arg12: memref<10320xi32, #tpu.memory_space<vmem>>) attributes {dimension_semantics = [#tpu.dimension_semantics<core_parallel>, #tpu.dimension_semantics<subcore_parallel>], iteration_bounds = array<i64: 2, 16>, scalar_prefetch = 0 : i64, scratch_operands = 6 : i64, tpu.core_type = #tpu.core_type<sc_vector_subcore>, window_params = [{transform_indices = #map}, {transform_indices = #map}, {transform_indices = #map}, {transform_indices = #map}, {transform_indices = #map}]} {
    %mul3A = arith.constant 16 : i32
    %mul3A_0 = arith.muli %arg0, %mul3A : i32
    %add3A = arith.addi %mul3A_0, %arg1 : i32
    "tpu.region"() ({
      %run_scoped3A = tpu.sem_alloc : memref<!tpu.dma_semaphore, #tpu.memory_space<semaphore_mem>>
      %dma_start3A = arith.constant 0 : i32
      %dma_start3A_103 = tpu.memref_slice %arg2[%add3A, %dma_start3A] : memref<32x10000xi32, #tpu.memory_space<hbm>> -> memref<1x10000xi32, #tpu.memory_space<hbm>>
      %dma_start3A_104 = tpu.memref_squeeze %dma_start3A_103 : memref<1x10000xi32, #tpu.memory_space<hbm>> -> memref<10000xi32, #tpu.memory_space<hbm>>
      %dma_start3A_105 = arith.constant 0 : i32
      %dma_start3A_106 = tpu.memref_slice %arg2[%add3A, %dma_start3A_105] : memref<32x10000xi32, #tpu.memory_space<hbm>> -> memref<1x10000xi32, #tpu.memory_space<hbm>>
      %dma_start3A_107 = tpu.memref_squeeze %dma_start3A_106 : memref<1x10000xi32, #tpu.memory_space<hbm>> -> memref<10000xi32, #tpu.memory_space<hbm>>
      tpu.enqueue_dma source(%dma_start3A_107 : memref<10000xi32, #tpu.memory_space<hbm>>) target(%arg7 : memref<10000xi32, #tpu.memory_space<vmem>>) target_semaphore(%run_scoped3A : memref<!tpu.dma_semaphore, #tpu.memory_space<semaphore_mem>>)
      %dma_wait3A = arith.constant 0 : i32
      %dma_wait3A_108 = tpu.memref_slice %arg2[%add3A, %dma_wait3A] : memref<32x10000xi32, #tpu.memory_space<hbm>> -> memref<1x10000xi32, #tpu.memory_space<hbm>>
      %dma_wait3A_109 = tpu.memref_squeeze %dma_wait3A_108 : memref<1x10000xi32, #tpu.memory_space<hbm>> -> memref<10000xi32, #tpu.memory_space<hbm>>
      %dma_wait3A_110 = arith.constant 0 : i32
      %dma_wait3A_111 = tpu.memref_slice %arg2[%add3A, %dma_wait3A_110] : memref<32x10000xi32, #tpu.memory_space<hbm>> -> memref<1x10000xi32, #tpu.memory_space<hbm>>
      %dma_wait3A_112 = tpu.memref_squeeze %dma_wait3A_111 : memref<1x10000xi32, #tpu.memory_space<hbm>> -> memref<10000xi32, #tpu.memory_space<hbm>>
      tpu.wait_dma2 semaphore(%run_scoped3A : memref<!tpu.dma_semaphore, #tpu.memory_space<semaphore_mem>>) src(%dma_wait3A_112 : memref<10000xi32, #tpu.memory_space<hbm>>) dst(%arg7 : memref<10000xi32, #tpu.memory_space<vmem>>)
      tpu.yield
    }) : () -> ()
    "tpu.region"() ({
      %run_scoped3A = tpu.sem_alloc : memref<!tpu.dma_semaphore, #tpu.memory_space<semaphore_mem>>
      %dma_start3A = arith.constant 0 : i32
      %dma_start3A_103 = tpu.memref_slice %arg3[%add3A, %dma_start3A] : memref<32x10000xi32, #tpu.memory_space<hbm>> -> memref<1x10000xi32, #tpu.memory_space<hbm>>
      %dma_start3A_104 = tpu.memref_squeeze %dma_start3A_103 : memref<1x10000xi32, #tpu.memory_space<hbm>> -> memref<10000xi32, #tpu.memory_space<hbm>>
      %dma_start3A_105 = arith.constant 0 : i32
      %dma_start3A_106 = tpu.memref_slice %arg3[%add3A, %dma_start3A_105] : memref<32x10000xi32, #tpu.memory_space<hbm>> -> memref<1x10000xi32, #tpu.memory_space<hbm>>
      %dma_start3A_107 = tpu.memref_squeeze %dma_start3A_106 : memref<1x10000xi32, #tpu.memory_space<hbm>> -> memref<10000xi32, #tpu.memory_space<hbm>>
      tpu.enqueue_dma source(%dma_start3A_107 : memref<10000xi32, #tpu.memory_space<hbm>>) target(%arg8 : memref<10000xi32, #tpu.memory_space<vmem>>) target_semaphore(%run_scoped3A : memref<!tpu.dma_semaphore, #tpu.memory_space<semaphore_mem>>)
      %dma_wait3A = arith.constant 0 : i32
      %dma_wait3A_108 = tpu.memref_slice %arg3[%add3A, %dma_wait3A] : memref<32x10000xi32, #tpu.memory_space<hbm>> -> memref<1x10000xi32, #tpu.memory_space<hbm>>
      %dma_wait3A_109 = tpu.memref_squeeze %dma_wait3A_108 : memref<1x10000xi32, #tpu.memory_space<hbm>> -> memref<10000xi32, #tpu.memory_space<hbm>>
      %dma_wait3A_110 = arith.constant 0 : i32
      %dma_wait3A_111 = tpu.memref_slice %arg3[%add3A, %dma_wait3A_110] : memref<32x10000xi32, #tpu.memory_space<hbm>> -> memref<1x10000xi32, #tpu.memory_space<hbm>>
      %dma_wait3A_112 = tpu.memref_squeeze %dma_wait3A_111 : memref<1x10000xi32, #tpu.memory_space<hbm>> -> memref<10000xi32, #tpu.memory_space<hbm>>
      tpu.wait_dma2 semaphore(%run_scoped3A : memref<!tpu.dma_semaphore, #tpu.memory_space<semaphore_mem>>) src(%dma_wait3A_112 : memref<10000xi32, #tpu.memory_space<hbm>>) dst(%arg8 : memref<10000xi32, #tpu.memory_space<vmem>>)
      tpu.yield
    }) : () -> ()
    %broadcast_in_dim3A = arith.constant 0 : i32
    %broadcast_in_dim3A_1 = vector.broadcast %broadcast_in_dim3A : i32 to vector<16xi32>
    %swap3A = arith.constant 0 : index
    %swap3A_2 = tpu.vector_load %arg9[%swap3A] {strides = array<i32>} : memref<32xi32, #tpu.memory_space<vmem>>, vector<16xi32>,
    tpu.vector_store %arg9[%swap3A], %broadcast_in_dim3A_1 {strides = array<i32>} : memref<32xi32, #tpu.memory_space<vmem>>, vector<16xi32>,
    %broadcast_in_dim3A_3 = arith.constant 0 : i32
    %broadcast_in_dim3A_4 = vector.broadcast %broadcast_in_dim3A_3 : i32 to vector<16xi32>
    %swap3A_5 = arith.constant 16 : index
    %swap3A_6 = tpu.vector_load %arg9[%swap3A_5] {strides = array<i32>} : memref<32xi32, #tpu.memory_space<vmem>>, vector<16xi32>,
    tpu.vector_store %arg9[%swap3A_5], %broadcast_in_dim3A_4 {strides = array<i32>} : memref<32xi32, #tpu.memory_space<vmem>>, vector<16xi32>,
    %scan3A = arith.constant 0 : i32
    %scan3A_7 = arith.constant 0 : i32
    %scan3A_8 = arith.constant 625 : i32
    %scan3A_9 = arith.addi %scan3A_7, %scan3A_8 : i32
    %scan3A_10 = arith.constant 1 : i32
    scf.for %scan3A_103 = %scan3A_7 to %scan3A_9 step %scan3A_10  : i32 {
      %mul3A_104 = arith.constant 16 : i32
      %mul3A_105 = arith.muli %scan3A_103, %mul3A_104 : i32
      %get3A_106 = arith.index_cast %mul3A_105 : i32 to index
      %get3A_107 = tpu.vector_load %arg8[%get3A_106] {strides = array<i32>} : memref<10000xi32, #tpu.memory_space<vmem>>, vector<16xi32>,
      %jit3A_108 = arith.constant 320 : i32
      %div3A_109 = vector.broadcast %jit3A_108 : i32 to vector<16xi32>
      %div3A_110 = arith.divsi %get3A_107, %div3A_109 : vector<16xi32>
      %sign3A_111 = arith.constant 0 : i32
      %sign3A_112 = vector.broadcast %sign3A_111 : i32 to vector<16xi32>
      %sign3A_113 = arith.cmpi sgt, %get3A_107, %sign3A_112 : vector<16xi32>
      %sign3A_114 = arith.extui %sign3A_113 : vector<16xi1> to vector<16xi32>
      %sign3A_115 = arith.constant 0 : i32
      %sign3A_116 = vector.broadcast %sign3A_115 : i32 to vector<16xi32>
      %sign3A_117 = arith.cmpi slt, %get3A_107, %sign3A_116 : vector<16xi32>
      %sign3A_118 = arith.extui %sign3A_117 : vector<16xi1> to vector<16xi32>
      %sign3A_119 = arith.subi %sign3A_114, %sign3A_118 : vector<16xi32>
      %sign3A_120 = arith.constant 0 : i32
      %sign3A_121 = arith.cmpi sgt, %jit3A_108, %sign3A_120 : i32
      %sign3A_122 = arith.extui %sign3A_121 : i1 to i32
      %sign3A_123 = arith.constant 0 : i32
      %sign3A_124 = arith.cmpi slt, %jit3A_108, %sign3A_123 : i32
      %sign3A_125 = arith.extui %sign3A_124 : i1 to i32
      %sign3A_126 = arith.subi %sign3A_122, %sign3A_125 : i32
      %ne3A_127 = vector.broadcast %sign3A_126 : i32 to vector<16xi32>
      %ne3A_128 = arith.cmpi ne, %sign3A_119, %ne3A_127 : vector<16xi32>
      %rem3A_129 = vector.broadcast %jit3A_108 : i32 to vector<16xi32>
      %rem3A_130 = arith.remsi %get3A_107, %rem3A_129 : vector<16xi32>
      %ne3A_131 = arith.constant 0 : i32
      %ne3A_132 = vector.broadcast %ne3A_131 : i32 to vector<16xi32>
      %ne3A_133 = arith.cmpi ne, %rem3A_130, %ne3A_132 : vector<16xi32>
      %and3A_134 = arith.andi %ne3A_128, %ne3A_133 : vector<16xi1>
      %sub3A_135 = arith.constant 1 : i32
      %sub3A_136 = vector.broadcast %sub3A_135 : i32 to vector<16xi32>
      %sub3A_137 = arith.subi %div3A_110, %sub3A_136 : vector<16xi32>
      %select_n3A_138 = arith.select %and3A_134, %sub3A_137, %div3A_110 : vector<16xi1>, vector<16xi32>
      %broadcast_in_dim3A_139 = arith.constant true
      %broadcast_in_dim3A_140 = vector.broadcast %broadcast_in_dim3A_139 : i1 to vector<16xi1>
      %unique3A, %unique3A_141 = tpu.scan_count mask(%broadcast_in_dim3A_140 : vector<16xi1>) value(%select_n3A_138 : vector<16xi32>) : vector<16xi1>, vector<16xi32>
      %gather3A = tpu.vector_load_idx %arg9[%select_n3A_138] : memref<32xi32, #tpu.memory_space<vmem>>[vector<16xi32>], vector<16xi32>,
      %add3A_142 = arith.addi %gather3A, %unique3A_141 : vector<16xi32>
      tpu.vector_store_idx %arg9[%select_n3A_138], %add3A_142 masked %unique3A : memref<32xi32, #tpu.memory_space<vmem>>[vector<16xi32>], vector<16xi32>, vector<16xi1>
    }
    %scan3A_11 = arith.constant 625 : i32
    %get3A = arith.constant 0 : index
    %get3A_12 = tpu.vector_load %arg9[%get3A] {strides = array<i32>} : memref<32xi32, #tpu.memory_space<vmem>>, vector<16xi32>,
    %get3A_13 = arith.constant 16 : index
    %get3A_14 = tpu.vector_load %arg9[%get3A_13] {strides = array<i32>} : memref<32xi32, #tpu.memory_space<vmem>>, vector<16xi32>,
    %add3A_15 = arith.constant 7 : i32
    %add3A_16 = vector.broadcast %add3A_15 : i32 to vector<16xi32>
    %add3A_17 = arith.addi %get3A_12, %add3A_16 : vector<16xi32>
    %jit3A = arith.constant 8 : i32
    %div3A = vector.broadcast %jit3A : i32 to vector<16xi32>
    %div3A_18 = arith.divsi %add3A_17, %div3A : vector<16xi32>
    %sign3A = arith.constant 0 : i32
    %sign3A_19 = vector.broadcast %sign3A : i32 to vector<16xi32>
    %sign3A_20 = arith.cmpi sgt, %add3A_17, %sign3A_19 : vector<16xi32>
    %sign3A_21 = arith.extui %sign3A_20 : vector<16xi1> to vector<16xi32>
    %sign3A_22 = arith.constant 0 : i32
    %sign3A_23 = vector.broadcast %sign3A_22 : i32 to vector<16xi32>
    %sign3A_24 = arith.cmpi slt, %add3A_17, %sign3A_23 : vector<16xi32>
    %sign3A_25 = arith.extui %sign3A_24 : vector<16xi1> to vector<16xi32>
    %sign3A_26 = arith.subi %sign3A_21, %sign3A_25 : vector<16xi32>
    %sign3A_27 = arith.constant 0 : i32
    %sign3A_28 = arith.cmpi sgt, %jit3A, %sign3A_27 : i32
    %sign3A_29 = arith.extui %sign3A_28 : i1 to i32
    %sign3A_30 = arith.constant 0 : i32
    %sign3A_31 = arith.cmpi slt, %jit3A, %sign3A_30 : i32
    %sign3A_32 = arith.extui %sign3A_31 : i1 to i32
    %sign3A_33 = arith.subi %sign3A_29, %sign3A_32 : i32
    %ne3A = vector.broadcast %sign3A_33 : i32 to vector<16xi32>
    %ne3A_34 = arith.cmpi ne, %sign3A_26, %ne3A : vector<16xi32>
    %rem3A = vector.broadcast %jit3A : i32 to vector<16xi32>
    %rem3A_35 = arith.remsi %add3A_17, %rem3A : vector<16xi32>
    %ne3A_36 = arith.constant 0 : i32
    %ne3A_37 = vector.broadcast %ne3A_36 : i32 to vector<16xi32>
    %ne3A_38 = arith.cmpi ne, %rem3A_35, %ne3A_37 : vector<16xi32>
    %and3A = arith.andi %ne3A_34, %ne3A_38 : vector<16xi1>
    %sub3A = arith.constant 1 : i32
    %sub3A_39 = vector.broadcast %sub3A : i32 to vector<16xi32>
    %sub3A_40 = arith.subi %div3A_18, %sub3A_39 : vector<16xi32>
    %select_n3A = arith.select %and3A, %sub3A_40, %div3A_18 : vector<16xi1>, vector<16xi32>
    %mul3A_41 = arith.constant 8 : i32
    %mul3A_42 = vector.broadcast %mul3A_41 : i32 to vector<16xi32>
    %mul3A_43 = arith.muli %select_n3A, %mul3A_42 : vector<16xi32>
    %add3A_44 = arith.constant 7 : i32
    %add3A_45 = vector.broadcast %add3A_44 : i32 to vector<16xi32>
    %add3A_46 = arith.addi %get3A_14, %add3A_45 : vector<16xi32>
    %jit3A_47 = arith.constant 8 : i32
    %div3A_48 = vector.broadcast %jit3A_47 : i32 to vector<16xi32>
    %div3A_49 = arith.divsi %add3A_46, %div3A_48 : vector<16xi32>
    %sign3A_50 = arith.constant 0 : i32
    %sign3A_51 = vector.broadcast %sign3A_50 : i32 to vector<16xi32>
    %sign3A_52 = arith.cmpi sgt, %add3A_46, %sign3A_51 : vector<16xi32>
    %sign3A_53 = arith.extui %sign3A_52 : vector<16xi1> to vector<16xi32>
    %sign3A_54 = arith.constant 0 : i32
    %sign3A_55 = vector.broadcast %sign3A_54 : i32 to vector<16xi32>
    %sign3A_56 = arith.cmpi slt, %add3A_46, %sign3A_55 : vector<16xi32>
    %sign3A_57 = arith.extui %sign3A_56 : vector<16xi1> to vector<16xi32>
    %sign3A_58 = arith.subi %sign3A_53, %sign3A_57 : vector<16xi32>
    %sign3A_59 = arith.constant 0 : i32
    %sign3A_60 = arith.cmpi sgt, %jit3A_47, %sign3A_59 : i32
    %sign3A_61 = arith.extui %sign3A_60 : i1 to i32
    %sign3A_62 = arith.constant 0 : i32
    %sign3A_63 = arith.cmpi slt, %jit3A_47, %sign3A_62 : i32
    %sign3A_64 = arith.extui %sign3A_63 : i1 to i32
    %sign3A_65 = arith.subi %sign3A_61, %sign3A_64 : i32
    %ne3A_66 = vector.broadcast %sign3A_65 : i32 to vector<16xi32>
    %ne3A_67 = arith.cmpi ne, %sign3A_58, %ne3A_66 : vector<16xi32>
    %rem3A_68 = vector.broadcast %jit3A_47 : i32 to vector<16xi32>
    %rem3A_69 = arith.remsi %add3A_46, %rem3A_68 : vector<16xi32>
    %ne3A_70 = arith.constant 0 : i32
    %ne3A_71 = vector.broadcast %ne3A_70 : i32 to vector<16xi32>
    %ne3A_72 = arith.cmpi ne, %rem3A_69, %ne3A_71 : vector<16xi32>
    %and3A_73 = arith.andi %ne3A_67, %ne3A_72 : vector<16xi1>
    %sub3A_74 = arith.constant 1 : i32
    %sub3A_75 = vector.broadcast %sub3A_74 : i32 to vector<16xi32>
    %sub3A_76 = arith.subi %div3A_49, %sub3A_75 : vector<16xi32>
    %select_n3A_77 = arith.select %and3A_73, %sub3A_76, %div3A_49 : vector<16xi1>, vector<16xi32>
    %mul3A_78 = arith.constant 8 : i32
    %mul3A_79 = vector.broadcast %mul3A_78 : i32 to vector<16xi32>
    %mul3A_80 = arith.muli %select_n3A_77, %mul3A_79 : vector<16xi32>
    %broadcast_in_dim3A_81 = arith.constant true
    %broadcast_in_dim3A_82 = vector.broadcast %broadcast_in_dim3A_81 : i1 to vector<16xi1>
    %masked_cumsum3A = tpu.scan <sum>, %mul3A_43 masked %broadcast_in_dim3A_82 : vector<16xi32>, vector<16xi1> -> vector<16xi32>
    %sub3A_83 = arith.subi %masked_cumsum3A, %mul3A_43 : vector<16xi32>
    %swap3A_84 = arith.constant 0 : index
    %swap3A_85 = tpu.vector_load %arg10[%swap3A_84] {strides = array<i32>} : memref<32xi32, #tpu.memory_space<vmem>>, vector<16xi32>,
    tpu.vector_store %arg10[%swap3A_84], %sub3A_83 {strides = array<i32>} : memref<32xi32, #tpu.memory_space<vmem>>, vector<16xi32>,
    %broadcast_in_dim3A_86 = arith.constant true
    %broadcast_in_dim3A_87 = vector.broadcast %broadcast_in_dim3A_86 : i1 to vector<16xi1>
    %masked_cumsum3A_88 = tpu.scan <sum>, %mul3A_80 masked %broadcast_in_dim3A_87 : vector<16xi32>, vector<16xi1> -> vector<16xi32>
    %sub3A_89 = arith.subi %masked_cumsum3A_88, %mul3A_80 : vector<16xi32>
    %reduce_sum3A = arith.constant true
    %reduce_sum3A_90 = vector.broadcast %reduce_sum3A : i1 to vector<16xi1>
    %reduce_sum3A_91 = tpu.scan <sum>, %mul3A_43 masked %reduce_sum3A_90 : vector<16xi32>, vector<16xi1> -> vector<16xi32>
    %reduce_sum3A_92 = vector.extract %reduce_sum3A_91[15] : i32 from vector<16xi32>
    %add3A_93 = vector.broadcast %reduce_sum3A_92 : i32 to vector<16xi32>
    %add3A_94 = arith.addi %sub3A_89, %add3A_93 : vector<16xi32>
    %swap3A_95 = arith.constant 16 : index
    %swap3A_96 = tpu.vector_load %arg10[%swap3A_95] {strides = array<i32>} : memref<32xi32, #tpu.memory_space<vmem>>, vector<16xi32>,
    tpu.vector_store %arg10[%swap3A_95], %add3A_94 {strides = array<i32>} : memref<32xi32, #tpu.memory_space<vmem>>, vector<16xi32>,
    %scan3A_97 = arith.constant 0 : i32
    %scan3A_98 = arith.constant 0 : i32
    %scan3A_99 = arith.constant 625 : i32
    %scan3A_100 = arith.addi %scan3A_98, %scan3A_99 : i32
    %scan3A_101 = arith.constant 1 : i32
    scf.for %scan3A_103 = %scan3A_98 to %scan3A_100 step %scan3A_101  : i32 {
      %mul3A_104 = arith.constant 16 : i32
      %mul3A_105 = arith.muli %scan3A_103, %mul3A_104 : i32
      %get3A_106 = arith.index_cast %mul3A_105 : i32 to index
      %get3A_107 = tpu.vector_load %arg8[%get3A_106] {strides = array<i32>} : memref<10000xi32, #tpu.memory_space<vmem>>, vector<16xi32>,
      %mul3A_108 = arith.constant 16 : i32
      %mul3A_109 = arith.muli %scan3A_103, %mul3A_108 : i32
      %get3A_110 = arith.index_cast %mul3A_109 : i32 to index
      %get3A_111 = tpu.vector_load %arg7[%get3A_110] {strides = array<i32>} : memref<10000xi32, #tpu.memory_space<vmem>>, vector<16xi32>,
      %jit3A_112 = arith.constant 320 : i32
      %div3A_113 = vector.broadcast %jit3A_112 : i32 to vector<16xi32>
      %div3A_114 = arith.divsi %get3A_107, %div3A_113 : vector<16xi32>
      %sign3A_115 = arith.constant 0 : i32
      %sign3A_116 = vector.broadcast %sign3A_115 : i32 to vector<16xi32>
      %sign3A_117 = arith.cmpi sgt, %get3A_107, %sign3A_116 : vector<16xi32>
      %sign3A_118 = arith.extui %sign3A_117 : vector<16xi1> to vector<16xi32>
      %sign3A_119 = arith.constant 0 : i32
      %sign3A_120 = vector.broadcast %sign3A_119 : i32 to vector<16xi32>
      %sign3A_121 = arith.cmpi slt, %get3A_107, %sign3A_120 : vector<16xi32>
      %sign3A_122 = arith.extui %sign3A_121 : vector<16xi1> to vector<16xi32>
      %sign3A_123 = arith.subi %sign3A_118, %sign3A_122 : vector<16xi32>
      %sign3A_124 = arith.constant 0 : i32
      %sign3A_125 = arith.cmpi sgt, %jit3A_112, %sign3A_124 : i32
      %sign3A_126 = arith.extui %sign3A_125 : i1 to i32
      %sign3A_127 = arith.constant 0 : i32
      %sign3A_128 = arith.cmpi slt, %jit3A_112, %sign3A_127 : i32
      %sign3A_129 = arith.extui %sign3A_128 : i1 to i32
      %sign3A_130 = arith.subi %sign3A_126, %sign3A_129 : i32
      %ne3A_131 = vector.broadcast %sign3A_130 : i32 to vector<16xi32>
      %ne3A_132 = arith.cmpi ne, %sign3A_123, %ne3A_131 : vector<16xi32>
      %rem3A_133 = vector.broadcast %jit3A_112 : i32 to vector<16xi32>
      %rem3A_134 = arith.remsi %get3A_107, %rem3A_133 : vector<16xi32>
      %ne3A_135 = arith.constant 0 : i32
      %ne3A_136 = vector.broadcast %ne3A_135 : i32 to vector<16xi32>
      %ne3A_137 = arith.cmpi ne, %rem3A_134, %ne3A_136 : vector<16xi32>
      %and3A_138 = arith.andi %ne3A_132, %ne3A_137 : vector<16xi1>
      %sub3A_139 = arith.constant 1 : i32
      %sub3A_140 = vector.broadcast %sub3A_139 : i32 to vector<16xi32>
      %sub3A_141 = arith.subi %div3A_114, %sub3A_140 : vector<16xi32>
      %select_n3A_142 = arith.select %and3A_138, %sub3A_141, %div3A_114 : vector<16xi1>, vector<16xi32>
      %jit3A_143 = arith.constant 16 : i32
      %div3A_144 = vector.broadcast %jit3A_143 : i32 to vector<16xi32>
      %div3A_145 = arith.divsi %select_n3A_142, %div3A_144 : vector<16xi32>
      %sign3A_146 = arith.constant 0 : i32
      %sign3A_147 = vector.broadcast %sign3A_146 : i32 to vector<16xi32>
      %sign3A_148 = arith.cmpi sgt, %select_n3A_142, %sign3A_147 : vector<16xi32>
      %sign3A_149 = arith.extui %sign3A_148 : vector<16xi1> to vector<16xi32>
      %sign3A_150 = arith.constant 0 : i32
      %sign3A_151 = vector.broadcast %sign3A_150 : i32 to vector<16xi32>
      %sign3A_152 = arith.cmpi slt, %select_n3A_142, %sign3A_151 : vector<16xi32>
      %sign3A_153 = arith.extui %sign3A_152 : vector<16xi1> to vector<16xi32>
      %sign3A_154 = arith.subi %sign3A_149, %sign3A_153 : vector<16xi32>
      %sign3A_155 = arith.constant 0 : i32
      %sign3A_156 = arith.cmpi sgt, %jit3A_143, %sign3A_155 : i32
      %sign3A_157 = arith.extui %sign3A_156 : i1 to i32
      %sign3A_158 = arith.constant 0 : i32
      %sign3A_159 = arith.cmpi slt, %jit3A_143, %sign3A_158 : i32
      %sign3A_160 = arith.extui %sign3A_159 : i1 to i32
      %sign3A_161 = arith.subi %sign3A_157, %sign3A_160 : i32
      %ne3A_162 = vector.broadcast %sign3A_161 : i32 to vector<16xi32>
      %ne3A_163 = arith.cmpi ne, %sign3A_154, %ne3A_162 : vector<16xi32>
      %rem3A_164 = vector.broadcast %jit3A_143 : i32 to vector<16xi32>
      %rem3A_165 = arith.remsi %select_n3A_142, %rem3A_164 : vector<16xi32>
      %ne3A_166 = arith.constant 0 : i32
      %ne3A_167 = vector.broadcast %ne3A_166 : i32 to vector<16xi32>
      %ne3A_168 = arith.cmpi ne, %rem3A_165, %ne3A_167 : vector<16xi32>
      %and3A_169 = arith.andi %ne3A_163, %ne3A_168 : vector<16xi1>
      %sub3A_170 = arith.constant 1 : i32
      %sub3A_171 = vector.broadcast %sub3A_170 : i32 to vector<16xi32>
      %sub3A_172 = arith.subi %div3A_145, %sub3A_171 : vector<16xi32>
      %select_n3A_173 = arith.select %and3A_169, %sub3A_172, %div3A_145 : vector<16xi1>, vector<16xi32>
      %mul3A_174 = arith.constant 5120 : i32
      %mul3A_175 = vector.broadcast %mul3A_174 : i32 to vector<16xi32>
      %mul3A_176 = arith.muli %mul3A_175, %select_n3A_173 : vector<16xi32>
      %sub3A_177 = arith.subi %get3A_107, %mul3A_176 : vector<16xi32>
      %broadcast_in_dim3A_178 = arith.constant true
      %broadcast_in_dim3A_179 = vector.broadcast %broadcast_in_dim3A_178 : i1 to vector<16xi1>
      %unique3A, %unique3A_180 = tpu.scan_count mask(%broadcast_in_dim3A_179 : vector<16xi1>) value(%select_n3A_142 : vector<16xi32>) : vector<16xi1>, vector<16xi32>
      %gather3A = tpu.vector_load_idx %arg10[%select_n3A_142] : memref<32xi32, #tpu.memory_space<vmem>>[vector<16xi32>], vector<16xi32>,
      %add3A_181 = arith.addi %gather3A, %unique3A_180 : vector<16xi32>
      %sub3A_182 = arith.constant 1 : i32
      %sub3A_183 = vector.broadcast %sub3A_182 : i32 to vector<16xi32>
      %sub3A_184 = arith.subi %add3A_181, %sub3A_183 : vector<16xi32>
      tpu.vector_store_idx %arg11[%sub3A_184], %get3A_111 : memref<10320xi32, #tpu.memory_space<vmem>>[vector<16xi32>], vector<16xi32>,
      tpu.vector_store_idx %arg12[%sub3A_184], %sub3A_177 : memref<10320xi32, #tpu.memory_space<vmem>>[vector<16xi32>], vector<16xi32>,
      %add3A_185 = arith.addi %gather3A, %unique3A_180 : vector<16xi32>
      tpu.vector_store_idx %arg10[%select_n3A_142], %add3A_185 masked %unique3A : memref<32xi32, #tpu.memory_space<vmem>>[vector<16xi32>], vector<16xi32>, vector<16xi1>
    }
    %scan3A_102 = arith.constant 625 : i32
    "tpu.region"() ({
      %run_scoped3A = tpu.sem_alloc : memref<!tpu.dma_semaphore, #tpu.memory_space<semaphore_mem>>
      %dma_start3A = arith.constant 0 : i32
      %dma_start3A_103 = tpu.memref_slice %arg4[%add3A, %dma_start3A] : memref<32x10320xi32, #tpu.memory_space<hbm>> -> memref<1x10320xi32, #tpu.memory_space<hbm>>
      %dma_start3A_104 = tpu.memref_squeeze %dma_start3A_103 : memref<1x10320xi32, #tpu.memory_space<hbm>> -> memref<10320xi32, #tpu.memory_space<hbm>>
      %dma_start3A_105 = arith.constant 0 : i32
      %dma_start3A_106 = tpu.memref_slice %arg4[%add3A, %dma_start3A_105] : memref<32x10320xi32, #tpu.memory_space<hbm>> -> memref<1x10320xi32, #tpu.memory_space<hbm>>
      %dma_start3A_107 = tpu.memref_squeeze %dma_start3A_106 : memref<1x10320xi32, #tpu.memory_space<hbm>> -> memref<10320xi32, #tpu.memory_space<hbm>>
      tpu.enqueue_dma source(%arg11 : memref<10320xi32, #tpu.memory_space<vmem>>) target(%dma_start3A_107 : memref<10320xi32, #tpu.memory_space<hbm>>) target_semaphore(%run_scoped3A : memref<!tpu.dma_semaphore, #tpu.memory_space<semaphore_mem>>)
      %dma_wait3A = arith.constant 0 : i32
      %dma_wait3A_108 = tpu.memref_slice %arg4[%add3A, %dma_wait3A] : memref<32x10320xi32, #tpu.memory_space<hbm>> -> memref<1x10320xi32, #tpu.memory_space<hbm>>
      %dma_wait3A_109 = tpu.memref_squeeze %dma_wait3A_108 : memref<1x10320xi32, #tpu.memory_space<hbm>> -> memref<10320xi32, #tpu.memory_space<hbm>>
      %dma_wait3A_110 = arith.constant 0 : i32
      %dma_wait3A_111 = tpu.memref_slice %arg4[%add3A, %dma_wait3A_110] : memref<32x10320xi32, #tpu.memory_space<hbm>> -> memref<1x10320xi32, #tpu.memory_space<hbm>>
      %dma_wait3A_112 = tpu.memref_squeeze %dma_wait3A_111 : memref<1x10320xi32, #tpu.memory_space<hbm>> -> memref<10320xi32, #tpu.memory_space<hbm>>
      tpu.wait_dma2 semaphore(%run_scoped3A : memref<!tpu.dma_semaphore, #tpu.memory_space<semaphore_mem>>) src(%arg11 : memref<10320xi32, #tpu.memory_space<vmem>>) dst(%dma_wait3A_112 : memref<10320xi32, #tpu.memory_space<hbm>>)
      tpu.yield
    }) : () -> ()
    "tpu.region"() ({
      %run_scoped3A = tpu.sem_alloc : memref<!tpu.dma_semaphore, #tpu.memory_space<semaphore_mem>>
      %dma_start3A = arith.constant 0 : i32
      %dma_start3A_103 = tpu.memref_slice %arg5[%add3A, %dma_start3A] : memref<32x10320xi32, #tpu.memory_space<hbm>> -> memref<1x10320xi32, #tpu.memory_space<hbm>>
      %dma_start3A_104 = tpu.memref_squeeze %dma_start3A_103 : memref<1x10320xi32, #tpu.memory_space<hbm>> -> memref<10320xi32, #tpu.memory_space<hbm>>
      %dma_start3A_105 = arith.constant 0 : i32
      %dma_start3A_106 = tpu.memref_slice %arg5[%add3A, %dma_start3A_105] : memref<32x10320xi32, #tpu.memory_space<hbm>> -> memref<1x10320xi32, #tpu.memory_space<hbm>>
      %dma_start3A_107 = tpu.memref_squeeze %dma_start3A_106 : memref<1x10320xi32, #tpu.memory_space<hbm>> -> memref<10320xi32, #tpu.memory_space<hbm>>
      tpu.enqueue_dma source(%arg12 : memref<10320xi32, #tpu.memory_space<vmem>>) target(%dma_start3A_107 : memref<10320xi32, #tpu.memory_space<hbm>>) target_semaphore(%run_scoped3A : memref<!tpu.dma_semaphore, #tpu.memory_space<semaphore_mem>>)
      %dma_wait3A = arith.constant 0 : i32
      %dma_wait3A_108 = tpu.memref_slice %arg5[%add3A, %dma_wait3A] : memref<32x10320xi32, #tpu.memory_space<hbm>> -> memref<1x10320xi32, #tpu.memory_space<hbm>>
      %dma_wait3A_109 = tpu.memref_squeeze %dma_wait3A_108 : memref<1x10320xi32, #tpu.memory_space<hbm>> -> memref<10320xi32, #tpu.memory_space<hbm>>
      %dma_wait3A_110 = arith.constant 0 : i32
      %dma_wait3A_111 = tpu.memref_slice %arg5[%add3A, %dma_wait3A_110] : memref<32x10320xi32, #tpu.memory_space<hbm>> -> memref<1x10320xi32, #tpu.memory_space<hbm>>
      %dma_wait3A_112 = tpu.memref_squeeze %dma_wait3A_111 : memref<1x10320xi32, #tpu.memory_space<hbm>> -> memref<10320xi32, #tpu.memory_space<hbm>>
      tpu.wait_dma2 semaphore(%run_scoped3A : memref<!tpu.dma_semaphore, #tpu.memory_space<semaphore_mem>>) src(%arg12 : memref<10320xi32, #tpu.memory_space<vmem>>) dst(%dma_wait3A_112 : memref<10320xi32, #tpu.memory_space<hbm>>)
      tpu.yield
    }) : () -> ()
    "tpu.region"() ({
      %run_scoped3A = tpu.sem_alloc : memref<!tpu.dma_semaphore, #tpu.memory_space<semaphore_mem>>
      %dma_start3A = arith.constant 0 : i32
      %dma_start3A_103 = tpu.memref_slice %arg6[%add3A, %dma_start3A] : memref<32x32xi32, #tpu.memory_space<hbm>> -> memref<1x32xi32, #tpu.memory_space<hbm>>
      %dma_start3A_104 = tpu.memref_squeeze %dma_start3A_103 : memref<1x32xi32, #tpu.memory_space<hbm>> -> memref<32xi32, #tpu.memory_space<hbm>>
      %dma_start3A_105 = arith.constant 0 : i32
      %dma_start3A_106 = tpu.memref_slice %arg6[%add3A, %dma_start3A_105] : memref<32x32xi32, #tpu.memory_space<hbm>> -> memref<1x32xi32, #tpu.memory_space<hbm>>
      %dma_start3A_107 = tpu.memref_squeeze %dma_start3A_106 : memref<1x32xi32, #tpu.memory_space<hbm>> -> memref<32xi32, #tpu.memory_space<hbm>>
      tpu.enqueue_dma source(%arg9 : memref<32xi32, #tpu.memory_space<vmem>>) target(%dma_start3A_107 : memref<32xi32, #tpu.memory_space<hbm>>) target_semaphore(%run_scoped3A : memref<!tpu.dma_semaphore, #tpu.memory_space<semaphore_mem>>)
      %dma_wait3A = arith.constant 0 : i32
      %dma_wait3A_108 = tpu.memref_slice %arg6[%add3A, %dma_wait3A] : memref<32x32xi32, #tpu.memory_space<hbm>> -> memref<1x32xi32, #tpu.memory_space<hbm>>
      %dma_wait3A_109 = tpu.memref_squeeze %dma_wait3A_108 : memref<1x32xi32, #tpu.memory_space<hbm>> -> memref<32xi32, #tpu.memory_space<hbm>>
      %dma_wait3A_110 = arith.constant 0 : i32
      %dma_wait3A_111 = tpu.memref_slice %arg6[%add3A, %dma_wait3A_110] : memref<32x32xi32, #tpu.memory_space<hbm>> -> memref<1x32xi32, #tpu.memory_space<hbm>>
      %dma_wait3A_112 = tpu.memref_squeeze %dma_wait3A_111 : memref<1x32xi32, #tpu.memory_space<hbm>> -> memref<32xi32, #tpu.memory_space<hbm>>
      tpu.wait_dma2 semaphore(%run_scoped3A : memref<!tpu.dma_semaphore, #tpu.memory_space<semaphore_mem>>) src(%arg9 : memref<32xi32, #tpu.memory_space<vmem>>) dst(%dma_wait3A_112 : memref<32xi32, #tpu.memory_space<hbm>>)
      tpu.yield
    }) : () -> ()
    return
  }
}

#map = affine_map<(d0, d1) -> (0, 0)>
#map1 = affine_map<(d0, d1) -> (0)>
module attributes {stable_mosaic.version = 14 : i64} {
  func.func @_seg(%arg0: i32, %arg1: i32, %arg2: memref<10000x16xf32, #tpu.memory_space<hbm>>, %arg3: memref<330240xi32, #tpu.memory_space<hbm>>, %arg4: memref<330240xi32, #tpu.memory_space<hbm>>, %arg5: memref<1024xi32, #tpu.memory_space<hbm>>, %arg6: memref<320x16xf32, #tpu.memory_space<hbm>>, %arg7: memref<10240x16xf32, #tpu.memory_space<hbm>>, %arg8: memref<1024xi32, #tpu.memory_space<vmem>>, %arg9: memref<80xi32, #tpu.memory_space<vmem>>, %arg10: memref<80xi32, #tpu.memory_space<vmem>>, %arg11: memref<80x16xf32, #tpu.memory_space<vmem>>, %arg12: memref<5128x16xf32, #tpu.memory_space<vmem_shared>>, %arg13: memref<!tpu.dma_semaphore, #tpu.memory_space<semaphore_mem>>) attributes {dimension_semantics = [#tpu.dimension_semantics<core_parallel>, #tpu.dimension_semantics<subcore_parallel>], iteration_bounds = array<i64: 2, 16>, scalar_prefetch = 0 : i64, scratch_operands = 6 : i64, tpu.core_type = #tpu.core_type<sc_vector_subcore>, window_params = [{transform_indices = #map}, {transform_indices = #map1}, {transform_indices = #map1}, {transform_indices = #map1}, {transform_indices = #map}, {transform_indices = #map}]} {
    %mul3A = arith.constant 16 : i32
    %mul3A_0 = arith.muli %arg0, %mul3A : i32
    %add3A = arith.addi %mul3A_0, %arg1 : i32
    %mul3A_1 = arith.constant 320 : i32
    %mul3A_2 = arith.muli %arg1, %mul3A_1 : i32
    "tpu.region"() ({
      %run_scoped3A = tpu.sem_alloc : memref<!tpu.dma_semaphore, #tpu.memory_space<semaphore_mem>>
      tpu.enqueue_dma source(%arg5 : memref<1024xi32, #tpu.memory_space<hbm>>) target(%arg8 : memref<1024xi32, #tpu.memory_space<vmem>>) target_semaphore(%run_scoped3A : memref<!tpu.dma_semaphore, #tpu.memory_space<semaphore_mem>>)
      tpu.wait_dma2 semaphore(%run_scoped3A : memref<!tpu.dma_semaphore, #tpu.memory_space<semaphore_mem>>) src(%arg5 : memref<1024xi32, #tpu.memory_space<hbm>>) dst(%arg8 : memref<1024xi32, #tpu.memory_space<vmem>>)
      tpu.yield
    }) : () -> ()
    "tpu.region"() ({
      %run_scoped3A = tpu.sem_alloc : memref<!tpu.dma_semaphore, #tpu.memory_space<semaphore_mem>>
      %dma_start3A = arith.constant 0 : i32
      %dma_start3A_11 = tpu.memref_slice %arg12[%mul3A_2, %dma_start3A] : memref<5128x16xf32, #tpu.memory_space<vmem_shared>> -> memref<320x16xf32, #tpu.memory_space<vmem_shared>>
      tpu.enqueue_dma source(%arg6 : memref<320x16xf32, #tpu.memory_space<hbm>>) target(%dma_start3A_11 : memref<320x16xf32, #tpu.memory_space<vmem_shared>>) target_semaphore(%run_scoped3A : memref<!tpu.dma_semaphore, #tpu.memory_space<semaphore_mem>>)
      %dma_wait3A = arith.constant 0 : i32
      %dma_wait3A_12 = tpu.memref_slice %arg12[%mul3A_2, %dma_wait3A] : memref<5128x16xf32, #tpu.memory_space<vmem_shared>> -> memref<320x16xf32, #tpu.memory_space<vmem_shared>>
      tpu.wait_dma2 semaphore(%run_scoped3A : memref<!tpu.dma_semaphore, #tpu.memory_space<semaphore_mem>>) src(%arg6 : memref<320x16xf32, #tpu.memory_space<hbm>>) dst(%dma_wait3A_12 : memref<320x16xf32, #tpu.memory_space<vmem_shared>>)
      tpu.yield
    }) : () -> ()
    %iota3A = tpu.iota {dimensions = array<i32: 0>} : vector<16xi32>
    %scan3A = arith.constant 0 : i32
    %scan3A_3 = arith.constant -2147483648 : i32
    %scan3A_4 = arith.constant 0 : i32
    %scan3A_5 = arith.constant 32 : i32
    %scan3A_6 = arith.addi %scan3A_4, %scan3A_5 : i32
    %scan3A_7 = arith.constant 1 : i32
    scf.for %scan3A_11 = %scan3A_4 to %scan3A_6 step %scan3A_7  : i32 {
      %mul3A_12 = arith.constant 32 : i32
      %mul3A_13 = arith.muli %scan3A_11, %mul3A_12 : i32
      %add3A_14 = arith.addi %mul3A_13, %add3A : i32
      %jit3A = arith.constant 16 : i32
      %div3A = arith.divsi %add3A_14, %jit3A : i32
      %sign3A = arith.constant 0 : i32
      %sign3A_15 = arith.cmpi sgt, %add3A_14, %sign3A : i32
      %sign3A_16 = arith.extui %sign3A_15 : i1 to i32
      %sign3A_17 = arith.constant 0 : i32
      %sign3A_18 = arith.cmpi slt, %add3A_14, %sign3A_17 : i32
      %sign3A_19 = arith.extui %sign3A_18 : i1 to i32
      %sign3A_20 = arith.subi %sign3A_16, %sign3A_19 : i32
      %sign3A_21 = arith.constant 0 : i32
      %sign3A_22 = arith.cmpi sgt, %jit3A, %sign3A_21 : i32
      %sign3A_23 = arith.extui %sign3A_22 : i1 to i32
      %sign3A_24 = arith.constant 0 : i32
      %sign3A_25 = arith.cmpi slt, %jit3A, %sign3A_24 : i32
      %sign3A_26 = arith.extui %sign3A_25 : i1 to i32
      %sign3A_27 = arith.subi %sign3A_23, %sign3A_26 : i32
      %ne3A = arith.cmpi ne, %sign3A_20, %sign3A_27 : i32
      %rem3A = arith.remsi %add3A_14, %jit3A : i32
      %ne3A_28 = arith.constant 0 : i32
      %ne3A_29 = arith.cmpi ne, %rem3A, %ne3A_28 : i32
      %and3A = arith.andi %ne3A, %ne3A_29 : i1
      %sub3A = arith.constant 1 : i32
      %sub3A_30 = arith.subi %div3A, %sub3A : i32
      %select_n3A = arith.select %and3A, %sub3A_30, %div3A : i32
      %mul3A_31 = arith.constant 16 : i32
      %mul3A_32 = arith.muli %select_n3A, %mul3A_31 : i32
      %multiple_of3A = tpu.assume_multiple %mul3A_32, 16 : i32
      %get3A = arith.index_cast %multiple_of3A : i32 to index
      %get3A_33 = tpu.vector_load %arg8[%get3A] {strides = array<i32>} : memref<1024xi32, #tpu.memory_space<vmem>>, vector<16xi32>,
      %sub3A_34 = arith.subi %add3A_14, %multiple_of3A : i32
      %eq3A = vector.broadcast %sub3A_34 : i32 to vector<16xi32>
      %eq3A_35 = arith.cmpi eq, %iota3A, %eq3A : vector<16xi32>
      %broadcast_in_dim3A = vector.broadcast %scan3A_3 : i32 to vector<16xi32>
      %select_n3A_36 = arith.select %eq3A_35, %get3A_33, %broadcast_in_dim3A : vector<16xi1>, vector<16xi32>
      %reduce_max3A = arith.constant true
      %reduce_max3A_37 = vector.broadcast %reduce_max3A : i1 to vector<16xi1>
      %reduce_max3A_38 = arith.constant -2147483648 : i32
      %reduce_max3A_39 = vector.broadcast %reduce_max3A_38 : i32 to vector<16xi32>
      %reduce_max3A_40 = arith.xori %select_n3A_36, %reduce_max3A_39 : vector<16xi32>
      %reduce_max3A_41 = tpu.scan <max>, %reduce_max3A_40 masked %reduce_max3A_37 : vector<16xi32>, vector<16xi1> -> vector<16xi32>
      %reduce_max3A_42 = arith.xori %reduce_max3A_41, %reduce_max3A_39 : vector<16xi32>
      %reduce_max3A_43 = vector.extract %reduce_max3A_42[15] : i32 from vector<16xi32>
      %mul3A_44 = arith.constant 10320 : i32
      %mul3A_45 = arith.muli %scan3A_11, %mul3A_44 : i32
      %while3A = arith.constant 0 : i32
      %while3A_46 = arith.constant 0 : i32
      %while3A_47 = arith.subi %add3A, %while3A : i32
      %while3A_48 = arith.addi %while3A, %while3A_47 : i32
      %while3A_49 = arith.constant 1 : i32
      %while3A_50 = arith.divsi %while3A_47, %while3A_49 : i32
      %while3A_51 = arith.muli %while3A_50, %while3A_49 : i32
      %while3A_52 = arith.addi %while3A, %while3A_51 : i32
      %while3A_53 = arith.constant 1 : i32
      %while3A_54 = scf.for %while3A_95 = %while3A to %while3A_52 step %while3A_53 iter_args(%while3A_96 = %while3A_46) -> (i32)  : i32 {
        %mul3A_97 = arith.constant 32 : i32
        %mul3A_98 = arith.muli %scan3A_11, %mul3A_97 : i32
        %add3A_99 = arith.addi %mul3A_98, %while3A_95 : i32
        %jit3A_100 = arith.constant 16 : i32
        %div3A_101 = arith.divsi %add3A_99, %jit3A_100 : i32
        %sign3A_102 = arith.constant 0 : i32
        %sign3A_103 = arith.cmpi sgt, %add3A_99, %sign3A_102 : i32
        %sign3A_104 = arith.extui %sign3A_103 : i1 to i32
        %sign3A_105 = arith.constant 0 : i32
        %sign3A_106 = arith.cmpi slt, %add3A_99, %sign3A_105 : i32
        %sign3A_107 = arith.extui %sign3A_106 : i1 to i32
        %sign3A_108 = arith.subi %sign3A_104, %sign3A_107 : i32
        %sign3A_109 = arith.constant 0 : i32
        %sign3A_110 = arith.cmpi sgt, %jit3A_100, %sign3A_109 : i32
        %sign3A_111 = arith.extui %sign3A_110 : i1 to i32
        %sign3A_112 = arith.constant 0 : i32
        %sign3A_113 = arith.cmpi slt, %jit3A_100, %sign3A_112 : i32
        %sign3A_114 = arith.extui %sign3A_113 : i1 to i32
        %sign3A_115 = arith.subi %sign3A_111, %sign3A_114 : i32
        %ne3A_116 = arith.cmpi ne, %sign3A_108, %sign3A_115 : i32
        %rem3A_117 = arith.remsi %add3A_99, %jit3A_100 : i32
        %ne3A_118 = arith.constant 0 : i32
        %ne3A_119 = arith.cmpi ne, %rem3A_117, %ne3A_118 : i32
        %and3A_120 = arith.andi %ne3A_116, %ne3A_119 : i1
        %sub3A_121 = arith.constant 1 : i32
        %sub3A_122 = arith.subi %div3A_101, %sub3A_121 : i32
        %select_n3A_123 = arith.select %and3A_120, %sub3A_122, %div3A_101 : i32
        %mul3A_124 = arith.constant 16 : i32
        %mul3A_125 = arith.muli %select_n3A_123, %mul3A_124 : i32
        %multiple_of3A_126 = tpu.assume_multiple %mul3A_125, 16 : i32
        %get3A_127 = arith.index_cast %multiple_of3A_126 : i32 to index
        %get3A_128 = tpu.vector_load %arg8[%get3A_127] {strides = array<i32>} : memref<1024xi32, #tpu.memory_space<vmem>>, vector<16xi32>,
        %sub3A_129 = arith.subi %add3A_99, %multiple_of3A_126 : i32
        %eq3A_130 = vector.broadcast %sub3A_129 : i32 to vector<16xi32>
        %eq3A_131 = arith.cmpi eq, %iota3A, %eq3A_130 : vector<16xi32>
        %broadcast_in_dim3A_132 = vector.broadcast %scan3A_3 : i32 to vector<16xi32>
        %select_n3A_133 = arith.select %eq3A_131, %get3A_128, %broadcast_in_dim3A_132 : vector<16xi1>, vector<16xi32>
        %reduce_max3A_134 = arith.constant true
        %reduce_max3A_135 = vector.broadcast %reduce_max3A_134 : i1 to vector<16xi1>
        %reduce_max3A_136 = arith.constant -2147483648 : i32
        %reduce_max3A_137 = vector.broadcast %reduce_max3A_136 : i32 to vector<16xi32>
        %reduce_max3A_138 = arith.xori %select_n3A_133, %reduce_max3A_137 : vector<16xi32>
        %reduce_max3A_139 = tpu.scan <max>, %reduce_max3A_138 masked %reduce_max3A_135 : vector<16xi32>, vector<16xi1> -> vector<16xi32>
        %reduce_max3A_140 = arith.xori %reduce_max3A_139, %reduce_max3A_137 : vector<16xi32>
        %reduce_max3A_141 = vector.extract %reduce_max3A_140[15] : i32 from vector<16xi32>
        %add3A_142 = arith.constant 7 : i32
        %add3A_143 = arith.addi %reduce_max3A_141, %add3A_142 : i32
        %jit3A_144 = arith.constant 8 : i32
        %div3A_145 = arith.divsi %add3A_143, %jit3A_144 : i32
        %sign3A_146 = arith.constant 0 : i32
        %sign3A_147 = arith.cmpi sgt, %add3A_143, %sign3A_146 : i32
        %sign3A_148 = arith.extui %sign3A_147 : i1 to i32
        %sign3A_149 = arith.constant 0 : i32
        %sign3A_150 = arith.cmpi slt, %add3A_143, %sign3A_149 : i32
        %sign3A_151 = arith.extui %sign3A_150 : i1 to i32
        %sign3A_152 = arith.subi %sign3A_148, %sign3A_151 : i32
        %sign3A_153 = arith.constant 0 : i32
        %sign3A_154 = arith.cmpi sgt, %jit3A_144, %sign3A_153 : i32
        %sign3A_155 = arith.extui %sign3A_154 : i1 to i32
        %sign3A_156 = arith.constant 0 : i32
        %sign3A_157 = arith.cmpi slt, %jit3A_144, %sign3A_156 : i32
        %sign3A_158 = arith.extui %sign3A_157 : i1 to i32
        %sign3A_159 = arith.subi %sign3A_155, %sign3A_158 : i32
        %ne3A_160 = arith.cmpi ne, %sign3A_152, %sign3A_159 : i32
        %rem3A_161 = arith.remsi %add3A_143, %jit3A_144 : i32
        %ne3A_162 = arith.constant 0 : i32
        %ne3A_163 = arith.cmpi ne, %rem3A_161, %ne3A_162 : i32
        %and3A_164 = arith.andi %ne3A_160, %ne3A_163 : i1
        %sub3A_165 = arith.constant 1 : i32
        %sub3A_166 = arith.subi %div3A_145, %sub3A_165 : i32
        %select_n3A_167 = arith.select %and3A_164, %sub3A_166, %div3A_145 : i32
        %mul3A_168 = arith.constant 8 : i32
        %mul3A_169 = arith.muli %select_n3A_167, %mul3A_168 : i32
        %add3A_170 = arith.addi %while3A_96, %mul3A_169 : i32
        scf.yield %add3A_170 : i32
      }
      %while3A_55 = arith.constant 1 : i32
      %while3A_56 = scf.for %while3A_95 = %while3A_52 to %while3A_48 step %while3A_55 iter_args(%while3A_96 = %while3A_54) -> (i32)  : i32 {
        %mul3A_97 = arith.constant 32 : i32
        %mul3A_98 = arith.muli %scan3A_11, %mul3A_97 : i32
        %add3A_99 = arith.addi %mul3A_98, %while3A_95 : i32
        %jit3A_100 = arith.constant 16 : i32
        %div3A_101 = arith.divsi %add3A_99, %jit3A_100 : i32
        %sign3A_102 = arith.constant 0 : i32
        %sign3A_103 = arith.cmpi sgt, %add3A_99, %sign3A_102 : i32
        %sign3A_104 = arith.extui %sign3A_103 : i1 to i32
        %sign3A_105 = arith.constant 0 : i32
        %sign3A_106 = arith.cmpi slt, %add3A_99, %sign3A_105 : i32
        %sign3A_107 = arith.extui %sign3A_106 : i1 to i32
        %sign3A_108 = arith.subi %sign3A_104, %sign3A_107 : i32
        %sign3A_109 = arith.constant 0 : i32
        %sign3A_110 = arith.cmpi sgt, %jit3A_100, %sign3A_109 : i32
        %sign3A_111 = arith.extui %sign3A_110 : i1 to i32
        %sign3A_112 = arith.constant 0 : i32
        %sign3A_113 = arith.cmpi slt, %jit3A_100, %sign3A_112 : i32
        %sign3A_114 = arith.extui %sign3A_113 : i1 to i32
        %sign3A_115 = arith.subi %sign3A_111, %sign3A_114 : i32
        %ne3A_116 = arith.cmpi ne, %sign3A_108, %sign3A_115 : i32
        %rem3A_117 = arith.remsi %add3A_99, %jit3A_100 : i32
        %ne3A_118 = arith.constant 0 : i32
        %ne3A_119 = arith.cmpi ne, %rem3A_117, %ne3A_118 : i32
        %and3A_120 = arith.andi %ne3A_116, %ne3A_119 : i1
        %sub3A_121 = arith.constant 1 : i32
        %sub3A_122 = arith.subi %div3A_101, %sub3A_121 : i32
        %select_n3A_123 = arith.select %and3A_120, %sub3A_122, %div3A_101 : i32
        %mul3A_124 = arith.constant 16 : i32
        %mul3A_125 = arith.muli %select_n3A_123, %mul3A_124 : i32
        %multiple_of3A_126 = tpu.assume_multiple %mul3A_125, 16 : i32
        %get3A_127 = arith.index_cast %multiple_of3A_126 : i32 to index
        %get3A_128 = tpu.vector_load %arg8[%get3A_127] {strides = array<i32>} : memref<1024xi32, #tpu.memory_space<vmem>>, vector<16xi32>,
        %sub3A_129 = arith.subi %add3A_99, %multiple_of3A_126 : i32
        %eq3A_130 = vector.broadcast %sub3A_129 : i32 to vector<16xi32>
        %eq3A_131 = arith.cmpi eq, %iota3A, %eq3A_130 : vector<16xi32>
        %broadcast_in_dim3A_132 = vector.broadcast %scan3A_3 : i32 to vector<16xi32>
        %select_n3A_133 = arith.select %eq3A_131, %get3A_128, %broadcast_in_dim3A_132 : vector<16xi1>, vector<16xi32>
        %reduce_max3A_134 = arith.constant true
        %reduce_max3A_135 = vector.broadcast %reduce_max3A_134 : i1 to vector<16xi1>
        %reduce_max3A_136 = arith.constant -2147483648 : i32
        %reduce_max3A_137 = vector.broadcast %reduce_max3A_136 : i32 to vector<16xi32>
        %reduce_max3A_138 = arith.xori %select_n3A_133, %reduce_max3A_137 : vector<16xi32>
        %reduce_max3A_139 = tpu.scan <max>, %reduce_max3A_138 masked %reduce_max3A_135 : vector<16xi32>, vector<16xi1> -> vector<16xi32>
        %reduce_max3A_140 = arith.xori %reduce_max3A_139, %reduce_max3A_137 : vector<16xi32>
        %reduce_max3A_141 = vector.extract %reduce_max3A_140[15] : i32 from vector<16xi32>
        %add3A_142 = arith.constant 7 : i32
        %add3A_143 = arith.addi %reduce_max3A_141, %add3A_142 : i32
        %jit3A_144 = arith.constant 8 : i32
        %div3A_145 = arith.divsi %add3A_143, %jit3A_144 : i32
        %sign3A_146 = arith.constant 0 : i32
        %sign3A_147 = arith.cmpi sgt, %add3A_143, %sign3A_146 : i32
        %sign3A_148 = arith.extui %sign3A_147 : i1 to i32
        %sign3A_149 = arith.constant 0 : i32
        %sign3A_150 = arith.cmpi slt, %add3A_143, %sign3A_149 : i32
        %sign3A_151 = arith.extui %sign3A_150 : i1 to i32
        %sign3A_152 = arith.subi %sign3A_148, %sign3A_151 : i32
        %sign3A_153 = arith.constant 0 : i32
        %sign3A_154 = arith.cmpi sgt, %jit3A_144, %sign3A_153 : i32
        %sign3A_155 = arith.extui %sign3A_154 : i1 to i32
        %sign3A_156 = arith.constant 0 : i32
        %sign3A_157 = arith.cmpi slt, %jit3A_144, %sign3A_156 : i32
        %sign3A_158 = arith.extui %sign3A_157 : i1 to i32
        %sign3A_159 = arith.subi %sign3A_155, %sign3A_158 : i32
        %ne3A_160 = arith.cmpi ne, %sign3A_152, %sign3A_159 : i32
        %rem3A_161 = arith.remsi %add3A_143, %jit3A_144 : i32
        %ne3A_162 = arith.constant 0 : i32
        %ne3A_163 = arith.cmpi ne, %rem3A_161, %ne3A_162 : i32
        %and3A_164 = arith.andi %ne3A_160, %ne3A_163 : i1
        %sub3A_165 = arith.constant 1 : i32
        %sub3A_166 = arith.subi %div3A_145, %sub3A_165 : i32
        %select_n3A_167 = arith.select %and3A_164, %sub3A_166, %div3A_145 : i32
        %mul3A_168 = arith.constant 8 : i32
        %mul3A_169 = arith.muli %select_n3A_167, %mul3A_168 : i32
        %add3A_170 = arith.addi %while3A_96, %mul3A_169 : i32
        scf.yield %add3A_170 : i32
      }
      %add3A_57 = arith.addi %mul3A_45, %while3A_56 : i32
      %add3A_58 = arith.constant 80 : i32
      %add3A_59 = arith.addi %reduce_max3A_43, %add3A_58 : i32
      %sub3A_60 = arith.constant 1 : i32
      %sub3A_61 = arith.subi %add3A_59, %sub3A_60 : i32
      %jit3A_62 = arith.constant 80 : i32
      %div3A_63 = arith.divsi %sub3A_61, %jit3A_62 : i32
      %sign3A_64 = arith.constant 0 : i32
      %sign3A_65 = arith.cmpi sgt, %sub3A_61, %sign3A_64 : i32
      %sign3A_66 = arith.extui %sign3A_65 : i1 to i32
      %sign3A_67 = arith.constant 0 : i32
      %sign3A_68 = arith.cmpi slt, %sub3A_61, %sign3A_67 : i32
      %sign3A_69 = arith.extui %sign3A_68 : i1 to i32
      %sign3A_70 = arith.subi %sign3A_66, %sign3A_69 : i32
      %sign3A_71 = arith.constant 0 : i32
      %sign3A_72 = arith.cmpi sgt, %jit3A_62, %sign3A_71 : i32
      %sign3A_73 = arith.extui %sign3A_72 : i1 to i32
      %sign3A_74 = arith.constant 0 : i32
      %sign3A_75 = arith.cmpi slt, %jit3A_62, %sign3A_74 : i32
      %sign3A_76 = arith.extui %sign3A_75 : i1 to i32
      %sign3A_77 = arith.subi %sign3A_73, %sign3A_76 : i32
      %ne3A_78 = arith.cmpi ne, %sign3A_70, %sign3A_77 : i32
      %rem3A_79 = arith.remsi %sub3A_61, %jit3A_62 : i32
      %ne3A_80 = arith.constant 0 : i32
      %ne3A_81 = arith.cmpi ne, %rem3A_79, %ne3A_80 : i32
      %and3A_82 = arith.andi %ne3A_78, %ne3A_81 : i1
      %sub3A_83 = arith.constant 1 : i32
      %sub3A_84 = arith.subi %div3A_63, %sub3A_83 : i32
      %select_n3A_85 = arith.select %and3A_82, %sub3A_84, %div3A_63 : i32
      %while3A_86 = arith.constant 0 : i32
      %while3A_87 = arith.subi %select_n3A_85, %while3A_86 : i32
      %while3A_88 = arith.addi %while3A_86, %while3A_87 : i32
      %while3A_89 = arith.constant 1 : i32
      %while3A_90 = arith.divsi %while3A_87, %while3A_89 : i32
      %while3A_91 = arith.muli %while3A_90, %while3A_89 : i32
      %while3A_92 = arith.addi %while3A_86, %while3A_91 : i32
      %while3A_93 = arith.constant 1 : i32
      scf.for %while3A_95 = %while3A_86 to %while3A_92 step %while3A_93  : i32 {
        %mul3A_96 = arith.constant 80 : i32
        %mul3A_97 = arith.muli %mul3A_96, %while3A_95 : i32
        %add3A_98 = arith.addi %add3A_57, %mul3A_97 : i32
        %multiple_of3A_99 = tpu.assume_multiple %add3A_98, 8 : i32
        %mul3A_100 = arith.constant 80 : i32
        %mul3A_101 = arith.muli %mul3A_100, %while3A_95 : i32
        %sub3A_102 = arith.subi %reduce_max3A_43, %mul3A_101 : i32
        %min3A = arith.constant 80 : i32
        %min3A_103 = arith.minsi %sub3A_102, %min3A : i32
        "tpu.region"() ({
          %run_scoped3A = tpu.sem_alloc : memref<!tpu.dma_semaphore, #tpu.memory_space<semaphore_mem>>
          %dma_start3A_201 = tpu.memref_slice %arg3[%multiple_of3A_99] : memref<330240xi32, #tpu.memory_space<hbm>> -> memref<80xi32, #tpu.memory_space<hbm>>
          %dma_start3A_202 = tpu.memref_slice %arg3[%multiple_of3A_99] : memref<330240xi32, #tpu.memory_space<hbm>> -> memref<80xi32, #tpu.memory_space<hbm>>
          tpu.enqueue_dma source(%dma_start3A_202 : memref<80xi32, #tpu.memory_space<hbm>>) target(%arg9 : memref<80xi32, #tpu.memory_space<vmem>>) target_semaphore(%run_scoped3A : memref<!tpu.dma_semaphore, #tpu.memory_space<semaphore_mem>>)
          %dma_wait3A_203 = tpu.memref_slice %arg3[%multiple_of3A_99] : memref<330240xi32, #tpu.memory_space<hbm>> -> memref<80xi32, #tpu.memory_space<hbm>>
          %dma_wait3A_204 = tpu.memref_slice %arg3[%multiple_of3A_99] : memref<330240xi32, #tpu.memory_space<hbm>> -> memref<80xi32, #tpu.memory_space<hbm>>
          tpu.wait_dma2 semaphore(%run_scoped3A : memref<!tpu.dma_semaphore, #tpu.memory_space<semaphore_mem>>) src(%dma_wait3A_204 : memref<80xi32, #tpu.memory_space<hbm>>) dst(%arg9 : memref<80xi32, #tpu.memory_space<vmem>>)
          tpu.yield
        }) : () -> ()
        "tpu.region"() ({
          %run_scoped3A = tpu.sem_alloc : memref<!tpu.dma_semaphore, #tpu.memory_space<semaphore_mem>>
          %dma_start3A_201 = tpu.memref_slice %arg4[%multiple_of3A_99] : memref<330240xi32, #tpu.memory_space<hbm>> -> memref<80xi32, #tpu.memory_space<hbm>>
          %dma_start3A_202 = tpu.memref_slice %arg4[%multiple_of3A_99] : memref<330240xi32, #tpu.memory_space<hbm>> -> memref<80xi32, #tpu.memory_space<hbm>>
          tpu.enqueue_dma source(%dma_start3A_202 : memref<80xi32, #tpu.memory_space<hbm>>) target(%arg10 : memref<80xi32, #tpu.memory_space<vmem>>) target_semaphore(%run_scoped3A : memref<!tpu.dma_semaphore, #tpu.memory_space<semaphore_mem>>)
          %dma_wait3A_203 = tpu.memref_slice %arg4[%multiple_of3A_99] : memref<330240xi32, #tpu.memory_space<hbm>> -> memref<80xi32, #tpu.memory_space<hbm>>
          %dma_wait3A_204 = tpu.memref_slice %arg4[%multiple_of3A_99] : memref<330240xi32, #tpu.memory_space<hbm>> -> memref<80xi32, #tpu.memory_space<hbm>>
          tpu.wait_dma2 semaphore(%run_scoped3A : memref<!tpu.dma_semaphore, #tpu.memory_space<semaphore_mem>>) src(%dma_wait3A_204 : memref<80xi32, #tpu.memory_space<hbm>>) dst(%arg10 : memref<80xi32, #tpu.memory_space<vmem>>)
          tpu.yield
        }) : () -> ()
        %add3A_104 = arith.constant 0 : i32
        %add3A_105 = vector.broadcast %add3A_104 : i32 to vector<16xi32>
        %add3A_106 = arith.addi %iota3A, %add3A_105 : vector<16xi32>
        %ge3A = vector.broadcast %min3A_103 : i32 to vector<16xi32>
        %ge3A_107 = arith.cmpi sge, %add3A_106, %ge3A : vector<16xi32>
        %get3A_108 = arith.constant 0 : index
        %get3A_109 = tpu.vector_load %arg9[%get3A_108] {strides = array<i32>} : memref<80xi32, #tpu.memory_space<vmem>>, vector<16xi32>,
        %get3A_110 = arith.constant 0 : index
        %get3A_111 = tpu.vector_load %arg10[%get3A_110] {strides = array<i32>} : memref<80xi32, #tpu.memory_space<vmem>>, vector<16xi32>,
        %jit3A_112 = arith.constant 0 : i32
        %broadcast_in_dim3A_113 = vector.broadcast %jit3A_112 : i32 to vector<16xi32>
        %select_n3A_114 = arith.select %ge3A_107, %broadcast_in_dim3A_113, %get3A_109 : vector<16xi1>, vector<16xi32>
        %swap3A = arith.constant 0 : index
        %swap3A_115 = tpu.vector_load %arg9[%swap3A] {strides = array<i32>} : memref<80xi32, #tpu.memory_space<vmem>>, vector<16xi32>,
        tpu.vector_store %arg9[%swap3A], %select_n3A_114 {strides = array<i32>} : memref<80xi32, #tpu.memory_space<vmem>>, vector<16xi32>,
        %jit3A_116 = arith.constant 5120 : i32
        %broadcast_in_dim3A_117 = vector.broadcast %jit3A_116 : i32 to vector<16xi32>
        %select_n3A_118 = arith.select %ge3A_107, %broadcast_in_dim3A_117, %get3A_111 : vector<16xi1>, vector<16xi32>
        %swap3A_119 = arith.constant 0 : index
        %swap3A_120 = tpu.vector_load %arg10[%swap3A_119] {strides = array<i32>} : memref<80xi32, #tpu.memory_space<vmem>>, vector<16xi32>,
        tpu.vector_store %arg10[%swap3A_119], %select_n3A_118 {strides = array<i32>} : memref<80xi32, #tpu.memory_space<vmem>>, vector<16xi32>,
        %add3A_121 = arith.constant 16 : i32
        %add3A_122 = vector.broadcast %add3A_121 : i32 to vector<16xi32>
        %add3A_123 = arith.addi %iota3A, %add3A_122 : vector<16xi32>
        %ge3A_124 = vector.broadcast %min3A_103 : i32 to vector<16xi32>
        %ge3A_125 = arith.cmpi sge, %add3A_123, %ge3A_124 : vector<16xi32>
        %get3A_126 = arith.constant 16 : index
        %get3A_127 = tpu.vector_load %arg9[%get3A_126] {strides = array<i32>} : memref<80xi32, #tpu.memory_space<vmem>>, vector<16xi32>,
        %get3A_128 = arith.constant 16 : index
        %get3A_129 = tpu.vector_load %arg10[%get3A_128] {strides = array<i32>} : memref<80xi32, #tpu.memory_space<vmem>>, vector<16xi32>,
        %jit3A_130 = arith.constant 0 : i32
        %broadcast_in_dim3A_131 = vector.broadcast %jit3A_130 : i32 to vector<16xi32>
        %select_n3A_132 = arith.select %ge3A_125, %broadcast_in_dim3A_131, %get3A_127 : vector<16xi1>, vector<16xi32>
        %swap3A_133 = arith.constant 16 : index
        %swap3A_134 = tpu.vector_load %arg9[%swap3A_133] {strides = array<i32>} : memref<80xi32, #tpu.memory_space<vmem>>, vector<16xi32>,
        tpu.vector_store %arg9[%swap3A_133], %select_n3A_132 {strides = array<i32>} : memref<80xi32, #tpu.memory_space<vmem>>, vector<16xi32>,
        %jit3A_135 = arith.constant 5120 : i32
        %broadcast_in_dim3A_136 = vector.broadcast %jit3A_135 : i32 to vector<16xi32>
        %select_n3A_137 = arith.select %ge3A_125, %broadcast_in_dim3A_136, %get3A_129 : vector<16xi1>, vector<16xi32>
        %swap3A_138 = arith.constant 16 : index
        %swap3A_139 = tpu.vector_load %arg10[%swap3A_138] {strides = array<i32>} : memref<80xi32, #tpu.memory_space<vmem>>, vector<16xi32>,
        tpu.vector_store %arg10[%swap3A_138], %select_n3A_137 {strides = array<i32>} : memref<80xi32, #tpu.memory_space<vmem>>, vector<16xi32>,
        %add3A_140 = arith.constant 32 : i32
        %add3A_141 = vector.broadcast %add3A_140 : i32 to vector<16xi32>
        %add3A_142 = arith.addi %iota3A, %add3A_141 : vector<16xi32>
        %ge3A_143 = vector.broadcast %min3A_103 : i32 to vector<16xi32>
        %ge3A_144 = arith.cmpi sge, %add3A_142, %ge3A_143 : vector<16xi32>
        %get3A_145 = arith.constant 32 : index
        %get3A_146 = tpu.vector_load %arg9[%get3A_145] {strides = array<i32>} : memref<80xi32, #tpu.memory_space<vmem>>, vector<16xi32>,
        %get3A_147 = arith.constant 32 : index
        %get3A_148 = tpu.vector_load %arg10[%get3A_147] {strides = array<i32>} : memref<80xi32, #tpu.memory_space<vmem>>, vector<16xi32>,
        %jit3A_149 = arith.constant 0 : i32
        %broadcast_in_dim3A_150 = vector.broadcast %jit3A_149 : i32 to vector<16xi32>
        %select_n3A_151 = arith.select %ge3A_144, %broadcast_in_dim3A_150, %get3A_146 : vector<16xi1>, vector<16xi32>
        %swap3A_152 = arith.constant 32 : index
        %swap3A_153 = tpu.vector_load %arg9[%swap3A_152] {strides = array<i32>} : memref<80xi32, #tpu.memory_space<vmem>>, vector<16xi32>,
        tpu.vector_store %arg9[%swap3A_152], %select_n3A_151 {strides = array<i32>} : memref<80xi32, #tpu.memory_space<vmem>>, vector<16xi32>,
        %jit3A_154 = arith.constant 5120 : i32
        %broadcast_in_dim3A_155 = vector.broadcast %jit3A_154 : i32 to vector<16xi32>
        %select_n3A_156 = arith.select %ge3A_144, %broadcast_in_dim3A_155, %get3A_148 : vector<16xi1>, vector<16xi32>
        %swap3A_157 = arith.constant 32 : index
        %swap3A_158 = tpu.vector_load %arg10[%swap3A_157] {strides = array<i32>} : memref<80xi32, #tpu.memory_space<vmem>>, vector<16xi32>,
        tpu.vector_store %arg10[%swap3A_157], %select_n3A_156 {strides = array<i32>} : memref<80xi32, #tpu.memory_space<vmem>>, vector<16xi32>,
        %add3A_159 = arith.constant 48 : i32
        %add3A_160 = vector.broadcast %add3A_159 : i32 to vector<16xi32>
        %add3A_161 = arith.addi %iota3A, %add3A_160 : vector<16xi32>
        %ge3A_162 = vector.broadcast %min3A_103 : i32 to vector<16xi32>
        %ge3A_163 = arith.cmpi sge, %add3A_161, %ge3A_162 : vector<16xi32>
        %get3A_164 = arith.constant 48 : index
        %get3A_165 = tpu.vector_load %arg9[%get3A_164] {strides = array<i32>} : memref<80xi32, #tpu.memory_space<vmem>>, vector<16xi32>,
        %get3A_166 = arith.constant 48 : index
        %get3A_167 = tpu.vector_load %arg10[%get3A_166] {strides = array<i32>} : memref<80xi32, #tpu.memory_space<vmem>>, vector<16xi32>,
        %jit3A_168 = arith.constant 0 : i32
        %broadcast_in_dim3A_169 = vector.broadcast %jit3A_168 : i32 to vector<16xi32>
        %select_n3A_170 = arith.select %ge3A_163, %broadcast_in_dim3A_169, %get3A_165 : vector<16xi1>, vector<16xi32>
        %swap3A_171 = arith.constant 48 : index
        %swap3A_172 = tpu.vector_load %arg9[%swap3A_171] {strides = array<i32>} : memref<80xi32, #tpu.memory_space<vmem>>, vector<16xi32>,
        tpu.vector_store %arg9[%swap3A_171], %select_n3A_170 {strides = array<i32>} : memref<80xi32, #tpu.memory_space<vmem>>, vector<16xi32>,
        %jit3A_173 = arith.constant 5120 : i32
        %broadcast_in_dim3A_174 = vector.broadcast %jit3A_173 : i32 to vector<16xi32>
        %select_n3A_175 = arith.select %ge3A_163, %broadcast_in_dim3A_174, %get3A_167 : vector<16xi1>, vector<16xi32>
        %swap3A_176 = arith.constant 48 : index
        %swap3A_177 = tpu.vector_load %arg10[%swap3A_176] {strides = array<i32>} : memref<80xi32, #tpu.memory_space<vmem>>, vector<16xi32>,
        tpu.vector_store %arg10[%swap3A_176], %select_n3A_175 {strides = array<i32>} : memref<80xi32, #tpu.memory_space<vmem>>, vector<16xi32>,
        %add3A_178 = arith.constant 64 : i32
        %add3A_179 = vector.broadcast %add3A_178 : i32 to vector<16xi32>
        %add3A_180 = arith.addi %iota3A, %add3A_179 : vector<16xi32>
        %ge3A_181 = vector.broadcast %min3A_103 : i32 to vector<16xi32>
        %ge3A_182 = arith.cmpi sge, %add3A_180, %ge3A_181 : vector<16xi32>
        %get3A_183 = arith.constant 64 : index
        %get3A_184 = tpu.vector_load %arg9[%get3A_183] {strides = array<i32>} : memref<80xi32, #tpu.memory_space<vmem>>, vector<16xi32>,
        %get3A_185 = arith.constant 64 : index
        %get3A_186 = tpu.vector_load %arg10[%get3A_185] {strides = array<i32>} : memref<80xi32, #tpu.memory_space<vmem>>, vector<16xi32>,
        %jit3A_187 = arith.constant 0 : i32
        %broadcast_in_dim3A_188 = vector.broadcast %jit3A_187 : i32 to vector<16xi32>
        %select_n3A_189 = arith.select %ge3A_182, %broadcast_in_dim3A_188, %get3A_184 : vector<16xi1>, vector<16xi32>
        %swap3A_190 = arith.constant 64 : index
        %swap3A_191 = tpu.vector_load %arg9[%swap3A_190] {strides = array<i32>} : memref<80xi32, #tpu.memory_space<vmem>>, vector<16xi32>,
        tpu.vector_store %arg9[%swap3A_190], %select_n3A_189 {strides = array<i32>} : memref<80xi32, #tpu.memory_space<vmem>>, vector<16xi32>,
        %jit3A_192 = arith.constant 5120 : i32
        %broadcast_in_dim3A_193 = vector.broadcast %jit3A_192 : i32 to vector<16xi32>
        %select_n3A_194 = arith.select %ge3A_182, %broadcast_in_dim3A_193, %get3A_186 : vector<16xi1>, vector<16xi32>
        %swap3A_195 = arith.constant 64 : index
        %swap3A_196 = tpu.vector_load %arg10[%swap3A_195] {strides = array<i32>} : memref<80xi32, #tpu.memory_space<vmem>>, vector<16xi32>,
        tpu.vector_store %arg10[%swap3A_195], %select_n3A_194 {strides = array<i32>} : memref<80xi32, #tpu.memory_space<vmem>>, vector<16xi32>,
        %dma_start3A = arith.constant 0 : i32
        %dma_start3A_197 = arith.constant 0 : i32
        %dma_start3A_198 = tpu.memref_slice %arg2[%dma_start3A, %dma_start3A_197] : memref<10000x16xf32, #tpu.memory_space<hbm>> -> memref<10000x16xf32, #tpu.memory_space<hbm>>
        tpu.enqueue_indirect_dma source(%dma_start3A_198 : memref<10000x16xf32, #tpu.memory_space<hbm>>) target(%arg11 : memref<80x16xf32, #tpu.memory_space<vmem>>) offsets(%arg9 : memref<80xi32, #tpu.memory_space<vmem>>) semaphore(%arg13 : memref<!tpu.dma_semaphore, #tpu.memory_space<semaphore_mem>>)
        %dma_wait3A = arith.constant 0 : i32
        %dma_wait3A_199 = arith.constant 0 : i32
        %dma_wait3A_200 = tpu.memref_slice %arg2[%dma_wait3A, %dma_wait3A_199] : memref<10000x16xf32, #tpu.memory_space<hbm>> -> memref<10000x16xf32, #tpu.memory_space<hbm>>
        tpu.wait_indirect_dma semaphore(%arg13 : memref<!tpu.dma_semaphore, #tpu.memory_space<semaphore_mem>>) src(%dma_wait3A_200 : memref<10000x16xf32, #tpu.memory_space<hbm>>) dst(%arg11 : memref<80x16xf32, #tpu.memory_space<vmem>>)
        "tpu.region"() ({
          %run_scoped3A = tpu.sem_alloc : memref<!tpu.dma_semaphore, #tpu.memory_space<semaphore_mem>>
          %dma_start3A_201 = arith.constant 0 : i32
          %dma_start3A_202 = arith.constant 0 : i32
          %dma_start3A_203 = tpu.memref_slice %arg12[%dma_start3A_201, %dma_start3A_202] : memref<5128x16xf32, #tpu.memory_space<vmem_shared>> -> memref<5128x16xf32, #tpu.memory_space<vmem_shared>>
          tpu.enqueue_indirect_dma source(%arg11 : memref<80x16xf32, #tpu.memory_space<vmem>>) target(%dma_start3A_203 : memref<5128x16xf32, #tpu.memory_space<vmem_shared>>) offsets(%arg10 : memref<80xi32, #tpu.memory_space<vmem>>) semaphore(%run_scoped3A : memref<!tpu.dma_semaphore, #tpu.memory_space<semaphore_mem>>) {add = true}
          %dma_wait3A_204 = arith.constant 0 : i32
          %dma_wait3A_205 = arith.constant 0 : i32
          %dma_wait3A_206 = tpu.memref_slice %arg12[%dma_wait3A_204, %dma_wait3A_205] : memref<5128x16xf32, #tpu.memory_space<vmem_shared>> -> memref<5128x16xf32, #tpu.memory_space<vmem_shared>>
          tpu.wait_indirect_dma semaphore(%run_scoped3A : memref<!tpu.dma_semaphore, #tpu.memory_space<semaphore_mem>>) src(%arg11 : memref<80x16xf32, #tpu.memory_space<vmem>>) dst(%dma_wait3A_206 : memref<5128x16xf32, #tpu.memory_space<vmem_shared>>)
          tpu.yield
        }) : () -> ()
      }
      %while3A_94 = arith.constant 1 : i32
      scf.for %while3A_95 = %while3A_92 to %while3A_88 step %while3A_94  : i32 {
        %mul3A_96 = arith.constant 80 : i32
        %mul3A_97 = arith.muli %mul3A_96, %while3A_95 : i32
        %add3A_98 = arith.addi %add3A_57, %mul3A_97 : i32
        %multiple_of3A_99 = tpu.assume_multiple %add3A_98, 8 : i32
        %mul3A_100 = arith.constant 80 : i32
        %mul3A_101 = arith.muli %mul3A_100, %while3A_95 : i32
        %sub3A_102 = arith.subi %reduce_max3A_43, %mul3A_101 : i32
        %min3A = arith.constant 80 : i32
        %min3A_103 = arith.minsi %sub3A_102, %min3A : i32
        "tpu.region"() ({
          %run_scoped3A = tpu.sem_alloc : memref<!tpu.dma_semaphore, #tpu.memory_space<semaphore_mem>>
          %dma_start3A_201 = tpu.memref_slice %arg3[%multiple_of3A_99] : memref<330240xi32, #tpu.memory_space<hbm>> -> memref<80xi32, #tpu.memory_space<hbm>>
          %dma_start3A_202 = tpu.memref_slice %arg3[%multiple_of3A_99] : memref<330240xi32, #tpu.memory_space<hbm>> -> memref<80xi32, #tpu.memory_space<hbm>>
          tpu.enqueue_dma source(%dma_start3A_202 : memref<80xi32, #tpu.memory_space<hbm>>) target(%arg9 : memref<80xi32, #tpu.memory_space<vmem>>) target_semaphore(%run_scoped3A : memref<!tpu.dma_semaphore, #tpu.memory_space<semaphore_mem>>)
          %dma_wait3A_203 = tpu.memref_slice %arg3[%multiple_of3A_99] : memref<330240xi32, #tpu.memory_space<hbm>> -> memref<80xi32, #tpu.memory_space<hbm>>
          %dma_wait3A_204 = tpu.memref_slice %arg3[%multiple_of3A_99] : memref<330240xi32, #tpu.memory_space<hbm>> -> memref<80xi32, #tpu.memory_space<hbm>>
          tpu.wait_dma2 semaphore(%run_scoped3A : memref<!tpu.dma_semaphore, #tpu.memory_space<semaphore_mem>>) src(%dma_wait3A_204 : memref<80xi32, #tpu.memory_space<hbm>>) dst(%arg9 : memref<80xi32, #tpu.memory_space<vmem>>)
          tpu.yield
        }) : () -> ()
        "tpu.region"() ({
          %run_scoped3A = tpu.sem_alloc : memref<!tpu.dma_semaphore, #tpu.memory_space<semaphore_mem>>
          %dma_start3A_201 = tpu.memref_slice %arg4[%multiple_of3A_99] : memref<330240xi32, #tpu.memory_space<hbm>> -> memref<80xi32, #tpu.memory_space<hbm>>
          %dma_start3A_202 = tpu.memref_slice %arg4[%multiple_of3A_99] : memref<330240xi32, #tpu.memory_space<hbm>> -> memref<80xi32, #tpu.memory_space<hbm>>
          tpu.enqueue_dma source(%dma_start3A_202 : memref<80xi32, #tpu.memory_space<hbm>>) target(%arg10 : memref<80xi32, #tpu.memory_space<vmem>>) target_semaphore(%run_scoped3A : memref<!tpu.dma_semaphore, #tpu.memory_space<semaphore_mem>>)
          %dma_wait3A_203 = tpu.memref_slice %arg4[%multiple_of3A_99] : memref<330240xi32, #tpu.memory_space<hbm>> -> memref<80xi32, #tpu.memory_space<hbm>>
          %dma_wait3A_204 = tpu.memref_slice %arg4[%multiple_of3A_99] : memref<330240xi32, #tpu.memory_space<hbm>> -> memref<80xi32, #tpu.memory_space<hbm>>
          tpu.wait_dma2 semaphore(%run_scoped3A : memref<!tpu.dma_semaphore, #tpu.memory_space<semaphore_mem>>) src(%dma_wait3A_204 : memref<80xi32, #tpu.memory_space<hbm>>) dst(%arg10 : memref<80xi32, #tpu.memory_space<vmem>>)
          tpu.yield
        }) : () -> ()
        %add3A_104 = arith.constant 0 : i32
        %add3A_105 = vector.broadcast %add3A_104 : i32 to vector<16xi32>
        %add3A_106 = arith.addi %iota3A, %add3A_105 : vector<16xi32>
        %ge3A = vector.broadcast %min3A_103 : i32 to vector<16xi32>
        %ge3A_107 = arith.cmpi sge, %add3A_106, %ge3A : vector<16xi32>
        %get3A_108 = arith.constant 0 : index
        %get3A_109 = tpu.vector_load %arg9[%get3A_108] {strides = array<i32>} : memref<80xi32, #tpu.memory_space<vmem>>, vector<16xi32>,
        %get3A_110 = arith.constant 0 : index
        %get3A_111 = tpu.vector_load %arg10[%get3A_110] {strides = array<i32>} : memref<80xi32, #tpu.memory_space<vmem>>, vector<16xi32>,
        %jit3A_112 = arith.constant 0 : i32
        %broadcast_in_dim3A_113 = vector.broadcast %jit3A_112 : i32 to vector<16xi32>
        %select_n3A_114 = arith.select %ge3A_107, %broadcast_in_dim3A_113, %get3A_109 : vector<16xi1>, vector<16xi32>
        %swap3A = arith.constant 0 : index
        %swap3A_115 = tpu.vector_load %arg9[%swap3A] {strides = array<i32>} : memref<80xi32, #tpu.memory_space<vmem>>, vector<16xi32>,
        tpu.vector_store %arg9[%swap3A], %select_n3A_114 {strides = array<i32>} : memref<80xi32, #tpu.memory_space<vmem>>, vector<16xi32>,
        %jit3A_116 = arith.constant 5120 : i32
        %broadcast_in_dim3A_117 = vector.broadcast %jit3A_116 : i32 to vector<16xi32>
        %select_n3A_118 = arith.select %ge3A_107, %broadcast_in_dim3A_117, %get3A_111 : vector<16xi1>, vector<16xi32>
        %swap3A_119 = arith.constant 0 : index
        %swap3A_120 = tpu.vector_load %arg10[%swap3A_119] {strides = array<i32>} : memref<80xi32, #tpu.memory_space<vmem>>, vector<16xi32>,
        tpu.vector_store %arg10[%swap3A_119], %select_n3A_118 {strides = array<i32>} : memref<80xi32, #tpu.memory_space<vmem>>, vector<16xi32>,
        %add3A_121 = arith.constant 16 : i32
        %add3A_122 = vector.broadcast %add3A_121 : i32 to vector<16xi32>
        %add3A_123 = arith.addi %iota3A, %add3A_122 : vector<16xi32>
        %ge3A_124 = vector.broadcast %min3A_103 : i32 to vector<16xi32>
        %ge3A_125 = arith.cmpi sge, %add3A_123, %ge3A_124 : vector<16xi32>
        %get3A_126 = arith.constant 16 : index
        %get3A_127 = tpu.vector_load %arg9[%get3A_126] {strides = array<i32>} : memref<80xi32, #tpu.memory_space<vmem>>, vector<16xi32>,
        %get3A_128 = arith.constant 16 : index
        %get3A_129 = tpu.vector_load %arg10[%get3A_128] {strides = array<i32>} : memref<80xi32, #tpu.memory_space<vmem>>, vector<16xi32>,
        %jit3A_130 = arith.constant 0 : i32
        %broadcast_in_dim3A_131 = vector.broadcast %jit3A_130 : i32 to vector<16xi32>
        %select_n3A_132 = arith.select %ge3A_125, %broadcast_in_dim3A_131, %get3A_127 : vector<16xi1>, vector<16xi32>
        %swap3A_133 = arith.constant 16 : index
        %swap3A_134 = tpu.vector_load %arg9[%swap3A_133] {strides = array<i32>} : memref<80xi32, #tpu.memory_space<vmem>>, vector<16xi32>,
        tpu.vector_store %arg9[%swap3A_133], %select_n3A_132 {strides = array<i32>} : memref<80xi32, #tpu.memory_space<vmem>>, vector<16xi32>,
        %jit3A_135 = arith.constant 5120 : i32
        %broadcast_in_dim3A_136 = vector.broadcast %jit3A_135 : i32 to vector<16xi32>
        %select_n3A_137 = arith.select %ge3A_125, %broadcast_in_dim3A_136, %get3A_129 : vector<16xi1>, vector<16xi32>
        %swap3A_138 = arith.constant 16 : index
        %swap3A_139 = tpu.vector_load %arg10[%swap3A_138] {strides = array<i32>} : memref<80xi32, #tpu.memory_space<vmem>>, vector<16xi32>,
        tpu.vector_store %arg10[%swap3A_138], %select_n3A_137 {strides = array<i32>} : memref<80xi32, #tpu.memory_space<vmem>>, vector<16xi32>,
        %add3A_140 = arith.constant 32 : i32
        %add3A_141 = vector.broadcast %add3A_140 : i32 to vector<16xi32>
        %add3A_142 = arith.addi %iota3A, %add3A_141 : vector<16xi32>
        %ge3A_143 = vector.broadcast %min3A_103 : i32 to vector<16xi32>
        %ge3A_144 = arith.cmpi sge, %add3A_142, %ge3A_143 : vector<16xi32>
        %get3A_145 = arith.constant 32 : index
        %get3A_146 = tpu.vector_load %arg9[%get3A_145] {strides = array<i32>} : memref<80xi32, #tpu.memory_space<vmem>>, vector<16xi32>,
        %get3A_147 = arith.constant 32 : index
        %get3A_148 = tpu.vector_load %arg10[%get3A_147] {strides = array<i32>} : memref<80xi32, #tpu.memory_space<vmem>>, vector<16xi32>,
        %jit3A_149 = arith.constant 0 : i32
        %broadcast_in_dim3A_150 = vector.broadcast %jit3A_149 : i32 to vector<16xi32>
        %select_n3A_151 = arith.select %ge3A_144, %broadcast_in_dim3A_150, %get3A_146 : vector<16xi1>, vector<16xi32>
        %swap3A_152 = arith.constant 32 : index
        %swap3A_153 = tpu.vector_load %arg9[%swap3A_152] {strides = array<i32>} : memref<80xi32, #tpu.memory_space<vmem>>, vector<16xi32>,
        tpu.vector_store %arg9[%swap3A_152], %select_n3A_151 {strides = array<i32>} : memref<80xi32, #tpu.memory_space<vmem>>, vector<16xi32>,
        %jit3A_154 = arith.constant 5120 : i32
        %broadcast_in_dim3A_155 = vector.broadcast %jit3A_154 : i32 to vector<16xi32>
        %select_n3A_156 = arith.select %ge3A_144, %broadcast_in_dim3A_155, %get3A_148 : vector<16xi1>, vector<16xi32>
        %swap3A_157 = arith.constant 32 : index
        %swap3A_158 = tpu.vector_load %arg10[%swap3A_157] {strides = array<i32>} : memref<80xi32, #tpu.memory_space<vmem>>, vector<16xi32>,
        tpu.vector_store %arg10[%swap3A_157], %select_n3A_156 {strides = array<i32>} : memref<80xi32, #tpu.memory_space<vmem>>, vector<16xi32>,
        %add3A_159 = arith.constant 48 : i32
        %add3A_160 = vector.broadcast %add3A_159 : i32 to vector<16xi32>
        %add3A_161 = arith.addi %iota3A, %add3A_160 : vector<16xi32>
        %ge3A_162 = vector.broadcast %min3A_103 : i32 to vector<16xi32>
        %ge3A_163 = arith.cmpi sge, %add3A_161, %ge3A_162 : vector<16xi32>
        %get3A_164 = arith.constant 48 : index
        %get3A_165 = tpu.vector_load %arg9[%get3A_164] {strides = array<i32>} : memref<80xi32, #tpu.memory_space<vmem>>, vector<16xi32>,
        %get3A_166 = arith.constant 48 : index
        %get3A_167 = tpu.vector_load %arg10[%get3A_166] {strides = array<i32>} : memref<80xi32, #tpu.memory_space<vmem>>, vector<16xi32>,
        %jit3A_168 = arith.constant 0 : i32
        %broadcast_in_dim3A_169 = vector.broadcast %jit3A_168 : i32 to vector<16xi32>
        %select_n3A_170 = arith.select %ge3A_163, %broadcast_in_dim3A_169, %get3A_165 : vector<16xi1>, vector<16xi32>
        %swap3A_171 = arith.constant 48 : index
        %swap3A_172 = tpu.vector_load %arg9[%swap3A_171] {strides = array<i32>} : memref<80xi32, #tpu.memory_space<vmem>>, vector<16xi32>,
        tpu.vector_store %arg9[%swap3A_171], %select_n3A_170 {strides = array<i32>} : memref<80xi32, #tpu.memory_space<vmem>>, vector<16xi32>,
        %jit3A_173 = arith.constant 5120 : i32
        %broadcast_in_dim3A_174 = vector.broadcast %jit3A_173 : i32 to vector<16xi32>
        %select_n3A_175 = arith.select %ge3A_163, %broadcast_in_dim3A_174, %get3A_167 : vector<16xi1>, vector<16xi32>
        %swap3A_176 = arith.constant 48 : index
        %swap3A_177 = tpu.vector_load %arg10[%swap3A_176] {strides = array<i32>} : memref<80xi32, #tpu.memory_space<vmem>>, vector<16xi32>,
        tpu.vector_store %arg10[%swap3A_176], %select_n3A_175 {strides = array<i32>} : memref<80xi32, #tpu.memory_space<vmem>>, vector<16xi32>,
        %add3A_178 = arith.constant 64 : i32
        %add3A_179 = vector.broadcast %add3A_178 : i32 to vector<16xi32>
        %add3A_180 = arith.addi %iota3A, %add3A_179 : vector<16xi32>
        %ge3A_181 = vector.broadcast %min3A_103 : i32 to vector<16xi32>
        %ge3A_182 = arith.cmpi sge, %add3A_180, %ge3A_181 : vector<16xi32>
        %get3A_183 = arith.constant 64 : index
        %get3A_184 = tpu.vector_load %arg9[%get3A_183] {strides = array<i32>} : memref<80xi32, #tpu.memory_space<vmem>>, vector<16xi32>,
        %get3A_185 = arith.constant 64 : index
        %get3A_186 = tpu.vector_load %arg10[%get3A_185] {strides = array<i32>} : memref<80xi32, #tpu.memory_space<vmem>>, vector<16xi32>,
        %jit3A_187 = arith.constant 0 : i32
        %broadcast_in_dim3A_188 = vector.broadcast %jit3A_187 : i32 to vector<16xi32>
        %select_n3A_189 = arith.select %ge3A_182, %broadcast_in_dim3A_188, %get3A_184 : vector<16xi1>, vector<16xi32>
        %swap3A_190 = arith.constant 64 : index
        %swap3A_191 = tpu.vector_load %arg9[%swap3A_190] {strides = array<i32>} : memref<80xi32, #tpu.memory_space<vmem>>, vector<16xi32>,
        tpu.vector_store %arg9[%swap3A_190], %select_n3A_189 {strides = array<i32>} : memref<80xi32, #tpu.memory_space<vmem>>, vector<16xi32>,
        %jit3A_192 = arith.constant 5120 : i32
        %broadcast_in_dim3A_193 = vector.broadcast %jit3A_192 : i32 to vector<16xi32>
        %select_n3A_194 = arith.select %ge3A_182, %broadcast_in_dim3A_193, %get3A_186 : vector<16xi1>, vector<16xi32>
        %swap3A_195 = arith.constant 64 : index
        %swap3A_196 = tpu.vector_load %arg10[%swap3A_195] {strides = array<i32>} : memref<80xi32, #tpu.memory_space<vmem>>, vector<16xi32>,
        tpu.vector_store %arg10[%swap3A_195], %select_n3A_194 {strides = array<i32>} : memref<80xi32, #tpu.memory_space<vmem>>, vector<16xi32>,
        %dma_start3A = arith.constant 0 : i32
        %dma_start3A_197 = arith.constant 0 : i32
        %dma_start3A_198 = tpu.memref_slice %arg2[%dma_start3A, %dma_start3A_197] : memref<10000x16xf32, #tpu.memory_space<hbm>> -> memref<10000x16xf32, #tpu.memory_space<hbm>>
        tpu.enqueue_indirect_dma source(%dma_start3A_198 : memref<10000x16xf32, #tpu.memory_space<hbm>>) target(%arg11 : memref<80x16xf32, #tpu.memory_space<vmem>>) offsets(%arg9 : memref<80xi32, #tpu.memory_space<vmem>>) semaphore(%arg13 : memref<!tpu.dma_semaphore, #tpu.memory_space<semaphore_mem>>)
        %dma_wait3A = arith.constant 0 : i32
        %dma_wait3A_199 = arith.constant 0 : i32
        %dma_wait3A_200 = tpu.memref_slice %arg2[%dma_wait3A, %dma_wait3A_199] : memref<10000x16xf32, #tpu.memory_space<hbm>> -> memref<10000x16xf32, #tpu.memory_space<hbm>>
        tpu.wait_indirect_dma semaphore(%arg13 : memref<!tpu.dma_semaphore, #tpu.memory_space<semaphore_mem>>) src(%dma_wait3A_200 : memref<10000x16xf32, #tpu.memory_space<hbm>>) dst(%arg11 : memref<80x16xf32, #tpu.memory_space<vmem>>)
        "tpu.region"() ({
          %run_scoped3A = tpu.sem_alloc : memref<!tpu.dma_semaphore, #tpu.memory_space<semaphore_mem>>
          %dma_start3A_201 = arith.constant 0 : i32
          %dma_start3A_202 = arith.constant 0 : i32
          %dma_start3A_203 = tpu.memref_slice %arg12[%dma_start3A_201, %dma_start3A_202] : memref<5128x16xf32, #tpu.memory_space<vmem_shared>> -> memref<5128x16xf32, #tpu.memory_space<vmem_shared>>
          tpu.enqueue_indirect_dma source(%arg11 : memref<80x16xf32, #tpu.memory_space<vmem>>) target(%dma_start3A_203 : memref<5128x16xf32, #tpu.memory_space<vmem_shared>>) offsets(%arg10 : memref<80xi32, #tpu.memory_space<vmem>>) semaphore(%run_scoped3A : memref<!tpu.dma_semaphore, #tpu.memory_space<semaphore_mem>>) {add = true}
          %dma_wait3A_204 = arith.constant 0 : i32
          %dma_wait3A_205 = arith.constant 0 : i32
          %dma_wait3A_206 = tpu.memref_slice %arg12[%dma_wait3A_204, %dma_wait3A_205] : memref<5128x16xf32, #tpu.memory_space<vmem_shared>> -> memref<5128x16xf32, #tpu.memory_space<vmem_shared>>
          tpu.wait_indirect_dma semaphore(%run_scoped3A : memref<!tpu.dma_semaphore, #tpu.memory_space<semaphore_mem>>) src(%arg11 : memref<80x16xf32, #tpu.memory_space<vmem>>) dst(%dma_wait3A_206 : memref<5128x16xf32, #tpu.memory_space<vmem_shared>>)
          tpu.yield
        }) : () -> ()
      }
    }
    %scan3A_8 = arith.constant 32 : i32
    %mul3A_9 = arith.constant 320 : i32
    %mul3A_10 = arith.muli %add3A, %mul3A_9 : i32
    "tpu.region"() ({
      %run_scoped3A = tpu.sem_alloc : memref<!tpu.dma_semaphore, #tpu.memory_space<semaphore_mem>>
      %dma_start3A = arith.constant 0 : i32
      %dma_start3A_11 = tpu.memref_slice %arg7[%mul3A_10, %dma_start3A] : memref<10240x16xf32, #tpu.memory_space<hbm>> -> memref<320x16xf32, #tpu.memory_space<hbm>>
      %dma_start3A_12 = arith.constant 0 : i32
      %dma_start3A_13 = tpu.memref_slice %arg12[%mul3A_2, %dma_start3A_12] : memref<5128x16xf32, #tpu.memory_space<vmem_shared>> -> memref<320x16xf32, #tpu.memory_space<vmem_shared>>
      tpu.enqueue_dma source(%dma_start3A_13 : memref<320x16xf32, #tpu.memory_space<vmem_shared>>) target(%dma_start3A_11 : memref<320x16xf32, #tpu.memory_space<hbm>>) target_semaphore(%run_scoped3A : memref<!tpu.dma_semaphore, #tpu.memory_space<semaphore_mem>>)
      %dma_wait3A = arith.constant 0 : i32
      %dma_wait3A_14 = tpu.memref_slice %arg7[%mul3A_10, %dma_wait3A] : memref<10240x16xf32, #tpu.memory_space<hbm>> -> memref<320x16xf32, #tpu.memory_space<hbm>>
      %dma_wait3A_15 = arith.constant 0 : i32
      %dma_wait3A_16 = tpu.memref_slice %arg12[%mul3A_2, %dma_wait3A_15] : memref<5128x16xf32, #tpu.memory_space<vmem_shared>> -> memref<320x16xf32, #tpu.memory_space<vmem_shared>>
      tpu.wait_dma2 semaphore(%run_scoped3A : memref<!tpu.dma_semaphore, #tpu.memory_space<semaphore_mem>>) src(%dma_wait3A_16 : memref<320x16xf32, #tpu.memory_space<vmem_shared>>) dst(%dma_wait3A_14 : memref<320x16xf32, #tpu.memory_space<hbm>>)
      tpu.yield
    }) : () -> ()
    return
  }
}

#map = affine_map<(d0, d1) -> (0, 0)>
#map1 = affine_map<(d0, d1) -> (0)>
module attributes {stable_mosaic.version = 14 : i64} {
  func.func @_seg(%arg0: i32, %arg1: i32, %arg2: memref<10000x16xf32, #tpu.memory_space<hbm>>, %arg3: memref<330240xi32, #tpu.memory_space<hbm>>, %arg4: memref<330240xi32, #tpu.memory_space<hbm>>, %arg5: memref<1024xi32, #tpu.memory_space<hbm>>, %arg6: memref<320x16xf32, #tpu.memory_space<hbm>>, %arg7: memref<10240x16xf32, #tpu.memory_space<hbm>>, %arg8: memref<1024xi32, #tpu.memory_space<vmem>>, %arg9: memref<80xi32, #tpu.memory_space<vmem>>, %arg10: memref<80xi32, #tpu.memory_space<vmem>>, %arg11: memref<80x16xf32, #tpu.memory_space<vmem>>, %arg12: memref<5128x16xf32, #tpu.memory_space<vmem_shared>>, %arg13: memref<!tpu.dma_semaphore, #tpu.memory_space<semaphore_mem>>) attributes {dimension_semantics = [#tpu.dimension_semantics<core_parallel>, #tpu.dimension_semantics<subcore_parallel>], iteration_bounds = array<i64: 2, 16>, scalar_prefetch = 0 : i64, scratch_operands = 6 : i64, tpu.core_type = #tpu.core_type<sc_vector_subcore>, window_params = [{transform_indices = #map}, {transform_indices = #map1}, {transform_indices = #map1}, {transform_indices = #map1}, {transform_indices = #map}, {transform_indices = #map}]} {
    %mul3A = arith.constant 16 : i32
    %mul3A_0 = arith.muli %arg0, %mul3A : i32
    %add3A = arith.addi %mul3A_0, %arg1 : i32
    %mul3A_1 = arith.constant 320 : i32
    %mul3A_2 = arith.muli %arg1, %mul3A_1 : i32
    "tpu.region"() ({
      %run_scoped3A = tpu.sem_alloc : memref<!tpu.dma_semaphore, #tpu.memory_space<semaphore_mem>>
      tpu.enqueue_dma source(%arg5 : memref<1024xi32, #tpu.memory_space<hbm>>) target(%arg8 : memref<1024xi32, #tpu.memory_space<vmem>>) target_semaphore(%run_scoped3A : memref<!tpu.dma_semaphore, #tpu.memory_space<semaphore_mem>>)
      tpu.wait_dma2 semaphore(%run_scoped3A : memref<!tpu.dma_semaphore, #tpu.memory_space<semaphore_mem>>) src(%arg5 : memref<1024xi32, #tpu.memory_space<hbm>>) dst(%arg8 : memref<1024xi32, #tpu.memory_space<vmem>>)
      tpu.yield
    }) : () -> ()
    "tpu.region"() ({
      %run_scoped3A = tpu.sem_alloc : memref<!tpu.dma_semaphore, #tpu.memory_space<semaphore_mem>>
      %dma_start3A = arith.constant 0 : i32
      %dma_start3A_11 = tpu.memref_slice %arg12[%mul3A_2, %dma_start3A] : memref<5128x16xf32, #tpu.memory_space<vmem_shared>> -> memref<320x16xf32, #tpu.memory_space<vmem_shared>>
      tpu.enqueue_dma source(%arg6 : memref<320x16xf32, #tpu.memory_space<hbm>>) target(%dma_start3A_11 : memref<320x16xf32, #tpu.memory_space<vmem_shared>>) target_semaphore(%run_scoped3A : memref<!tpu.dma_semaphore, #tpu.memory_space<semaphore_mem>>)
      %dma_wait3A = arith.constant 0 : i32
      %dma_wait3A_12 = tpu.memref_slice %arg12[%mul3A_2, %dma_wait3A] : memref<5128x16xf32, #tpu.memory_space<vmem_shared>> -> memref<320x16xf32, #tpu.memory_space<vmem_shared>>
      tpu.wait_dma2 semaphore(%run_scoped3A : memref<!tpu.dma_semaphore, #tpu.memory_space<semaphore_mem>>) src(%arg6 : memref<320x16xf32, #tpu.memory_space<hbm>>) dst(%dma_wait3A_12 : memref<320x16xf32, #tpu.memory_space<vmem_shared>>)
      tpu.yield
    }) : () -> ()
    %iota3A = tpu.iota {dimensions = array<i32: 0>} : vector<16xi32>
    %scan3A = arith.constant 0 : i32
    %scan3A_3 = arith.constant -2147483648 : i32
    %scan3A_4 = arith.constant 0 : i32
    %scan3A_5 = arith.constant 32 : i32
    %scan3A_6 = arith.addi %scan3A_4, %scan3A_5 : i32
    %scan3A_7 = arith.constant 1 : i32
    scf.for %scan3A_11 = %scan3A_4 to %scan3A_6 step %scan3A_7  : i32 {
      %mul3A_12 = arith.constant 32 : i32
      %mul3A_13 = arith.muli %scan3A_11, %mul3A_12 : i32
      %add3A_14 = arith.addi %mul3A_13, %add3A : i32
      %jit3A = arith.constant 16 : i32
      %div3A = arith.divsi %add3A_14, %jit3A : i32
      %sign3A = arith.constant 0 : i32
      %sign3A_15 = arith.cmpi sgt, %add3A_14, %sign3A : i32
      %sign3A_16 = arith.extui %sign3A_15 : i1 to i32
      %sign3A_17 = arith.constant 0 : i32
      %sign3A_18 = arith.cmpi slt, %add3A_14, %sign3A_17 : i32
      %sign3A_19 = arith.extui %sign3A_18 : i1 to i32
      %sign3A_20 = arith.subi %sign3A_16, %sign3A_19 : i32
      %sign3A_21 = arith.constant 0 : i32
      %sign3A_22 = arith.cmpi sgt, %jit3A, %sign3A_21 : i32
      %sign3A_23 = arith.extui %sign3A_22 : i1 to i32
      %sign3A_24 = arith.constant 0 : i32
      %sign3A_25 = arith.cmpi slt, %jit3A, %sign3A_24 : i32
      %sign3A_26 = arith.extui %sign3A_25 : i1 to i32
      %sign3A_27 = arith.subi %sign3A_23, %sign3A_26 : i32
      %ne3A = arith.cmpi ne, %sign3A_20, %sign3A_27 : i32
      %rem3A = arith.remsi %add3A_14, %jit3A : i32
      %ne3A_28 = arith.constant 0 : i32
      %ne3A_29 = arith.cmpi ne, %rem3A, %ne3A_28 : i32
      %and3A = arith.andi %ne3A, %ne3A_29 : i1
      %sub3A = arith.constant 1 : i32
      %sub3A_30 = arith.subi %div3A, %sub3A : i32
      %select_n3A = arith.select %and3A, %sub3A_30, %div3A : i32
      %mul3A_31 = arith.constant 16 : i32
      %mul3A_32 = arith.muli %select_n3A, %mul3A_31 : i32
      %multiple_of3A = tpu.assume_multiple %mul3A_32, 16 : i32
      %get3A = arith.index_cast %multiple_of3A : i32 to index
      %get3A_33 = tpu.vector_load %arg8[%get3A] {strides = array<i32>} : memref<1024xi32, #tpu.memory_space<vmem>>, vector<16xi32>,
      %sub3A_34 = arith.subi %add3A_14, %multiple_of3A : i32
      %eq3A = vector.broadcast %sub3A_34 : i32 to vector<16xi32>
      %eq3A_35 = arith.cmpi eq, %iota3A, %eq3A : vector<16xi32>
      %broadcast_in_dim3A = vector.broadcast %scan3A_3 : i32 to vector<16xi32>
      %select_n3A_36 = arith.select %eq3A_35, %get3A_33, %broadcast_in_dim3A : vector<16xi1>, vector<16xi32>
      %reduce_max3A = arith.constant true
      %reduce_max3A_37 = vector.broadcast %reduce_max3A : i1 to vector<16xi1>
      %reduce_max3A_38 = arith.constant -2147483648 : i32
      %reduce_max3A_39 = vector.broadcast %reduce_max3A_38 : i32 to vector<16xi32>
      %reduce_max3A_40 = arith.xori %select_n3A_36, %reduce_max3A_39 : vector<16xi32>
      %reduce_max3A_41 = tpu.scan <max>, %reduce_max3A_40 masked %reduce_max3A_37 : vector<16xi32>, vector<16xi1> -> vector<16xi32>
      %reduce_max3A_42 = arith.xori %reduce_max3A_41, %reduce_max3A_39 : vector<16xi32>
      %reduce_max3A_43 = vector.extract %reduce_max3A_42[15] : i32 from vector<16xi32>
      %mul3A_44 = arith.constant 10320 : i32
      %mul3A_45 = arith.muli %scan3A_11, %mul3A_44 : i32
      %while3A = arith.constant 0 : i32
      %while3A_46 = arith.constant 0 : i32
      %while3A_47 = arith.subi %add3A, %while3A : i32
      %while3A_48 = arith.addi %while3A, %while3A_47 : i32
      %while3A_49 = arith.constant 1 : i32
      %while3A_50 = arith.divsi %while3A_47, %while3A_49 : i32
      %while3A_51 = arith.muli %while3A_50, %while3A_49 : i32
      %while3A_52 = arith.addi %while3A, %while3A_51 : i32
      %while3A_53 = arith.constant 1 : i32
      %while3A_54 = scf.for %while3A_95 = %while3A to %while3A_52 step %while3A_53 iter_args(%while3A_96 = %while3A_46) -> (i32)  : i32 {
        %mul3A_97 = arith.constant 32 : i32
        %mul3A_98 = arith.muli %scan3A_11, %mul3A_97 : i32
        %add3A_99 = arith.addi %mul3A_98, %while3A_95 : i32
        %jit3A_100 = arith.constant 16 : i32
        %div3A_101 = arith.divsi %add3A_99, %jit3A_100 : i32
        %sign3A_102 = arith.constant 0 : i32
        %sign3A_103 = arith.cmpi sgt, %add3A_99, %sign3A_102 : i32
        %sign3A_104 = arith.extui %sign3A_103 : i1 to i32
        %sign3A_105 = arith.constant 0 : i32
        %sign3A_106 = arith.cmpi slt, %add3A_99, %sign3A_105 : i32
        %sign3A_107 = arith.extui %sign3A_106 : i1 to i32
        %sign3A_108 = arith.subi %sign3A_104, %sign3A_107 : i32
        %sign3A_109 = arith.constant 0 : i32
        %sign3A_110 = arith.cmpi sgt, %jit3A_100, %sign3A_109 : i32
        %sign3A_111 = arith.extui %sign3A_110 : i1 to i32
        %sign3A_112 = arith.constant 0 : i32
        %sign3A_113 = arith.cmpi slt, %jit3A_100, %sign3A_112 : i32
        %sign3A_114 = arith.extui %sign3A_113 : i1 to i32
        %sign3A_115 = arith.subi %sign3A_111, %sign3A_114 : i32
        %ne3A_116 = arith.cmpi ne, %sign3A_108, %sign3A_115 : i32
        %rem3A_117 = arith.remsi %add3A_99, %jit3A_100 : i32
        %ne3A_118 = arith.constant 0 : i32
        %ne3A_119 = arith.cmpi ne, %rem3A_117, %ne3A_118 : i32
        %and3A_120 = arith.andi %ne3A_116, %ne3A_119 : i1
        %sub3A_121 = arith.constant 1 : i32
        %sub3A_122 = arith.subi %div3A_101, %sub3A_121 : i32
        %select_n3A_123 = arith.select %and3A_120, %sub3A_122, %div3A_101 : i32
        %mul3A_124 = arith.constant 16 : i32
        %mul3A_125 = arith.muli %select_n3A_123, %mul3A_124 : i32
        %multiple_of3A_126 = tpu.assume_multiple %mul3A_125, 16 : i32
        %get3A_127 = arith.index_cast %multiple_of3A_126 : i32 to index
        %get3A_128 = tpu.vector_load %arg8[%get3A_127] {strides = array<i32>} : memref<1024xi32, #tpu.memory_space<vmem>>, vector<16xi32>,
        %sub3A_129 = arith.subi %add3A_99, %multiple_of3A_126 : i32
        %eq3A_130 = vector.broadcast %sub3A_129 : i32 to vector<16xi32>
        %eq3A_131 = arith.cmpi eq, %iota3A, %eq3A_130 : vector<16xi32>
        %broadcast_in_dim3A_132 = vector.broadcast %scan3A_3 : i32 to vector<16xi32>
        %select_n3A_133 = arith.select %eq3A_131, %get3A_128, %broadcast_in_dim3A_132 : vector<16xi1>, vector<16xi32>
        %reduce_max3A_134 = arith.constant true
        %reduce_max3A_135 = vector.broadcast %reduce_max3A_134 : i1 to vector<16xi1>
        %reduce_max3A_136 = arith.constant -2147483648 : i32
        %reduce_max3A_137 = vector.broadcast %reduce_max3A_136 : i32 to vector<16xi32>
        %reduce_max3A_138 = arith.xori %select_n3A_133, %reduce_max3A_137 : vector<16xi32>
        %reduce_max3A_139 = tpu.scan <max>, %reduce_max3A_138 masked %reduce_max3A_135 : vector<16xi32>, vector<16xi1> -> vector<16xi32>
        %reduce_max3A_140 = arith.xori %reduce_max3A_139, %reduce_max3A_137 : vector<16xi32>
        %reduce_max3A_141 = vector.extract %reduce_max3A_140[15] : i32 from vector<16xi32>
        %add3A_142 = arith.constant 7 : i32
        %add3A_143 = arith.addi %reduce_max3A_141, %add3A_142 : i32
        %jit3A_144 = arith.constant 8 : i32
        %div3A_145 = arith.divsi %add3A_143, %jit3A_144 : i32
        %sign3A_146 = arith.constant 0 : i32
        %sign3A_147 = arith.cmpi sgt, %add3A_143, %sign3A_146 : i32
        %sign3A_148 = arith.extui %sign3A_147 : i1 to i32
        %sign3A_149 = arith.constant 0 : i32
        %sign3A_150 = arith.cmpi slt, %add3A_143, %sign3A_149 : i32
        %sign3A_151 = arith.extui %sign3A_150 : i1 to i32
        %sign3A_152 = arith.subi %sign3A_148, %sign3A_151 : i32
        %sign3A_153 = arith.constant 0 : i32
        %sign3A_154 = arith.cmpi sgt, %jit3A_144, %sign3A_153 : i32
        %sign3A_155 = arith.extui %sign3A_154 : i1 to i32
        %sign3A_156 = arith.constant 0 : i32
        %sign3A_157 = arith.cmpi slt, %jit3A_144, %sign3A_156 : i32
        %sign3A_158 = arith.extui %sign3A_157 : i1 to i32
        %sign3A_159 = arith.subi %sign3A_155, %sign3A_158 : i32
        %ne3A_160 = arith.cmpi ne, %sign3A_152, %sign3A_159 : i32
        %rem3A_161 = arith.remsi %add3A_143, %jit3A_144 : i32
        %ne3A_162 = arith.constant 0 : i32
        %ne3A_163 = arith.cmpi ne, %rem3A_161, %ne3A_162 : i32
        %and3A_164 = arith.andi %ne3A_160, %ne3A_163 : i1
        %sub3A_165 = arith.constant 1 : i32
        %sub3A_166 = arith.subi %div3A_145, %sub3A_165 : i32
        %select_n3A_167 = arith.select %and3A_164, %sub3A_166, %div3A_145 : i32
        %mul3A_168 = arith.constant 8 : i32
        %mul3A_169 = arith.muli %select_n3A_167, %mul3A_168 : i32
        %add3A_170 = arith.addi %while3A_96, %mul3A_169 : i32
        scf.yield %add3A_170 : i32
      }
      %while3A_55 = arith.constant 1 : i32
      %while3A_56 = scf.for %while3A_95 = %while3A_52 to %while3A_48 step %while3A_55 iter_args(%while3A_96 = %while3A_54) -> (i32)  : i32 {
        %mul3A_97 = arith.constant 32 : i32
        %mul3A_98 = arith.muli %scan3A_11, %mul3A_97 : i32
        %add3A_99 = arith.addi %mul3A_98, %while3A_95 : i32
        %jit3A_100 = arith.constant 16 : i32
        %div3A_101 = arith.divsi %add3A_99, %jit3A_100 : i32
        %sign3A_102 = arith.constant 0 : i32
        %sign3A_103 = arith.cmpi sgt, %add3A_99, %sign3A_102 : i32
        %sign3A_104 = arith.extui %sign3A_103 : i1 to i32
        %sign3A_105 = arith.constant 0 : i32
        %sign3A_106 = arith.cmpi slt, %add3A_99, %sign3A_105 : i32
        %sign3A_107 = arith.extui %sign3A_106 : i1 to i32
        %sign3A_108 = arith.subi %sign3A_104, %sign3A_107 : i32
        %sign3A_109 = arith.constant 0 : i32
        %sign3A_110 = arith.cmpi sgt, %jit3A_100, %sign3A_109 : i32
        %sign3A_111 = arith.extui %sign3A_110 : i1 to i32
        %sign3A_112 = arith.constant 0 : i32
        %sign3A_113 = arith.cmpi slt, %jit3A_100, %sign3A_112 : i32
        %sign3A_114 = arith.extui %sign3A_113 : i1 to i32
        %sign3A_115 = arith.subi %sign3A_111, %sign3A_114 : i32
        %ne3A_116 = arith.cmpi ne, %sign3A_108, %sign3A_115 : i32
        %rem3A_117 = arith.remsi %add3A_99, %jit3A_100 : i32
        %ne3A_118 = arith.constant 0 : i32
        %ne3A_119 = arith.cmpi ne, %rem3A_117, %ne3A_118 : i32
        %and3A_120 = arith.andi %ne3A_116, %ne3A_119 : i1
        %sub3A_121 = arith.constant 1 : i32
        %sub3A_122 = arith.subi %div3A_101, %sub3A_121 : i32
        %select_n3A_123 = arith.select %and3A_120, %sub3A_122, %div3A_101 : i32
        %mul3A_124 = arith.constant 16 : i32
        %mul3A_125 = arith.muli %select_n3A_123, %mul3A_124 : i32
        %multiple_of3A_126 = tpu.assume_multiple %mul3A_125, 16 : i32
        %get3A_127 = arith.index_cast %multiple_of3A_126 : i32 to index
        %get3A_128 = tpu.vector_load %arg8[%get3A_127] {strides = array<i32>} : memref<1024xi32, #tpu.memory_space<vmem>>, vector<16xi32>,
        %sub3A_129 = arith.subi %add3A_99, %multiple_of3A_126 : i32
        %eq3A_130 = vector.broadcast %sub3A_129 : i32 to vector<16xi32>
        %eq3A_131 = arith.cmpi eq, %iota3A, %eq3A_130 : vector<16xi32>
        %broadcast_in_dim3A_132 = vector.broadcast %scan3A_3 : i32 to vector<16xi32>
        %select_n3A_133 = arith.select %eq3A_131, %get3A_128, %broadcast_in_dim3A_132 : vector<16xi1>, vector<16xi32>
        %reduce_max3A_134 = arith.constant true
        %reduce_max3A_135 = vector.broadcast %reduce_max3A_134 : i1 to vector<16xi1>
        %reduce_max3A_136 = arith.constant -2147483648 : i32
        %reduce_max3A_137 = vector.broadcast %reduce_max3A_136 : i32 to vector<16xi32>
        %reduce_max3A_138 = arith.xori %select_n3A_133, %reduce_max3A_137 : vector<16xi32>
        %reduce_max3A_139 = tpu.scan <max>, %reduce_max3A_138 masked %reduce_max3A_135 : vector<16xi32>, vector<16xi1> -> vector<16xi32>
        %reduce_max3A_140 = arith.xori %reduce_max3A_139, %reduce_max3A_137 : vector<16xi32>
        %reduce_max3A_141 = vector.extract %reduce_max3A_140[15] : i32 from vector<16xi32>
        %add3A_142 = arith.constant 7 : i32
        %add3A_143 = arith.addi %reduce_max3A_141, %add3A_142 : i32
        %jit3A_144 = arith.constant 8 : i32
        %div3A_145 = arith.divsi %add3A_143, %jit3A_144 : i32
        %sign3A_146 = arith.constant 0 : i32
        %sign3A_147 = arith.cmpi sgt, %add3A_143, %sign3A_146 : i32
        %sign3A_148 = arith.extui %sign3A_147 : i1 to i32
        %sign3A_149 = arith.constant 0 : i32
        %sign3A_150 = arith.cmpi slt, %add3A_143, %sign3A_149 : i32
        %sign3A_151 = arith.extui %sign3A_150 : i1 to i32
        %sign3A_152 = arith.subi %sign3A_148, %sign3A_151 : i32
        %sign3A_153 = arith.constant 0 : i32
        %sign3A_154 = arith.cmpi sgt, %jit3A_144, %sign3A_153 : i32
        %sign3A_155 = arith.extui %sign3A_154 : i1 to i32
        %sign3A_156 = arith.constant 0 : i32
        %sign3A_157 = arith.cmpi slt, %jit3A_144, %sign3A_156 : i32
        %sign3A_158 = arith.extui %sign3A_157 : i1 to i32
        %sign3A_159 = arith.subi %sign3A_155, %sign3A_158 : i32
        %ne3A_160 = arith.cmpi ne, %sign3A_152, %sign3A_159 : i32
        %rem3A_161 = arith.remsi %add3A_143, %jit3A_144 : i32
        %ne3A_162 = arith.constant 0 : i32
        %ne3A_163 = arith.cmpi ne, %rem3A_161, %ne3A_162 : i32
        %and3A_164 = arith.andi %ne3A_160, %ne3A_163 : i1
        %sub3A_165 = arith.constant 1 : i32
        %sub3A_166 = arith.subi %div3A_145, %sub3A_165 : i32
        %select_n3A_167 = arith.select %and3A_164, %sub3A_166, %div3A_145 : i32
        %mul3A_168 = arith.constant 8 : i32
        %mul3A_169 = arith.muli %select_n3A_167, %mul3A_168 : i32
        %add3A_170 = arith.addi %while3A_96, %mul3A_169 : i32
        scf.yield %add3A_170 : i32
      }
      %add3A_57 = arith.addi %mul3A_45, %while3A_56 : i32
      %add3A_58 = arith.constant 80 : i32
      %add3A_59 = arith.addi %reduce_max3A_43, %add3A_58 : i32
      %sub3A_60 = arith.constant 1 : i32
      %sub3A_61 = arith.subi %add3A_59, %sub3A_60 : i32
      %jit3A_62 = arith.constant 80 : i32
      %div3A_63 = arith.divsi %sub3A_61, %jit3A_62 : i32
      %sign3A_64 = arith.constant 0 : i32
      %sign3A_65 = arith.cmpi sgt, %sub3A_61, %sign3A_64 : i32
      %sign3A_66 = arith.extui %sign3A_65 : i1 to i32
      %sign3A_67 = arith.constant 0 : i32
      %sign3A_68 = arith.cmpi slt, %sub3A_61, %sign3A_67 : i32
      %sign3A_69 = arith.extui %sign3A_68 : i1 to i32
      %sign3A_70 = arith.subi %sign3A_66, %sign3A_69 : i32
      %sign3A_71 = arith.constant 0 : i32
      %sign3A_72 = arith.cmpi sgt, %jit3A_62, %sign3A_71 : i32
      %sign3A_73 = arith.extui %sign3A_72 : i1 to i32
      %sign3A_74 = arith.constant 0 : i32
      %sign3A_75 = arith.cmpi slt, %jit3A_62, %sign3A_74 : i32
      %sign3A_76 = arith.extui %sign3A_75 : i1 to i32
      %sign3A_77 = arith.subi %sign3A_73, %sign3A_76 : i32
      %ne3A_78 = arith.cmpi ne, %sign3A_70, %sign3A_77 : i32
      %rem3A_79 = arith.remsi %sub3A_61, %jit3A_62 : i32
      %ne3A_80 = arith.constant 0 : i32
      %ne3A_81 = arith.cmpi ne, %rem3A_79, %ne3A_80 : i32
      %and3A_82 = arith.andi %ne3A_78, %ne3A_81 : i1
      %sub3A_83 = arith.constant 1 : i32
      %sub3A_84 = arith.subi %div3A_63, %sub3A_83 : i32
      %select_n3A_85 = arith.select %and3A_82, %sub3A_84, %div3A_63 : i32
      %while3A_86 = arith.constant 0 : i32
      %while3A_87 = arith.subi %select_n3A_85, %while3A_86 : i32
      %while3A_88 = arith.addi %while3A_86, %while3A_87 : i32
      %while3A_89 = arith.constant 1 : i32
      %while3A_90 = arith.divsi %while3A_87, %while3A_89 : i32
      %while3A_91 = arith.muli %while3A_90, %while3A_89 : i32
      %while3A_92 = arith.addi %while3A_86, %while3A_91 : i32
      %while3A_93 = arith.constant 1 : i32
      scf.for %while3A_95 = %while3A_86 to %while3A_92 step %while3A_93  : i32 {
        %mul3A_96 = arith.constant 80 : i32
        %mul3A_97 = arith.muli %mul3A_96, %while3A_95 : i32
        %add3A_98 = arith.addi %add3A_57, %mul3A_97 : i32
        %multiple_of3A_99 = tpu.assume_multiple %add3A_98, 8 : i32
        %mul3A_100 = arith.constant 80 : i32
        %mul3A_101 = arith.muli %mul3A_100, %while3A_95 : i32
        %sub3A_102 = arith.subi %reduce_max3A_43, %mul3A_101 : i32
        %min3A = arith.constant 80 : i32
        %min3A_103 = arith.minsi %sub3A_102, %min3A : i32
        "tpu.region"() ({
          %run_scoped3A = tpu.sem_alloc : memref<!tpu.dma_semaphore, #tpu.memory_space<semaphore_mem>>
          %dma_start3A_201 = tpu.memref_slice %arg3[%multiple_of3A_99] : memref<330240xi32, #tpu.memory_space<hbm>> -> memref<80xi32, #tpu.memory_space<hbm>>
          %dma_start3A_202 = tpu.memref_slice %arg3[%multiple_of3A_99] : memref<330240xi32, #tpu.memory_space<hbm>> -> memref<80xi32, #tpu.memory_space<hbm>>
          tpu.enqueue_dma source(%dma_start3A_202 : memref<80xi32, #tpu.memory_space<hbm>>) target(%arg9 : memref<80xi32, #tpu.memory_space<vmem>>) target_semaphore(%run_scoped3A : memref<!tpu.dma_semaphore, #tpu.memory_space<semaphore_mem>>)
          %dma_wait3A_203 = tpu.memref_slice %arg3[%multiple_of3A_99] : memref<330240xi32, #tpu.memory_space<hbm>> -> memref<80xi32, #tpu.memory_space<hbm>>
          %dma_wait3A_204 = tpu.memref_slice %arg3[%multiple_of3A_99] : memref<330240xi32, #tpu.memory_space<hbm>> -> memref<80xi32, #tpu.memory_space<hbm>>
          tpu.wait_dma2 semaphore(%run_scoped3A : memref<!tpu.dma_semaphore, #tpu.memory_space<semaphore_mem>>) src(%dma_wait3A_204 : memref<80xi32, #tpu.memory_space<hbm>>) dst(%arg9 : memref<80xi32, #tpu.memory_space<vmem>>)
          tpu.yield
        }) : () -> ()
        "tpu.region"() ({
          %run_scoped3A = tpu.sem_alloc : memref<!tpu.dma_semaphore, #tpu.memory_space<semaphore_mem>>
          %dma_start3A_201 = tpu.memref_slice %arg4[%multiple_of3A_99] : memref<330240xi32, #tpu.memory_space<hbm>> -> memref<80xi32, #tpu.memory_space<hbm>>
          %dma_start3A_202 = tpu.memref_slice %arg4[%multiple_of3A_99] : memref<330240xi32, #tpu.memory_space<hbm>> -> memref<80xi32, #tpu.memory_space<hbm>>
          tpu.enqueue_dma source(%dma_start3A_202 : memref<80xi32, #tpu.memory_space<hbm>>) target(%arg10 : memref<80xi32, #tpu.memory_space<vmem>>) target_semaphore(%run_scoped3A : memref<!tpu.dma_semaphore, #tpu.memory_space<semaphore_mem>>)
          %dma_wait3A_203 = tpu.memref_slice %arg4[%multiple_of3A_99] : memref<330240xi32, #tpu.memory_space<hbm>> -> memref<80xi32, #tpu.memory_space<hbm>>
          %dma_wait3A_204 = tpu.memref_slice %arg4[%multiple_of3A_99] : memref<330240xi32, #tpu.memory_space<hbm>> -> memref<80xi32, #tpu.memory_space<hbm>>
          tpu.wait_dma2 semaphore(%run_scoped3A : memref<!tpu.dma_semaphore, #tpu.memory_space<semaphore_mem>>) src(%dma_wait3A_204 : memref<80xi32, #tpu.memory_space<hbm>>) dst(%arg10 : memref<80xi32, #tpu.memory_space<vmem>>)
          tpu.yield
        }) : () -> ()
        %add3A_104 = arith.constant 0 : i32
        %add3A_105 = vector.broadcast %add3A_104 : i32 to vector<16xi32>
        %add3A_106 = arith.addi %iota3A, %add3A_105 : vector<16xi32>
        %ge3A = vector.broadcast %min3A_103 : i32 to vector<16xi32>
        %ge3A_107 = arith.cmpi sge, %add3A_106, %ge3A : vector<16xi32>
        %get3A_108 = arith.constant 0 : index
        %get3A_109 = tpu.vector_load %arg9[%get3A_108] {strides = array<i32>} : memref<80xi32, #tpu.memory_space<vmem>>, vector<16xi32>,
        %get3A_110 = arith.constant 0 : index
        %get3A_111 = tpu.vector_load %arg10[%get3A_110] {strides = array<i32>} : memref<80xi32, #tpu.memory_space<vmem>>, vector<16xi32>,
        %jit3A_112 = arith.constant 0 : i32
        %broadcast_in_dim3A_113 = vector.broadcast %jit3A_112 : i32 to vector<16xi32>
        %select_n3A_114 = arith.select %ge3A_107, %broadcast_in_dim3A_113, %get3A_109 : vector<16xi1>, vector<16xi32>
        %swap3A = arith.constant 0 : index
        %swap3A_115 = tpu.vector_load %arg9[%swap3A] {strides = array<i32>} : memref<80xi32, #tpu.memory_space<vmem>>, vector<16xi32>,
        tpu.vector_store %arg9[%swap3A], %select_n3A_114 {strides = array<i32>} : memref<80xi32, #tpu.memory_space<vmem>>, vector<16xi32>,
        %jit3A_116 = arith.constant 5120 : i32
        %broadcast_in_dim3A_117 = vector.broadcast %jit3A_116 : i32 to vector<16xi32>
        %select_n3A_118 = arith.select %ge3A_107, %broadcast_in_dim3A_117, %get3A_111 : vector<16xi1>, vector<16xi32>
        %swap3A_119 = arith.constant 0 : index
        %swap3A_120 = tpu.vector_load %arg10[%swap3A_119] {strides = array<i32>} : memref<80xi32, #tpu.memory_space<vmem>>, vector<16xi32>,
        tpu.vector_store %arg10[%swap3A_119], %select_n3A_118 {strides = array<i32>} : memref<80xi32, #tpu.memory_space<vmem>>, vector<16xi32>,
        %add3A_121 = arith.constant 16 : i32
        %add3A_122 = vector.broadcast %add3A_121 : i32 to vector<16xi32>
        %add3A_123 = arith.addi %iota3A, %add3A_122 : vector<16xi32>
        %ge3A_124 = vector.broadcast %min3A_103 : i32 to vector<16xi32>
        %ge3A_125 = arith.cmpi sge, %add3A_123, %ge3A_124 : vector<16xi32>
        %get3A_126 = arith.constant 16 : index
        %get3A_127 = tpu.vector_load %arg9[%get3A_126] {strides = array<i32>} : memref<80xi32, #tpu.memory_space<vmem>>, vector<16xi32>,
        %get3A_128 = arith.constant 16 : index
        %get3A_129 = tpu.vector_load %arg10[%get3A_128] {strides = array<i32>} : memref<80xi32, #tpu.memory_space<vmem>>, vector<16xi32>,
        %jit3A_130 = arith.constant 0 : i32
        %broadcast_in_dim3A_131 = vector.broadcast %jit3A_130 : i32 to vector<16xi32>
        %select_n3A_132 = arith.select %ge3A_125, %broadcast_in_dim3A_131, %get3A_127 : vector<16xi1>, vector<16xi32>
        %swap3A_133 = arith.constant 16 : index
        %swap3A_134 = tpu.vector_load %arg9[%swap3A_133] {strides = array<i32>} : memref<80xi32, #tpu.memory_space<vmem>>, vector<16xi32>,
        tpu.vector_store %arg9[%swap3A_133], %select_n3A_132 {strides = array<i32>} : memref<80xi32, #tpu.memory_space<vmem>>, vector<16xi32>,
        %jit3A_135 = arith.constant 5120 : i32
        %broadcast_in_dim3A_136 = vector.broadcast %jit3A_135 : i32 to vector<16xi32>
        %select_n3A_137 = arith.select %ge3A_125, %broadcast_in_dim3A_136, %get3A_129 : vector<16xi1>, vector<16xi32>
        %swap3A_138 = arith.constant 16 : index
        %swap3A_139 = tpu.vector_load %arg10[%swap3A_138] {strides = array<i32>} : memref<80xi32, #tpu.memory_space<vmem>>, vector<16xi32>,
        tpu.vector_store %arg10[%swap3A_138], %select_n3A_137 {strides = array<i32>} : memref<80xi32, #tpu.memory_space<vmem>>, vector<16xi32>,
        %add3A_140 = arith.constant 32 : i32
        %add3A_141 = vector.broadcast %add3A_140 : i32 to vector<16xi32>
        %add3A_142 = arith.addi %iota3A, %add3A_141 : vector<16xi32>
        %ge3A_143 = vector.broadcast %min3A_103 : i32 to vector<16xi32>
        %ge3A_144 = arith.cmpi sge, %add3A_142, %ge3A_143 : vector<16xi32>
        %get3A_145 = arith.constant 32 : index
        %get3A_146 = tpu.vector_load %arg9[%get3A_145] {strides = array<i32>} : memref<80xi32, #tpu.memory_space<vmem>>, vector<16xi32>,
        %get3A_147 = arith.constant 32 : index
        %get3A_148 = tpu.vector_load %arg10[%get3A_147] {strides = array<i32>} : memref<80xi32, #tpu.memory_space<vmem>>, vector<16xi32>,
        %jit3A_149 = arith.constant 0 : i32
        %broadcast_in_dim3A_150 = vector.broadcast %jit3A_149 : i32 to vector<16xi32>
        %select_n3A_151 = arith.select %ge3A_144, %broadcast_in_dim3A_150, %get3A_146 : vector<16xi1>, vector<16xi32>
        %swap3A_152 = arith.constant 32 : index
        %swap3A_153 = tpu.vector_load %arg9[%swap3A_152] {strides = array<i32>} : memref<80xi32, #tpu.memory_space<vmem>>, vector<16xi32>,
        tpu.vector_store %arg9[%swap3A_152], %select_n3A_151 {strides = array<i32>} : memref<80xi32, #tpu.memory_space<vmem>>, vector<16xi32>,
        %jit3A_154 = arith.constant 5120 : i32
        %broadcast_in_dim3A_155 = vector.broadcast %jit3A_154 : i32 to vector<16xi32>
        %select_n3A_156 = arith.select %ge3A_144, %broadcast_in_dim3A_155, %get3A_148 : vector<16xi1>, vector<16xi32>
        %swap3A_157 = arith.constant 32 : index
        %swap3A_158 = tpu.vector_load %arg10[%swap3A_157] {strides = array<i32>} : memref<80xi32, #tpu.memory_space<vmem>>, vector<16xi32>,
        tpu.vector_store %arg10[%swap3A_157], %select_n3A_156 {strides = array<i32>} : memref<80xi32, #tpu.memory_space<vmem>>, vector<16xi32>,
        %add3A_159 = arith.constant 48 : i32
        %add3A_160 = vector.broadcast %add3A_159 : i32 to vector<16xi32>
        %add3A_161 = arith.addi %iota3A, %add3A_160 : vector<16xi32>
        %ge3A_162 = vector.broadcast %min3A_103 : i32 to vector<16xi32>
        %ge3A_163 = arith.cmpi sge, %add3A_161, %ge3A_162 : vector<16xi32>
        %get3A_164 = arith.constant 48 : index
        %get3A_165 = tpu.vector_load %arg9[%get3A_164] {strides = array<i32>} : memref<80xi32, #tpu.memory_space<vmem>>, vector<16xi32>,
        %get3A_166 = arith.constant 48 : index
        %get3A_167 = tpu.vector_load %arg10[%get3A_166] {strides = array<i32>} : memref<80xi32, #tpu.memory_space<vmem>>, vector<16xi32>,
        %jit3A_168 = arith.constant 0 : i32
        %broadcast_in_dim3A_169 = vector.broadcast %jit3A_168 : i32 to vector<16xi32>
        %select_n3A_170 = arith.select %ge3A_163, %broadcast_in_dim3A_169, %get3A_165 : vector<16xi1>, vector<16xi32>
        %swap3A_171 = arith.constant 48 : index
        %swap3A_172 = tpu.vector_load %arg9[%swap3A_171] {strides = array<i32>} : memref<80xi32, #tpu.memory_space<vmem>>, vector<16xi32>,
        tpu.vector_store %arg9[%swap3A_171], %select_n3A_170 {strides = array<i32>} : memref<80xi32, #tpu.memory_space<vmem>>, vector<16xi32>,
        %jit3A_173 = arith.constant 5120 : i32
        %broadcast_in_dim3A_174 = vector.broadcast %jit3A_173 : i32 to vector<16xi32>
        %select_n3A_175 = arith.select %ge3A_163, %broadcast_in_dim3A_174, %get3A_167 : vector<16xi1>, vector<16xi32>
        %swap3A_176 = arith.constant 48 : index
        %swap3A_177 = tpu.vector_load %arg10[%swap3A_176] {strides = array<i32>} : memref<80xi32, #tpu.memory_space<vmem>>, vector<16xi32>,
        tpu.vector_store %arg10[%swap3A_176], %select_n3A_175 {strides = array<i32>} : memref<80xi32, #tpu.memory_space<vmem>>, vector<16xi32>,
        %add3A_178 = arith.constant 64 : i32
        %add3A_179 = vector.broadcast %add3A_178 : i32 to vector<16xi32>
        %add3A_180 = arith.addi %iota3A, %add3A_179 : vector<16xi32>
        %ge3A_181 = vector.broadcast %min3A_103 : i32 to vector<16xi32>
        %ge3A_182 = arith.cmpi sge, %add3A_180, %ge3A_181 : vector<16xi32>
        %get3A_183 = arith.constant 64 : index
        %get3A_184 = tpu.vector_load %arg9[%get3A_183] {strides = array<i32>} : memref<80xi32, #tpu.memory_space<vmem>>, vector<16xi32>,
        %get3A_185 = arith.constant 64 : index
        %get3A_186 = tpu.vector_load %arg10[%get3A_185] {strides = array<i32>} : memref<80xi32, #tpu.memory_space<vmem>>, vector<16xi32>,
        %jit3A_187 = arith.constant 0 : i32
        %broadcast_in_dim3A_188 = vector.broadcast %jit3A_187 : i32 to vector<16xi32>
        %select_n3A_189 = arith.select %ge3A_182, %broadcast_in_dim3A_188, %get3A_184 : vector<16xi1>, vector<16xi32>
        %swap3A_190 = arith.constant 64 : index
        %swap3A_191 = tpu.vector_load %arg9[%swap3A_190] {strides = array<i32>} : memref<80xi32, #tpu.memory_space<vmem>>, vector<16xi32>,
        tpu.vector_store %arg9[%swap3A_190], %select_n3A_189 {strides = array<i32>} : memref<80xi32, #tpu.memory_space<vmem>>, vector<16xi32>,
        %jit3A_192 = arith.constant 5120 : i32
        %broadcast_in_dim3A_193 = vector.broadcast %jit3A_192 : i32 to vector<16xi32>
        %select_n3A_194 = arith.select %ge3A_182, %broadcast_in_dim3A_193, %get3A_186 : vector<16xi1>, vector<16xi32>
        %swap3A_195 = arith.constant 64 : index
        %swap3A_196 = tpu.vector_load %arg10[%swap3A_195] {strides = array<i32>} : memref<80xi32, #tpu.memory_space<vmem>>, vector<16xi32>,
        tpu.vector_store %arg10[%swap3A_195], %select_n3A_194 {strides = array<i32>} : memref<80xi32, #tpu.memory_space<vmem>>, vector<16xi32>,
        %dma_start3A = arith.constant 0 : i32
        %dma_start3A_197 = arith.constant 0 : i32
        %dma_start3A_198 = tpu.memref_slice %arg2[%dma_start3A, %dma_start3A_197] : memref<10000x16xf32, #tpu.memory_space<hbm>> -> memref<10000x16xf32, #tpu.memory_space<hbm>>
        tpu.enqueue_indirect_dma source(%dma_start3A_198 : memref<10000x16xf32, #tpu.memory_space<hbm>>) target(%arg11 : memref<80x16xf32, #tpu.memory_space<vmem>>) offsets(%arg9 : memref<80xi32, #tpu.memory_space<vmem>>) semaphore(%arg13 : memref<!tpu.dma_semaphore, #tpu.memory_space<semaphore_mem>>)
        %dma_wait3A = arith.constant 0 : i32
        %dma_wait3A_199 = arith.constant 0 : i32
        %dma_wait3A_200 = tpu.memref_slice %arg2[%dma_wait3A, %dma_wait3A_199] : memref<10000x16xf32, #tpu.memory_space<hbm>> -> memref<10000x16xf32, #tpu.memory_space<hbm>>
        tpu.wait_indirect_dma semaphore(%arg13 : memref<!tpu.dma_semaphore, #tpu.memory_space<semaphore_mem>>) src(%dma_wait3A_200 : memref<10000x16xf32, #tpu.memory_space<hbm>>) dst(%arg11 : memref<80x16xf32, #tpu.memory_space<vmem>>)
        "tpu.region"() ({
          %run_scoped3A = tpu.sem_alloc : memref<!tpu.dma_semaphore, #tpu.memory_space<semaphore_mem>>
          %dma_start3A_201 = arith.constant 0 : i32
          %dma_start3A_202 = arith.constant 0 : i32
          %dma_start3A_203 = tpu.memref_slice %arg12[%dma_start3A_201, %dma_start3A_202] : memref<5128x16xf32, #tpu.memory_space<vmem_shared>> -> memref<5128x16xf32, #tpu.memory_space<vmem_shared>>
          tpu.enqueue_indirect_dma source(%arg11 : memref<80x16xf32, #tpu.memory_space<vmem>>) target(%dma_start3A_203 : memref<5128x16xf32, #tpu.memory_space<vmem_shared>>) offsets(%arg10 : memref<80xi32, #tpu.memory_space<vmem>>) semaphore(%run_scoped3A : memref<!tpu.dma_semaphore, #tpu.memory_space<semaphore_mem>>) {add = true}
          %dma_wait3A_204 = arith.constant 0 : i32
          %dma_wait3A_205 = arith.constant 0 : i32
          %dma_wait3A_206 = tpu.memref_slice %arg12[%dma_wait3A_204, %dma_wait3A_205] : memref<5128x16xf32, #tpu.memory_space<vmem_shared>> -> memref<5128x16xf32, #tpu.memory_space<vmem_shared>>
          tpu.wait_indirect_dma semaphore(%run_scoped3A : memref<!tpu.dma_semaphore, #tpu.memory_space<semaphore_mem>>) src(%arg11 : memref<80x16xf32, #tpu.memory_space<vmem>>) dst(%dma_wait3A_206 : memref<5128x16xf32, #tpu.memory_space<vmem_shared>>)
          tpu.yield
        }) : () -> ()
      }
      %while3A_94 = arith.constant 1 : i32
      scf.for %while3A_95 = %while3A_92 to %while3A_88 step %while3A_94  : i32 {
        %mul3A_96 = arith.constant 80 : i32
        %mul3A_97 = arith.muli %mul3A_96, %while3A_95 : i32
        %add3A_98 = arith.addi %add3A_57, %mul3A_97 : i32
        %multiple_of3A_99 = tpu.assume_multiple %add3A_98, 8 : i32
        %mul3A_100 = arith.constant 80 : i32
        %mul3A_101 = arith.muli %mul3A_100, %while3A_95 : i32
        %sub3A_102 = arith.subi %reduce_max3A_43, %mul3A_101 : i32
        %min3A = arith.constant 80 : i32
        %min3A_103 = arith.minsi %sub3A_102, %min3A : i32
        "tpu.region"() ({
          %run_scoped3A = tpu.sem_alloc : memref<!tpu.dma_semaphore, #tpu.memory_space<semaphore_mem>>
          %dma_start3A_201 = tpu.memref_slice %arg3[%multiple_of3A_99] : memref<330240xi32, #tpu.memory_space<hbm>> -> memref<80xi32, #tpu.memory_space<hbm>>
          %dma_start3A_202 = tpu.memref_slice %arg3[%multiple_of3A_99] : memref<330240xi32, #tpu.memory_space<hbm>> -> memref<80xi32, #tpu.memory_space<hbm>>
          tpu.enqueue_dma source(%dma_start3A_202 : memref<80xi32, #tpu.memory_space<hbm>>) target(%arg9 : memref<80xi32, #tpu.memory_space<vmem>>) target_semaphore(%run_scoped3A : memref<!tpu.dma_semaphore, #tpu.memory_space<semaphore_mem>>)
          %dma_wait3A_203 = tpu.memref_slice %arg3[%multiple_of3A_99] : memref<330240xi32, #tpu.memory_space<hbm>> -> memref<80xi32, #tpu.memory_space<hbm>>
          %dma_wait3A_204 = tpu.memref_slice %arg3[%multiple_of3A_99] : memref<330240xi32, #tpu.memory_space<hbm>> -> memref<80xi32, #tpu.memory_space<hbm>>
          tpu.wait_dma2 semaphore(%run_scoped3A : memref<!tpu.dma_semaphore, #tpu.memory_space<semaphore_mem>>) src(%dma_wait3A_204 : memref<80xi32, #tpu.memory_space<hbm>>) dst(%arg9 : memref<80xi32, #tpu.memory_space<vmem>>)
          tpu.yield
        }) : () -> ()
        "tpu.region"() ({
          %run_scoped3A = tpu.sem_alloc : memref<!tpu.dma_semaphore, #tpu.memory_space<semaphore_mem>>
          %dma_start3A_201 = tpu.memref_slice %arg4[%multiple_of3A_99] : memref<330240xi32, #tpu.memory_space<hbm>> -> memref<80xi32, #tpu.memory_space<hbm>>
          %dma_start3A_202 = tpu.memref_slice %arg4[%multiple_of3A_99] : memref<330240xi32, #tpu.memory_space<hbm>> -> memref<80xi32, #tpu.memory_space<hbm>>
          tpu.enqueue_dma source(%dma_start3A_202 : memref<80xi32, #tpu.memory_space<hbm>>) target(%arg10 : memref<80xi32, #tpu.memory_space<vmem>>) target_semaphore(%run_scoped3A : memref<!tpu.dma_semaphore, #tpu.memory_space<semaphore_mem>>)
          %dma_wait3A_203 = tpu.memref_slice %arg4[%multiple_of3A_99] : memref<330240xi32, #tpu.memory_space<hbm>> -> memref<80xi32, #tpu.memory_space<hbm>>
          %dma_wait3A_204 = tpu.memref_slice %arg4[%multiple_of3A_99] : memref<330240xi32, #tpu.memory_space<hbm>> -> memref<80xi32, #tpu.memory_space<hbm>>
          tpu.wait_dma2 semaphore(%run_scoped3A : memref<!tpu.dma_semaphore, #tpu.memory_space<semaphore_mem>>) src(%dma_wait3A_204 : memref<80xi32, #tpu.memory_space<hbm>>) dst(%arg10 : memref<80xi32, #tpu.memory_space<vmem>>)
          tpu.yield
        }) : () -> ()
        %add3A_104 = arith.constant 0 : i32
        %add3A_105 = vector.broadcast %add3A_104 : i32 to vector<16xi32>
        %add3A_106 = arith.addi %iota3A, %add3A_105 : vector<16xi32>
        %ge3A = vector.broadcast %min3A_103 : i32 to vector<16xi32>
        %ge3A_107 = arith.cmpi sge, %add3A_106, %ge3A : vector<16xi32>
        %get3A_108 = arith.constant 0 : index
        %get3A_109 = tpu.vector_load %arg9[%get3A_108] {strides = array<i32>} : memref<80xi32, #tpu.memory_space<vmem>>, vector<16xi32>,
        %get3A_110 = arith.constant 0 : index
        %get3A_111 = tpu.vector_load %arg10[%get3A_110] {strides = array<i32>} : memref<80xi32, #tpu.memory_space<vmem>>, vector<16xi32>,
        %jit3A_112 = arith.constant 0 : i32
        %broadcast_in_dim3A_113 = vector.broadcast %jit3A_112 : i32 to vector<16xi32>
        %select_n3A_114 = arith.select %ge3A_107, %broadcast_in_dim3A_113, %get3A_109 : vector<16xi1>, vector<16xi32>
        %swap3A = arith.constant 0 : index
        %swap3A_115 = tpu.vector_load %arg9[%swap3A] {strides = array<i32>} : memref<80xi32, #tpu.memory_space<vmem>>, vector<16xi32>,
        tpu.vector_store %arg9[%swap3A], %select_n3A_114 {strides = array<i32>} : memref<80xi32, #tpu.memory_space<vmem>>, vector<16xi32>,
        %jit3A_116 = arith.constant 5120 : i32
        %broadcast_in_dim3A_117 = vector.broadcast %jit3A_116 : i32 to vector<16xi32>
        %select_n3A_118 = arith.select %ge3A_107, %broadcast_in_dim3A_117, %get3A_111 : vector<16xi1>, vector<16xi32>
        %swap3A_119 = arith.constant 0 : index
        %swap3A_120 = tpu.vector_load %arg10[%swap3A_119] {strides = array<i32>} : memref<80xi32, #tpu.memory_space<vmem>>, vector<16xi32>,
        tpu.vector_store %arg10[%swap3A_119], %select_n3A_118 {strides = array<i32>} : memref<80xi32, #tpu.memory_space<vmem>>, vector<16xi32>,
        %add3A_121 = arith.constant 16 : i32
        %add3A_122 = vector.broadcast %add3A_121 : i32 to vector<16xi32>
        %add3A_123 = arith.addi %iota3A, %add3A_122 : vector<16xi32>
        %ge3A_124 = vector.broadcast %min3A_103 : i32 to vector<16xi32>
        %ge3A_125 = arith.cmpi sge, %add3A_123, %ge3A_124 : vector<16xi32>
        %get3A_126 = arith.constant 16 : index
        %get3A_127 = tpu.vector_load %arg9[%get3A_126] {strides = array<i32>} : memref<80xi32, #tpu.memory_space<vmem>>, vector<16xi32>,
        %get3A_128 = arith.constant 16 : index
        %get3A_129 = tpu.vector_load %arg10[%get3A_128] {strides = array<i32>} : memref<80xi32, #tpu.memory_space<vmem>>, vector<16xi32>,
        %jit3A_130 = arith.constant 0 : i32
        %broadcast_in_dim3A_131 = vector.broadcast %jit3A_130 : i32 to vector<16xi32>
        %select_n3A_132 = arith.select %ge3A_125, %broadcast_in_dim3A_131, %get3A_127 : vector<16xi1>, vector<16xi32>
        %swap3A_133 = arith.constant 16 : index
        %swap3A_134 = tpu.vector_load %arg9[%swap3A_133] {strides = array<i32>} : memref<80xi32, #tpu.memory_space<vmem>>, vector<16xi32>,
        tpu.vector_store %arg9[%swap3A_133], %select_n3A_132 {strides = array<i32>} : memref<80xi32, #tpu.memory_space<vmem>>, vector<16xi32>,
        %jit3A_135 = arith.constant 5120 : i32
        %broadcast_in_dim3A_136 = vector.broadcast %jit3A_135 : i32 to vector<16xi32>
        %select_n3A_137 = arith.select %ge3A_125, %broadcast_in_dim3A_136, %get3A_129 : vector<16xi1>, vector<16xi32>
        %swap3A_138 = arith.constant 16 : index
        %swap3A_139 = tpu.vector_load %arg10[%swap3A_138] {strides = array<i32>} : memref<80xi32, #tpu.memory_space<vmem>>, vector<16xi32>,
        tpu.vector_store %arg10[%swap3A_138], %select_n3A_137 {strides = array<i32>} : memref<80xi32, #tpu.memory_space<vmem>>, vector<16xi32>,
        %add3A_140 = arith.constant 32 : i32
        %add3A_141 = vector.broadcast %add3A_140 : i32 to vector<16xi32>
        %add3A_142 = arith.addi %iota3A, %add3A_141 : vector<16xi32>
        %ge3A_143 = vector.broadcast %min3A_103 : i32 to vector<16xi32>
        %ge3A_144 = arith.cmpi sge, %add3A_142, %ge3A_143 : vector<16xi32>
        %get3A_145 = arith.constant 32 : index
        %get3A_146 = tpu.vector_load %arg9[%get3A_145] {strides = array<i32>} : memref<80xi32, #tpu.memory_space<vmem>>, vector<16xi32>,
        %get3A_147 = arith.constant 32 : index
        %get3A_148 = tpu.vector_load %arg10[%get3A_147] {strides = array<i32>} : memref<80xi32, #tpu.memory_space<vmem>>, vector<16xi32>,
        %jit3A_149 = arith.constant 0 : i32
        %broadcast_in_dim3A_150 = vector.broadcast %jit3A_149 : i32 to vector<16xi32>
        %select_n3A_151 = arith.select %ge3A_144, %broadcast_in_dim3A_150, %get3A_146 : vector<16xi1>, vector<16xi32>
        %swap3A_152 = arith.constant 32 : index
        %swap3A_153 = tpu.vector_load %arg9[%swap3A_152] {strides = array<i32>} : memref<80xi32, #tpu.memory_space<vmem>>, vector<16xi32>,
        tpu.vector_store %arg9[%swap3A_152], %select_n3A_151 {strides = array<i32>} : memref<80xi32, #tpu.memory_space<vmem>>, vector<16xi32>,
        %jit3A_154 = arith.constant 5120 : i32
        %broadcast_in_dim3A_155 = vector.broadcast %jit3A_154 : i32 to vector<16xi32>
        %select_n3A_156 = arith.select %ge3A_144, %broadcast_in_dim3A_155, %get3A_148 : vector<16xi1>, vector<16xi32>
        %swap3A_157 = arith.constant 32 : index
        %swap3A_158 = tpu.vector_load %arg10[%swap3A_157] {strides = array<i32>} : memref<80xi32, #tpu.memory_space<vmem>>, vector<16xi32>,
        tpu.vector_store %arg10[%swap3A_157], %select_n3A_156 {strides = array<i32>} : memref<80xi32, #tpu.memory_space<vmem>>, vector<16xi32>,
        %add3A_159 = arith.constant 48 : i32
        %add3A_160 = vector.broadcast %add3A_159 : i32 to vector<16xi32>
        %add3A_161 = arith.addi %iota3A, %add3A_160 : vector<16xi32>
        %ge3A_162 = vector.broadcast %min3A_103 : i32 to vector<16xi32>
        %ge3A_163 = arith.cmpi sge, %add3A_161, %ge3A_162 : vector<16xi32>
        %get3A_164 = arith.constant 48 : index
        %get3A_165 = tpu.vector_load %arg9[%get3A_164] {strides = array<i32>} : memref<80xi32, #tpu.memory_space<vmem>>, vector<16xi32>,
        %get3A_166 = arith.constant 48 : index
        %get3A_167 = tpu.vector_load %arg10[%get3A_166] {strides = array<i32>} : memref<80xi32, #tpu.memory_space<vmem>>, vector<16xi32>,
        %jit3A_168 = arith.constant 0 : i32
        %broadcast_in_dim3A_169 = vector.broadcast %jit3A_168 : i32 to vector<16xi32>
        %select_n3A_170 = arith.select %ge3A_163, %broadcast_in_dim3A_169, %get3A_165 : vector<16xi1>, vector<16xi32>
        %swap3A_171 = arith.constant 48 : index
        %swap3A_172 = tpu.vector_load %arg9[%swap3A_171] {strides = array<i32>} : memref<80xi32, #tpu.memory_space<vmem>>, vector<16xi32>,
        tpu.vector_store %arg9[%swap3A_171], %select_n3A_170 {strides = array<i32>} : memref<80xi32, #tpu.memory_space<vmem>>, vector<16xi32>,
        %jit3A_173 = arith.constant 5120 : i32
        %broadcast_in_dim3A_174 = vector.broadcast %jit3A_173 : i32 to vector<16xi32>
        %select_n3A_175 = arith.select %ge3A_163, %broadcast_in_dim3A_174, %get3A_167 : vector<16xi1>, vector<16xi32>
        %swap3A_176 = arith.constant 48 : index
        %swap3A_177 = tpu.vector_load %arg10[%swap3A_176] {strides = array<i32>} : memref<80xi32, #tpu.memory_space<vmem>>, vector<16xi32>,
        tpu.vector_store %arg10[%swap3A_176], %select_n3A_175 {strides = array<i32>} : memref<80xi32, #tpu.memory_space<vmem>>, vector<16xi32>,
        %add3A_178 = arith.constant 64 : i32
        %add3A_179 = vector.broadcast %add3A_178 : i32 to vector<16xi32>
        %add3A_180 = arith.addi %iota3A, %add3A_179 : vector<16xi32>
        %ge3A_181 = vector.broadcast %min3A_103 : i32 to vector<16xi32>
        %ge3A_182 = arith.cmpi sge, %add3A_180, %ge3A_181 : vector<16xi32>
        %get3A_183 = arith.constant 64 : index
        %get3A_184 = tpu.vector_load %arg9[%get3A_183] {strides = array<i32>} : memref<80xi32, #tpu.memory_space<vmem>>, vector<16xi32>,
        %get3A_185 = arith.constant 64 : index
        %get3A_186 = tpu.vector_load %arg10[%get3A_185] {strides = array<i32>} : memref<80xi32, #tpu.memory_space<vmem>>, vector<16xi32>,
        %jit3A_187 = arith.constant 0 : i32
        %broadcast_in_dim3A_188 = vector.broadcast %jit3A_187 : i32 to vector<16xi32>
        %select_n3A_189 = arith.select %ge3A_182, %broadcast_in_dim3A_188, %get3A_184 : vector<16xi1>, vector<16xi32>
        %swap3A_190 = arith.constant 64 : index
        %swap3A_191 = tpu.vector_load %arg9[%swap3A_190] {strides = array<i32>} : memref<80xi32, #tpu.memory_space<vmem>>, vector<16xi32>,
        tpu.vector_store %arg9[%swap3A_190], %select_n3A_189 {strides = array<i32>} : memref<80xi32, #tpu.memory_space<vmem>>, vector<16xi32>,
        %jit3A_192 = arith.constant 5120 : i32
        %broadcast_in_dim3A_193 = vector.broadcast %jit3A_192 : i32 to vector<16xi32>
        %select_n3A_194 = arith.select %ge3A_182, %broadcast_in_dim3A_193, %get3A_186 : vector<16xi1>, vector<16xi32>
        %swap3A_195 = arith.constant 64 : index
        %swap3A_196 = tpu.vector_load %arg10[%swap3A_195] {strides = array<i32>} : memref<80xi32, #tpu.memory_space<vmem>>, vector<16xi32>,
        tpu.vector_store %arg10[%swap3A_195], %select_n3A_194 {strides = array<i32>} : memref<80xi32, #tpu.memory_space<vmem>>, vector<16xi32>,
        %dma_start3A = arith.constant 0 : i32
        %dma_start3A_197 = arith.constant 0 : i32
        %dma_start3A_198 = tpu.memref_slice %arg2[%dma_start3A, %dma_start3A_197] : memref<10000x16xf32, #tpu.memory_space<hbm>> -> memref<10000x16xf32, #tpu.memory_space<hbm>>
        tpu.enqueue_indirect_dma source(%dma_start3A_198 : memref<10000x16xf32, #tpu.memory_space<hbm>>) target(%arg11 : memref<80x16xf32, #tpu.memory_space<vmem>>) offsets(%arg9 : memref<80xi32, #tpu.memory_space<vmem>>) semaphore(%arg13 : memref<!tpu.dma_semaphore, #tpu.memory_space<semaphore_mem>>)
        %dma_wait3A = arith.constant 0 : i32
        %dma_wait3A_199 = arith.constant 0 : i32
        %dma_wait3A_200 = tpu.memref_slice %arg2[%dma_wait3A, %dma_wait3A_199] : memref<10000x16xf32, #tpu.memory_space<hbm>> -> memref<10000x16xf32, #tpu.memory_space<hbm>>
        tpu.wait_indirect_dma semaphore(%arg13 : memref<!tpu.dma_semaphore, #tpu.memory_space<semaphore_mem>>) src(%dma_wait3A_200 : memref<10000x16xf32, #tpu.memory_space<hbm>>) dst(%arg11 : memref<80x16xf32, #tpu.memory_space<vmem>>)
        "tpu.region"() ({
          %run_scoped3A = tpu.sem_alloc : memref<!tpu.dma_semaphore, #tpu.memory_space<semaphore_mem>>
          %dma_start3A_201 = arith.constant 0 : i32
          %dma_start3A_202 = arith.constant 0 : i32
          %dma_start3A_203 = tpu.memref_slice %arg12[%dma_start3A_201, %dma_start3A_202] : memref<5128x16xf32, #tpu.memory_space<vmem_shared>> -> memref<5128x16xf32, #tpu.memory_space<vmem_shared>>
          tpu.enqueue_indirect_dma source(%arg11 : memref<80x16xf32, #tpu.memory_space<vmem>>) target(%dma_start3A_203 : memref<5128x16xf32, #tpu.memory_space<vmem_shared>>) offsets(%arg10 : memref<80xi32, #tpu.memory_space<vmem>>) semaphore(%run_scoped3A : memref<!tpu.dma_semaphore, #tpu.memory_space<semaphore_mem>>) {add = true}
          %dma_wait3A_204 = arith.constant 0 : i32
          %dma_wait3A_205 = arith.constant 0 : i32
          %dma_wait3A_206 = tpu.memref_slice %arg12[%dma_wait3A_204, %dma_wait3A_205] : memref<5128x16xf32, #tpu.memory_space<vmem_shared>> -> memref<5128x16xf32, #tpu.memory_space<vmem_shared>>
          tpu.wait_indirect_dma semaphore(%run_scoped3A : memref<!tpu.dma_semaphore, #tpu.memory_space<semaphore_mem>>) src(%arg11 : memref<80x16xf32, #tpu.memory_space<vmem>>) dst(%dma_wait3A_206 : memref<5128x16xf32, #tpu.memory_space<vmem_shared>>)
          tpu.yield
        }) : () -> ()
      }
    }
    %scan3A_8 = arith.constant 32 : i32
    %mul3A_9 = arith.constant 320 : i32
    %mul3A_10 = arith.muli %add3A, %mul3A_9 : i32
    "tpu.region"() ({
      %run_scoped3A = tpu.sem_alloc : memref<!tpu.dma_semaphore, #tpu.memory_space<semaphore_mem>>
      %dma_start3A = arith.constant 0 : i32
      %dma_start3A_11 = tpu.memref_slice %arg7[%mul3A_10, %dma_start3A] : memref<10240x16xf32, #tpu.memory_space<hbm>> -> memref<320x16xf32, #tpu.memory_space<hbm>>
      %dma_start3A_12 = arith.constant 0 : i32
      %dma_start3A_13 = tpu.memref_slice %arg12[%mul3A_2, %dma_start3A_12] : memref<5128x16xf32, #tpu.memory_space<vmem_shared>> -> memref<320x16xf32, #tpu.memory_space<vmem_shared>>
      tpu.enqueue_dma source(%dma_start3A_13 : memref<320x16xf32, #tpu.memory_space<vmem_shared>>) target(%dma_start3A_11 : memref<320x16xf32, #tpu.memory_space<hbm>>) target_semaphore(%run_scoped3A : memref<!tpu.dma_semaphore, #tpu.memory_space<semaphore_mem>>)
      %dma_wait3A = arith.constant 0 : i32
      %dma_wait3A_14 = tpu.memref_slice %arg7[%mul3A_10, %dma_wait3A] : memref<10240x16xf32, #tpu.memory_space<hbm>> -> memref<320x16xf32, #tpu.memory_space<hbm>>
      %dma_wait3A_15 = arith.constant 0 : i32
      %dma_wait3A_16 = tpu.memref_slice %arg12[%mul3A_2, %dma_wait3A_15] : memref<5128x16xf32, #tpu.memory_space<vmem_shared>> -> memref<320x16xf32, #tpu.memory_space<vmem_shared>>
      tpu.wait_dma2 semaphore(%run_scoped3A : memref<!tpu.dma_semaphore, #tpu.memory_space<semaphore_mem>>) src(%dma_wait3A_16 : memref<320x16xf32, #tpu.memory_space<vmem_shared>>) dst(%dma_wait3A_14 : memref<320x16xf32, #tpu.memory_space<hbm>>)
      tpu.yield
    }) : () -> ()
    return
  }
}

#map = affine_map<(d0, d1) -> (0, 0)>
#map1 = affine_map<(d0, d1) -> (0)>
module attributes {stable_mosaic.version = 14 : i64} {
  func.func @_seg(%arg0: i32, %arg1: i32, %arg2: memref<10000x128xf32, #tpu.memory_space<hbm>>, %arg3: memref<330240xi32, #tpu.memory_space<hbm>>, %arg4: memref<330240xi32, #tpu.memory_space<hbm>>, %arg5: memref<1024xi32, #tpu.memory_space<hbm>>, %arg6: memref<320x128xf32, #tpu.memory_space<hbm>>, %arg7: memref<10240x128xf32, #tpu.memory_space<hbm>>, %arg8: memref<1024xi32, #tpu.memory_space<vmem>>, %arg9: memref<80xi32, #tpu.memory_space<vmem>>, %arg10: memref<80xi32, #tpu.memory_space<vmem>>, %arg11: memref<80x128xf32, #tpu.memory_space<vmem>>, %arg12: memref<5128x128xf32, #tpu.memory_space<vmem_shared>>, %arg13: memref<!tpu.dma_semaphore, #tpu.memory_space<semaphore_mem>>) attributes {dimension_semantics = [#tpu.dimension_semantics<core_parallel>, #tpu.dimension_semantics<subcore_parallel>], iteration_bounds = array<i64: 2, 16>, scalar_prefetch = 0 : i64, scratch_operands = 6 : i64, tpu.core_type = #tpu.core_type<sc_vector_subcore>, window_params = [{transform_indices = #map}, {transform_indices = #map1}, {transform_indices = #map1}, {transform_indices = #map1}, {transform_indices = #map}, {transform_indices = #map}]} {
    %mul3A = arith.constant 16 : i32
    %mul3A_0 = arith.muli %arg0, %mul3A : i32
    %add3A = arith.addi %mul3A_0, %arg1 : i32
    %mul3A_1 = arith.constant 320 : i32
    %mul3A_2 = arith.muli %arg1, %mul3A_1 : i32
    "tpu.region"() ({
      %run_scoped3A = tpu.sem_alloc : memref<!tpu.dma_semaphore, #tpu.memory_space<semaphore_mem>>
      tpu.enqueue_dma source(%arg5 : memref<1024xi32, #tpu.memory_space<hbm>>) target(%arg8 : memref<1024xi32, #tpu.memory_space<vmem>>) target_semaphore(%run_scoped3A : memref<!tpu.dma_semaphore, #tpu.memory_space<semaphore_mem>>)
      tpu.wait_dma2 semaphore(%run_scoped3A : memref<!tpu.dma_semaphore, #tpu.memory_space<semaphore_mem>>) src(%arg5 : memref<1024xi32, #tpu.memory_space<hbm>>) dst(%arg8 : memref<1024xi32, #tpu.memory_space<vmem>>)
      tpu.yield
    }) : () -> ()
    "tpu.region"() ({
      %run_scoped3A = tpu.sem_alloc : memref<!tpu.dma_semaphore, #tpu.memory_space<semaphore_mem>>
      %dma_start3A = arith.constant 0 : i32
      %dma_start3A_11 = tpu.memref_slice %arg12[%mul3A_2, %dma_start3A] : memref<5128x128xf32, #tpu.memory_space<vmem_shared>> -> memref<320x128xf32, #tpu.memory_space<vmem_shared>>
      tpu.enqueue_dma source(%arg6 : memref<320x128xf32, #tpu.memory_space<hbm>>) target(%dma_start3A_11 : memref<320x128xf32, #tpu.memory_space<vmem_shared>>) target_semaphore(%run_scoped3A : memref<!tpu.dma_semaphore, #tpu.memory_space<semaphore_mem>>)
      %dma_wait3A = arith.constant 0 : i32
      %dma_wait3A_12 = tpu.memref_slice %arg12[%mul3A_2, %dma_wait3A] : memref<5128x128xf32, #tpu.memory_space<vmem_shared>> -> memref<320x128xf32, #tpu.memory_space<vmem_shared>>
      tpu.wait_dma2 semaphore(%run_scoped3A : memref<!tpu.dma_semaphore, #tpu.memory_space<semaphore_mem>>) src(%arg6 : memref<320x128xf32, #tpu.memory_space<hbm>>) dst(%dma_wait3A_12 : memref<320x128xf32, #tpu.memory_space<vmem_shared>>)
      tpu.yield
    }) : () -> ()
    %iota3A = tpu.iota {dimensions = array<i32: 0>} : vector<16xi32>
    %scan3A = arith.constant 0 : i32
    %scan3A_3 = arith.constant -2147483648 : i32
    %scan3A_4 = arith.constant 0 : i32
    %scan3A_5 = arith.constant 32 : i32
    %scan3A_6 = arith.addi %scan3A_4, %scan3A_5 : i32
    %scan3A_7 = arith.constant 1 : i32
    scf.for %scan3A_11 = %scan3A_4 to %scan3A_6 step %scan3A_7  : i32 {
      %mul3A_12 = arith.constant 32 : i32
      %mul3A_13 = arith.muli %scan3A_11, %mul3A_12 : i32
      %add3A_14 = arith.addi %mul3A_13, %add3A : i32
      %jit3A = arith.constant 16 : i32
      %div3A = arith.divsi %add3A_14, %jit3A : i32
      %sign3A = arith.constant 0 : i32
      %sign3A_15 = arith.cmpi sgt, %add3A_14, %sign3A : i32
      %sign3A_16 = arith.extui %sign3A_15 : i1 to i32
      %sign3A_17 = arith.constant 0 : i32
      %sign3A_18 = arith.cmpi slt, %add3A_14, %sign3A_17 : i32
      %sign3A_19 = arith.extui %sign3A_18 : i1 to i32
      %sign3A_20 = arith.subi %sign3A_16, %sign3A_19 : i32
      %sign3A_21 = arith.constant 0 : i32
      %sign3A_22 = arith.cmpi sgt, %jit3A, %sign3A_21 : i32
      %sign3A_23 = arith.extui %sign3A_22 : i1 to i32
      %sign3A_24 = arith.constant 0 : i32
      %sign3A_25 = arith.cmpi slt, %jit3A, %sign3A_24 : i32
      %sign3A_26 = arith.extui %sign3A_25 : i1 to i32
      %sign3A_27 = arith.subi %sign3A_23, %sign3A_26 : i32
      %ne3A = arith.cmpi ne, %sign3A_20, %sign3A_27 : i32
      %rem3A = arith.remsi %add3A_14, %jit3A : i32
      %ne3A_28 = arith.constant 0 : i32
      %ne3A_29 = arith.cmpi ne, %rem3A, %ne3A_28 : i32
      %and3A = arith.andi %ne3A, %ne3A_29 : i1
      %sub3A = arith.constant 1 : i32
      %sub3A_30 = arith.subi %div3A, %sub3A : i32
      %select_n3A = arith.select %and3A, %sub3A_30, %div3A : i32
      %mul3A_31 = arith.constant 16 : i32
      %mul3A_32 = arith.muli %select_n3A, %mul3A_31 : i32
      %multiple_of3A = tpu.assume_multiple %mul3A_32, 16 : i32
      %get3A = arith.index_cast %multiple_of3A : i32 to index
      %get3A_33 = tpu.vector_load %arg8[%get3A] {strides = array<i32>} : memref<1024xi32, #tpu.memory_space<vmem>>, vector<16xi32>,
      %sub3A_34 = arith.subi %add3A_14, %multiple_of3A : i32
      %eq3A = vector.broadcast %sub3A_34 : i32 to vector<16xi32>
      %eq3A_35 = arith.cmpi eq, %iota3A, %eq3A : vector<16xi32>
      %broadcast_in_dim3A = vector.broadcast %scan3A_3 : i32 to vector<16xi32>
      %select_n3A_36 = arith.select %eq3A_35, %get3A_33, %broadcast_in_dim3A : vector<16xi1>, vector<16xi32>
      %reduce_max3A = arith.constant true
      %reduce_max3A_37 = vector.broadcast %reduce_max3A : i1 to vector<16xi1>
      %reduce_max3A_38 = arith.constant -2147483648 : i32
      %reduce_max3A_39 = vector.broadcast %reduce_max3A_38 : i32 to vector<16xi32>
      %reduce_max3A_40 = arith.xori %select_n3A_36, %reduce_max3A_39 : vector<16xi32>
      %reduce_max3A_41 = tpu.scan <max>, %reduce_max3A_40 masked %reduce_max3A_37 : vector<16xi32>, vector<16xi1> -> vector<16xi32>
      %reduce_max3A_42 = arith.xori %reduce_max3A_41, %reduce_max3A_39 : vector<16xi32>
      %reduce_max3A_43 = vector.extract %reduce_max3A_42[15] : i32 from vector<16xi32>
      %mul3A_44 = arith.constant 10320 : i32
      %mul3A_45 = arith.muli %scan3A_11, %mul3A_44 : i32
      %while3A = arith.constant 0 : i32
      %while3A_46 = arith.constant 0 : i32
      %while3A_47 = arith.subi %add3A, %while3A : i32
      %while3A_48 = arith.addi %while3A, %while3A_47 : i32
      %while3A_49 = arith.constant 1 : i32
      %while3A_50 = arith.divsi %while3A_47, %while3A_49 : i32
      %while3A_51 = arith.muli %while3A_50, %while3A_49 : i32
      %while3A_52 = arith.addi %while3A, %while3A_51 : i32
      %while3A_53 = arith.constant 1 : i32
      %while3A_54 = scf.for %while3A_95 = %while3A to %while3A_52 step %while3A_53 iter_args(%while3A_96 = %while3A_46) -> (i32)  : i32 {
        %mul3A_97 = arith.constant 32 : i32
        %mul3A_98 = arith.muli %scan3A_11, %mul3A_97 : i32
        %add3A_99 = arith.addi %mul3A_98, %while3A_95 : i32
        %jit3A_100 = arith.constant 16 : i32
        %div3A_101 = arith.divsi %add3A_99, %jit3A_100 : i32
        %sign3A_102 = arith.constant 0 : i32
        %sign3A_103 = arith.cmpi sgt, %add3A_99, %sign3A_102 : i32
        %sign3A_104 = arith.extui %sign3A_103 : i1 to i32
        %sign3A_105 = arith.constant 0 : i32
        %sign3A_106 = arith.cmpi slt, %add3A_99, %sign3A_105 : i32
        %sign3A_107 = arith.extui %sign3A_106 : i1 to i32
        %sign3A_108 = arith.subi %sign3A_104, %sign3A_107 : i32
        %sign3A_109 = arith.constant 0 : i32
        %sign3A_110 = arith.cmpi sgt, %jit3A_100, %sign3A_109 : i32
        %sign3A_111 = arith.extui %sign3A_110 : i1 to i32
        %sign3A_112 = arith.constant 0 : i32
        %sign3A_113 = arith.cmpi slt, %jit3A_100, %sign3A_112 : i32
        %sign3A_114 = arith.extui %sign3A_113 : i1 to i32
        %sign3A_115 = arith.subi %sign3A_111, %sign3A_114 : i32
        %ne3A_116 = arith.cmpi ne, %sign3A_108, %sign3A_115 : i32
        %rem3A_117 = arith.remsi %add3A_99, %jit3A_100 : i32
        %ne3A_118 = arith.constant 0 : i32
        %ne3A_119 = arith.cmpi ne, %rem3A_117, %ne3A_118 : i32
        %and3A_120 = arith.andi %ne3A_116, %ne3A_119 : i1
        %sub3A_121 = arith.constant 1 : i32
        %sub3A_122 = arith.subi %div3A_101, %sub3A_121 : i32
        %select_n3A_123 = arith.select %and3A_120, %sub3A_122, %div3A_101 : i32
        %mul3A_124 = arith.constant 16 : i32
        %mul3A_125 = arith.muli %select_n3A_123, %mul3A_124 : i32
        %multiple_of3A_126 = tpu.assume_multiple %mul3A_125, 16 : i32
        %get3A_127 = arith.index_cast %multiple_of3A_126 : i32 to index
        %get3A_128 = tpu.vector_load %arg8[%get3A_127] {strides = array<i32>} : memref<1024xi32, #tpu.memory_space<vmem>>, vector<16xi32>,
        %sub3A_129 = arith.subi %add3A_99, %multiple_of3A_126 : i32
        %eq3A_130 = vector.broadcast %sub3A_129 : i32 to vector<16xi32>
        %eq3A_131 = arith.cmpi eq, %iota3A, %eq3A_130 : vector<16xi32>
        %broadcast_in_dim3A_132 = vector.broadcast %scan3A_3 : i32 to vector<16xi32>
        %select_n3A_133 = arith.select %eq3A_131, %get3A_128, %broadcast_in_dim3A_132 : vector<16xi1>, vector<16xi32>
        %reduce_max3A_134 = arith.constant true
        %reduce_max3A_135 = vector.broadcast %reduce_max3A_134 : i1 to vector<16xi1>
        %reduce_max3A_136 = arith.constant -2147483648 : i32
        %reduce_max3A_137 = vector.broadcast %reduce_max3A_136 : i32 to vector<16xi32>
        %reduce_max3A_138 = arith.xori %select_n3A_133, %reduce_max3A_137 : vector<16xi32>
        %reduce_max3A_139 = tpu.scan <max>, %reduce_max3A_138 masked %reduce_max3A_135 : vector<16xi32>, vector<16xi1> -> vector<16xi32>
        %reduce_max3A_140 = arith.xori %reduce_max3A_139, %reduce_max3A_137 : vector<16xi32>
        %reduce_max3A_141 = vector.extract %reduce_max3A_140[15] : i32 from vector<16xi32>
        %add3A_142 = arith.constant 7 : i32
        %add3A_143 = arith.addi %reduce_max3A_141, %add3A_142 : i32
        %jit3A_144 = arith.constant 8 : i32
        %div3A_145 = arith.divsi %add3A_143, %jit3A_144 : i32
        %sign3A_146 = arith.constant 0 : i32
        %sign3A_147 = arith.cmpi sgt, %add3A_143, %sign3A_146 : i32
        %sign3A_148 = arith.extui %sign3A_147 : i1 to i32
        %sign3A_149 = arith.constant 0 : i32
        %sign3A_150 = arith.cmpi slt, %add3A_143, %sign3A_149 : i32
        %sign3A_151 = arith.extui %sign3A_150 : i1 to i32
        %sign3A_152 = arith.subi %sign3A_148, %sign3A_151 : i32
        %sign3A_153 = arith.constant 0 : i32
        %sign3A_154 = arith.cmpi sgt, %jit3A_144, %sign3A_153 : i32
        %sign3A_155 = arith.extui %sign3A_154 : i1 to i32
        %sign3A_156 = arith.constant 0 : i32
        %sign3A_157 = arith.cmpi slt, %jit3A_144, %sign3A_156 : i32
        %sign3A_158 = arith.extui %sign3A_157 : i1 to i32
        %sign3A_159 = arith.subi %sign3A_155, %sign3A_158 : i32
        %ne3A_160 = arith.cmpi ne, %sign3A_152, %sign3A_159 : i32
        %rem3A_161 = arith.remsi %add3A_143, %jit3A_144 : i32
        %ne3A_162 = arith.constant 0 : i32
        %ne3A_163 = arith.cmpi ne, %rem3A_161, %ne3A_162 : i32
        %and3A_164 = arith.andi %ne3A_160, %ne3A_163 : i1
        %sub3A_165 = arith.constant 1 : i32
        %sub3A_166 = arith.subi %div3A_145, %sub3A_165 : i32
        %select_n3A_167 = arith.select %and3A_164, %sub3A_166, %div3A_145 : i32
        %mul3A_168 = arith.constant 8 : i32
        %mul3A_169 = arith.muli %select_n3A_167, %mul3A_168 : i32
        %add3A_170 = arith.addi %while3A_96, %mul3A_169 : i32
        scf.yield %add3A_170 : i32
      }
      %while3A_55 = arith.constant 1 : i32
      %while3A_56 = scf.for %while3A_95 = %while3A_52 to %while3A_48 step %while3A_55 iter_args(%while3A_96 = %while3A_54) -> (i32)  : i32 {
        %mul3A_97 = arith.constant 32 : i32
        %mul3A_98 = arith.muli %scan3A_11, %mul3A_97 : i32
        %add3A_99 = arith.addi %mul3A_98, %while3A_95 : i32
        %jit3A_100 = arith.constant 16 : i32
        %div3A_101 = arith.divsi %add3A_99, %jit3A_100 : i32
        %sign3A_102 = arith.constant 0 : i32
        %sign3A_103 = arith.cmpi sgt, %add3A_99, %sign3A_102 : i32
        %sign3A_104 = arith.extui %sign3A_103 : i1 to i32
        %sign3A_105 = arith.constant 0 : i32
        %sign3A_106 = arith.cmpi slt, %add3A_99, %sign3A_105 : i32
        %sign3A_107 = arith.extui %sign3A_106 : i1 to i32
        %sign3A_108 = arith.subi %sign3A_104, %sign3A_107 : i32
        %sign3A_109 = arith.constant 0 : i32
        %sign3A_110 = arith.cmpi sgt, %jit3A_100, %sign3A_109 : i32
        %sign3A_111 = arith.extui %sign3A_110 : i1 to i32
        %sign3A_112 = arith.constant 0 : i32
        %sign3A_113 = arith.cmpi slt, %jit3A_100, %sign3A_112 : i32
        %sign3A_114 = arith.extui %sign3A_113 : i1 to i32
        %sign3A_115 = arith.subi %sign3A_111, %sign3A_114 : i32
        %ne3A_116 = arith.cmpi ne, %sign3A_108, %sign3A_115 : i32
        %rem3A_117 = arith.remsi %add3A_99, %jit3A_100 : i32
        %ne3A_118 = arith.constant 0 : i32
        %ne3A_119 = arith.cmpi ne, %rem3A_117, %ne3A_118 : i32
        %and3A_120 = arith.andi %ne3A_116, %ne3A_119 : i1
        %sub3A_121 = arith.constant 1 : i32
        %sub3A_122 = arith.subi %div3A_101, %sub3A_121 : i32
        %select_n3A_123 = arith.select %and3A_120, %sub3A_122, %div3A_101 : i32
        %mul3A_124 = arith.constant 16 : i32
        %mul3A_125 = arith.muli %select_n3A_123, %mul3A_124 : i32
        %multiple_of3A_126 = tpu.assume_multiple %mul3A_125, 16 : i32
        %get3A_127 = arith.index_cast %multiple_of3A_126 : i32 to index
        %get3A_128 = tpu.vector_load %arg8[%get3A_127] {strides = array<i32>} : memref<1024xi32, #tpu.memory_space<vmem>>, vector<16xi32>,
        %sub3A_129 = arith.subi %add3A_99, %multiple_of3A_126 : i32
        %eq3A_130 = vector.broadcast %sub3A_129 : i32 to vector<16xi32>
        %eq3A_131 = arith.cmpi eq, %iota3A, %eq3A_130 : vector<16xi32>
        %broadcast_in_dim3A_132 = vector.broadcast %scan3A_3 : i32 to vector<16xi32>
        %select_n3A_133 = arith.select %eq3A_131, %get3A_128, %broadcast_in_dim3A_132 : vector<16xi1>, vector<16xi32>
        %reduce_max3A_134 = arith.constant true
        %reduce_max3A_135 = vector.broadcast %reduce_max3A_134 : i1 to vector<16xi1>
        %reduce_max3A_136 = arith.constant -2147483648 : i32
        %reduce_max3A_137 = vector.broadcast %reduce_max3A_136 : i32 to vector<16xi32>
        %reduce_max3A_138 = arith.xori %select_n3A_133, %reduce_max3A_137 : vector<16xi32>
        %reduce_max3A_139 = tpu.scan <max>, %reduce_max3A_138 masked %reduce_max3A_135 : vector<16xi32>, vector<16xi1> -> vector<16xi32>
        %reduce_max3A_140 = arith.xori %reduce_max3A_139, %reduce_max3A_137 : vector<16xi32>
        %reduce_max3A_141 = vector.extract %reduce_max3A_140[15] : i32 from vector<16xi32>
        %add3A_142 = arith.constant 7 : i32
        %add3A_143 = arith.addi %reduce_max3A_141, %add3A_142 : i32
        %jit3A_144 = arith.constant 8 : i32
        %div3A_145 = arith.divsi %add3A_143, %jit3A_144 : i32
        %sign3A_146 = arith.constant 0 : i32
        %sign3A_147 = arith.cmpi sgt, %add3A_143, %sign3A_146 : i32
        %sign3A_148 = arith.extui %sign3A_147 : i1 to i32
        %sign3A_149 = arith.constant 0 : i32
        %sign3A_150 = arith.cmpi slt, %add3A_143, %sign3A_149 : i32
        %sign3A_151 = arith.extui %sign3A_150 : i1 to i32
        %sign3A_152 = arith.subi %sign3A_148, %sign3A_151 : i32
        %sign3A_153 = arith.constant 0 : i32
        %sign3A_154 = arith.cmpi sgt, %jit3A_144, %sign3A_153 : i32
        %sign3A_155 = arith.extui %sign3A_154 : i1 to i32
        %sign3A_156 = arith.constant 0 : i32
        %sign3A_157 = arith.cmpi slt, %jit3A_144, %sign3A_156 : i32
        %sign3A_158 = arith.extui %sign3A_157 : i1 to i32
        %sign3A_159 = arith.subi %sign3A_155, %sign3A_158 : i32
        %ne3A_160 = arith.cmpi ne, %sign3A_152, %sign3A_159 : i32
        %rem3A_161 = arith.remsi %add3A_143, %jit3A_144 : i32
        %ne3A_162 = arith.constant 0 : i32
        %ne3A_163 = arith.cmpi ne, %rem3A_161, %ne3A_162 : i32
        %and3A_164 = arith.andi %ne3A_160, %ne3A_163 : i1
        %sub3A_165 = arith.constant 1 : i32
        %sub3A_166 = arith.subi %div3A_145, %sub3A_165 : i32
        %select_n3A_167 = arith.select %and3A_164, %sub3A_166, %div3A_145 : i32
        %mul3A_168 = arith.constant 8 : i32
        %mul3A_169 = arith.muli %select_n3A_167, %mul3A_168 : i32
        %add3A_170 = arith.addi %while3A_96, %mul3A_169 : i32
        scf.yield %add3A_170 : i32
      }
      %add3A_57 = arith.addi %mul3A_45, %while3A_56 : i32
      %add3A_58 = arith.constant 80 : i32
      %add3A_59 = arith.addi %reduce_max3A_43, %add3A_58 : i32
      %sub3A_60 = arith.constant 1 : i32
      %sub3A_61 = arith.subi %add3A_59, %sub3A_60 : i32
      %jit3A_62 = arith.constant 80 : i32
      %div3A_63 = arith.divsi %sub3A_61, %jit3A_62 : i32
      %sign3A_64 = arith.constant 0 : i32
      %sign3A_65 = arith.cmpi sgt, %sub3A_61, %sign3A_64 : i32
      %sign3A_66 = arith.extui %sign3A_65 : i1 to i32
      %sign3A_67 = arith.constant 0 : i32
      %sign3A_68 = arith.cmpi slt, %sub3A_61, %sign3A_67 : i32
      %sign3A_69 = arith.extui %sign3A_68 : i1 to i32
      %sign3A_70 = arith.subi %sign3A_66, %sign3A_69 : i32
      %sign3A_71 = arith.constant 0 : i32
      %sign3A_72 = arith.cmpi sgt, %jit3A_62, %sign3A_71 : i32
      %sign3A_73 = arith.extui %sign3A_72 : i1 to i32
      %sign3A_74 = arith.constant 0 : i32
      %sign3A_75 = arith.cmpi slt, %jit3A_62, %sign3A_74 : i32
      %sign3A_76 = arith.extui %sign3A_75 : i1 to i32
      %sign3A_77 = arith.subi %sign3A_73, %sign3A_76 : i32
      %ne3A_78 = arith.cmpi ne, %sign3A_70, %sign3A_77 : i32
      %rem3A_79 = arith.remsi %sub3A_61, %jit3A_62 : i32
      %ne3A_80 = arith.constant 0 : i32
      %ne3A_81 = arith.cmpi ne, %rem3A_79, %ne3A_80 : i32
      %and3A_82 = arith.andi %ne3A_78, %ne3A_81 : i1
      %sub3A_83 = arith.constant 1 : i32
      %sub3A_84 = arith.subi %div3A_63, %sub3A_83 : i32
      %select_n3A_85 = arith.select %and3A_82, %sub3A_84, %div3A_63 : i32
      %while3A_86 = arith.constant 0 : i32
      %while3A_87 = arith.subi %select_n3A_85, %while3A_86 : i32
      %while3A_88 = arith.addi %while3A_86, %while3A_87 : i32
      %while3A_89 = arith.constant 1 : i32
      %while3A_90 = arith.divsi %while3A_87, %while3A_89 : i32
      %while3A_91 = arith.muli %while3A_90, %while3A_89 : i32
      %while3A_92 = arith.addi %while3A_86, %while3A_91 : i32
      %while3A_93 = arith.constant 1 : i32
      scf.for %while3A_95 = %while3A_86 to %while3A_92 step %while3A_93  : i32 {
        %mul3A_96 = arith.constant 80 : i32
        %mul3A_97 = arith.muli %mul3A_96, %while3A_95 : i32
        %add3A_98 = arith.addi %add3A_57, %mul3A_97 : i32
        %multiple_of3A_99 = tpu.assume_multiple %add3A_98, 8 : i32
        %mul3A_100 = arith.constant 80 : i32
        %mul3A_101 = arith.muli %mul3A_100, %while3A_95 : i32
        %sub3A_102 = arith.subi %reduce_max3A_43, %mul3A_101 : i32
        %min3A = arith.constant 80 : i32
        %min3A_103 = arith.minsi %sub3A_102, %min3A : i32
        "tpu.region"() ({
          %run_scoped3A = tpu.sem_alloc : memref<!tpu.dma_semaphore, #tpu.memory_space<semaphore_mem>>
          %dma_start3A_201 = tpu.memref_slice %arg3[%multiple_of3A_99] : memref<330240xi32, #tpu.memory_space<hbm>> -> memref<80xi32, #tpu.memory_space<hbm>>
          %dma_start3A_202 = tpu.memref_slice %arg3[%multiple_of3A_99] : memref<330240xi32, #tpu.memory_space<hbm>> -> memref<80xi32, #tpu.memory_space<hbm>>
          tpu.enqueue_dma source(%dma_start3A_202 : memref<80xi32, #tpu.memory_space<hbm>>) target(%arg9 : memref<80xi32, #tpu.memory_space<vmem>>) target_semaphore(%run_scoped3A : memref<!tpu.dma_semaphore, #tpu.memory_space<semaphore_mem>>)
          %dma_wait3A_203 = tpu.memref_slice %arg3[%multiple_of3A_99] : memref<330240xi32, #tpu.memory_space<hbm>> -> memref<80xi32, #tpu.memory_space<hbm>>
          %dma_wait3A_204 = tpu.memref_slice %arg3[%multiple_of3A_99] : memref<330240xi32, #tpu.memory_space<hbm>> -> memref<80xi32, #tpu.memory_space<hbm>>
          tpu.wait_dma2 semaphore(%run_scoped3A : memref<!tpu.dma_semaphore, #tpu.memory_space<semaphore_mem>>) src(%dma_wait3A_204 : memref<80xi32, #tpu.memory_space<hbm>>) dst(%arg9 : memref<80xi32, #tpu.memory_space<vmem>>)
          tpu.yield
        }) : () -> ()
        "tpu.region"() ({
          %run_scoped3A = tpu.sem_alloc : memref<!tpu.dma_semaphore, #tpu.memory_space<semaphore_mem>>
          %dma_start3A_201 = tpu.memref_slice %arg4[%multiple_of3A_99] : memref<330240xi32, #tpu.memory_space<hbm>> -> memref<80xi32, #tpu.memory_space<hbm>>
          %dma_start3A_202 = tpu.memref_slice %arg4[%multiple_of3A_99] : memref<330240xi32, #tpu.memory_space<hbm>> -> memref<80xi32, #tpu.memory_space<hbm>>
          tpu.enqueue_dma source(%dma_start3A_202 : memref<80xi32, #tpu.memory_space<hbm>>) target(%arg10 : memref<80xi32, #tpu.memory_space<vmem>>) target_semaphore(%run_scoped3A : memref<!tpu.dma_semaphore, #tpu.memory_space<semaphore_mem>>)
          %dma_wait3A_203 = tpu.memref_slice %arg4[%multiple_of3A_99] : memref<330240xi32, #tpu.memory_space<hbm>> -> memref<80xi32, #tpu.memory_space<hbm>>
          %dma_wait3A_204 = tpu.memref_slice %arg4[%multiple_of3A_99] : memref<330240xi32, #tpu.memory_space<hbm>> -> memref<80xi32, #tpu.memory_space<hbm>>
          tpu.wait_dma2 semaphore(%run_scoped3A : memref<!tpu.dma_semaphore, #tpu.memory_space<semaphore_mem>>) src(%dma_wait3A_204 : memref<80xi32, #tpu.memory_space<hbm>>) dst(%arg10 : memref<80xi32, #tpu.memory_space<vmem>>)
          tpu.yield
        }) : () -> ()
        %add3A_104 = arith.constant 0 : i32
        %add3A_105 = vector.broadcast %add3A_104 : i32 to vector<16xi32>
        %add3A_106 = arith.addi %iota3A, %add3A_105 : vector<16xi32>
        %ge3A = vector.broadcast %min3A_103 : i32 to vector<16xi32>
        %ge3A_107 = arith.cmpi sge, %add3A_106, %ge3A : vector<16xi32>
        %get3A_108 = arith.constant 0 : index
        %get3A_109 = tpu.vector_load %arg9[%get3A_108] {strides = array<i32>} : memref<80xi32, #tpu.memory_space<vmem>>, vector<16xi32>,
        %get3A_110 = arith.constant 0 : index
        %get3A_111 = tpu.vector_load %arg10[%get3A_110] {strides = array<i32>} : memref<80xi32, #tpu.memory_space<vmem>>, vector<16xi32>,
        %jit3A_112 = arith.constant 0 : i32
        %broadcast_in_dim3A_113 = vector.broadcast %jit3A_112 : i32 to vector<16xi32>
        %select_n3A_114 = arith.select %ge3A_107, %broadcast_in_dim3A_113, %get3A_109 : vector<16xi1>, vector<16xi32>
        %swap3A = arith.constant 0 : index
        %swap3A_115 = tpu.vector_load %arg9[%swap3A] {strides = array<i32>} : memref<80xi32, #tpu.memory_space<vmem>>, vector<16xi32>,
        tpu.vector_store %arg9[%swap3A], %select_n3A_114 {strides = array<i32>} : memref<80xi32, #tpu.memory_space<vmem>>, vector<16xi32>,
        %jit3A_116 = arith.constant 5120 : i32
        %broadcast_in_dim3A_117 = vector.broadcast %jit3A_116 : i32 to vector<16xi32>
        %select_n3A_118 = arith.select %ge3A_107, %broadcast_in_dim3A_117, %get3A_111 : vector<16xi1>, vector<16xi32>
        %swap3A_119 = arith.constant 0 : index
        %swap3A_120 = tpu.vector_load %arg10[%swap3A_119] {strides = array<i32>} : memref<80xi32, #tpu.memory_space<vmem>>, vector<16xi32>,
        tpu.vector_store %arg10[%swap3A_119], %select_n3A_118 {strides = array<i32>} : memref<80xi32, #tpu.memory_space<vmem>>, vector<16xi32>,
        %add3A_121 = arith.constant 16 : i32
        %add3A_122 = vector.broadcast %add3A_121 : i32 to vector<16xi32>
        %add3A_123 = arith.addi %iota3A, %add3A_122 : vector<16xi32>
        %ge3A_124 = vector.broadcast %min3A_103 : i32 to vector<16xi32>
        %ge3A_125 = arith.cmpi sge, %add3A_123, %ge3A_124 : vector<16xi32>
        %get3A_126 = arith.constant 16 : index
        %get3A_127 = tpu.vector_load %arg9[%get3A_126] {strides = array<i32>} : memref<80xi32, #tpu.memory_space<vmem>>, vector<16xi32>,
        %get3A_128 = arith.constant 16 : index
        %get3A_129 = tpu.vector_load %arg10[%get3A_128] {strides = array<i32>} : memref<80xi32, #tpu.memory_space<vmem>>, vector<16xi32>,
        %jit3A_130 = arith.constant 0 : i32
        %broadcast_in_dim3A_131 = vector.broadcast %jit3A_130 : i32 to vector<16xi32>
        %select_n3A_132 = arith.select %ge3A_125, %broadcast_in_dim3A_131, %get3A_127 : vector<16xi1>, vector<16xi32>
        %swap3A_133 = arith.constant 16 : index
        %swap3A_134 = tpu.vector_load %arg9[%swap3A_133] {strides = array<i32>} : memref<80xi32, #tpu.memory_space<vmem>>, vector<16xi32>,
        tpu.vector_store %arg9[%swap3A_133], %select_n3A_132 {strides = array<i32>} : memref<80xi32, #tpu.memory_space<vmem>>, vector<16xi32>,
        %jit3A_135 = arith.constant 5120 : i32
        %broadcast_in_dim3A_136 = vector.broadcast %jit3A_135 : i32 to vector<16xi32>
        %select_n3A_137 = arith.select %ge3A_125, %broadcast_in_dim3A_136, %get3A_129 : vector<16xi1>, vector<16xi32>
        %swap3A_138 = arith.constant 16 : index
        %swap3A_139 = tpu.vector_load %arg10[%swap3A_138] {strides = array<i32>} : memref<80xi32, #tpu.memory_space<vmem>>, vector<16xi32>,
        tpu.vector_store %arg10[%swap3A_138], %select_n3A_137 {strides = array<i32>} : memref<80xi32, #tpu.memory_space<vmem>>, vector<16xi32>,
        %add3A_140 = arith.constant 32 : i32
        %add3A_141 = vector.broadcast %add3A_140 : i32 to vector<16xi32>
        %add3A_142 = arith.addi %iota3A, %add3A_141 : vector<16xi32>
        %ge3A_143 = vector.broadcast %min3A_103 : i32 to vector<16xi32>
        %ge3A_144 = arith.cmpi sge, %add3A_142, %ge3A_143 : vector<16xi32>
        %get3A_145 = arith.constant 32 : index
        %get3A_146 = tpu.vector_load %arg9[%get3A_145] {strides = array<i32>} : memref<80xi32, #tpu.memory_space<vmem>>, vector<16xi32>,
        %get3A_147 = arith.constant 32 : index
        %get3A_148 = tpu.vector_load %arg10[%get3A_147] {strides = array<i32>} : memref<80xi32, #tpu.memory_space<vmem>>, vector<16xi32>,
        %jit3A_149 = arith.constant 0 : i32
        %broadcast_in_dim3A_150 = vector.broadcast %jit3A_149 : i32 to vector<16xi32>
        %select_n3A_151 = arith.select %ge3A_144, %broadcast_in_dim3A_150, %get3A_146 : vector<16xi1>, vector<16xi32>
        %swap3A_152 = arith.constant 32 : index
        %swap3A_153 = tpu.vector_load %arg9[%swap3A_152] {strides = array<i32>} : memref<80xi32, #tpu.memory_space<vmem>>, vector<16xi32>,
        tpu.vector_store %arg9[%swap3A_152], %select_n3A_151 {strides = array<i32>} : memref<80xi32, #tpu.memory_space<vmem>>, vector<16xi32>,
        %jit3A_154 = arith.constant 5120 : i32
        %broadcast_in_dim3A_155 = vector.broadcast %jit3A_154 : i32 to vector<16xi32>
        %select_n3A_156 = arith.select %ge3A_144, %broadcast_in_dim3A_155, %get3A_148 : vector<16xi1>, vector<16xi32>
        %swap3A_157 = arith.constant 32 : index
        %swap3A_158 = tpu.vector_load %arg10[%swap3A_157] {strides = array<i32>} : memref<80xi32, #tpu.memory_space<vmem>>, vector<16xi32>,
        tpu.vector_store %arg10[%swap3A_157], %select_n3A_156 {strides = array<i32>} : memref<80xi32, #tpu.memory_space<vmem>>, vector<16xi32>,
        %add3A_159 = arith.constant 48 : i32
        %add3A_160 = vector.broadcast %add3A_159 : i32 to vector<16xi32>
        %add3A_161 = arith.addi %iota3A, %add3A_160 : vector<16xi32>
        %ge3A_162 = vector.broadcast %min3A_103 : i32 to vector<16xi32>
        %ge3A_163 = arith.cmpi sge, %add3A_161, %ge3A_162 : vector<16xi32>
        %get3A_164 = arith.constant 48 : index
        %get3A_165 = tpu.vector_load %arg9[%get3A_164] {strides = array<i32>} : memref<80xi32, #tpu.memory_space<vmem>>, vector<16xi32>,
        %get3A_166 = arith.constant 48 : index
        %get3A_167 = tpu.vector_load %arg10[%get3A_166] {strides = array<i32>} : memref<80xi32, #tpu.memory_space<vmem>>, vector<16xi32>,
        %jit3A_168 = arith.constant 0 : i32
        %broadcast_in_dim3A_169 = vector.broadcast %jit3A_168 : i32 to vector<16xi32>
        %select_n3A_170 = arith.select %ge3A_163, %broadcast_in_dim3A_169, %get3A_165 : vector<16xi1>, vector<16xi32>
        %swap3A_171 = arith.constant 48 : index
        %swap3A_172 = tpu.vector_load %arg9[%swap3A_171] {strides = array<i32>} : memref<80xi32, #tpu.memory_space<vmem>>, vector<16xi32>,
        tpu.vector_store %arg9[%swap3A_171], %select_n3A_170 {strides = array<i32>} : memref<80xi32, #tpu.memory_space<vmem>>, vector<16xi32>,
        %jit3A_173 = arith.constant 5120 : i32
        %broadcast_in_dim3A_174 = vector.broadcast %jit3A_173 : i32 to vector<16xi32>
        %select_n3A_175 = arith.select %ge3A_163, %broadcast_in_dim3A_174, %get3A_167 : vector<16xi1>, vector<16xi32>
        %swap3A_176 = arith.constant 48 : index
        %swap3A_177 = tpu.vector_load %arg10[%swap3A_176] {strides = array<i32>} : memref<80xi32, #tpu.memory_space<vmem>>, vector<16xi32>,
        tpu.vector_store %arg10[%swap3A_176], %select_n3A_175 {strides = array<i32>} : memref<80xi32, #tpu.memory_space<vmem>>, vector<16xi32>,
        %add3A_178 = arith.constant 64 : i32
        %add3A_179 = vector.broadcast %add3A_178 : i32 to vector<16xi32>
        %add3A_180 = arith.addi %iota3A, %add3A_179 : vector<16xi32>
        %ge3A_181 = vector.broadcast %min3A_103 : i32 to vector<16xi32>
        %ge3A_182 = arith.cmpi sge, %add3A_180, %ge3A_181 : vector<16xi32>
        %get3A_183 = arith.constant 64 : index
        %get3A_184 = tpu.vector_load %arg9[%get3A_183] {strides = array<i32>} : memref<80xi32, #tpu.memory_space<vmem>>, vector<16xi32>,
        %get3A_185 = arith.constant 64 : index
        %get3A_186 = tpu.vector_load %arg10[%get3A_185] {strides = array<i32>} : memref<80xi32, #tpu.memory_space<vmem>>, vector<16xi32>,
        %jit3A_187 = arith.constant 0 : i32
        %broadcast_in_dim3A_188 = vector.broadcast %jit3A_187 : i32 to vector<16xi32>
        %select_n3A_189 = arith.select %ge3A_182, %broadcast_in_dim3A_188, %get3A_184 : vector<16xi1>, vector<16xi32>
        %swap3A_190 = arith.constant 64 : index
        %swap3A_191 = tpu.vector_load %arg9[%swap3A_190] {strides = array<i32>} : memref<80xi32, #tpu.memory_space<vmem>>, vector<16xi32>,
        tpu.vector_store %arg9[%swap3A_190], %select_n3A_189 {strides = array<i32>} : memref<80xi32, #tpu.memory_space<vmem>>, vector<16xi32>,
        %jit3A_192 = arith.constant 5120 : i32
        %broadcast_in_dim3A_193 = vector.broadcast %jit3A_192 : i32 to vector<16xi32>
        %select_n3A_194 = arith.select %ge3A_182, %broadcast_in_dim3A_193, %get3A_186 : vector<16xi1>, vector<16xi32>
        %swap3A_195 = arith.constant 64 : index
        %swap3A_196 = tpu.vector_load %arg10[%swap3A_195] {strides = array<i32>} : memref<80xi32, #tpu.memory_space<vmem>>, vector<16xi32>,
        tpu.vector_store %arg10[%swap3A_195], %select_n3A_194 {strides = array<i32>} : memref<80xi32, #tpu.memory_space<vmem>>, vector<16xi32>,
        %dma_start3A = arith.constant 0 : i32
        %dma_start3A_197 = arith.constant 0 : i32
        %dma_start3A_198 = tpu.memref_slice %arg2[%dma_start3A, %dma_start3A_197] : memref<10000x128xf32, #tpu.memory_space<hbm>> -> memref<10000x128xf32, #tpu.memory_space<hbm>>
        tpu.enqueue_indirect_dma source(%dma_start3A_198 : memref<10000x128xf32, #tpu.memory_space<hbm>>) target(%arg11 : memref<80x128xf32, #tpu.memory_space<vmem>>) offsets(%arg9 : memref<80xi32, #tpu.memory_space<vmem>>) semaphore(%arg13 : memref<!tpu.dma_semaphore, #tpu.memory_space<semaphore_mem>>)
        %dma_wait3A = arith.constant 0 : i32
        %dma_wait3A_199 = arith.constant 0 : i32
        %dma_wait3A_200 = tpu.memref_slice %arg2[%dma_wait3A, %dma_wait3A_199] : memref<10000x128xf32, #tpu.memory_space<hbm>> -> memref<10000x128xf32, #tpu.memory_space<hbm>>
        tpu.wait_indirect_dma semaphore(%arg13 : memref<!tpu.dma_semaphore, #tpu.memory_space<semaphore_mem>>) src(%dma_wait3A_200 : memref<10000x128xf32, #tpu.memory_space<hbm>>) dst(%arg11 : memref<80x128xf32, #tpu.memory_space<vmem>>)
        "tpu.region"() ({
          %run_scoped3A = tpu.sem_alloc : memref<!tpu.dma_semaphore, #tpu.memory_space<semaphore_mem>>
          %dma_start3A_201 = arith.constant 0 : i32
          %dma_start3A_202 = arith.constant 0 : i32
          %dma_start3A_203 = tpu.memref_slice %arg12[%dma_start3A_201, %dma_start3A_202] : memref<5128x128xf32, #tpu.memory_space<vmem_shared>> -> memref<5128x128xf32, #tpu.memory_space<vmem_shared>>
          tpu.enqueue_indirect_dma source(%arg11 : memref<80x128xf32, #tpu.memory_space<vmem>>) target(%dma_start3A_203 : memref<5128x128xf32, #tpu.memory_space<vmem_shared>>) offsets(%arg10 : memref<80xi32, #tpu.memory_space<vmem>>) semaphore(%run_scoped3A : memref<!tpu.dma_semaphore, #tpu.memory_space<semaphore_mem>>) {add = true}
          %dma_wait3A_204 = arith.constant 0 : i32
          %dma_wait3A_205 = arith.constant 0 : i32
          %dma_wait3A_206 = tpu.memref_slice %arg12[%dma_wait3A_204, %dma_wait3A_205] : memref<5128x128xf32, #tpu.memory_space<vmem_shared>> -> memref<5128x128xf32, #tpu.memory_space<vmem_shared>>
          tpu.wait_indirect_dma semaphore(%run_scoped3A : memref<!tpu.dma_semaphore, #tpu.memory_space<semaphore_mem>>) src(%arg11 : memref<80x128xf32, #tpu.memory_space<vmem>>) dst(%dma_wait3A_206 : memref<5128x128xf32, #tpu.memory_space<vmem_shared>>)
          tpu.yield
        }) : () -> ()
      }
      %while3A_94 = arith.constant 1 : i32
      scf.for %while3A_95 = %while3A_92 to %while3A_88 step %while3A_94  : i32 {
        %mul3A_96 = arith.constant 80 : i32
        %mul3A_97 = arith.muli %mul3A_96, %while3A_95 : i32
        %add3A_98 = arith.addi %add3A_57, %mul3A_97 : i32
        %multiple_of3A_99 = tpu.assume_multiple %add3A_98, 8 : i32
        %mul3A_100 = arith.constant 80 : i32
        %mul3A_101 = arith.muli %mul3A_100, %while3A_95 : i32
        %sub3A_102 = arith.subi %reduce_max3A_43, %mul3A_101 : i32
        %min3A = arith.constant 80 : i32
        %min3A_103 = arith.minsi %sub3A_102, %min3A : i32
        "tpu.region"() ({
          %run_scoped3A = tpu.sem_alloc : memref<!tpu.dma_semaphore, #tpu.memory_space<semaphore_mem>>
          %dma_start3A_201 = tpu.memref_slice %arg3[%multiple_of3A_99] : memref<330240xi32, #tpu.memory_space<hbm>> -> memref<80xi32, #tpu.memory_space<hbm>>
          %dma_start3A_202 = tpu.memref_slice %arg3[%multiple_of3A_99] : memref<330240xi32, #tpu.memory_space<hbm>> -> memref<80xi32, #tpu.memory_space<hbm>>
          tpu.enqueue_dma source(%dma_start3A_202 : memref<80xi32, #tpu.memory_space<hbm>>) target(%arg9 : memref<80xi32, #tpu.memory_space<vmem>>) target_semaphore(%run_scoped3A : memref<!tpu.dma_semaphore, #tpu.memory_space<semaphore_mem>>)
          %dma_wait3A_203 = tpu.memref_slice %arg3[%multiple_of3A_99] : memref<330240xi32, #tpu.memory_space<hbm>> -> memref<80xi32, #tpu.memory_space<hbm>>
          %dma_wait3A_204 = tpu.memref_slice %arg3[%multiple_of3A_99] : memref<330240xi32, #tpu.memory_space<hbm>> -> memref<80xi32, #tpu.memory_space<hbm>>
          tpu.wait_dma2 semaphore(%run_scoped3A : memref<!tpu.dma_semaphore, #tpu.memory_space<semaphore_mem>>) src(%dma_wait3A_204 : memref<80xi32, #tpu.memory_space<hbm>>) dst(%arg9 : memref<80xi32, #tpu.memory_space<vmem>>)
          tpu.yield
        }) : () -> ()
        "tpu.region"() ({
          %run_scoped3A = tpu.sem_alloc : memref<!tpu.dma_semaphore, #tpu.memory_space<semaphore_mem>>
          %dma_start3A_201 = tpu.memref_slice %arg4[%multiple_of3A_99] : memref<330240xi32, #tpu.memory_space<hbm>> -> memref<80xi32, #tpu.memory_space<hbm>>
          %dma_start3A_202 = tpu.memref_slice %arg4[%multiple_of3A_99] : memref<330240xi32, #tpu.memory_space<hbm>> -> memref<80xi32, #tpu.memory_space<hbm>>
          tpu.enqueue_dma source(%dma_start3A_202 : memref<80xi32, #tpu.memory_space<hbm>>) target(%arg10 : memref<80xi32, #tpu.memory_space<vmem>>) target_semaphore(%run_scoped3A : memref<!tpu.dma_semaphore, #tpu.memory_space<semaphore_mem>>)
          %dma_wait3A_203 = tpu.memref_slice %arg4[%multiple_of3A_99] : memref<330240xi32, #tpu.memory_space<hbm>> -> memref<80xi32, #tpu.memory_space<hbm>>
          %dma_wait3A_204 = tpu.memref_slice %arg4[%multiple_of3A_99] : memref<330240xi32, #tpu.memory_space<hbm>> -> memref<80xi32, #tpu.memory_space<hbm>>
          tpu.wait_dma2 semaphore(%run_scoped3A : memref<!tpu.dma_semaphore, #tpu.memory_space<semaphore_mem>>) src(%dma_wait3A_204 : memref<80xi32, #tpu.memory_space<hbm>>) dst(%arg10 : memref<80xi32, #tpu.memory_space<vmem>>)
          tpu.yield
        }) : () -> ()
        %add3A_104 = arith.constant 0 : i32
        %add3A_105 = vector.broadcast %add3A_104 : i32 to vector<16xi32>
        %add3A_106 = arith.addi %iota3A, %add3A_105 : vector<16xi32>
        %ge3A = vector.broadcast %min3A_103 : i32 to vector<16xi32>
        %ge3A_107 = arith.cmpi sge, %add3A_106, %ge3A : vector<16xi32>
        %get3A_108 = arith.constant 0 : index
        %get3A_109 = tpu.vector_load %arg9[%get3A_108] {strides = array<i32>} : memref<80xi32, #tpu.memory_space<vmem>>, vector<16xi32>,
        %get3A_110 = arith.constant 0 : index
        %get3A_111 = tpu.vector_load %arg10[%get3A_110] {strides = array<i32>} : memref<80xi32, #tpu.memory_space<vmem>>, vector<16xi32>,
        %jit3A_112 = arith.constant 0 : i32
        %broadcast_in_dim3A_113 = vector.broadcast %jit3A_112 : i32 to vector<16xi32>
        %select_n3A_114 = arith.select %ge3A_107, %broadcast_in_dim3A_113, %get3A_109 : vector<16xi1>, vector<16xi32>
        %swap3A = arith.constant 0 : index
        %swap3A_115 = tpu.vector_load %arg9[%swap3A] {strides = array<i32>} : memref<80xi32, #tpu.memory_space<vmem>>, vector<16xi32>,
        tpu.vector_store %arg9[%swap3A], %select_n3A_114 {strides = array<i32>} : memref<80xi32, #tpu.memory_space<vmem>>, vector<16xi32>,
        %jit3A_116 = arith.constant 5120 : i32
        %broadcast_in_dim3A_117 = vector.broadcast %jit3A_116 : i32 to vector<16xi32>
        %select_n3A_118 = arith.select %ge3A_107, %broadcast_in_dim3A_117, %get3A_111 : vector<16xi1>, vector<16xi32>
        %swap3A_119 = arith.constant 0 : index
        %swap3A_120 = tpu.vector_load %arg10[%swap3A_119] {strides = array<i32>} : memref<80xi32, #tpu.memory_space<vmem>>, vector<16xi32>,
        tpu.vector_store %arg10[%swap3A_119], %select_n3A_118 {strides = array<i32>} : memref<80xi32, #tpu.memory_space<vmem>>, vector<16xi32>,
        %add3A_121 = arith.constant 16 : i32
        %add3A_122 = vector.broadcast %add3A_121 : i32 to vector<16xi32>
        %add3A_123 = arith.addi %iota3A, %add3A_122 : vector<16xi32>
        %ge3A_124 = vector.broadcast %min3A_103 : i32 to vector<16xi32>
        %ge3A_125 = arith.cmpi sge, %add3A_123, %ge3A_124 : vector<16xi32>
        %get3A_126 = arith.constant 16 : index
        %get3A_127 = tpu.vector_load %arg9[%get3A_126] {strides = array<i32>} : memref<80xi32, #tpu.memory_space<vmem>>, vector<16xi32>,
        %get3A_128 = arith.constant 16 : index
        %get3A_129 = tpu.vector_load %arg10[%get3A_128] {strides = array<i32>} : memref<80xi32, #tpu.memory_space<vmem>>, vector<16xi32>,
        %jit3A_130 = arith.constant 0 : i32
        %broadcast_in_dim3A_131 = vector.broadcast %jit3A_130 : i32 to vector<16xi32>
        %select_n3A_132 = arith.select %ge3A_125, %broadcast_in_dim3A_131, %get3A_127 : vector<16xi1>, vector<16xi32>
        %swap3A_133 = arith.constant 16 : index
        %swap3A_134 = tpu.vector_load %arg9[%swap3A_133] {strides = array<i32>} : memref<80xi32, #tpu.memory_space<vmem>>, vector<16xi32>,
        tpu.vector_store %arg9[%swap3A_133], %select_n3A_132 {strides = array<i32>} : memref<80xi32, #tpu.memory_space<vmem>>, vector<16xi32>,
        %jit3A_135 = arith.constant 5120 : i32
        %broadcast_in_dim3A_136 = vector.broadcast %jit3A_135 : i32 to vector<16xi32>
        %select_n3A_137 = arith.select %ge3A_125, %broadcast_in_dim3A_136, %get3A_129 : vector<16xi1>, vector<16xi32>
        %swap3A_138 = arith.constant 16 : index
        %swap3A_139 = tpu.vector_load %arg10[%swap3A_138] {strides = array<i32>} : memref<80xi32, #tpu.memory_space<vmem>>, vector<16xi32>,
        tpu.vector_store %arg10[%swap3A_138], %select_n3A_137 {strides = array<i32>} : memref<80xi32, #tpu.memory_space<vmem>>, vector<16xi32>,
        %add3A_140 = arith.constant 32 : i32
        %add3A_141 = vector.broadcast %add3A_140 : i32 to vector<16xi32>
        %add3A_142 = arith.addi %iota3A, %add3A_141 : vector<16xi32>
        %ge3A_143 = vector.broadcast %min3A_103 : i32 to vector<16xi32>
        %ge3A_144 = arith.cmpi sge, %add3A_142, %ge3A_143 : vector<16xi32>
        %get3A_145 = arith.constant 32 : index
        %get3A_146 = tpu.vector_load %arg9[%get3A_145] {strides = array<i32>} : memref<80xi32, #tpu.memory_space<vmem>>, vector<16xi32>,
        %get3A_147 = arith.constant 32 : index
        %get3A_148 = tpu.vector_load %arg10[%get3A_147] {strides = array<i32>} : memref<80xi32, #tpu.memory_space<vmem>>, vector<16xi32>,
        %jit3A_149 = arith.constant 0 : i32
        %broadcast_in_dim3A_150 = vector.broadcast %jit3A_149 : i32 to vector<16xi32>
        %select_n3A_151 = arith.select %ge3A_144, %broadcast_in_dim3A_150, %get3A_146 : vector<16xi1>, vector<16xi32>
        %swap3A_152 = arith.constant 32 : index
        %swap3A_153 = tpu.vector_load %arg9[%swap3A_152] {strides = array<i32>} : memref<80xi32, #tpu.memory_space<vmem>>, vector<16xi32>,
        tpu.vector_store %arg9[%swap3A_152], %select_n3A_151 {strides = array<i32>} : memref<80xi32, #tpu.memory_space<vmem>>, vector<16xi32>,
        %jit3A_154 = arith.constant 5120 : i32
        %broadcast_in_dim3A_155 = vector.broadcast %jit3A_154 : i32 to vector<16xi32>
        %select_n3A_156 = arith.select %ge3A_144, %broadcast_in_dim3A_155, %get3A_148 : vector<16xi1>, vector<16xi32>
        %swap3A_157 = arith.constant 32 : index
        %swap3A_158 = tpu.vector_load %arg10[%swap3A_157] {strides = array<i32>} : memref<80xi32, #tpu.memory_space<vmem>>, vector<16xi32>,
        tpu.vector_store %arg10[%swap3A_157], %select_n3A_156 {strides = array<i32>} : memref<80xi32, #tpu.memory_space<vmem>>, vector<16xi32>,
        %add3A_159 = arith.constant 48 : i32
        %add3A_160 = vector.broadcast %add3A_159 : i32 to vector<16xi32>
        %add3A_161 = arith.addi %iota3A, %add3A_160 : vector<16xi32>
        %ge3A_162 = vector.broadcast %min3A_103 : i32 to vector<16xi32>
        %ge3A_163 = arith.cmpi sge, %add3A_161, %ge3A_162 : vector<16xi32>
        %get3A_164 = arith.constant 48 : index
        %get3A_165 = tpu.vector_load %arg9[%get3A_164] {strides = array<i32>} : memref<80xi32, #tpu.memory_space<vmem>>, vector<16xi32>,
        %get3A_166 = arith.constant 48 : index
        %get3A_167 = tpu.vector_load %arg10[%get3A_166] {strides = array<i32>} : memref<80xi32, #tpu.memory_space<vmem>>, vector<16xi32>,
        %jit3A_168 = arith.constant 0 : i32
        %broadcast_in_dim3A_169 = vector.broadcast %jit3A_168 : i32 to vector<16xi32>
        %select_n3A_170 = arith.select %ge3A_163, %broadcast_in_dim3A_169, %get3A_165 : vector<16xi1>, vector<16xi32>
        %swap3A_171 = arith.constant 48 : index
        %swap3A_172 = tpu.vector_load %arg9[%swap3A_171] {strides = array<i32>} : memref<80xi32, #tpu.memory_space<vmem>>, vector<16xi32>,
        tpu.vector_store %arg9[%swap3A_171], %select_n3A_170 {strides = array<i32>} : memref<80xi32, #tpu.memory_space<vmem>>, vector<16xi32>,
        %jit3A_173 = arith.constant 5120 : i32
        %broadcast_in_dim3A_174 = vector.broadcast %jit3A_173 : i32 to vector<16xi32>
        %select_n3A_175 = arith.select %ge3A_163, %broadcast_in_dim3A_174, %get3A_167 : vector<16xi1>, vector<16xi32>
        %swap3A_176 = arith.constant 48 : index
        %swap3A_177 = tpu.vector_load %arg10[%swap3A_176] {strides = array<i32>} : memref<80xi32, #tpu.memory_space<vmem>>, vector<16xi32>,
        tpu.vector_store %arg10[%swap3A_176], %select_n3A_175 {strides = array<i32>} : memref<80xi32, #tpu.memory_space<vmem>>, vector<16xi32>,
        %add3A_178 = arith.constant 64 : i32
        %add3A_179 = vector.broadcast %add3A_178 : i32 to vector<16xi32>
        %add3A_180 = arith.addi %iota3A, %add3A_179 : vector<16xi32>
        %ge3A_181 = vector.broadcast %min3A_103 : i32 to vector<16xi32>
        %ge3A_182 = arith.cmpi sge, %add3A_180, %ge3A_181 : vector<16xi32>
        %get3A_183 = arith.constant 64 : index
        %get3A_184 = tpu.vector_load %arg9[%get3A_183] {strides = array<i32>} : memref<80xi32, #tpu.memory_space<vmem>>, vector<16xi32>,
        %get3A_185 = arith.constant 64 : index
        %get3A_186 = tpu.vector_load %arg10[%get3A_185] {strides = array<i32>} : memref<80xi32, #tpu.memory_space<vmem>>, vector<16xi32>,
        %jit3A_187 = arith.constant 0 : i32
        %broadcast_in_dim3A_188 = vector.broadcast %jit3A_187 : i32 to vector<16xi32>
        %select_n3A_189 = arith.select %ge3A_182, %broadcast_in_dim3A_188, %get3A_184 : vector<16xi1>, vector<16xi32>
        %swap3A_190 = arith.constant 64 : index
        %swap3A_191 = tpu.vector_load %arg9[%swap3A_190] {strides = array<i32>} : memref<80xi32, #tpu.memory_space<vmem>>, vector<16xi32>,
        tpu.vector_store %arg9[%swap3A_190], %select_n3A_189 {strides = array<i32>} : memref<80xi32, #tpu.memory_space<vmem>>, vector<16xi32>,
        %jit3A_192 = arith.constant 5120 : i32
        %broadcast_in_dim3A_193 = vector.broadcast %jit3A_192 : i32 to vector<16xi32>
        %select_n3A_194 = arith.select %ge3A_182, %broadcast_in_dim3A_193, %get3A_186 : vector<16xi1>, vector<16xi32>
        %swap3A_195 = arith.constant 64 : index
        %swap3A_196 = tpu.vector_load %arg10[%swap3A_195] {strides = array<i32>} : memref<80xi32, #tpu.memory_space<vmem>>, vector<16xi32>,
        tpu.vector_store %arg10[%swap3A_195], %select_n3A_194 {strides = array<i32>} : memref<80xi32, #tpu.memory_space<vmem>>, vector<16xi32>,
        %dma_start3A = arith.constant 0 : i32
        %dma_start3A_197 = arith.constant 0 : i32
        %dma_start3A_198 = tpu.memref_slice %arg2[%dma_start3A, %dma_start3A_197] : memref<10000x128xf32, #tpu.memory_space<hbm>> -> memref<10000x128xf32, #tpu.memory_space<hbm>>
        tpu.enqueue_indirect_dma source(%dma_start3A_198 : memref<10000x128xf32, #tpu.memory_space<hbm>>) target(%arg11 : memref<80x128xf32, #tpu.memory_space<vmem>>) offsets(%arg9 : memref<80xi32, #tpu.memory_space<vmem>>) semaphore(%arg13 : memref<!tpu.dma_semaphore, #tpu.memory_space<semaphore_mem>>)
        %dma_wait3A = arith.constant 0 : i32
        %dma_wait3A_199 = arith.constant 0 : i32
        %dma_wait3A_200 = tpu.memref_slice %arg2[%dma_wait3A, %dma_wait3A_199] : memref<10000x128xf32, #tpu.memory_space<hbm>> -> memref<10000x128xf32, #tpu.memory_space<hbm>>
        tpu.wait_indirect_dma semaphore(%arg13 : memref<!tpu.dma_semaphore, #tpu.memory_space<semaphore_mem>>) src(%dma_wait3A_200 : memref<10000x128xf32, #tpu.memory_space<hbm>>) dst(%arg11 : memref<80x128xf32, #tpu.memory_space<vmem>>)
        "tpu.region"() ({
          %run_scoped3A = tpu.sem_alloc : memref<!tpu.dma_semaphore, #tpu.memory_space<semaphore_mem>>
          %dma_start3A_201 = arith.constant 0 : i32
          %dma_start3A_202 = arith.constant 0 : i32
          %dma_start3A_203 = tpu.memref_slice %arg12[%dma_start3A_201, %dma_start3A_202] : memref<5128x128xf32, #tpu.memory_space<vmem_shared>> -> memref<5128x128xf32, #tpu.memory_space<vmem_shared>>
          tpu.enqueue_indirect_dma source(%arg11 : memref<80x128xf32, #tpu.memory_space<vmem>>) target(%dma_start3A_203 : memref<5128x128xf32, #tpu.memory_space<vmem_shared>>) offsets(%arg10 : memref<80xi32, #tpu.memory_space<vmem>>) semaphore(%run_scoped3A : memref<!tpu.dma_semaphore, #tpu.memory_space<semaphore_mem>>) {add = true}
          %dma_wait3A_204 = arith.constant 0 : i32
          %dma_wait3A_205 = arith.constant 0 : i32
          %dma_wait3A_206 = tpu.memref_slice %arg12[%dma_wait3A_204, %dma_wait3A_205] : memref<5128x128xf32, #tpu.memory_space<vmem_shared>> -> memref<5128x128xf32, #tpu.memory_space<vmem_shared>>
          tpu.wait_indirect_dma semaphore(%run_scoped3A : memref<!tpu.dma_semaphore, #tpu.memory_space<semaphore_mem>>) src(%arg11 : memref<80x128xf32, #tpu.memory_space<vmem>>) dst(%dma_wait3A_206 : memref<5128x128xf32, #tpu.memory_space<vmem_shared>>)
          tpu.yield
        }) : () -> ()
      }
    }
    %scan3A_8 = arith.constant 32 : i32
    %mul3A_9 = arith.constant 320 : i32
    %mul3A_10 = arith.muli %add3A, %mul3A_9 : i32
    "tpu.region"() ({
      %run_scoped3A = tpu.sem_alloc : memref<!tpu.dma_semaphore, #tpu.memory_space<semaphore_mem>>
      %dma_start3A = arith.constant 0 : i32
      %dma_start3A_11 = tpu.memref_slice %arg7[%mul3A_10, %dma_start3A] : memref<10240x128xf32, #tpu.memory_space<hbm>> -> memref<320x128xf32, #tpu.memory_space<hbm>>
      %dma_start3A_12 = arith.constant 0 : i32
      %dma_start3A_13 = tpu.memref_slice %arg12[%mul3A_2, %dma_start3A_12] : memref<5128x128xf32, #tpu.memory_space<vmem_shared>> -> memref<320x128xf32, #tpu.memory_space<vmem_shared>>
      tpu.enqueue_dma source(%dma_start3A_13 : memref<320x128xf32, #tpu.memory_space<vmem_shared>>) target(%dma_start3A_11 : memref<320x128xf32, #tpu.memory_space<hbm>>) target_semaphore(%run_scoped3A : memref<!tpu.dma_semaphore, #tpu.memory_space<semaphore_mem>>)
      %dma_wait3A = arith.constant 0 : i32
      %dma_wait3A_14 = tpu.memref_slice %arg7[%mul3A_10, %dma_wait3A] : memref<10240x128xf32, #tpu.memory_space<hbm>> -> memref<320x128xf32, #tpu.memory_space<hbm>>
      %dma_wait3A_15 = arith.constant 0 : i32
      %dma_wait3A_16 = tpu.memref_slice %arg12[%mul3A_2, %dma_wait3A_15] : memref<5128x128xf32, #tpu.memory_space<vmem_shared>> -> memref<320x128xf32, #tpu.memory_space<vmem_shared>>
      tpu.wait_dma2 semaphore(%run_scoped3A : memref<!tpu.dma_semaphore, #tpu.memory_space<semaphore_mem>>) src(%dma_wait3A_16 : memref<320x128xf32, #tpu.memory_space<vmem_shared>>) dst(%dma_wait3A_14 : memref<320x128xf32, #tpu.memory_space<hbm>>)
      tpu.yield
    }) : () -> ()
    return
  }
}

module attributes {stable_mosaic.version = 14 : i64} {
  func.func @_copy_body(%arg0: memref<10000x128xf32, #tpu.memory_space<vmem>>, %arg1: memref<10000x128xf32, #tpu.memory_space<vmem>>) attributes {dimension_semantics = [], scalar_prefetch = 0 : i64, scratch_operands = 0 : i64, tpu.core_type = #tpu.core_type<tc>} {
    %get3A = arith.constant 0 : index
    %get3A_0 = arith.constant 0 : index
    %get3A_1 = vector.load %arg0[%get3A, %get3A_0] : memref<10000x128xf32, #tpu.memory_space<vmem>>, vector<10000x128xf32>
    %swap3A = arith.constant 0 : index
    %swap3A_2 = arith.constant 0 : index
    %swap3A_3 = vector.load %arg1[%swap3A, %swap3A_2] : memref<10000x128xf32, #tpu.memory_space<vmem>>, vector<10000x128xf32>
    tpu.vector_store %arg1[%swap3A, %swap3A_2], %get3A_1 {strides = array<i32>} : memref<10000x128xf32, #tpu.memory_space<vmem>>, vector<10000x128xf32>,
    return
  }
}

module attributes {stable_mosaic.version = 14 : i64} {
  func.func @_layer_body(%arg0: memref<10000x128xf32, #tpu.memory_space<vmem>>, %arg1: memref<10000x128xf32, #tpu.memory_space<vmem>>, %arg2: memref<128x16xf32, #tpu.memory_space<vmem>>, %arg3: memref<1x16xf32, #tpu.memory_space<vmem>>, %arg4: memref<16x16xf32, #tpu.memory_space<vmem>>, %arg5: memref<1x16xf32, #tpu.memory_space<vmem>>, %arg6: memref<10000x16xf32, #tpu.memory_space<vmem>>, %arg7: memref<10000x16xf32, #tpu.memory_space<vmem>>) attributes {dimension_semantics = [], scalar_prefetch = 0 : i64, scratch_operands = 0 : i64, tpu.core_type = #tpu.core_type<tc>} {
    %get3A = arith.constant 0 : index
    %get3A_0 = arith.constant 0 : index
    %get3A_1 = vector.load %arg0[%get3A, %get3A_0] : memref<10000x128xf32, #tpu.memory_space<vmem>>, vector<10000x128xf32>
    %get3A_2 = arith.constant 0 : index
    %get3A_3 = arith.constant 0 : index
    %get3A_4 = vector.load %arg1[%get3A_2, %get3A_3] : memref<10000x128xf32, #tpu.memory_space<vmem>>, vector<10000x128xf32>
    %add3A = arith.addf %get3A_1, %get3A_4 : vector<10000x128xf32>
    %get3A_5 = arith.constant 0 : index
    %get3A_6 = arith.constant 0 : index
    %get3A_7 = vector.load %arg2[%get3A_5, %get3A_6] : memref<128x16xf32, #tpu.memory_space<vmem>>, vector<128x16xf32>
    %dot_general3A = arith.constant dense<0.000000e+00> : vector<10000x16xf32>
    %dot_general3A_8 = tpu.matmul %add3A, %get3A_7, %dot_general3A {dimension_numbers = #tpu.dot_dimension_numbers<[1], [0], [0], [1], [0, 0, 1, 1], [], []>, transpose_lhs_hint = false} : vector<10000x128xf32>, vector<128x16xf32>, vector<10000x16xf32> -> vector<10000x16xf32>
    %get3A_9 = arith.constant 0 : index
    %get3A_10 = arith.constant 0 : index
    %get3A_11 = vector.load %arg3[%get3A_9, %get3A_10] : memref<1x16xf32, #tpu.memory_space<vmem>>, vector<1x16xf32>
    %add3A_12 = vector.broadcast %get3A_11 : vector<1x16xf32> to vector<10000x16xf32>
    %add3A_13 = arith.addf %dot_general3A_8, %add3A_12 : vector<10000x16xf32>
    %ge3A = arith.constant 0.000000e+00 : f32
    %ge3A_14 = vector.broadcast %ge3A : f32 to vector<10000x16xf32>
    %ge3A_15 = arith.cmpf oge, %add3A_13, %ge3A_14 : vector<10000x16xf32>
    %mul3A = arith.constant 0.00999999977 : f32
    %mul3A_16 = vector.broadcast %mul3A : f32 to vector<10000x16xf32>
    %mul3A_17 = arith.mulf %mul3A_16, %add3A_13 : vector<10000x16xf32>
    %select_n3A = arith.select %ge3A_15, %add3A_13, %mul3A_17 : vector<10000x16xi1>, vector<10000x16xf32>
    %get3A_18 = arith.constant 0 : index
    %get3A_19 = arith.constant 0 : index
    %get3A_20 = vector.load %arg4[%get3A_18, %get3A_19] : memref<16x16xf32, #tpu.memory_space<vmem>>, vector<16x16xf32>
    %dot_general3A_21 = arith.constant dense<0.000000e+00> : vector<10000x16xf32>
    %dot_general3A_22 = tpu.matmul %select_n3A, %get3A_20, %dot_general3A_21 {dimension_numbers = #tpu.dot_dimension_numbers<[1], [0], [0], [1], [0, 0, 1, 1], [], []>, transpose_lhs_hint = false} : vector<10000x16xf32>, vector<16x16xf32>, vector<10000x16xf32> -> vector<10000x16xf32>
    %get3A_23 = arith.constant 0 : index
    %get3A_24 = arith.constant 0 : index
    %get3A_25 = vector.load %arg5[%get3A_23, %get3A_24] : memref<1x16xf32, #tpu.memory_space<vmem>>, vector<1x16xf32>
    %add3A_26 = vector.broadcast %get3A_25 : vector<1x16xf32> to vector<10000x16xf32>
    %add3A_27 = arith.addf %dot_general3A_22, %add3A_26 : vector<10000x16xf32>
    %ge3A_28 = arith.constant 0.000000e+00 : f32
    %ge3A_29 = vector.broadcast %ge3A_28 : f32 to vector<10000x16xf32>
    %ge3A_30 = arith.cmpf oge, %add3A_27, %ge3A_29 : vector<10000x16xf32>
    %mul3A_31 = arith.constant 0.00999999977 : f32
    %mul3A_32 = vector.broadcast %mul3A_31 : f32 to vector<10000x16xf32>
    %mul3A_33 = arith.mulf %mul3A_32, %add3A_27 : vector<10000x16xf32>
    %select_n3A_34 = arith.select %ge3A_30, %add3A_27, %mul3A_33 : vector<10000x16xi1>, vector<10000x16xf32>
    %swap3A = arith.constant 0 : index
    %swap3A_35 = arith.constant 0 : index
    %swap3A_36 = vector.load %arg6[%swap3A, %swap3A_35] : memref<10000x16xf32, #tpu.memory_space<vmem>>, vector<10000x16xf32>
    tpu.vector_store %arg6[%swap3A, %swap3A_35], %select_n3A_34 {strides = array<i32>} : memref<10000x16xf32, #tpu.memory_space<vmem>>, vector<10000x16xf32>,
    %swap3A_37 = arith.constant 0 : index
    %swap3A_38 = arith.constant 0 : index
    %swap3A_39 = vector.load %arg7[%swap3A_37, %swap3A_38] : memref<10000x16xf32, #tpu.memory_space<vmem>>, vector<10000x16xf32>
    tpu.vector_store %arg7[%swap3A_37, %swap3A_38], %select_n3A_34 {strides = array<i32>} : memref<10000x16xf32, #tpu.memory_space<vmem>>, vector<10000x16xf32>,
    return
  }
}

module attributes {stable_mosaic.version = 14 : i64} {
  func.func @_layer_body(%arg0: memref<10000x16xf32, #tpu.memory_space<vmem>>, %arg1: memref<10000x16xf32, #tpu.memory_space<vmem>>, %arg2: memref<16x16xf32, #tpu.memory_space<vmem>>, %arg3: memref<1x16xf32, #tpu.memory_space<vmem>>, %arg4: memref<16x16xf32, #tpu.memory_space<vmem>>, %arg5: memref<1x16xf32, #tpu.memory_space<vmem>>, %arg6: memref<10000x16xf32, #tpu.memory_space<vmem>>, %arg7: memref<10000x16xf32, #tpu.memory_space<vmem>>) attributes {dimension_semantics = [], scalar_prefetch = 0 : i64, scratch_operands = 0 : i64, tpu.core_type = #tpu.core_type<tc>} {
    %get3A = arith.constant 0 : index
    %get3A_0 = arith.constant 0 : index
    %get3A_1 = vector.load %arg0[%get3A, %get3A_0] : memref<10000x16xf32, #tpu.memory_space<vmem>>, vector<10000x16xf32>
    %get3A_2 = arith.constant 0 : index
    %get3A_3 = arith.constant 0 : index
    %get3A_4 = vector.load %arg1[%get3A_2, %get3A_3] : memref<10000x16xf32, #tpu.memory_space<vmem>>, vector<10000x16xf32>
    %add3A = arith.addf %get3A_1, %get3A_4 : vector<10000x16xf32>
    %get3A_5 = arith.constant 0 : index
    %get3A_6 = arith.constant 0 : index
    %get3A_7 = vector.load %arg2[%get3A_5, %get3A_6] : memref<16x16xf32, #tpu.memory_space<vmem>>, vector<16x16xf32>
    %dot_general3A = arith.constant dense<0.000000e+00> : vector<10000x16xf32>
    %dot_general3A_8 = tpu.matmul %add3A, %get3A_7, %dot_general3A {dimension_numbers = #tpu.dot_dimension_numbers<[1], [0], [0], [1], [0, 0, 1, 1], [], []>, transpose_lhs_hint = false} : vector<10000x16xf32>, vector<16x16xf32>, vector<10000x16xf32> -> vector<10000x16xf32>
    %get3A_9 = arith.constant 0 : index
    %get3A_10 = arith.constant 0 : index
    %get3A_11 = vector.load %arg3[%get3A_9, %get3A_10] : memref<1x16xf32, #tpu.memory_space<vmem>>, vector<1x16xf32>
    %add3A_12 = vector.broadcast %get3A_11 : vector<1x16xf32> to vector<10000x16xf32>
    %add3A_13 = arith.addf %dot_general3A_8, %add3A_12 : vector<10000x16xf32>
    %ge3A = arith.constant 0.000000e+00 : f32
    %ge3A_14 = vector.broadcast %ge3A : f32 to vector<10000x16xf32>
    %ge3A_15 = arith.cmpf oge, %add3A_13, %ge3A_14 : vector<10000x16xf32>
    %mul3A = arith.constant 0.00999999977 : f32
    %mul3A_16 = vector.broadcast %mul3A : f32 to vector<10000x16xf32>
    %mul3A_17 = arith.mulf %mul3A_16, %add3A_13 : vector<10000x16xf32>
    %select_n3A = arith.select %ge3A_15, %add3A_13, %mul3A_17 : vector<10000x16xi1>, vector<10000x16xf32>
    %get3A_18 = arith.constant 0 : index
    %get3A_19 = arith.constant 0 : index
    %get3A_20 = vector.load %arg4[%get3A_18, %get3A_19] : memref<16x16xf32, #tpu.memory_space<vmem>>, vector<16x16xf32>
    %dot_general3A_21 = arith.constant dense<0.000000e+00> : vector<10000x16xf32>
    %dot_general3A_22 = tpu.matmul %select_n3A, %get3A_20, %dot_general3A_21 {dimension_numbers = #tpu.dot_dimension_numbers<[1], [0], [0], [1], [0, 0, 1, 1], [], []>, transpose_lhs_hint = false} : vector<10000x16xf32>, vector<16x16xf32>, vector<10000x16xf32> -> vector<10000x16xf32>
    %get3A_23 = arith.constant 0 : index
    %get3A_24 = arith.constant 0 : index
    %get3A_25 = vector.load %arg5[%get3A_23, %get3A_24] : memref<1x16xf32, #tpu.memory_space<vmem>>, vector<1x16xf32>
    %add3A_26 = vector.broadcast %get3A_25 : vector<1x16xf32> to vector<10000x16xf32>
    %add3A_27 = arith.addf %dot_general3A_22, %add3A_26 : vector<10000x16xf32>
    %ge3A_28 = arith.constant 0.000000e+00 : f32
    %ge3A_29 = vector.broadcast %ge3A_28 : f32 to vector<10000x16xf32>
    %ge3A_30 = arith.cmpf oge, %add3A_27, %ge3A_29 : vector<10000x16xf32>
    %mul3A_31 = arith.constant 0.00999999977 : f32
    %mul3A_32 = vector.broadcast %mul3A_31 : f32 to vector<10000x16xf32>
    %mul3A_33 = arith.mulf %mul3A_32, %add3A_27 : vector<10000x16xf32>
    %select_n3A_34 = arith.select %ge3A_30, %add3A_27, %mul3A_33 : vector<10000x16xi1>, vector<10000x16xf32>
    %swap3A = arith.constant 0 : index
    %swap3A_35 = arith.constant 0 : index
    %swap3A_36 = vector.load %arg6[%swap3A, %swap3A_35] : memref<10000x16xf32, #tpu.memory_space<vmem>>, vector<10000x16xf32>
    tpu.vector_store %arg6[%swap3A, %swap3A_35], %select_n3A_34 {strides = array<i32>} : memref<10000x16xf32, #tpu.memory_space<vmem>>, vector<10000x16xf32>,
    %swap3A_37 = arith.constant 0 : index
    %swap3A_38 = arith.constant 0 : index
    %swap3A_39 = vector.load %arg7[%swap3A_37, %swap3A_38] : memref<10000x16xf32, #tpu.memory_space<vmem>>, vector<10000x16xf32>
    tpu.vector_store %arg7[%swap3A_37, %swap3A_38], %select_n3A_34 {strides = array<i32>} : memref<10000x16xf32, #tpu.memory_space<vmem>>, vector<10000x16xf32>,
    return
  }
}

module attributes {stable_mosaic.version = 14 : i64} {
  func.func @_head_body(%arg0: memref<10000x16xf32, #tpu.memory_space<vmem>>, %arg1: memref<10000x16xf32, #tpu.memory_space<vmem>>, %arg2: memref<16x16xf32, #tpu.memory_space<vmem>>, %arg3: memref<1x16xf32, #tpu.memory_space<vmem>>, %arg4: memref<16x16xf32, #tpu.memory_space<vmem>>, %arg5: memref<1x16xf32, #tpu.memory_space<vmem>>, %arg6: memref<16x1xf32, #tpu.memory_space<vmem>>, %arg7: memref<1x1xf32, #tpu.memory_space<vmem>>, %arg8: memref<1x1xf32, #tpu.memory_space<vmem>>, %arg9: memref<1x1xf32, #tpu.memory_space<vmem>>) attributes {dimension_semantics = [], scalar_prefetch = 0 : i64, scratch_operands = 0 : i64, tpu.core_type = #tpu.core_type<tc>} {
    %get3A = arith.constant 0 : index
    %get3A_0 = arith.constant 0 : index
    %get3A_1 = vector.load %arg0[%get3A, %get3A_0] : memref<10000x16xf32, #tpu.memory_space<vmem>>, vector<10000x16xf32>
    %get3A_2 = arith.constant 0 : index
    %get3A_3 = arith.constant 0 : index
    %get3A_4 = vector.load %arg1[%get3A_2, %get3A_3] : memref<10000x16xf32, #tpu.memory_space<vmem>>, vector<10000x16xf32>
    %add3A = arith.addf %get3A_1, %get3A_4 : vector<10000x16xf32>
    %get3A_5 = arith.constant 0 : index
    %get3A_6 = arith.constant 0 : index
    %get3A_7 = vector.load %arg2[%get3A_5, %get3A_6] : memref<16x16xf32, #tpu.memory_space<vmem>>, vector<16x16xf32>
    %dot_general3A = arith.constant dense<0.000000e+00> : vector<10000x16xf32>
    %dot_general3A_8 = tpu.matmul %add3A, %get3A_7, %dot_general3A {dimension_numbers = #tpu.dot_dimension_numbers<[1], [0], [0], [1], [0, 0, 1, 1], [], []>, transpose_lhs_hint = false} : vector<10000x16xf32>, vector<16x16xf32>, vector<10000x16xf32> -> vector<10000x16xf32>
    %get3A_9 = arith.constant 0 : index
    %get3A_10 = arith.constant 0 : index
    %get3A_11 = vector.load %arg3[%get3A_9, %get3A_10] : memref<1x16xf32, #tpu.memory_space<vmem>>, vector<1x16xf32>
    %add3A_12 = vector.broadcast %get3A_11 : vector<1x16xf32> to vector<10000x16xf32>
    %add3A_13 = arith.addf %dot_general3A_8, %add3A_12 : vector<10000x16xf32>
    %ge3A = arith.constant 0.000000e+00 : f32
    %ge3A_14 = vector.broadcast %ge3A : f32 to vector<10000x16xf32>
    %ge3A_15 = arith.cmpf oge, %add3A_13, %ge3A_14 : vector<10000x16xf32>
    %mul3A = arith.constant 0.00999999977 : f32
    %mul3A_16 = vector.broadcast %mul3A : f32 to vector<10000x16xf32>
    %mul3A_17 = arith.mulf %mul3A_16, %add3A_13 : vector<10000x16xf32>
    %select_n3A = arith.select %ge3A_15, %add3A_13, %mul3A_17 : vector<10000x16xi1>, vector<10000x16xf32>
    %get3A_18 = arith.constant 0 : index
    %get3A_19 = arith.constant 0 : index
    %get3A_20 = vector.load %arg4[%get3A_18, %get3A_19] : memref<16x16xf32, #tpu.memory_space<vmem>>, vector<16x16xf32>
    %dot_general3A_21 = arith.constant dense<0.000000e+00> : vector<10000x16xf32>
    %dot_general3A_22 = tpu.matmul %select_n3A, %get3A_20, %dot_general3A_21 {dimension_numbers = #tpu.dot_dimension_numbers<[1], [0], [0], [1], [0, 0, 1, 1], [], []>, transpose_lhs_hint = false} : vector<10000x16xf32>, vector<16x16xf32>, vector<10000x16xf32> -> vector<10000x16xf32>
    %get3A_23 = arith.constant 0 : index
    %get3A_24 = arith.constant 0 : index
    %get3A_25 = vector.load %arg5[%get3A_23, %get3A_24] : memref<1x16xf32, #tpu.memory_space<vmem>>, vector<1x16xf32>
    %add3A_26 = vector.broadcast %get3A_25 : vector<1x16xf32> to vector<10000x16xf32>
    %add3A_27 = arith.addf %dot_general3A_22, %add3A_26 : vector<10000x16xf32>
    %get3A_28 = arith.constant 0 : index
    %get3A_29 = arith.constant 0 : index
    %get3A_30 = vector.load %arg8[%get3A_28, %get3A_29] : memref<1x1xf32, #tpu.memory_space<vmem>>, vector<1x1xf32>
    %mul3A_31 = vector.broadcast %get3A_30 : vector<1x1xf32> to vector<10000x16xf32>
    %mul3A_32 = arith.mulf %add3A_27, %mul3A_31 : vector<10000x16xf32>
    %ge3A_33 = arith.constant 0.000000e+00 : f32
    %ge3A_34 = vector.broadcast %ge3A_33 : f32 to vector<10000x16xf32>
    %ge3A_35 = arith.cmpf oge, %mul3A_32, %ge3A_34 : vector<10000x16xf32>
    %mul3A_36 = arith.constant 0.00999999977 : f32
    %mul3A_37 = vector.broadcast %mul3A_36 : f32 to vector<10000x16xf32>
    %mul3A_38 = arith.mulf %mul3A_37, %mul3A_32 : vector<10000x16xf32>
    %select_n3A_39 = arith.select %ge3A_35, %mul3A_32, %mul3A_38 : vector<10000x16xi1>, vector<10000x16xf32>
    %get3A_40 = arith.constant 0 : index
    %get3A_41 = arith.constant 0 : index
    %get3A_42 = vector.load %arg6[%get3A_40, %get3A_41] : memref<16x1xf32, #tpu.memory_space<vmem>>, vector<16x1xf32>
    %dot_general3A_43 = arith.constant dense<0.000000e+00> : vector<10000x1xf32>
    %dot_general3A_44 = tpu.matmul %select_n3A_39, %get3A_42, %dot_general3A_43 {dimension_numbers = #tpu.dot_dimension_numbers<[1], [0], [0], [1], [0, 0, 1, 1], [], []>, transpose_lhs_hint = false} : vector<10000x16xf32>, vector<16x1xf32>, vector<10000x1xf32> -> vector<10000x1xf32>
    %get3A_45 = arith.constant 0 : index
    %get3A_46 = arith.constant 0 : index
    %get3A_47 = vector.load %arg7[%get3A_45, %get3A_46] : memref<1x1xf32, #tpu.memory_space<vmem>>, vector<1x1xf32>
    %add3A_48 = vector.broadcast %get3A_47 : vector<1x1xf32> to vector<10000x1xf32>
    %add3A_49 = arith.addf %dot_general3A_44, %add3A_48 : vector<10000x1xf32>
    %slice3A = vector.extract_strided_slice %add3A_49 {offsets = [0, 0], sizes = [1, 1], strides = [1, 1]} : vector<10000x1xf32> to vector<1x1xf32>
    %swap3A = arith.constant 0 : index
    %swap3A_50 = arith.constant 0 : index
    %swap3A_51 = vector.load %arg9[%swap3A, %swap3A_50] : memref<1x1xf32, #tpu.memory_space<vmem>>, vector<1x1xf32>
    tpu.vector_store %arg9[%swap3A, %swap3A_50], %slice3A {strides = array<i32>} : memref<1x1xf32, #tpu.memory_space<vmem>>, vector<1x1xf32>,
    return
  }
}

</mosaic_0001>

<sc_bundles>
// kernel: kernel.10.cloned.1.call-start
scs
__scs_entry_jumppad:
0x0: {  	(pc) =	sbr.rel $0x88, $3  }
0x1: {  	(tag) =	ssettag $0x0;
	lr =	simm.s32 $0x1  }
0x2: {  	[smem:$0x3F90] =	sst lr;
	_ =	strace $0xD0000000  }
0x3: {  	_ = 	snop  }
0x4: {  	_ = 	snop  }
0x5: {  	_ = 	snop  }
0x6: {  	_ = 	snop  }
0x7: {  	_ = 	snop  }
__scs_overlays_trampoline_lowered:
0x8: {  	[smem:$0x3F9F] =	sst s0  }
0x9: {  	[smem:$0x3FA0] =	sst s1  }
0xa: {  	[smem:$0x3FA1] =	sst s2  }
0xb: {  	[smem:$0x3FA2] =	sst s3  }
0xc: {  	[smem:$0x3FA3] =	sst s4  }
0xd: {  	[smem:$0x3FA4] =	sst s5  }
0xe: {  	[smem:$0x3FA5] =	sst s6  }
0xf: {  	[smem:$0x3FA6] =	sst s7  }
0x10: {  	[smem:$0x3FA7] =	sst s8  }
0x11: {  	[smem:$0x3FA8] =	sst s9;
	s0 =	simm.s32 @!p0 $0x0  }
0x12: {  	s1 =	sld [smem:$0x3F8E];
	s0 =	simm.s32 @p0 $0x1  }
0x13: {  	[smem:$0x3FA9] =	sst s0;
	s0 =	simm.s32 @!p1 $0x0  }
0x14: {  	s2 =	sld [smem:$0x3F8D];
	s0 =	simm.s32 @p1 $0x1  }
0x15: {  	[smem:$0x3FAA] =	sst s0;
	s0 =	simm.s32 @!p2 $0x0  }
0x16: {  	s3 =	sld [smem:$0x3FDB];
	s0 =	simm.s32 @p2 $0x1  }
0x17: {  	s4 =	simm.s32 $0x1BF5;
	[smem:$0x3FAC] =	sst s0  }
0x18: {  	s0 =	sld [smem:$0x3F8F];
	_ =	swait.ge [sflag:s4], $0x0  }
0x19: {  	s7 =	sld [smem:$0x3F90]  }
0x1a: {  	s8 =	sadd.s32 $0xFFFFE003, lr  }
0x1b: {  	s9 =	sadd.s32 $0xFFFFFEF7, lr;
	s5 =	simm.s32 $0xFFFFFFFF;
	p2 =	slt.u32 s8, $0xFFFFF086  }
0x1c: {  	p1 =	slt.u32 s9, $0xF7A;
	s5 =	simm.s32 @!p2 $0x0  }
0x1d: {  	s5 =	simm.s32 @p1 $0x1;
	p0 =	seq.s32 s7, s2  }
0x1e: {  	s7 =	smul.u32 @!p0 $0xF7A, s2;
	p2 =	seq.s32 @!p0 s5, $0x0  }
0x1f: {  	s9 =	smul.u32 $0xF7A, s1;
	s8 =	simm.s32 @!p0 $0x1BF5;
	p2 =	por !p2, p0  }
0x20: {  	[sflag:s8] =	ssyncset.s32 @!p0 $0xFFFFF086;
	s6 =	sadd.s32 @!p0 s3, s7;
	s7 =	simm.s32 @!p0 $0x108  }
0x21: {  	s3 =	sadd.s32 s3, s9;
	s6 =	sadd.s32 @!p0 $0x88, s6;
	s7 =	simm.s32 @p2 $0x1082  }
0x22: {  	[simem:s7], [sflag:s8] =	dma.local @!p0 [hbm:s6], $0xF7A  }
0x23: {  	s9 =	sor.u32 $0xD0000000, s2;
	s6 =	simm.s32 $0x108;
	_ =	swait.ge @!p0 [sflag:s8], $0x0  }
0x24: {  	s3 =	sadd.s32 $0x88, s3;
	s6 =	simm.s32 @!p1 $0x1082;
	[sflag:s4] =	ssyncset.s32 $0xFFFFF086  }
0x25: {  	[simem:s6], [sflag:s4] =	dma.local [hbm:s3], $0xF7A  }
0x26: {  	[smem:$0x3F90] =	sst s1;
	(tag) =	ssettag s2;
	_ =	strace s9  }
0x27: {  	s1 =	sld [smem:$0x3FA0]  }
0x28: {  	s2 =	sld [smem:$0x3FA1]  }
0x29: {  	s4 =	sld [smem:$0x3FA3]  }
0x2a: {  	p0 =	seq.s32 s5, $0x0;
	s5 =	sld [smem:$0x3FA4]  }
0x2b: {  	s6 =	sld [smem:$0x3FA5]  }
0x2c: {  	s7 =	sld [smem:$0x3FA6]  }
0x2d: {  	s3 =	simm.s32 $0x108;
	s8 =	sld [smem:$0x3FA7]  }
0x2e: {  	s3 =	simm.s32 @!p0 $0x1082;
	s9 =	sld [smem:$0x3FA8]  }
0x2f: {  	lr =	sadd.s32 s0, s3;
	s0 =	sld [smem:$0x3F9F]  }
0x30: {  	s3 =	sld [smem:$0x3FA2]  }
0x31: {  	[smem:$0x3FAB] =	sst s10  }
0x32: {  	s10 =	sld [smem:$0x3FA9];
	_ =	sdelay $0x3  }
0x33: {  	p0 =	seq.s32 s10, $0x1;
	s10 =	sld [smem:$0x3FAB];
	_ =	sdelay $0x3  }
0x34: {  	[smem:$0x3FAB] =	sst s10  }
0x35: {  	s10 =	sld [smem:$0x3FAA];
	_ =	sdelay $0x3  }
0x36: {  	p1 =	seq.s32 s10, $0x1;
	s10 =	sld [smem:$0x3FAB];
	_ =	sdelay $0x3  }
0x37: {  	[smem:$0x3FAB] =	sst s10  }
0x38: {  	s10 =	sld [smem:$0x3FAC]  }
0x39: {  	_ = 	snop;
	(pc) =	sbr.ind lr, $3  }
0x3a: {  	_ = 	snop  }
0x3b: {  	_ = 	snop  }
0x3c: {  	p2 =	seq.s32 s10, $0x1;
	s10 =	sld [smem:$0x3FAB]  }
0x3d: {  	_ =	shalt  }
0x3e: {  	_ =	shalt  }
0x3f: {  	_ =	shalt  }
0x40: {  	_ =	shalt  }
0x41: {  	_ =	shalt  }
0x42: {  	_ =	shalt  }
0x43: {  	_ =	shalt  }
0x44: {  	_ =	shalt  }
0x45: {  	_ =	shalt  }
0x46: {  	_ =	shalt  }
0x47: {  	_ =	shalt  }
0x48: {  	_ =	shalt  }
0x49: {  	_ =	shalt  }
0x4a: {  	_ =	shalt  }
0x4b: {  	_ =	shalt  }
0x4c: {  	_ =	shalt  }
0x4d: {  	_ =	shalt  }
0x4e: {  	_ =	shalt  }
0x4f: {  	_ =	shalt  }
0x50: {  	_ =	shalt  }
0x51: {  	_ =	shalt  }
0x52: {  	_ =	shalt  }
0x53: {  	_ =	shalt  }
0x54: {  	_ =	shalt  }
0x55: {  	_ =	shalt  }
0x56: {  	_ =	shalt  }
0x57: {  	_ =	shalt  }
0x58: {  	_ =	shalt  }
0x59: {  	_ =	shalt  }
0x5a: {  	_ =	shalt  }
0x5b: {  	_ =	shalt  }
0x5c: {  	_ =	shalt  }
0x5d: {  	_ =	shalt  }
0x5e: {  	_ =	shalt  }
0x5f: {  	_ =	shalt  }
0x60: {  	_ =	shalt  }
0x61: {  	_ =	shalt  }
0x62: {  	_ =	shalt  }
0x63: {  	_ =	shalt  }
0x64: {  	_ =	shalt  }
0x65: {  	_ =	shalt  }
0x66: {  	_ =	shalt  }
0x67: {  	_ =	shalt  }
0x68: {  	_ =	shalt  }
0x69: {  	_ =	shalt  }
0x6a: {  	_ =	shalt  }
0x6b: {  	_ =	shalt  }
0x6c: {  	_ =	shalt  }
0x6d: {  	_ =	shalt  }
0x6e: {  	_ =	shalt  }
0x6f: {  	_ =	shalt  }
0x70: {  	_ =	shalt  }
0x71: {  	_ =	shalt  }
0x72: {  	_ =	shalt  }
0x73: {  	_ =	shalt  }
0x74: {  	_ =	shalt  }
0x75: {  	_ =	shalt  }
0x76: {  	_ =	shalt  }
0x77: {  	_ =	shalt  }
0x78: {  	_ =	shalt  }
0x79: {  	_ =	shalt  }
0x7a: {  	_ =	shalt  }
0x7b: {  	_ =	shalt  }
0x7c: {  	_ =	shalt  }
0x7d: {  	_ =	shalt  }
0x7e: {  	_ =	shalt  }
0x7f: {  	_ =	shalt  }
0x80: {  	_ =	shalt  }
0x81: {  	_ =	shalt  }
0x82: {  	_ =	shalt  }
0x83: {  	_ =	shalt  }
0x84: {  	_ =	shalt  }
0x85: {  	_ =	shalt  }
0x86: {  	_ =	shalt  }
0x87: {  	_ =	shalt  }
.Lfunc_end0:
.L_simem_size_0:
called_computation_lowered:
.L_overlay_start_0:
0x88: {  	s2 =	sld [smem:$0x3FD9]  }
0x89: {  	s3 =	sld [smem:$0x3FFE];
	_ =	sdelay $0x1  }
0x8a: {  	s1 =	srdreg.scid  }
0x8b: {  	s0 =	sand.u32 $0x1, s1  }
0x8c: {  	s16 =	sshll.u32 s0, $0xA;
	s2 =	sadd.s32 s3, s2  }
0x8d: {  	s2 =	sadd.s32 s2, s16  }
0x8e: {  	[smem:$0x3FB7] =	sst s2  }
0x8f: {  	_ = 	snop  }
0x90: {  	(tm) =	ssettm $0x1  }
0x91: {  	s17 =	sld [smem:$0x3FFB];
	_ =	sdelay $0x3  }
0x92: {  	_ =	strace s17  }
0x93: {  	s2 =	sld [smem:$0x3FFC];
	_ =	sdelay $0x3  }
0x94: {  	_ =	strace s2  }
0x95: {  	s2 =	sld [smem:$0x3FFD];
	_ =	sdelay $0x3  }
0x96: {  	_ =	strace s2  }
0x97: {  	_ =	strace $0x8FFFFFFF  }
0x98: {  	s18 =	sld [smem:$0x3FDB];
	_ =	sdelay $0x1  }
0x99: {  	s19 =	simm.s32 $_scs_section_size  }
0x9a: {  	s4 =	simm.s32 $_size__tile_overlayer_lowered;
	s5 =	simm.s32 $_tile_overlayer_lowered  }
0x9b: {  	s22 =	simm.s32 $0x1BFF;
	s21 =	sshll.u32 s5, $0x1;
	s2 =	sadd.s32 s19, s18  }
0x9c: {  	s6 =	simm.s32 $0x0;
	s20 =	sshll.u32 s4, $0x1;
	s4 =	sadd.s32 s21, s2  }
0x9d: {  	[timem:s6], [sflag:s22] =	dma.local [hbm:s4], s20  }
0x9e: {  	_ =	swait.ge [sflag:s22], s20  }
0x9f: {  	s3 =	ssub.s32 $0x0, s20;
	[sflag:s22] =	ssyncset.done $0x0  }
0xa0: {  	[sflag:s22] =	ssyncadd.s32 s3;
	_ =	sdelay $0x1  }
0xa1: {  	s23 =	simm.s32 $0x1B8B  }
0xa2: {  	_ =	swait.ge [sflag:s23], $0x1  }
0xa3: {  	[sflag:s23] =	ssyncset.done $0x0  }
0xa4: {  	s25 =	simm.s32 $0x1B8E;
	s24 =	sld [smem:$0x3FFE];
	[sflag:s23] =	ssyncadd.s32 $0xFFFFFFFF  }
0xa5: {  	s26 =	simm.s32 $execute0_lowered;
	[smem:$0x3FD2] =	sst s25  }
0xa6: {  	s4 =	sshll.u32 s26, $0x1;
	_ =	strace $0x80000046;
	[dreg:$0x1] =	wrdreg $0xFFFFFFFF  }
0xa7: {  	s28 =	simm.s32 $_size_execute0_lowered;
	s2 =	sadd.s32 s2, s4;
	[dreg:$0x0] =	wrdreg $0x0  }
0xa8: {  	s4 =	sshll.u32 s28, $0x1;
	[dreg:$0x2] =	wrdreg s2  }
0xa9: {  	[dreg:$0x3] =	wrdreg s4  }
0xaa: {  	[dreg:$0x4] =	wrdreg $0xC0  }
0xab: {  	_ =	task [dreg:s6], $0x5FFFF  }
0xac: {  	[dreg:$0x1] =	wrdreg $0xFFFFFFFF  }
0xad: {  	[dreg:$0x0] =	wrdreg $0x60  }
0xae: {  	[dreg:$0x2] =	wrdreg s24  }
0xaf: {  	[dreg:$0x3] =	wrdreg $0x9  }
0xb0: {  	_ =	task.clear_ibuf [dreg:s6], $0x4FFFF;
	_ =	strace $0x90000046  }
0xb1: {  	s29 =	simm.s32 $0x9;
	_ =	strace $0x80000048  }
0xb2: {  	_ =	swait.ge [sflag:s29], $0x1  }
0xb3: {  	[sflag:s29] =	ssyncadd.s32 $0xFFFFFFFF  }
0xb4: {  	_ =	strace $0x90000048  }
0xb5: {  	_ =	sfence  }
0xb6: {  	s30 =	sld [smem:$0x0];
	_ =	sdelay $0x2  }
0xb7: {  	s31 =	sshll.u32 s1, $0xD;
	s1 =	sshrl.u32 s1, $0x2  }
0xb8: {  	s3 =	sand.u32 $0x4000, s31;
	s1 =	sadd.s32 s1, s30  }
0xb9: {  	s0 =	sor.u32 s3, s0;
	s1 =	sshll.u32 s1, $0x11  }
0xba: {  	s0 =	sor.u32 s1, s0  }
0xbb: {  	s0 =	sadd.s32 $0x8F2B, s0  }
0xbc: {  	[sflag:s0] =	ssyncadd.remote.s32 $0x1  }
0xbd: {  	_ =	sfence.sel $0xFFFF  }
0xbe: {  	[dreg:$0x0] =	wrdreg $0xFFFFFFFF;
	(pc) =	sbr.abs _section_cstart, $3  }
0xbf: {  	[dreg:$0x1] =	wrdreg $0xFFFFFFFF  }
0xc0: {  	_ =	task.clear_ibuf [dreg:s6], $0x2FFFF;
	_ =	strace $0x9FFFFFFF  }
0xc1: {  	(tm) =	ssettm $0x7FFFFFFF  }
tec
execute0_lowered:
.L_overlay_start_1:
0x0: {  	(tag) =	ssettag $0x1  }
0x1: {  	s0 =	srdreg.scid  }
0x2: {  	s3 =	sand.u32 $0x1, s0  }
0x3: {  	s24 =	stileid.u32;
	s4 =	rddreg [dreg:$0x0];
	s1 =	sshll.u32 s3, $0x4  }
0x4: {  	s0 =	simm.s32 $0x0;
	s3 =	ssub.s32 $0x2, s3;
	s5 =	sor.u32 s24, s1  }
0x5: {  	[smem:$0x7FF] =	sst s0;
	s8 =	sshrl.u32 s3, $0x1;
	s6 =	smul.u32 $0x4E2, s5  }
0x6: {  	s7 =	smul.u32 $0x50A, s5;
	s5 =	sshll.u32 s5, $0x2;
	s8 =	ssub.s32 s3, s8  }
0x7: {  	v0 =	vimm.s32 $0xECA86420;
	vm0 =	vcmask $0xB08;
	_ =	strace $0x80000047;
	s9 =	sadd.s32 s5, s4;
	s31 =	smax.u32 s8, $0x1  }
0x8: {  	vm1 =	vcmask $0x1310;
	vm2 =	vcmask $0x1B18;
	vm3 =	vcmask $0x300;
	s6 =	sadd.s32 s6, s4;
	s30 =	sadd.s32 $0x2B400, s9;
	[dreg:$0x7] =	wrdreg s31  }
0x9: {  	vm4 =	vcmask $0x2320;
	vm5 =	vcmask $0x2B28;
	vm6 =	vcmask $0x3330;
	s25 =	sadd.s32 $0xD200, s6;
	[dreg:$0x6] =	wrdreg s30  }
0xa: {  	vm7 =	vcmask $0x3B38;
	v2 =	vlaneseq.u32;
	vm8 =	vmmov $0xff;
	s7 =	sadd.s32 s7, s4;
	s26 =	sadd.s32 $0x3400, s6;
	[dreg:$0x2] =	wrdreg s25  }
0xb: {  	vm11 =	vcmask $0x704;
	vm12 =	vcmask $0xF0C;
	v1 =	vunpack.c.l.s4.s8 v0;
	s28 =	sadd.s32 $0x17000, s7;
	[dreg:$0x3] =	wrdreg s26  }
0xc: {  	s2 =	simm.s32 $0x1;
	vm13 =	vcmask $0x1714;
	vm14 =	vcmask $0x1F1C;
	vm15 =	vcmask $0x2724;
	s29 =	sadd.s32 $0x21200, s7;
	[dreg:$0x4] =	wrdreg s28  }
0xd: {  	s11 =	simm.s32 $0x4E20;
	v0 =	vimm.s32 $0x0;
	v2 =	vmul.u32 $0x2, v2;
	v1 =	vunpack.c.0.s8.s32 v1;
	s3 =	simm.s32 $0x0;
	[dreg:$0x5] =	wrdreg s29  }
.LBB2_1:
0xe: {  	[dreg:$0x8] =	wrdreg s3  }
0xf: {  	s1 =	rddreg [dreg:$0x2]  }
0x10: {  	[tilespmem:s0], [sflag:$0x1] =	stream.linear.gather [hbm4b:s1+s0], $0x2710, $0x38;
	[tilespmem:$0x9F00] =	vst v63  }
0x11: {  	_ =	swait.ge [sflag:s2], $0x2710  }
0x12: {  	[sflag:s2] =	ssyncset.done $0x0  }
0x13: {  	s31 =	simm.s32 $0x2710;
	s30 =	rddreg [dreg:$0x3];
	[sflag:s2] =	ssyncadd.s32 $0xFFFFD8F0  }
0x14: {  	[tilespmem:s31], [sflag:$0x1] =	stream.linear.gather [hbm4b:s30+s0], $0x2710, $0x38;
	[tilespmem:$0x9F00] =	vst v63  }
0x15: {  	_ =	swait.ge [sflag:s2], $0x2710  }
0x16: {  	[sflag:s2] =	ssyncset.done $0x0  }
0x17: {  	[sflag:s2] =	ssyncadd.s32 $0xFFFFD8F0  }
0x18: {  	[tilespmem:$0x4E20] =	vst v0  }
0x19: {  	s16 =	simm.s32 $0x0;
	[tilespmem:$0x4E30] =	vst v0  }
.LBB2_2:
0x1a: {  	s17 =	sshra.s32 s16, $0x2  }
0x1b: {  	v3 =	vld [tilespmem:s17+$0x2710];
	_ =	sdelay $0x4  }
0x1c: {  	(v2sf) =	vpush v3, $0xD;
	_ =	sdelay $0x1  }
0x1d: {  	(v2sf) =	vpush v3, $0xC;
	_ =	sdelay $0x1  }
0x1e: {  	(v2sf) =	vpush v3, $0xE;
	_ =	sdelay $0x1  }
0x1f: {  	(v2sf) =	vpush v3, $0xF;
	_ =	sdelay $0x1  }
0x20: {  	(v2sf) =	vpush v3, $0x9;
	_ =	sdelay $0x1  }
0x21: {  	(v2sf) =	vpush v3, $0x8;
	_ =	sdelay $0x1  }
0x22: {  	(v2sf) =	vpush v3, $0xA;
	_ =	sdelay $0x1  }
0x23: {  	(v2sf) =	vpush v3, $0xB  }
0x24: {  	(v2sf) =	vpush v3, $0x0;
	s12 =	spop (v2sf)  }
0x25: {  	s18 =	smulhi.u32 $0x66666667, s12;
	s17 =	sshra.s32 s12, $0x1F  }
0x26: {  	(v2sf) =	vpush v3, $0x1;
	s19 =	spop (v2sf);
	s17 =	smul.u32 $0x66666667, s17  }
0x27: {  	s20 =	smulhi.u32 $0x66666667, s19;
	s19 =	sshra.s32 s19, $0x1F  }
0x28: {  	(v2sf) =	vpush v3, $0x2;
	s21 =	spop (v2sf);
	s19 =	smul.u32 $0x66666667, s19  }
0x29: {  	(v2sf) =	vpush v3, $0x3;
	s23 =	smulhi.u32 $0x66666667, s21;
	s21 =	sshra.s32 s21, $0x1F  }
0x2a: {  	(v2sf) =	vpush v3, $0x4;
	s22 =	spop (v2sf);
	s21 =	smul.u32 $0x66666667, s21  }
0x2b: {  	(v2sf) =	vpush v3, $0x5;
	s28 =	smulhi.u32 $0x66666667, s22;
	s22 =	sshra.s32 s22, $0x1F  }
0x2c: {  	(v2sf) =	vpush v3, $0x6;
	s24 =	spop (v2sf);
	s22 =	smul.u32 $0x66666667, s22  }
0x2d: {  	(v2sf) =	vpush v3, $0x7;
	s29 =	smulhi.u32 $0x66666667, s24;
	s24 =	sshra.s32 s24, $0x1F  }
0x2e: {  	s18 =	sadd.s32 s17, s18;
	s25 =	spop (v2sf);
	s24 =	smul.u32 $0x66666667, s24  }
0x2f: {  	s20 =	sadd.s32 s19, s20;
	s0 =	smulhi.u32 $0x66666667, s25;
	s25 =	sshra.s32 s25, $0x1F  }
0x30: {  	s26 =	spop (v2sf);
	s15 =	sshrl.u32 s20, $0x1F;
	s25 =	smul.u32 $0x66666667, s25  }
0x31: {  	s19 =	sadd.s32 s21, s23;
	s4 =	smulhi.u32 $0x66666667, s26;
	s26 =	sshra.s32 s26, $0x1F  }
0x32: {  	s30 =	spop (v2sf);
	s17 =	sadd.s32 s22, s28;
	s6 =	smul.u32 $0x66666667, s26  }
0x33: {  	s31 =	spop (v2sf);
	s8 =	smulhi.u32 $0x66666667, s30;
	s30 =	sshra.s32 s30, $0x1F  }
0x34: {  	s24 =	sadd.s32 s24, s29;
	s29 =	sshrl.u32 s17, $0x1F;
	s30 =	smul.u32 $0x66666667, s30  }
0x35: {  	s1 =	spop (v2sf);
	s2 =	smulhi.u32 $0x66666667, s31;
	s13 =	sshra.s32 s31, $0x1F  }
0x36: {  	s31 =	sshrl.u32 s18, $0x1F;
	s25 =	sadd.s32 s25, s0;
	s9 =	smul.u32 $0x66666667, s13  }
0x37: {  	s10 =	spop (v2sf);
	s23 =	smulhi.u32 $0x66666667, s1;
	s1 =	sshra.s32 s1, $0x1F  }
0x38: {  	s13 =	sshrl.u32 s19, $0x1F;
	s3 =	spop (v2sf);
	s1 =	smul.u32 $0x66666667, s1  }
0x39: {  	s28 =	smulhi.u32 $0x66666667, s10;
	s10 =	sshra.s32 s10, $0x1F;
	s5 =	spop (v2sf)  }
0x3a: {  	s22 =	sadd.s32 s6, s4;
	s14 =	smul.u32 $0x66666667, s10;
	s7 =	spop (v2sf)  }
0x3b: {  	s4 =	smulhi.u32 $0x66666667, s3;
	s3 =	sshra.s32 s3, $0x1F;
	s26 =	spop (v2sf)  }
0x3c: {  	s21 =	sadd.s32 s30, s8;
	s3 =	smul.u32 $0x66666667, s3;
	s10 =	spop (v2sf)  }
0x3d: {  	s2 =	sadd.s32 s9, s2;
	s12 =	smulhi.u32 $0x66666667, s10;
	s6 =	sshra.s32 s10, $0x1F  }
0x3e: {  	s9 =	sshrl.u32 s24, $0x1F;
	s8 =	sshrl.u32 s21, $0x1F;
	s6 =	smul.u32 $0x66666667, s6  }
0x3f: {  	s0 =	sadd.s32 s14, s28;
	s14 =	smulhi.u32 $0x66666667, s5;
	s5 =	sshra.s32 s5, $0x1F  }
0x40: {  	s1 =	sadd.s32 s1, s23;
	s5 =	smul.u32 $0x66666667, s5;
	s23 =	sadd.s32 s6, s12  }
0x41: {  	v5 =	vmov s15;
	s28 =	sshrl.u32 s25, $0x1F;
	s15 =	sshrl.u32 s1, $0x1F;
	s30 =	sshra.s32 s23, $0x1F  }
0x42: {  	s3 =	sadd.s32 s3, s4;
	s5 =	sadd.s32 s5, s14;
	s12 =	sshra.s32 s2, $0x7;
	v4 =	vmov s30  }
0x43: {  	vm9 =	vcmask $0x2F2C;
	v5 =	vsel vm0, s31, v5;
	s14 =	sshrl.u32 s2, $0x1F;
	s4 =	smulhi.u32 $0x66666667, s26;
	s2 =	sshra.s32 s2, $0x1F;
	v4 =	vsel vm3, s12, v4  }
0x44: {  	v5 =	vsel vm1, s13, v5;
	v6 =	vmov s14;
	s10 =	smulhi.u32 $0x66666667, s7;
	s7 =	sshra.s32 s7, $0x1F;
	s30 =	sshra.s32 s1, $0x7;
	v4 =	vsel vm11, s2, v4  }
0x45: {  	v5 =	vsel vm2, s29, v5;
	s31 =	sshrl.u32 s0, $0x1F;
	v6 =	vnsel vm3, $0x0, v6;
	s7 =	smul.u32 $0x66666667, s7;
	s1 =	sshra.s32 s1, $0x1F;
	v4 =	vsel vm0, s30, v4  }
0x46: {  	v7 =	vmov s28;
	s14 =	sshra.s32 s0, $0x7;
	s0 =	sshra.s32 s0, $0x1F;
	s29 =	sshrl.u32 s5, $0x1F;
	v6 =	vsel vm0, s15, v6;
	v4 =	vsel vm12, s1, v4  }
0x47: {  	v7 =	vsel vm0, s9, v7;
	s15 =	sshrl.u32 s3, $0x1F;
	s6 =	sshrl.u32 s22, $0x1F;
	v6 =	vsel vm1, s31, v6;
	s28 =	sadd.s32 s7, s10;
	v4 =	vsel vm1, s14, v4  }
0x48: {  	s10 =	sshra.s32 s20, $0x7;
	v6 =	vsel vm2, s15, v6;
	v7 =	vsel vm1, s6, v7;
	s12 =	sshra.s32 s26, $0x1F;
	s30 =	sshra.s32 s3, $0x7;
	v4 =	vsel vm13, s0, v4  }
0x49: {  	s7 =	sshra.s32 s3, $0x1F;
	v60 =	vmov s10;
	v6 =	vsel vm4, s29, v6;
	s26 =	smul.u32 $0x66666667, s12;
	s12 =	sshra.s32 s25, $0x7;
	v4 =	vsel vm2, s30, v4  }
0x4a: {  	s9 =	sshra.s32 s5, $0x7;
	s31 =	sshrl.u32 s28, $0x1F;
	s15 =	sshra.s32 s24, $0x7;
	v7 =	vsel vm2, s8, v7;
	v8 =	vmov s12;
	v4 =	vsel vm14, s7, v4  }
0x4b: {  	s13 =	sshra.s32 s5, $0x1F;
	s22 =	sshra.s32 s22, $0x7;
	v6 =	vsel vm5, s31, v6;
	s2 =	sadd.s32 s26, s4;
	v8 =	vsel vm0, s15, v8;
	v4 =	vsel vm4, s9, v4  }
0x4c: {  	v5 =	vcombine.low v7, v5;
	s8 =	sshrl.u32 s2, $0x1F;
	s14 =	sshra.s32 s18, $0x7;
	s18 =	sshra.s32 s28, $0x7;
	v8 =	vsel vm1, s22, v8;
	v4 =	vsel vm15, s13, v4  }
0x4d: {  	s20 =	sshra.s32 s19, $0x7;
	s24 =	sshra.s32 s28, $0x1F;
	s26 =	sshra.s32 s21, $0x7;
	v6 =	vsel vm6, s8, v6;
	v7 =	vsel vm0, s14, v60;
	v4 =	vsel vm5, s18, v4  }
0x4e: {  	s25 =	sshra.s32 s17, $0x7;
	s28 =	sshra.s32 s2, $0x7;
	v8 =	vsel vm2, s26, v8;
	v7 =	vsel vm1, s20, v7;
	v4 =	vsel vm9, s24, v4  }
0x4f: {  	s29 =	sshrl.u32 s23, $0x1F;
	s30 =	sshra.s32 s2, $0x1F;
	v7 =	vsel vm2, s25, v7;
	vm9 =	vcmask $0x3734;
	v4 =	vsel vm6, s28, v4  }
0x50: {  	s31 =	sshra.s32 s23, $0x7;
	v6 =	vsel vm7, s29, v6;
	v7 =	vcombine.low v8, v7;
	v4 =	vsel vm9, s30, v4  }
0x51: {  	v5 =	vperm.xlane v5, v1;
	v6 =	vperm.xlane v6, v2;
	v4 =	vsel vm7, s31, v4  }
0x52: {  	v7 =	vperm.xlane v7, v1;
	v4 =	vperm.xlane v4, v2;
	_ =	sdelay $0x1  }
0x53: {  	v5 =	vsel vm8, v6, v5;
	v4 =	vsel vm8, v4, v7  }
0x54: {  	v4 =	vadd.s32 v5, v4  }
0x55: {  	v5 =	vmul.u32 $0xFFFFFEC0, v4  }
0x56: {  	v61 =	vsub.s32 $0x0, v3  }
0x57: {  	vm9 =	vlt.s32 v3, $0x1;
	vm10 =	vne.s32 v5, v61  }
0x58: {  	vm9 =	vmand vm9, vm10  }
0x59: {  	v3 =	vsel vm9, $0xFFFFFFFF, v0  }
0x5a: {  	v3 =	vadd.s32 v3, v4  }
0x5b: {  	(xrf1) =	vunique.msk.u32 $0xffff, v3;
	_ =	sdelay $0xd  }
0x5c: {  	v63 =	vld.idx.msk [tilespmem:v3+s11+$0x0], $0xffff;
	_, v62, vm9 =	vpop (xrf1)  }
0x5d: {  	p0 =	sne.s32 s16, $0x9C00  }
.Ltmp0:
0x5e: {  	_ = 	snop;
	(pc) =	sbr.rel @p0 .LBB2_2-.Ltmp0, $3  }
0x5f: {  	_ =	sdelay $0x1  }
0x60: {  	v4 =	vadd.s32 v63, v62  }
0x61: {  	s16 =	sadd.s32 $0x40, s16;
	[tilespmem:v3+s11+$0x0] =	vst.idx.msk vm9, v4  }
0x62: {  	v3 =	vld [tilespmem:$0x4E20]  }
0x63: {  	v4 =	vld [tilespmem:$0x4E30];
	_ =	sdelay $0x3  }
0x64: {  	v3 =	vadd.s32 $0x7, v3  }
0x65: {  	v4 =	vadd.s32 $0x7, v4;
	v5 =	vshra.s32 v3, $0x1F  }
0x66: {  	v6 =	vand.u32 $0x7, v3;
	vm9 =	vlt.s32 v3, $0x1;
	v59 =	vshra.s32 v4, $0x1F  }
0x67: {  	v7 =	vand.u32 $0x7, v4;
	v5 =	vshrl.u32 v5, $0x1D;
	vm10 =	vne.s32 v6, $0x0  }
0x68: {  	v6 =	vshrl.u32 v59, $0x1D;
	v3 =	vadd.s32 v5, v3;
	vm9 =	vmand vm9, vm10  }
0x69: {  	vm10 =	vne.s32 v7, $0x0;
	v58 =	vsel vm9, $0xFFFFFFFF, v0;
	vm9 =	vlt.s32 v4, $0x1  }
0x6a: {  	v4 =	vadd.s32 v6, v4;
	v3 =	vshrl.u32 v3, $0x3;
	vm9 =	vmand vm9, vm10  }
0x6b: {  	v3 =	vadd.s32 v58, v3;
	v4 =	vshrl.u32 v4, $0x3;
	v60 =	vsel vm9, $0xFFFFFFFF, v0  }
0x6c: {  	v3 =	vshll.u32 v3, $0x3;
	v4 =	vadd.s32 v60, v4  }
0x6d: {  	(xrf0) =	vadd.scan.msk.s32 $0xffff, v3;
	v4 =	vshll.u32 v4, $0x3  }
0x6e: {  	(xrf0) =	vadd.scan.msk.s32 $0xffff, v4;
	_ =	sdelay $0x4  }
0x6f: {  	v61, _, _ =	vpop (xrf0)  }
0x70: {  	v63 =	vbroadcast v61, $0xF;
	v62, _, _ =	vpop (xrf0)  }
0x71: {  	v3 =	vsub.s32 v61, v3;
	v4 =	vsub.s32 v62, v4  }
0x72: {  	[tilespmem:$0x4E40] =	vst v3;
	v3 =	vadd.s32 v63, v4  }
0x73: {  	s16 =	simm.s32 $0x0;
	[tilespmem:$0x4E50] =	vst v3  }
.LBB2_4:
0x74: {  	s17 =	sshra.s32 s16, $0x2  }
0x75: {  	v3 =	vld [tilespmem:s17+$0x2710];
	_ =	sdelay $0x4  }
0x76: {  	(v2sf) =	vpush v3, $0xD;
	_ =	sdelay $0x1  }
0x77: {  	(v2sf) =	vpush v3, $0xC;
	_ =	sdelay $0x1  }
0x78: {  	(v2sf) =	vpush v3, $0xE;
	_ =	sdelay $0x1  }
0x79: {  	(v2sf) =	vpush v3, $0xF;
	_ =	sdelay $0x1  }
0x7a: {  	(v2sf) =	vpush v3, $0x9;
	_ =	sdelay $0x1  }
0x7b: {  	(v2sf) =	vpush v3, $0x8;
	_ =	sdelay $0x1  }
0x7c: {  	(v2sf) =	vpush v3, $0xA;
	_ =	sdelay $0x1  }
0x7d: {  	(v2sf) =	vpush v3, $0xB  }
0x7e: {  	s0 =	spop (v2sf)  }
0x7f: {  	(v2sf) =	vpush v3, $0x0;
	s1 =	smulhi.u32 $0x66666667, s0;
	s0 =	sshra.s32 s0, $0x1F  }
0x80: {  	(v2sf) =	vpush v3, $0x1;
	s2 =	spop (v2sf);
	s0 =	smul.u32 $0x66666667, s0  }
0x81: {  	s3 =	smulhi.u32 $0x66666667, s2;
	s2 =	sshra.s32 s2, $0x1F  }
0x82: {  	(v2sf) =	vpush v3, $0x2;
	s4 =	spop (v2sf);
	s2 =	smul.u32 $0x66666667, s2  }
0x83: {  	s6 =	smulhi.u32 $0x66666667, s4;
	s4 =	sshra.s32 s4, $0x1F  }
0x84: {  	(v2sf) =	vpush v3, $0x3;
	s5 =	spop (v2sf);
	s4 =	smul.u32 $0x66666667, s4  }
0x85: {  	(v2sf) =	vpush v3, $0x4;
	s9 =	smulhi.u32 $0x66666667, s5;
	s5 =	sshra.s32 s5, $0x1F  }
0x86: {  	(v2sf) =	vpush v3, $0x5;
	s7 =	spop (v2sf);
	s5 =	smul.u32 $0x66666667, s5  }
0x87: {  	(v2sf) =	vpush v3, $0x6;
	s13 =	smulhi.u32 $0x66666667, s7;
	s7 =	sshra.s32 s7, $0x1F  }
0x88: {  	(v2sf) =	vpush v3, $0x7;
	s8 =	spop (v2sf);
	s7 =	smul.u32 $0x66666667, s7  }
0x89: {  	s23 =	smulhi.u32 $0x66666667, s8;
	s8 =	sshra.s32 s8, $0x1F  }
0x8a: {  	s10 =	spop (v2sf);
	s8 =	smul.u32 $0x66666667, s8  }
0x8b: {  	s19 =	sadd.s32 s0, s1;
	s30 =	smulhi.u32 $0x66666667, s10;
	s10 =	sshra.s32 s10, $0x1F  }
0x8c: {  	s21 =	sadd.s32 s2, s3;
	s15 =	spop (v2sf);
	s10 =	smul.u32 $0x66666667, s10  }
0x8d: {  	s3 =	sshrl.u32 s19, $0x1F;
	s12 =	smulhi.u32 $0x66666667, s15;
	s15 =	sshra.s32 s15, $0x1F  }
0x8e: {  	s18 =	spop (v2sf);
	s25 =	sadd.s32 s7, s13;
	s0 =	smul.u32 $0x66666667, s15  }
0x8f: {  	s22 =	spop (v2sf);
	s1 =	smulhi.u32 $0x66666667, s18;
	s20 =	sshra.s32 s18, $0x1F  }
0x90: {  	s15 =	sshrl.u32 s21, $0x1F;
	s18 =	sadd.s32 s5, s9;
	s26 =	sadd.s32 s8, s23  }
0x91: {  	s24 =	spop (v2sf);
	s2 =	smul.u32 $0x66666667, s20;
	s20 =	sadd.s32 s4, s6  }
0x92: {  	s4 =	smulhi.u32 $0x66666667, s22;
	s22 =	sshra.s32 s22, $0x1F;
	s9 =	sshrl.u32 s18, $0x1F  }
0x93: {  	s23 =	sadd.s32 s10, s30;
	s29 =	spop (v2sf);
	s5 =	smul.u32 $0x66666667, s22  }
0x94: {  	s6 =	smulhi.u32 $0x66666667, s24;
	s24 =	sshra.s32 s24, $0x1F;
	s31 =	spop (v2sf)  }
0x95: {  	s11 =	sshrl.u32 s20, $0x1F;
	s7 =	smul.u32 $0x66666667, s24;
	s14 =	spop (v2sf)  }
0x96: {  	s8 =	smulhi.u32 $0x66666667, s29;
	s13 =	sshra.s32 s29, $0x1F;
	s28 =	spop (v2sf)  }
0x97: {  	s22 =	sadd.s32 s0, s12;
	s0 =	smul.u32 $0x66666667, s13;
	s24 =	spop (v2sf)  }
0x98: {  	s1 =	sadd.s32 s2, s1;
	s2 =	smulhi.u32 $0x66666667, s24;
	s10 =	sshra.s32 s24, $0x1F  }
0x99: {  	s12 =	sshrl.u32 s25, $0x1F;
	s4 =	sadd.s32 s5, s4;
	s29 =	smul.u32 $0x66666667, s10  }
0x9a: {  	s30 =	smulhi.u32 $0x66666667, s31;
	s13 =	sshrl.u32 s26, $0x1F;
	s24 =	sshra.s32 s31, $0x1F  }
0x9b: {  	v5 =	vmov s15;
	s6 =	sadd.s32 s7, s6;
	s10 =	smul.u32 $0x66666667, s24;
	s24 =	sadd.s32 s29, s2  }
0x9c: {  	v5 =	vsel vm0, s3, v5;
	s0 =	sadd.s32 s0, s8;
	s8 =	sshrl.u32 s22, $0x1F;
	s5 =	sshra.s32 s24, $0x1F  }
0x9d: {  	v5 =	vsel vm1, s11, v5;
	s11 =	sshra.s32 s6, $0x7;
	s3 =	smulhi.u32 $0x66666667, s14;
	s29 =	sshra.s32 s1, $0x7;
	v4 =	vmov s5  }
0x9e: {  	s7 =	sadd.s32 s10, s30;
	s30 =	sshrl.u32 s1, $0x1F;
	s1 =	sshra.s32 s1, $0x1F;
	v4 =	vsel vm3, s29, v4  }
0x9f: {  	vm9 =	vcmask $0x2F2C;
	v7 =	vmov s13;
	s15 =	sshra.s32 s14, $0x1F;
	s14 =	sshrl.u32 s0, $0x1F;
	s29 =	sshra.s32 s4, $0x7;
	v4 =	vsel vm11, s1, v4  }
0xa0: {  	v7 =	vsel vm0, s12, v7;
	s31 =	sshrl.u32 s4, $0x1F;
	s2 =	sshrl.u32 s23, $0x1F;
	v6 =	vmov s30;
	s4 =	sshra.s32 s4, $0x1F;
	v4 =	vsel vm0, s29, v4  }
0xa1: {  	s10 =	smul.u32 $0x66666667, s15;
	s30 =	sshrl.u32 s6, $0x1F;
	s6 =	sshra.s32 s6, $0x1F;
	v7 =	vsel vm1, s2, v7;
	v6 =	vnsel vm3, $0x0, v6;
	v4 =	vsel vm12, s4, v4  }
0xa2: {  	s13 =	sshra.s32 s7, $0x1F;
	s5 =	smulhi.u32 $0x66666667, s28;
	v7 =	vsel vm2, s8, v7;
	s8 =	sshra.s32 s21, $0x7;
	v6 =	vsel vm0, s31, v6;
	v4 =	vsel vm1, s11, v4  }
0xa3: {  	v5 =	vsel vm2, s9, v5;
	s31 =	sshra.s32 s28, $0x1F;
	s28 =	sadd.s32 s10, s3;
	v6 =	vsel vm1, s30, v6;
	s30 =	sshra.s32 s0, $0x7;
	v4 =	vsel vm13, s6, v4  }
0xa4: {  	v5 =	vcombine.low v7, v5;
	s10 =	sshra.s32 s26, $0x7;
	v56 =	vmov s8;
	s15 =	smul.u32 $0x66666667, s31;
	s0 =	sshra.s32 s0, $0x1F;
	v4 =	vsel vm2, s30, v4  }
0xa5: {  	v8 =	vmov s10;
	v6 =	vsel vm2, s14, v6;
	s29 =	sshrl.u32 s7, $0x1F;
	s14 =	sshra.s32 s19, $0x7;
	s6 =	sshra.s32 s7, $0x7;
	v4 =	vsel vm14, s0, v4  }
0xa6: {  	v6 =	vsel vm4, s29, v6;
	s31 =	sadd.s32 s15, s5;
	s4 =	sshrl.u32 s28, $0x1F;
	s15 =	sshra.s32 s25, $0x7;
	v7 =	vsel vm0, s14, v56;
	v4 =	vsel vm4, s6, v4  }
0xa7: {  	s20 =	sshra.s32 s20, $0x7;
	s19 =	sshra.s32 s28, $0x7;
	v6 =	vsel vm5, s4, v6;
	s5 =	sshrl.u32 s31, $0x1F;
	v8 =	vsel vm0, s15, v8;
	v4 =	vsel vm15, s13, v4  }
0xa8: {  	s21 =	sshra.s32 s23, $0x7;
	s23 =	sshra.s32 s28, $0x1F;
	s25 =	sshra.s32 s18, $0x7;
	v7 =	vsel vm1, s20, v7;
	v6 =	vsel vm6, s5, v6;
	v4 =	vsel vm5, s19, v4  }
0xa9: {  	s26 =	sshra.s32 s22, $0x7;
	s28 =	sshra.s32 s31, $0x7;
	v8 =	vsel vm1, s21, v8;
	v7 =	vsel vm2, s25, v7;
	v4 =	vsel vm9, s23, v4  }
0xaa: {  	s29 =	sshrl.u32 s24, $0x1F;
	v8 =	vsel vm2, s26, v8;
	s30 =	sshra.s32 s31, $0x1F;
	vm9 =	vcmask $0x3734;
	v4 =	vsel vm6, s28, v4  }
0xab: {  	v6 =	vsel vm7, s29, v6;
	s31 =	sshra.s32 s24, $0x7;
	v7 =	vcombine.low v8, v7;
	v4 =	vsel vm9, s30, v4  }
0xac: {  	v5 =	vperm.xlane v5, v1;
	v6 =	vperm.xlane v6, v2;
	v4 =	vsel vm7, s31, v4  }
0xad: {  	v7 =	vperm.xlane v7, v1;
	v4 =	vperm.xlane v4, v2;
	_ =	sdelay $0x1  }
0xae: {  	v5 =	vsel vm8, v6, v5;
	v4 =	vsel vm8, v4, v7  }
0xaf: {  	v4 =	vadd.s32 v5, v4  }
0xb0: {  	v5 =	vmul.u32 $0xFFFFFEC0, v4  }
0xb1: {  	v57 =	vsub.s32 $0x0, v3  }
0xb2: {  	vm9 =	vlt.s32 v3, $0x1;
	vm10 =	vne.s32 v5, v57  }
0xb3: {  	vm9 =	vmand vm9, vm10  }
0xb4: {  	v58 =	vsel vm9, $0xFFFFFFFF, v0  }
0xb5: {  	v4 =	vadd.s32 v58, v4  }
0xb6: {  	(xrf1) =	vunique.msk.u32 $0xffff, v4;
	_ =	sdelay $0xc  }
0xb7: {  	v9 =	vimm.s32 $0x0  }
0xb8: {  	s9 =	simm.s32 $0x4E40;
	v59 =	vshra.s32 v4, $0x1F;
	v60 =	vand.u32 $0xF, v4;
	vm10 =	vlt.s32 v4, $0x1;
	_, v61, vm9 =	vpop (xrf1)  }
0xb9: {  	v6 =	vshrl.u32 v59, $0x1C;
	v5 =	vld.idx.msk [tilespmem:v4+s9+$0x0], $0xffff;
	v9 =	vsel vm9, $0xFFFFFFFF, v9;
	vm9 =	vmmov vm2  }
0xba: {  	vm2 =	vmmov vm1;
	vm1 =	vmmov vm0;
	vm0 =	vmmov vm8  }
0xbb: {  	vm8 =	vmmov vm7;
	vm7 =	vmmov vm6;
	vm6 =	vmmov vm5  }
0xbc: {  	vm5 =	vmmov vm4;
	vm4 =	vmmov vm3;
	vm3 =	vmmov vm15  }
0xbd: {  	vm15 =	vmmov vm14;
	vm14 =	vmmov vm13;
	vm13 =	vmmov vm12  }
0xbe: {  	vm12 =	vmmov vm11;
	vm11 =	vne.s32 v60, $0x0;
	v5 =	vadd.s32 v5, v61  }
0xbf: {  	v62 =	vld [tilespmem:s17+$0x0];
	v6 =	vadd.s32 v6, v4;
	vm10 =	vmand vm10, vm11;
	v8 =	vadd.s32 $0xFFFFFFFF, v5  }
0xc0: {  	v6 =	vshrl.u32 v6, $0x4;
	v63 =	vsel vm10, $0xFFFFFFFF, v0  }
0xc1: {  	v6 =	vadd.s32 v63, v6  }
0xc2: {  	v6 =	vmul.u32 $0xFFFFEC00, v6  }
0xc3: {  	s11 =	simm.s32 $0x4E60;
	[tilespmem:$0x1FFF0] =	vst v9  }
0xc4: {  	s12 =	simm.s32 $0x76B0;
	v3 =	vadd.s32 v3, v6;
	[tilespmem:v8+s11+$0x0] =	vst.idx.msk $0xffff, v62  }
0xc5: {  	[tilespmem:v8+s12+$0x0] =	vst.idx.msk $0xffff, v3;
	v3 =	vld [tilespmem:$0x1FFF0]  }
0xc6: {  	vm11 =	vmmov vm12;
	vm12 =	vmmov vm13;
	vm13 =	vmmov vm14  }
0xc7: {  	vm14 =	vmmov vm15;
	vm15 =	vmmov vm3;
	vm3 =	vmmov vm4  }
0xc8: {  	vm4 =	vmmov vm5;
	vm5 =	vmmov vm6;
	vm6 =	vmmov vm7  }
0xc9: {  	vm7 =	vmmov vm8;
	vm8 =	vmmov vm0;
	vm0 =	vmmov vm1  }
0xca: {  	vm1 =	vmmov vm2;
	vm2 =	vmmov vm9;
	vm9 =	vnez.u8 v3  }
0xcb: {  	p0 =	sne.s32 s16, $0x9C00  }
.Ltmp1:
0xcc: {  	_ = 	snop;
	(pc) =	sbr.rel @p0 .LBB2_4-.Ltmp1, $2  }
0xcd: {  	_ =	sdelay $0x2  }
0xce: {  	s16 =	sadd.s32 $0x40, s16;
	[tilespmem:v4+s9+$0x0] =	vst.idx.msk vm9, v5  }
0xcf: {  	s0 =	simm.s32 $0x0;
	s1 =	rddreg [dreg:$0x4];
	s2 =	simm.s32 $0x1  }
0xd0: {  	[hbm4b:s1+s0] =	stream.linear.scatter [tilespmem:s11], [sflag:$0x1], $0x2850, $0x38;
	[tilespmem:$0x9F00] =	vst v63  }
0xd1: {  	_ =	swait.ge [sflag:s2], $0x2850  }
0xd2: {  	[sflag:s2] =	ssyncset.done $0x0  }
0xd3: {  	s29 =	rddreg [dreg:$0x5];
	[sflag:s2] =	ssyncadd.s32 $0xFFFFD7B0  }
0xd4: {  	[hbm4b:s29+s0] =	stream.linear.scatter [tilespmem:s12], [sflag:$0x1], $0x2850, $0x38;
	[tilespmem:$0x9F00] =	vst v63  }
0xd5: {  	_ =	swait.ge [sflag:s2], $0x2850  }
0xd6: {  	[sflag:s2] =	ssyncset.done $0x0  }
0xd7: {  	s11 =	simm.s32 $0x4E20;
	s30 =	rddreg [dreg:$0x6];
	[sflag:s2] =	ssyncadd.s32 $0xFFFFD7B0  }
0xd8: {  	[hbm4b:s30+s0] =	stream.linear.scatter [tilespmem:s11], [sflag:$0x1], $0x20, $0x38;
	[tilespmem:$0x9F00] =	vst v63  }
0xd9: {  	_ =	swait.ge [sflag:s2], $0x20  }
0xda: {  	s3 =	rddreg [dreg:$0x8]  }
0xdb: {  	s31 =	rddreg [dreg:$0x7];
	s3 =	sadd.s32 $0x1, s3  }
0xdc: {  	p0 =	sne.s32 s3, s31  }
.Ltmp2:
0xdd: {  	_ = 	snop;
	(pc) =	sbr.rel @p0 .LBB2_1-.Ltmp2, $3  }
0xde: {  	_ =	sdelay $0x1  }
0xdf: {  	[sflag:s2] =	ssyncset.done $0x0  }
0xe0: {  	[sflag:s2] =	ssyncadd.s32 $0xFFFFFFE0  }
0xe1: {  	_ =	sfence.sel $0x180000  }
0xe2: {  	[bflag:$0x0] =	sbarrier.arrive $0xFFFF  }
0xe3: {  	_ =	strace $0x90000047  }
0xe4: {  	s0 =	stileid.u32;
	[bflag:$0x2] =	sbarrier.arrive $0xFFFF  }
0xe5: {  	p0 =	sne.s32 s0, $0x0;
	s0 =	rddreg [dreg:$0x1]  }
0xe6: {  	s0 =	sadd.s32 @!p0 $0x100000, s0  }
0xe7: {  	[sflag:s0] =	ssyncadd.tile.s32 @!p0 $0x1;
	_ =	shalt  }
.Lfunc_end2:
_tile_overlayer_lowered:
.L_overlay_start_2:
0xe8: {  	(tag) =	ssettag $0x2  }
0xe9: {  	s0 =	rddreg [dreg:$0x0];
	s2 =	stileid.u32  }
0xea: {  	s1 =	rddreg [dreg:$0x1];
	p0 =	sne.s32 s2, $0x0  }
0xeb: {  	s3 =	rddreg [dreg:$0x2];
	[bflag:$0x3] =	sbarrier.arrive $0xFFFF;
	s2 =	simm.s32 @!p0 $0x1C01  }
0xec: {  	[timem:s3], [sflag:s2] =	dma.local @!p0 [hbm:s0], s1  }
0xed: {  	s0 =	simm.s32 @!p0 $0x1  }
0xee: {  	_ =	swait.ge @!p0 [sflag:s0], s1  }
0xef: {  	s1 =	ssub.s32 @!p0 $0x0, s1;
	[sflag:s0] =	ssyncset.done @!p0 $0x0  }
0xf0: {  	[sflag:s0] =	ssyncadd.s32 @!p0 s1  }
0xf1: {  	[bflag:$0x3] =	sbarrier.arrive $0xFFFF  }
0xf2: {  	_ =	shalt  }

// kernel: kernel.13.cloned.1.call-start
scs
__scs_entry_jumppad:
0x0: {  	(pc) =	sbr.rel $0x88, $3  }
0x1: {  	(tag) =	ssettag $0x0;
	lr =	simm.s32 $0x1  }
0x2: {  	[smem:$0x3F90] =	sst lr;
	_ =	strace $0xD0000000  }
0x3: {  	_ = 	snop  }
0x4: {  	_ = 	snop  }
0x5: {  	_ = 	snop  }
0x6: {  	_ = 	snop  }
0x7: {  	_ = 	snop  }
__scs_overlays_trampoline_lowered:
0x8: {  	[smem:$0x3F9F] =	sst s0  }
0x9: {  	[smem:$0x3FA0] =	sst s1  }
0xa: {  	[smem:$0x3FA1] =	sst s2  }
0xb: {  	[smem:$0x3FA2] =	sst s3  }
0xc: {  	[smem:$0x3FA3] =	sst s4  }
0xd: {  	[smem:$0x3FA4] =	sst s5  }
0xe: {  	[smem:$0x3FA5] =	sst s6  }
0xf: {  	[smem:$0x3FA6] =	sst s7  }
0x10: {  	[smem:$0x3FA7] =	sst s8  }
0x11: {  	[smem:$0x3FA8] =	sst s9;
	s0 =	simm.s32 @!p0 $0x0  }
0x12: {  	s1 =	sld [smem:$0x3F8E];
	s0 =	simm.s32 @p0 $0x1  }
0x13: {  	[smem:$0x3FA9] =	sst s0;
	s0 =	simm.s32 @!p1 $0x0  }
0x14: {  	s2 =	sld [smem:$0x3F8D];
	s0 =	simm.s32 @p1 $0x1  }
0x15: {  	[smem:$0x3FAA] =	sst s0;
	s0 =	simm.s32 @!p2 $0x0  }
0x16: {  	s3 =	sld [smem:$0x3FDB];
	s0 =	simm.s32 @p2 $0x1  }
0x17: {  	s4 =	simm.s32 $0x1BF5;
	[smem:$0x3FAC] =	sst s0  }
0x18: {  	s0 =	sld [smem:$0x3F8F];
	_ =	swait.ge [sflag:s4], $0x0  }
0x19: {  	s7 =	sld [smem:$0x3F90]  }
0x1a: {  	s8 =	sadd.s32 $0xFFFFE003, lr  }
0x1b: {  	s9 =	sadd.s32 $0xFFFFFEF7, lr;
	s5 =	simm.s32 $0xFFFFFFFF;
	p2 =	slt.u32 s8, $0xFFFFF086  }
0x1c: {  	p1 =	slt.u32 s9, $0xF7A;
	s5 =	simm.s32 @!p2 $0x0  }
0x1d: {  	s5 =	simm.s32 @p1 $0x1;
	p0 =	seq.s32 s7, s2  }
0x1e: {  	s7 =	smul.u32 @!p0 $0xF7A, s2;
	p2 =	seq.s32 @!p0 s5, $0x0  }
0x1f: {  	s9 =	smul.u32 $0xF7A, s1;
	s8 =	simm.s32 @!p0 $0x1BF5;
	p2 =	por !p2, p0  }
0x20: {  	[sflag:s8] =	ssyncset.s32 @!p0 $0xFFFFF086;
	s6 =	sadd.s32 @!p0 s3, s7;
	s7 =	simm.s32 @!p0 $0x108  }
0x21: {  	s3 =	sadd.s32 s3, s9;
	s6 =	sadd.s32 @!p0 $0x88, s6;
	s7 =	simm.s32 @p2 $0x1082  }
0x22: {  	[simem:s7], [sflag:s8] =	dma.local @!p0 [hbm:s6], $0xF7A  }
0x23: {  	s9 =	sor.u32 $0xD0000000, s2;
	s6 =	simm.s32 $0x108;
	_ =	swait.ge @!p0 [sflag:s8], $0x0  }
0x24: {  	s3 =	sadd.s32 $0x88, s3;
	s6 =	simm.s32 @!p1 $0x1082;
	[sflag:s4] =	ssyncset.s32 $0xFFFFF086  }
0x25: {  	[simem:s6], [sflag:s4] =	dma.local [hbm:s3], $0xF7A  }
0x26: {  	[smem:$0x3F90] =	sst s1;
	(tag) =	ssettag s2;
	_ =	strace s9  }
0x27: {  	s1 =	sld [smem:$0x3FA0]  }
0x28: {  	s2 =	sld [smem:$0x3FA1]  }
0x29: {  	s4 =	sld [smem:$0x3FA3]  }
0x2a: {  	p0 =	seq.s32 s5, $0x0;
	s5 =	sld [smem:$0x3FA4]  }
0x2b: {  	s6 =	sld [smem:$0x3FA5]  }
0x2c: {  	s7 =	sld [smem:$0x3FA6]  }
0x2d: {  	s3 =	simm.s32 $0x108;
	s8 =	sld [smem:$0x3FA7]  }
0x2e: {  	s3 =	simm.s32 @!p0 $0x1082;
	s9 =	sld [smem:$0x3FA8]  }
0x2f: {  	lr =	sadd.s32 s0, s3;
	s0 =	sld [smem:$0x3F9F]  }
0x30: {  	s3 =	sld [smem:$0x3FA2]  }
0x31: {  	[smem:$0x3FAB] =	sst s10  }
0x32: {  	s10 =	sld [smem:$0x3FA9];
	_ =	sdelay $0x3  }
0x33: {  	p0 =	seq.s32 s10, $0x1;
	s10 =	sld [smem:$0x3FAB];
	_ =	sdelay $0x3  }
0x34: {  	[smem:$0x3FAB] =	sst s10  }
0x35: {  	s10 =	sld [smem:$0x3FAA];
	_ =	sdelay $0x3  }
0x36: {  	p1 =	seq.s32 s10, $0x1;
	s10 =	sld [smem:$0x3FAB];
	_ =	sdelay $0x3  }
0x37: {  	[smem:$0x3FAB] =	sst s10  }
0x38: {  	s10 =	sld [smem:$0x3FAC]  }
0x39: {  	_ = 	snop;
	(pc) =	sbr.ind lr, $3  }
0x3a: {  	_ = 	snop  }
0x3b: {  	_ = 	snop  }
0x3c: {  	p2 =	seq.s32 s10, $0x1;
	s10 =	sld [smem:$0x3FAB]  }
0x3d: {  	_ =	shalt  }
0x3e: {  	_ =	shalt  }
0x3f: {  	_ =	shalt  }
0x40: {  	_ =	shalt  }
0x41: {  	_ =	shalt  }
0x42: {  	_ =	shalt  }
0x43: {  	_ =	shalt  }
0x44: {  	_ =	shalt  }
0x45: {  	_ =	shalt  }
0x46: {  	_ =	shalt  }
0x47: {  	_ =	shalt  }
0x48: {  	_ =	shalt  }
0x49: {  	_ =	shalt  }
0x4a: {  	_ =	shalt  }
0x4b: {  	_ =	shalt  }
0x4c: {  	_ =	shalt  }
0x4d: {  	_ =	shalt  }
0x4e: {  	_ =	shalt  }
0x4f: {  	_ =	shalt  }
0x50: {  	_ =	shalt  }
0x51: {  	_ =	shalt  }
0x52: {  	_ =	shalt  }
0x53: {  	_ =	shalt  }
0x54: {  	_ =	shalt  }
0x55: {  	_ =	shalt  }
0x56: {  	_ =	shalt  }
0x57: {  	_ =	shalt  }
0x58: {  	_ =	shalt  }
0x59: {  	_ =	shalt  }
0x5a: {  	_ =	shalt  }
0x5b: {  	_ =	shalt  }
0x5c: {  	_ =	shalt  }
0x5d: {  	_ =	shalt  }
0x5e: {  	_ =	shalt  }
0x5f: {  	_ =	shalt  }
0x60: {  	_ =	shalt  }
0x61: {  	_ =	shalt  }
0x62: {  	_ =	shalt  }
0x63: {  	_ =	shalt  }
0x64: {  	_ =	shalt  }
0x65: {  	_ =	shalt  }
0x66: {  	_ =	shalt  }
0x67: {  	_ =	shalt  }
0x68: {  	_ =	shalt  }
0x69: {  	_ =	shalt  }
0x6a: {  	_ =	shalt  }
0x6b: {  	_ =	shalt  }
0x6c: {  	_ =	shalt  }
0x6d: {  	_ =	shalt  }
0x6e: {  	_ =	shalt  }
0x6f: {  	_ =	shalt  }
0x70: {  	_ =	shalt  }
0x71: {  	_ =	shalt  }
0x72: {  	_ =	shalt  }
0x73: {  	_ =	shalt  }
0x74: {  	_ =	shalt  }
0x75: {  	_ =	shalt  }
0x76: {  	_ =	shalt  }
0x77: {  	_ =	shalt  }
0x78: {  	_ =	shalt  }
0x79: {  	_ =	shalt  }
0x7a: {  	_ =	shalt  }
0x7b: {  	_ =	shalt  }
0x7c: {  	_ =	shalt  }
0x7d: {  	_ =	shalt  }
0x7e: {  	_ =	shalt  }
0x7f: {  	_ =	shalt  }
0x80: {  	_ =	shalt  }
0x81: {  	_ =	shalt  }
0x82: {  	_ =	shalt  }
0x83: {  	_ =	shalt  }
0x84: {  	_ =	shalt  }
0x85: {  	_ =	shalt  }
0x86: {  	_ =	shalt  }
0x87: {  	_ =	shalt  }
.Lfunc_end0:
.L_simem_size_0:
called_computation.1_lowered:
.L_overlay_start_0:
0x88: {  	s2 =	sld [smem:$0x3FD9]  }
0x89: {  	s3 =	sld [smem:$0x3FFE];
	_ =	sdelay $0x1  }
0x8a: {  	s1 =	srdreg.scid  }
0x8b: {  	s0 =	sand.u32 $0x1, s1  }
0x8c: {  	s16 =	sshll.u32 s0, $0xA;
	s2 =	sadd.s32 s3, s2  }
0x8d: {  	s2 =	sadd.s32 s2, s16  }
0x8e: {  	[smem:$0x3FB7] =	sst s2  }
0x8f: {  	_ = 	snop  }
0x90: {  	(tm) =	ssettm $0x1  }
0x91: {  	s17 =	sld [smem:$0x3FFB];
	_ =	sdelay $0x3  }
0x92: {  	_ =	strace s17  }
0x93: {  	s2 =	sld [smem:$0x3FFC];
	_ =	sdelay $0x3  }
0x94: {  	_ =	strace s2  }
0x95: {  	s2 =	sld [smem:$0x3FFD];
	_ =	sdelay $0x3  }
0x96: {  	_ =	strace s2  }
0x97: {  	_ =	strace $0x8FFFFFFF  }
0x98: {  	s18 =	sld [smem:$0x3FDB];
	_ =	sdelay $0x1  }
0x99: {  	s19 =	simm.s32 $_scs_section_size  }
0x9a: {  	s4 =	simm.s32 $_size__tile_overlayer_lowered;
	s5 =	simm.s32 $_tile_overlayer_lowered  }
0x9b: {  	s22 =	simm.s32 $0x1BFF;
	s21 =	sshll.u32 s5, $0x1;
	s2 =	sadd.s32 s19, s18  }
0x9c: {  	s6 =	simm.s32 $0x0;
	s20 =	sshll.u32 s4, $0x1;
	s4 =	sadd.s32 s21, s2  }
0x9d: {  	[timem:s6], [sflag:s22] =	dma.local [hbm:s4], s20  }
0x9e: {  	_ =	swait.ge [sflag:s22], s20  }
0x9f: {  	s3 =	ssub.s32 $0x0, s20;
	[sflag:s22] =	ssyncset.done $0x0  }
0xa0: {  	[sflag:s22] =	ssyncadd.s32 s3;
	_ =	sdelay $0x1  }
0xa1: {  	s23 =	simm.s32 $0x1B8B  }
0xa2: {  	_ =	swait.ge [sflag:s23], $0x1  }
0xa3: {  	[sflag:s23] =	ssyncset.done $0x0  }
0xa4: {  	s25 =	simm.s32 $0x1B8E;
	s24 =	sld [smem:$0x3FFE];
	[sflag:s23] =	ssyncadd.s32 $0xFFFFFFFF  }
0xa5: {  	s26 =	simm.s32 $execute0_lowered;
	[smem:$0x3FD2] =	sst s25  }
0xa6: {  	s4 =	sshll.u32 s26, $0x1;
	_ =	strace $0x80000049;
	[dreg:$0x1] =	wrdreg $0xFFFFFFFF  }
0xa7: {  	s28 =	simm.s32 $_size_execute0_lowered;
	s2 =	sadd.s32 s2, s4;
	[dreg:$0x0] =	wrdreg $0x0  }
0xa8: {  	s4 =	sshll.u32 s28, $0x1;
	[dreg:$0x2] =	wrdreg s2  }
0xa9: {  	[dreg:$0x3] =	wrdreg s4  }
0xaa: {  	[dreg:$0x4] =	wrdreg $0xC0  }
0xab: {  	_ =	task [dreg:s6], $0x5FFFF  }
0xac: {  	[dreg:$0x1] =	wrdreg $0xFFFFFFFF  }
0xad: {  	[dreg:$0x0] =	wrdreg $0x60  }
0xae: {  	[dreg:$0x2] =	wrdreg s24  }
0xaf: {  	[dreg:$0x3] =	wrdreg $0x2CA00  }
0xb0: {  	[dreg:$0x4] =	wrdreg $0x9  }
0xb1: {  	_ =	task.clear_ibuf [dreg:s6], $0x5FFFF;
	_ =	strace $0x90000049  }
0xb2: {  	s29 =	simm.s32 $0x9;
	_ =	strace $0x8000004B  }
0xb3: {  	_ =	swait.ge [sflag:s29], $0x1  }
0xb4: {  	[sflag:s29] =	ssyncadd.s32 $0xFFFFFFFF  }
0xb5: {  	_ =	strace $0x9000004B  }
0xb6: {  	_ =	sfence  }
0xb7: {  	s30 =	sld [smem:$0x0];
	_ =	sdelay $0x2  }
0xb8: {  	s31 =	sshll.u32 s1, $0xD;
	s1 =	sshrl.u32 s1, $0x2  }
0xb9: {  	s3 =	sand.u32 $0x4000, s31;
	s1 =	sadd.s32 s1, s30  }
0xba: {  	s0 =	sor.u32 s3, s0;
	s1 =	sshll.u32 s1, $0x11  }
0xbb: {  	s0 =	sor.u32 s1, s0  }
0xbc: {  	s0 =	sadd.s32 $0x8F2B, s0  }
0xbd: {  	[sflag:s0] =	ssyncadd.remote.s32 $0x1  }
0xbe: {  	_ =	sfence.sel $0xFFFF  }
0xbf: {  	[dreg:$0x0] =	wrdreg $0xFFFFFFFF;
	(pc) =	sbr.abs _section_cstart, $3  }
0xc0: {  	[dreg:$0x1] =	wrdreg $0xFFFFFFFF  }
0xc1: {  	_ =	task.clear_ibuf [dreg:s6], $0x2FFFF;
	_ =	strace $0x9FFFFFFF  }
0xc2: {  	(tm) =	ssettm $0x7FFFFFFF  }
0xc3: {  	_ =	shalt  }
tec
execute0_lowered:
.L_overlay_start_1:
0x0: {  	(tag) =	ssettag $0x1  }
0x1: {  	s9 =	rddreg [dreg:$0x0]  }
0x2: {  	s1 =	rddreg [dreg:$0x1];
	s3 =	srdreg.scid  }
0x3: {  	s2 =	simm.s32 $0x0;
	s14 =	stileid.u32;
	s15 =	simm.s32 $0x400  }
0x4: {  	s16 =	simm.s32 $0x450;
	s17 =	simm.s32 $0x50;
	s18 =	simm.s32 $0x4A0  }
0x5: {  	s19 =	simm.s32 $0x0;
	s7 =	sand.u32 $0x1, s3;
	[smem:$0x7FF] =	sst s2  }
0x6: {  	s4 =	sadd.s32 $0x2B600, s9;
	s5 =	sadd.s32 $0x17000, s9;
	s6 =	sadd.s32 $0x21200, s9  }
0x7: {  	s12 =	smul.u32 $0x28000, s14;
	s0 =	sadd.s32 $0x2B400, s9;
	s24 =	sadd.s32 $0x3400, s9  }
0x8: {  	s30 =	sshll.u32 s14, $0x6;
	_ =	strace $0x8000004A;
	[dreg:$0x3] =	wrdreg s0  }
0x9: {  	s3 =	sshll.u32 s7, $0x4;
	s11 =	ssub.s32 $0x2, s7;
	[dreg:$0x4] =	wrdreg s24  }
0xa: {  	s3 =	sor.u32 s14, s3;
	s13 =	sshrl.u32 s11, $0x1;
	s26 =	sshrl.u32 s12, $0x2  }
0xb: {  	s12 =	sor.u32 $0x1C02, s30;
	s10 =	smul.u32 $0x1400, s3;
	s25 =	ssub.s32 s11, s13  }
0xc: {  	s28 =	sadd.s32 s26, s1;
	p0 =	seq.s32 s3, $0x0;
	s31 =	smax.u32 s25, $0x1  }
.Ltmp0:
0xd: {  	s0 =	simm.s32 @!p0 $0x0;
	s9 =	sadd.s32 s10, s9;
	(pc) =	sbr.rel .LBB2_1-.Ltmp0, $4  }
0xe: {  	[dreg:$0x6] =	wrdreg s31;
	s0 =	simm.s32 @p0 $0x1;
	p0 =	sne.s32 s14, $0x0  }
0xf: {  	v0 =	vlaneseq.u32;
	s29 =	sadd.s32 $0x52800, s9;
	[smem:$0x7FC] =	sst s0;
	s0 =	simm.s32 @!p0 $0x0  }
0x10: {  	v1 =	vadd.s32 $0x1, v0;
	v2 =	vadd.s32 $0x11, v0;
	s11 =	simm.s32 $0x2;
	[dreg:$0x5] =	wrdreg s29;
	s0 =	simm.s32 @p0 $0x1  }
0x11: {  	v3 =	vadd.s32 $0x21, v0;
	v4 =	vadd.s32 $0x31, v0;
	v5 =	vadd.s32 $0x41, v0;
	s13 =	sshrl.u32 s28, $0x3;
	s14 =	simm.s32 $0x1;
	[smem:$0x7FD] =	sst s0  }
.LBB2_19:
0x12: {  	s0 =	rddreg [dreg:$0x5]  }
0x13: {  	[hbm:s0], [sflag:s12] =	dma.local [spmem:s13], $0x1400  }
0x14: {  	_ =	swait.ge [sflag:s11], $0x1400  }
0x15: {  	s19 =	sadd.s32 $0x1, s19;
	s31 =	rddreg [dreg:$0x6]  }
0x16: {  	p0 =	sne.s32 s19, s31  }
.Ltmp1:
0x17: {  	_ = 	snop;
	(pc) =	sbr.rel @!p0 .LBB2_20-.Ltmp1, $3  }
0x18: {  	_ =	sdelay $0x1  }
0x19: {  	[sflag:s11] =	ssyncset.done $0x0  }
0x1a: {  	[sflag:s11] =	ssyncadd.s32 $0xFFFFEC00  }
.LBB2_1:
0x1b: {  	s0 =	rddreg [dreg:$0x3]  }
0x1c: {  	[tilespmem:s2], [sflag:$0x2] =	stream.linear.gather [hbm4b:s0+s2], $0x400, $0x38;
	[tilespmem:$0xCCE0] =	vst v63  }
0x1d: {  	_ =	swait.ge [sflag:s11], $0x400  }
0x1e: {  	[sflag:s11] =	ssyncset.done $0x0  }
.Ltmp2:
0x1f: {  	s31 =	rddreg [dreg:$0x4];
	[sflag:s11] =	ssyncadd.s32 $0xFFFFFC00;
	(pc) =	sbr.rel .LBB2_2-.Ltmp2, $4  }
0x20: {  	[spmem:s13], [sflag:s12] =	dma.local [hbm:s31], $0x1400  }
0x21: {  	_ =	swait.ge [sflag:s11], $0x1400  }
0x22: {  	s20 =	simm.s32 $0x0;
	[sflag:s11] =	ssyncset.done $0x0  }
0x23: {  	s21 =	simm.s32 $0x0;
	s22 =	simm.s32 $0x0;
	[sflag:s11] =	ssyncadd.s32 $0xFFFFEC00  }
.LBB2_17:
0x24: {  	v6 =	vsel vm0, $0x0, v6;
	[tilespmem:$0x450] =	vst v7  }
0x25: {  	[tilespmem:$0x400] =	vst v6  }
0x26: {  	[tilespmem:s18], [sflag:$0x1] =	stream.indirect.gather [hbm4b:s4+s17], $0x80, s15, s17, $0xb8;
	[tilespmem:$0xCCE0] =	vst v63  }
0x27: {  	_ =	swait.ge [sflag:s14], $0x2800  }
0x28: {  	[sflag:s14] =	ssyncset.done $0x0  }
0x29: {  	[sflag:s14] =	ssyncadd.s32 $0xFFFFD800  }
0x2a: {  	[spmem:s1] =	stream.indirect.scatter.add.f32 [tilespmem:s18], [sflag:$0x2], $0x80, s16, s17, $0xb8;
	[tilespmem:$0xCCE0] =	vst v63  }
0x2b: {  	_ =	swait.ge [sflag:s11], $0x2800  }
0x2c: {  	[sflag:s11] =	ssyncset.done $0x0  }
0x2d: {  	[sflag:s11] =	ssyncadd.s32 $0xFFFFD800  }
.LBB2_18:
0x2e: {  	s22 =	sadd.s32 $0x1, s22  }
0x2f: {  	p0 =	sne.s32 s22, $0x20  }
.Ltmp3:
0x30: {  	_ = 	snop;
	(pc) =	sbr.rel @!p0 .LBB2_19-.Ltmp3, $2  }
0x31: {  	_ =	sdelay $0x2  }
0x32: {  	s21 =	sadd.s32 $0x20, s21;
	s20 =	sadd.s32 $0x2850, s20  }
.LBB2_2:
0x33: {  	s0 =	sld [smem:$0x7FD]  }
0x34: {  	s23 =	sshll.u32 s22, $0x5  }
0x35: {  	s23 =	sor.u32 s3, s23  }
0x36: {  	p2 =	seq.s32 s23, $0x0;
	p0 =	seq.s32 s0, $0x1  }
0x37: {  	p2 =	por !p0, !p2  }
0x38: {  	s24 =	simm.s32 $0xFFFFFFFF;
	p2 =	por !p2, !p2  }
0x39: {  	s24 =	simm.s32 @!p2 $0x0  }
0x3a: {  	s24 =	sshll.u32 s24, $0x4  }
0x3b: {  	s24 =	sadd.s32 s23, s24  }
0x3c: {  	s24 =	sand.u32 $0xFFFFFFF0, s24  }
0x3d: {  	v6 =	vld [tilespmem:s24+$0x0];
	_ =	sdelay $0x2  }
0x3e: {  	s23 =	ssub.s32 s23, s24  }
0x3f: {  	v7 =	vmov s23  }
0x40: {  	vm0 =	veq.s32 v7, v0;
	v6 =	vxor.u32 $0x80000000, v6  }
0x41: {  	v6 =	vnsel vm0, $0x0, v6  }
0x42: {  	(xrf0) =	vmax.scan.msk.u32 $0xffff, v6;
	_ =	sdelay $0x5  }
0x43: {  	v6, _, _ =	vpop (xrf0)  }
0x44: {  	(v2sf) =	vpush v6, $0xF;
	_ =	sdelay $0x6  }
0x45: {  	s31 =	sld [smem:$0x7FC];
	_ =	sdelay $0x2  }
0x46: {  	p0 =	seq.s32 s31, $0x1  }
.Ltmp4:
0x47: {  	_ = 	snop;
	(pc) =	sbr.rel @p0 .LBB2_14-.Ltmp4, $2  }
0x48: {  	_ =	sdelay $0x2  }
0x49: {  	s24 =	simm.s32 $0x0;
	s23 =	spop (v2sf)  }
0x4a: {  	p5 =	sne.s32 s3, $0x1  }
.Ltmp5:
0x4b: {  	s28 =	sadd.s32 $0x0, s21;
	s25 =	sand.u32 $0xF, s24;
	(pc) =	sbr.rel @!p5 .LBB2_4-.Ltmp5, $4  }
0x4c: {  	p2 =	seq.s32 s28, $0x0;
	p3 =	sne.s32 s25, $0x0  }
0x4d: {  	s29 =	simm.s32 $0xFFFFFFFF;
	p2 =	por !p2, !p3  }
0x4e: {  	p4 =	por $0x0, $0x0;
	s25 =	simm.s32 $0x1;
	p2 =	por !p2, !p2  }
0x4f: {  	p3 =	por $0x0, $0x0;
	s29 =	simm.s32 @!p2 $0x0;
	p2 =	por $0x0, $0x0  }
0x50: {  	s26 =	sshll.u32 s29, $0x4  }
0x51: {  	s29 =	sadd.s32 s26, s28  }
0x52: {  	s29 =	sand.u32 $0xFFFFFFF0, s29  }
0x53: {  	s25 =	sand.u32 $0xF, s25;
	v6 =	vld [tilespmem:s29+$0x0];
	s29 =	sadd.s32 s26, s21;
	s26 =	sadd.s32 $0x1, s21  }
0x54: {  	p5 =	sne.s32 s25, $0x0;
	p2 =	seq.s32 s26, $0x0  }
0x55: {  	p2 =	por !p2, !p5;
	p5 =	sne.s32 s3, $0x2  }
.Ltmp6:
0x56: {  	s29 =	sand.u32 $0xFFFFFFF0, s29;
	(pc) =	sbr.rel @!p5 .LBB2_6-.Ltmp6, $4  }
0x57: {  	s31 =	ssub.s32 s28, s29  }
0x58: {  	v7 =	vmov s31  }
0x59: {  	s30 =	simm.s32 $0x2;
	s29 =	simm.s32 $0xFFFFFFFF;
	p2 =	por !p2, !p2;
	vm0 =	veq.s32 v7, v0;
	v6 =	vxor.u32 $0x80000000, v6  }
0x5a: {  	s25 =	sadd.s32 $0x1, s21;
	s29 =	simm.s32 @!p2 $0x0;
	p2 =	por $0x1, $0x1;
	v6 =	vnsel vm0, $0x0, v6  }
0x5b: {  	s28 =	sshll.u32 s29, $0x4  }
0x5c: {  	s29 =	sadd.s32 s28, s26  }
0x5d: {  	s29 =	sand.u32 $0xFFFFFFF0, s29  }
0x5e: {  	(xrf0) =	vmax.scan.msk.u32 $0xffff, v6;
	v6 =	vld [tilespmem:s29+$0x0];
	s29 =	sadd.s32 s28, s25  }
0x5f: {  	s29 =	sand.u32 $0xFFFFFFF0, s29  }
0x60: {  	s29 =	ssub.s32 s26, s29  }
0x61: {  	v7 =	vmov s29;
	_ =	sdelay $0x2  }
0x62: {  	vm0 =	veq.s32 v7, v0;
	v7, _, _ =	vpop (xrf0)  }
0x63: {  	(v2sf) =	vpush v7, $0xF;
	_ =	sdelay $0x5  }
0x64: {  	s30 =	sand.u32 $0xF, s30;
	s28 =	sadd.s32 $0x2, s21  }
0x65: {  	p5 =	sne.s32 s30, $0x0;
	p3 =	seq.s32 s28, $0x0  }
0x66: {  	p3 =	por !p3, !p5;
	p5 =	sne.s32 s3, $0x3  }
.Ltmp7:
0x67: {  	_ = 	snop;
	(pc) =	sbr.rel @!p5 .LBB2_8-.Ltmp7, $3  }
0x68: {  	_ =	sdelay $0x1  }
0x69: {  	s25 =	sadd.s32 $0x1, s25;
	p3 =	por !p3, !p3;
	s29 =	simm.s32 $0xFFFFFFFF;
	v6 =	vxor.u32 $0x80000000, v6  }
0x6a: {  	s26 =	simm.s32 $0x3;
	s29 =	simm.s32 @!p3 $0x0;
	p3 =	por $0x1, $0x1;
	v6 =	vnsel vm0, $0x0, v6  }
0x6b: {  	s29 =	sshll.u32 s29, $0x4  }
0x6c: {  	(xrf0) =	vmax.scan.msk.u32 $0xffff, v6;
	s30 =	sadd.s32 s29, s28;
	s29 =	sadd.s32 s29, s25  }
0x6d: {  	s26 =	sand.u32 $0xF, s26;
	s30 =	sand.u32 $0xFFFFFFF0, s30;
	s31 =	sand.u32 $0xFFFFFFF0, s29  }
0x6e: {  	p5 =	sne.s32 s26, $0x0;
	v6 =	vld [tilespmem:s30+$0x0];
	s30 =	sadd.s32 $0x3, s21;
	s26 =	ssub.s32 s28, s31  }
0x6f: {  	p4 =	seq.s32 s30, $0x0;
	v7 =	vmov s26  }
0x70: {  	p4 =	por !p4, !p5;
	p5 =	sne.s32 s3, $0x4  }
.Ltmp8:
0x71: {  	_ = 	snop;
	(pc) =	sbr.rel @!p5 .LBB2_10-.Ltmp8, $4  }
0x72: {  	vm0 =	veq.s32 v7, v0;
	v7, _, _ =	vpop (xrf0)  }
0x73: {  	s25 =	sadd.s32 $0x1, s25;
	(v2sf) =	vpush v7, $0xF  }
0x74: {  	s29 =	simm.s32 $0xFFFFFFFF;
	s28 =	simm.s32 $0x4;
	p4 =	por !p4, !p4;
	v6 =	vxor.u32 $0x80000000, v6  }
0x75: {  	s26 =	simm.s32 $0x0;
	s29 =	simm.s32 @!p4 $0x0;
	p4 =	por $0x1, $0x1;
	v6 =	vnsel vm0, $0x0, v6  }
.LBB2_11:
0x76: {  	s31 =	sadd.s32 s28, s21  }
0x77: {  	s29 =	sshll.u32 s29, $0x4;
	s0 =	spop (v2sf);
	s7 =	sand.u32 $0xF, s28  }
0x78: {  	(xrf0) =	vmax.scan.msk.u32 $0xffff, v6;
	s28 =	sadd.s32 $0x1, s28;
	s8 =	sadd.s32 s29, s30;
	s0 =	sadd.s32 $0x80000007, s0  }
0x79: {  	p5 =	seq.s32 s31, $0x0;
	s8 =	sand.u32 $0xFFFFFFF0, s8;
	s9 =	sand.u32 $0x7, s0  }
0x7a: {  	s10 =	sshra.s32 s0, $0x1F;
	p0 =	slt.s32 s0, $0x1;
	p1 =	sne.s32 s9, $0x0  }
0x7b: {  	p6 =	sne.s32 s7, $0x0;
	s7 =	sshrl.u32 s10, $0x1D;
	p0 =	por !p0, !p1  }
0x7c: {  	v6 =	vld [tilespmem:s8+$0x0];
	s8 =	sadd.s32 s29, s25;
	s0 =	sadd.s32 s7, s0;
	p1 =	sne.s32 s3, s28  }
0x7d: {  	p0 =	por !p0, !p0;
	s7 =	sand.u32 $0xFFFFFFF0, s8;
	s8 =	simm.s32 $0x1  }
.Ltmp9:
0x7e: {  	s0 =	sshrl.u32 s0, $0x3;
	v7, _, _ =	vpop (xrf0);
	s8 =	simm.s32 @!p0 $0x0;
	(pc) =	sbr.rel @p1 .LBB2_11-.Ltmp9, $4  }
0x7f: {  	s7 =	ssub.s32 s30, s7;
	(v2sf) =	vpush v7, $0xF;
	s0 =	ssub.s32 s0, s8  }
0x80: {  	s29 =	simm.s32 $0xFFFFFFFF;
	p0 =	por !p5, !p6;
	v7 =	vmov s7;
	s0 =	sshll.u32 s0, $0x3  }
0x81: {  	s30 =	smov.u32 s31;
	p0 =	por !p0, !p0;
	vm0 =	veq.s32 v7, v0;
	v6 =	vxor.u32 $0x80000000, v6;
	s26 =	sadd.s32 s26, s0  }
0x82: {  	s25 =	sadd.s32 $0x1, s25;
	s29 =	simm.s32 @!p0 $0x0;
	v6 =	vnsel vm0, $0x0, v6  }
0x83: {  	s28 =	smov.u32 s30  }
.LBB2_13:
0x84: {  	s0 =	sshll.u32 s29, $0x4  }
0x85: {  	s7 =	sadd.s32 s0, s28  }
0x86: {  	s7 =	sand.u32 $0xFFFFFFF0, s7  }
0x87: {  	v7 =	vld [tilespmem:s7+$0x0]  }
0x88: {  	s0 =	sadd.s32 s0, s25  }
0x89: {  	s0 =	sand.u32 $0xFFFFFFF0, s0  }
0x8a: {  	(xrf0) =	vmax.scan.msk.u32 @p2 $0xffff, v6;
	s0 =	ssub.s32 s28, s0  }
0x8b: {  	v6 =	vmov s0  }
0x8c: {  	vm0 =	veq.s32 v6, v0;
	v6 =	vxor.u32 $0x80000000, v7  }
0x8d: {  	v6 =	vnsel vm0, $0x0, v6;
	_ =	sdelay $0x1  }
0x8e: {  	(xrf0) =	vmax.scan.msk.u32 $0xffff, v6  }
0x8f: {  	v6, _, _ =	vpop @p2 (xrf0)  }
0x90: {  	(v2sf) =	vpush @p2 v6, $0xF;
	_ =	sdelay $0x2  }
0x91: {  	s0 =	spop @p4 (v2sf)  }
0x92: {  	s0 =	sadd.s32 @p4 $0x80000007, s0;
	v6, _, _ =	vpop (xrf0)  }
0x93: {  	s7 =	sand.u32 @p4 $0x7, s0;
	s8 =	sshra.s32 @p4 s0, $0x1F;
	(v2sf) =	vpush v6, $0xF  }
0x94: {  	p0 =	slt.s32 @p4 s0, $0x1;
	p1 =	sne.s32 @p4 s7, $0x0;
	s7 =	sshrl.u32 @p4 s8, $0x1D  }
0x95: {  	p0 =	por @p4 !p0, !p1;
	s0 =	sadd.s32 @p4 s7, s0;
	s8 =	spop @p3 (v2sf)  }
0x96: {  	p0 =	por @p4 !p0, !p0;
	s0 =	sshrl.u32 @p4 s0, $0x3;
	s7 =	sadd.s32 @p3 $0x80000007, s8  }
0x97: {  	p0 =	por !p0, !p4;
	s8 =	simm.s32 $0x1;
	s9 =	sand.u32 @p3 $0x7, s7  }
0x98: {  	s8 =	simm.s32 @p0 $0x0;
	p0 =	slt.s32 @p3 s7, $0x1;
	p1 =	sne.s32 @p3 s9, $0x0  }
0x99: {  	s0 =	ssub.s32 @p4 s0, s8;
	s8 =	sshra.s32 @p3 s7, $0x1F;
	p0 =	por @p3 !p0, !p1  }
0x9a: {  	s9 =	simm.s32 $0x0;
	s8 =	sshrl.u32 @p3 s8, $0x1D;
	p0 =	por @p3 !p0, !p0  }
0x9b: {  	s7 =	sadd.s32 @p3 s8, s7;
	s8 =	simm.s32 $0x1;
	p0 =	por !p0, !p3  }
0x9c: {  	s0 =	sshll.u32 @p4 s0, $0x3;
	s7 =	sshrl.u32 @p3 s7, $0x3;
	s8 =	simm.s32 @p0 $0x0  }
0x9d: {  	s0 =	sadd.s32 @p4 s26, s0;
	s7 =	ssub.s32 @p3 s7, s8;
	s8 =	spop @p2 (v2sf)  }
0x9e: {  	s9 =	smov.u32 @p4 s0;
	s0 =	sshll.u32 @p3 s7, $0x3;
	s7 =	sadd.s32 @p2 $0x80000007, s8  }
0x9f: {  	s0 =	sadd.s32 @p3 s9, s0;
	s8 =	simm.s32 $0x0;
	s9 =	sand.u32 @p2 $0x7, s7  }
0xa0: {  	s10 =	sshra.s32 @p2 s7, $0x1F;
	p0 =	slt.s32 @p2 s7, $0x1;
	s8 =	smov.u32 @p3 s0  }
0xa1: {  	p1 =	sne.s32 @p2 s9, $0x0;
	s0 =	sshrl.u32 @p2 s10, $0x1D;
	s9 =	simm.s32 $0x1  }
0xa2: {  	p0 =	por @p2 !p0, !p1;
	s0 =	sadd.s32 @p2 s0, s7;
	s26 =	spop (v2sf)  }
0xa3: {  	p0 =	por @p2 !p0, !p0;
	s7 =	sadd.s32 $0x80000007, s26;
	s0 =	sshrl.u32 @p2 s0, $0x3  }
0xa4: {  	p0 =	por !p0, !p2;
	s28 =	sand.u32 $0x7, s7;
	s29 =	sshra.s32 s7, $0x1F  }
0xa5: {  	p5 =	slt.s32 s7, $0x1;
	s9 =	simm.s32 @p0 $0x0;
	p6 =	sne.s32 s28, $0x0  }
0xa6: {  	s30 =	sshrl.u32 s29, $0x1D;
	s0 =	ssub.s32 @p2 s0, s9;
	p0 =	por !p5, !p6  }
0xa7: {  	s7 =	sadd.s32 s30, s7;
	s9 =	simm.s32 $0x1;
	p0 =	por !p0, !p0  }
0xa8: {  	s0 =	sshll.u32 @p2 s0, $0x3;
	s7 =	sshrl.u32 s7, $0x3;
	s9 =	simm.s32 @!p0 $0x0  }
0xa9: {  	s0 =	sadd.s32 @p2 s8, s0;
	s7 =	ssub.s32 s7, s9  }
0xaa: {  	s24 =	smov.u32 @p2 s0;
	s31 =	sshll.u32 s7, $0x3  }
0xab: {  	s24 =	sadd.s32 s24, s31  }
.LBB2_14:
0xac: {  	s0 =	sadd.s32 $0x8000004F, s23  }
0xad: {  	s7 =	smulhi.u32 $0x66666667, s0;
	s8 =	sshra.s32 s0, $0x1F  }
0xae: {  	s8 =	smul.u32 $0x66666667, s8;
	_ =	sdelay $0x1  }
0xaf: {  	s7 =	sadd.s32 s8, s7  }
0xb0: {  	s8 =	sshrl.u32 s7, $0x1F;
	s7 =	sshra.s32 s7, $0x5  }
0xb1: {  	s7 =	sadd.s32 s8, s7  }
0xb2: {  	s8 =	smul.u32 $0xFFFFFFB0, s7  }
0xb3: {  	s9 =	ssub.s32 $0x7FFFFFB1, s23  }
0xb4: {  	p0 =	slt.s32 s0, $0x1;
	p1 =	sne.s32 s8, s9  }
0xb5: {  	p0 =	por !p0, !p1  }
0xb6: {  	s0 =	simm.s32 $0x1;
	p0 =	por !p0, !p0  }
0xb7: {  	s0 =	simm.s32 @!p0 $0x0  }
0xb8: {  	s25 =	ssub.s32 s7, s0  }
0xb9: {  	p0 =	slt.s32 s25, $0x1  }
.Ltmp10:
0xba: {  	_ = 	snop;
	(pc) =	sbr.rel @p0 .LBB2_18-.Ltmp10, $1  }
0xbb: {  	_ =	sdelay $0x3  }
0xbc: {  	s24 =	sadd.s32 s20, s24  }
0xbd: {  	s0 =	sshrl.u32 s24, $0x3  }
0xbe: {  	s7 =	sadd.s32 s5, s0  }
0xbf: {  	[tilespmem:s15], [sflag:$0x2] =	stream.linear.gather [hbm4b:s7+s2], $0x50, $0x38;
	[tilespmem:$0xCCE0] =	vst v63  }
0xc0: {  	_ =	swait.ge [sflag:s11], $0x50  }
0xc1: {  	[sflag:s11] =	ssyncset.done $0x0  }
0xc2: {  	s0 =	sadd.s32 s6, s0;
	[sflag:s11] =	ssyncadd.s32 $0xFFFFFFB0  }
0xc3: {  	[tilespmem:s16], [sflag:$0x2] =	stream.linear.gather [hbm4b:s0+s2], $0x50, $0x38;
	[tilespmem:$0xCCE0] =	vst v63  }
0xc4: {  	_ =	swait.ge [sflag:s11], $0x50  }
0xc5: {  	[sflag:s11] =	ssyncset.done $0x0  }
0xc6: {  	[sflag:s11] =	ssyncadd.s32 $0xFFFFFFB0  }
0xc7: {  	s23 =	sxor.u32 $0x80000000, s23;
	v6 =	vld [tilespmem:$0x490]  }
0xc8: {  	p0 =	slt.s32 s23, $0x50;
	s0 =	smov.u32 s23  }
0xc9: {  	s0 =	simm.s32 @!p0 $0x50;
	v7 =	vld [tilespmem:$0x460]  }
0xca: {  	v9 =	vmov s0;
	v8 =	vld [tilespmem:$0x440]  }
0xcb: {  	vm0 =	vlt.s32 v9, v5;
	v10 =	vld [tilespmem:$0x430]  }
0xcc: {  	v11 =	vld [tilespmem:$0x470];
	v6 =	vsel vm0, $0x1400, v6  }
0xcd: {  	[tilespmem:$0x490] =	vst v6;
	v6 =	vld [tilespmem:$0x410]  }
0xce: {  	vm1 =	vlt.s32 v9, v2;
	v12 =	vld [tilespmem:$0x420]  }
0xcf: {  	vm2 =	vlt.s32 v9, v4;
	v13 =	vld [tilespmem:$0x480];
	v7 =	vsel vm1, $0x1400, v7  }
0xd0: {  	v10 =	vsel vm2, $0x0, v10;
	[tilespmem:$0x460] =	vst v7  }
0xd1: {  	p0 =	sne.s32 s25, $0x1;
	v7 =	vsel vm0, $0x0, v8;
	v8 =	vld [tilespmem:$0x450];
	vm0 =	vlt.s32 v9, v3;
	[tilespmem:$0x430] =	vst v10  }
.Ltmp11:
0xd2: {  	[tilespmem:$0x440] =	vst v7;
	v7 =	vsel vm0, $0x1400, v11;
	v63 =	vsel vm1, $0x0, v6;
	v6 =	vld [tilespmem:$0x400];
	(pc) =	sbr.rel @!p0 .LBB2_17-.Ltmp11, $4  }
0xd3: {  	v62 =	vsel vm0, $0x0, v12;
	[tilespmem:$0x470] =	vst v7  }
0xd4: {  	[tilespmem:$0x420] =	vst v62;
	v7 =	vsel vm2, $0x1400, v13  }
0xd5: {  	vm0 =	vlt.s32 v9, v1;
	[tilespmem:$0x480] =	vst v7  }
0xd6: {  	s25 =	sadd.s32 $0xFFFFFFFF, s25;
	v7 =	vsel vm0, $0x1400, v8;
	[tilespmem:$0x410] =	vst v63  }
.LBB2_16:
0xd7: {  	p2 =	sne.s32 s25, $0x1;
	v6 =	vsel vm0, $0x0, v6;
	[tilespmem:$0x450] =	vst v7;
	s23 =	sadd.s32 $0xFFFFFFB0, s23;
	s24 =	sadd.s32 $0x50, s24  }
0xd8: {  	s25 =	sadd.s32 $0xFFFFFFFF, s25;
	[tilespmem:$0x400] =	vst v6  }
0xd9: {  	[tilespmem:s18], [sflag:$0x1] =	stream.indirect.gather [hbm4b:s4+s17], $0x80, s15, s17, $0xb8;
	[tilespmem:$0xCCE0] =	vst v63  }
0xda: {  	_ =	swait.ge [sflag:s14], $0x2800  }
0xdb: {  	[sflag:s14] =	ssyncset.done $0x0  }
0xdc: {  	[sflag:s14] =	ssyncadd.s32 $0xFFFFD800  }
0xdd: {  	[spmem:s1] =	stream.indirect.scatter.add.f32 [tilespmem:s18], [sflag:$0x2], $0x80, s16, s17, $0xb8;
	[tilespmem:$0xCCE0] =	vst v63  }
0xde: {  	_ =	swait.ge [sflag:s11], $0x2800  }
0xdf: {  	s0 =	sshrl.u32 s24, $0x3;
	[sflag:s11] =	ssyncset.done $0x0  }
0xe0: {  	s7 =	sadd.s32 s5, s0;
	[sflag:s11] =	ssyncadd.s32 $0xFFFFD800  }
0xe1: {  	[tilespmem:s15], [sflag:$0x2] =	stream.linear.gather [hbm4b:s7+s2], $0x50, $0x38;
	[tilespmem:$0xCCE0] =	vst v63  }
0xe2: {  	_ =	swait.ge [sflag:s11], $0x50  }
0xe3: {  	[sflag:s11] =	ssyncset.done $0x0  }
0xe4: {  	s0 =	sadd.s32 s6, s0;
	[sflag:s11] =	ssyncadd.s32 $0xFFFFFFB0  }
0xe5: {  	[tilespmem:s16], [sflag:$0x2] =	stream.linear.gather [hbm4b:s0+s2], $0x50, $0x38;
	[tilespmem:$0xCCE0] =	vst v63  }
0xe6: {  	_ =	swait.ge [sflag:s11], $0x50  }
0xe7: {  	[sflag:s11] =	ssyncset.done $0x0  }
0xe8: {  	[sflag:s11] =	ssyncadd.s32 $0xFFFFFFB0  }
0xe9: {  	v6 =	vld [tilespmem:$0x490]  }
0xea: {  	p0 =	slt.s32 s23, $0x50;
	s0 =	smov.u32 s23;
	v7 =	vld [tilespmem:$0x460]  }
0xeb: {  	s0 =	simm.s32 @!p0 $0x50;
	v8 =	vld [tilespmem:$0x440]  }
0xec: {  	v9 =	vmov s0;
	v10 =	vld [tilespmem:$0x430]  }
0xed: {  	vm0 =	vlt.s32 v9, v5;
	v11 =	vld [tilespmem:$0x470]  }
0xee: {  	vm1 =	vlt.s32 v9, v2;
	v12 =	vld [tilespmem:$0x420];
	v6 =	vsel vm0, $0x1400, v6  }
0xef: {  	v7 =	vsel vm1, $0x1400, v7;
	v13 =	vld [tilespmem:$0x480];
	[tilespmem:$0x490] =	vst v6  }
0xf0: {  	vm2 =	vlt.s32 v9, v4;
	v14 =	vld [tilespmem:$0x410];
	[tilespmem:$0x460] =	vst v7;
	v6 =	vsel vm0, $0x0, v8  }
0xf1: {  	vm0 =	vlt.s32 v9, v3;
	v7 =	vld [tilespmem:$0x450];
	v8 =	vsel vm2, $0x0, v10;
	[tilespmem:$0x440] =	vst v6  }
.Ltmp12:
0xf2: {  	v6 =	vld [tilespmem:$0x400];
	v10 =	vsel vm0, $0x1400, v11;
	[tilespmem:$0x430] =	vst v8;
	(pc) =	sbr.rel @p2 .LBB2_16-.Ltmp12, $4  }
0xf3: {  	v8 =	vsel vm0, $0x0, v12;
	[tilespmem:$0x470] =	vst v10  }
0xf4: {  	[tilespmem:$0x420] =	vst v8;
	v8 =	vsel vm2, $0x1400, v13  }
0xf5: {  	vm0 =	vlt.s32 v9, v1;
	v9 =	vsel vm1, $0x0, v14;
	[tilespmem:$0x480] =	vst v8  }
0xf6: {  	v7 =	vsel vm0, $0x1400, v7;
	[tilespmem:$0x410] =	vst v9  }
.Ltmp13:
0xf7: {  	_ = 	snop;
	(pc) =	sbr.rel .LBB2_17-.Ltmp13, $1  }
0xf8: {  	_ =	sdelay $0x3  }
.LBB2_4:
.Ltmp14:
0xf9: {  	(pc) =	sbr.rel .LBB2_13-.Ltmp14, $2  }
0xfa: {  	_ =	sdelay $0x2  }
0xfb: {  	s25 =	smov.u32 s21;
	s26 =	simm.s32 $0x0  }
.LBB2_6:
.Ltmp15:
0xfc: {  	(pc) =	sbr.rel .LBB2_13-.Ltmp15, $2  }
0xfd: {  	_ =	sdelay $0x2  }
0xfe: {  	s28 =	smov.u32 s26;
	s26 =	simm.s32 $0x0  }
.LBB2_8:
.Ltmp16:
0xff: {  	(pc) =	sbr.rel .LBB2_13-.Ltmp16, $2  }
0x100: {  	_ =	sdelay $0x2  }
0x101: {  	s26 =	simm.s32 $0x0  }
.LBB2_10:
.Ltmp17:
0x102: {  	(pc) =	sbr.rel .LBB2_13-.Ltmp17, $2  }
0x103: {  	_ =	sdelay $0x2  }
0x104: {  	s28 =	smov.u32 s30;
	s26 =	simm.s32 $0x0  }
.LBB2_20:
0x105: {  	_ =	sfence.sel $0x180000  }
0x106: {  	[bflag:$0x0] =	sbarrier.arrive $0xFFFF  }
0x107: {  	_ =	strace $0x9000004A  }
0x108: {  	[bflag:$0x2] =	sbarrier.arrive $0xFFFF  }
0x109: {  	s1 =	sld [smem:$0x7FD];
	_ =	sdelay $0x2  }
0x10a: {  	s0 =	rddreg [dreg:$0x2];
	p0 =	seq.s32 s1, $0x1  }
0x10b: {  	s0 =	sadd.s32 @!p0 $0x100000, s0  }
0x10c: {  	[sflag:s0] =	ssyncadd.tile.s32 @!p0 $0x1;
	_ =	shalt  }
.Lfunc_end2:
_tile_overlayer_lowered:
.L_overlay_start_2:
0x10d: {  	(tag) =	ssettag $0x2  }
0x10e: {  	s0 =	rddreg [dreg:$0x0];
	s2 =	stileid.u32  }
0x10f: {  	s1 =	rddreg [dreg:$0x1];
	p0 =	sne.s32 s2, $0x0  }
0x110: {  	s3 =	rddreg [dreg:$0x2];
	[bflag:$0x3] =	sbarrier.arrive $0xFFFF;
	s2 =	simm.s32 @!p0 $0x1C02  }
0x111: {  	[timem:s3], [sflag:s2] =	dma.local @!p0 [hbm:s0], s1  }
0x112: {  	s0 =	simm.s32 @!p0 $0x2  }
0x113: {  	_ =	swait.ge @!p0 [sflag:s0], s1  }
0x114: {  	s1 =	ssub.s32 @!p0 $0x0, s1;
	[sflag:s0] =	ssyncset.done @!p0 $0x0  }
0x115: {  	[sflag:s0] =	ssyncadd.s32 @!p0 s1  }
0x116: {  	[bflag:$0x3] =	sbarrier.arrive $0xFFFF  }
0x117: {  	_ =	shalt  }

// kernel: kernel.16.cloned.1.call-start
scs
__scs_entry_jumppad:
0x0: {  	(pc) =	sbr.rel $0x88, $3  }
0x1: {  	(tag) =	ssettag $0x0;
	lr =	simm.s32 $0x1  }
0x2: {  	[smem:$0x3F90] =	sst lr;
	_ =	strace $0xD0000000  }
0x3: {  	_ = 	snop  }
0x4: {  	_ = 	snop  }
0x5: {  	_ = 	snop  }
0x6: {  	_ = 	snop  }
0x7: {  	_ = 	snop  }
__scs_overlays_trampoline_lowered:
0x8: {  	[smem:$0x3F9F] =	sst s0  }
0x9: {  	[smem:$0x3FA0] =	sst s1  }
0xa: {  	[smem:$0x3FA1] =	sst s2  }
0xb: {  	[smem:$0x3FA2] =	sst s3  }
0xc: {  	[smem:$0x3FA3] =	sst s4  }
0xd: {  	[smem:$0x3FA4] =	sst s5  }
0xe: {  	[smem:$0x3FA5] =	sst s6  }
0xf: {  	[smem:$0x3FA6] =	sst s7  }
0x10: {  	[smem:$0x3FA7] =	sst s8  }
0x11: {  	[smem:$0x3FA8] =	sst s9;
	s0 =	simm.s32 @!p0 $0x0  }
0x12: {  	s1 =	sld [smem:$0x3F8E];
	s0 =	simm.s32 @p0 $0x1  }
0x13: {  	[smem:$0x3FA9] =	sst s0;
	s0 =	simm.s32 @!p1 $0x0  }
0x14: {  	s2 =	sld [smem:$0x3F8D];
	s0 =	simm.s32 @p1 $0x1  }
0x15: {  	[smem:$0x3FAA] =	sst s0;
	s0 =	simm.s32 @!p2 $0x0  }
0x16: {  	s3 =	sld [smem:$0x3FDB];
	s0 =	simm.s32 @p2 $0x1  }
0x17: {  	s4 =	simm.s32 $0x1BF5;
	[smem:$0x3FAC] =	sst s0  }
0x18: {  	s0 =	sld [smem:$0x3F8F];
	_ =	swait.ge [sflag:s4], $0x0  }
0x19: {  	s7 =	sld [smem:$0x3F90]  }
0x1a: {  	s8 =	sadd.s32 $0xFFFFE003, lr  }
0x1b: {  	s9 =	sadd.s32 $0xFFFFFEF7, lr;
	s5 =	simm.s32 $0xFFFFFFFF;
	p2 =	slt.u32 s8, $0xFFFFF086  }
0x1c: {  	p1 =	slt.u32 s9, $0xF7A;
	s5 =	simm.s32 @!p2 $0x0  }
0x1d: {  	s5 =	simm.s32 @p1 $0x1;
	p0 =	seq.s32 s7, s2  }
0x1e: {  	s7 =	smul.u32 @!p0 $0xF7A, s2;
	p2 =	seq.s32 @!p0 s5, $0x0  }
0x1f: {  	s9 =	smul.u32 $0xF7A, s1;
	s8 =	simm.s32 @!p0 $0x1BF5;
	p2 =	por !p2, p0  }
0x20: {  	[sflag:s8] =	ssyncset.s32 @!p0 $0xFFFFF086;
	s6 =	sadd.s32 @!p0 s3, s7;
	s7 =	simm.s32 @!p0 $0x108  }
0x21: {  	s3 =	sadd.s32 s3, s9;
	s6 =	sadd.s32 @!p0 $0x88, s6;
	s7 =	simm.s32 @p2 $0x1082  }
0x22: {  	[simem:s7], [sflag:s8] =	dma.local @!p0 [hbm:s6], $0xF7A  }
0x23: {  	s9 =	sor.u32 $0xD0000000, s2;
	s6 =	simm.s32 $0x108;
	_ =	swait.ge @!p0 [sflag:s8], $0x0  }
0x24: {  	s3 =	sadd.s32 $0x88, s3;
	s6 =	simm.s32 @!p1 $0x1082;
	[sflag:s4] =	ssyncset.s32 $0xFFFFF086  }
0x25: {  	[simem:s6], [sflag:s4] =	dma.local [hbm:s3], $0xF7A  }
0x26: {  	[smem:$0x3F90] =	sst s1;
	(tag) =	ssettag s2;
	_ =	strace s9  }
0x27: {  	s1 =	sld [smem:$0x3FA0]  }
0x28: {  	s2 =	sld [smem:$0x3FA1]  }
0x29: {  	s4 =	sld [smem:$0x3FA3]  }
0x2a: {  	p0 =	seq.s32 s5, $0x0;
	s5 =	sld [smem:$0x3FA4]  }
0x2b: {  	s6 =	sld [smem:$0x3FA5]  }
0x2c: {  	s7 =	sld [smem:$0x3FA6]  }
0x2d: {  	s3 =	simm.s32 $0x108;
	s8 =	sld [smem:$0x3FA7]  }
0x2e: {  	s3 =	simm.s32 @!p0 $0x1082;
	s9 =	sld [smem:$0x3FA8]  }
0x2f: {  	lr =	sadd.s32 s0, s3;
	s0 =	sld [smem:$0x3F9F]  }
0x30: {  	s3 =	sld [smem:$0x3FA2]  }
0x31: {  	[smem:$0x3FAB] =	sst s10  }
0x32: {  	s10 =	sld [smem:$0x3FA9];
	_ =	sdelay $0x3  }
0x33: {  	p0 =	seq.s32 s10, $0x1;
	s10 =	sld [smem:$0x3FAB];
	_ =	sdelay $0x3  }
0x34: {  	[smem:$0x3FAB] =	sst s10  }
0x35: {  	s10 =	sld [smem:$0x3FAA];
	_ =	sdelay $0x3  }
0x36: {  	p1 =	seq.s32 s10, $0x1;
	s10 =	sld [smem:$0x3FAB];
	_ =	sdelay $0x3  }
0x37: {  	[smem:$0x3FAB] =	sst s10  }
0x38: {  	s10 =	sld [smem:$0x3FAC]  }
0x39: {  	_ = 	snop;
	(pc) =	sbr.ind lr, $3  }
0x3a: {  	_ = 	snop  }
0x3b: {  	_ = 	snop  }
0x3c: {  	p2 =	seq.s32 s10, $0x1;
	s10 =	sld [smem:$0x3FAB]  }
0x3d: {  	_ =	shalt  }
0x3e: {  	_ =	shalt  }
0x3f: {  	_ =	shalt  }
0x40: {  	_ =	shalt  }
0x41: {  	_ =	shalt  }
0x42: {  	_ =	shalt  }
0x43: {  	_ =	shalt  }
0x44: {  	_ =	shalt  }
0x45: {  	_ =	shalt  }
0x46: {  	_ =	shalt  }
0x47: {  	_ =	shalt  }
0x48: {  	_ =	shalt  }
0x49: {  	_ =	shalt  }
0x4a: {  	_ =	shalt  }
0x4b: {  	_ =	shalt  }
0x4c: {  	_ =	shalt  }
0x4d: {  	_ =	shalt  }
0x4e: {  	_ =	shalt  }
0x4f: {  	_ =	shalt  }
0x50: {  	_ =	shalt  }
0x51: {  	_ =	shalt  }
0x52: {  	_ =	shalt  }
0x53: {  	_ =	shalt  }
0x54: {  	_ =	shalt  }
0x55: {  	_ =	shalt  }
0x56: {  	_ =	shalt  }
0x57: {  	_ =	shalt  }
0x58: {  	_ =	shalt  }
0x59: {  	_ =	shalt  }
0x5a: {  	_ =	shalt  }
0x5b: {  	_ =	shalt  }
0x5c: {  	_ =	shalt  }
0x5d: {  	_ =	shalt  }
0x5e: {  	_ =	shalt  }
0x5f: {  	_ =	shalt  }
0x60: {  	_ =	shalt  }
0x61: {  	_ =	shalt  }
0x62: {  	_ =	shalt  }
0x63: {  	_ =	shalt  }
0x64: {  	_ =	shalt  }
0x65: {  	_ =	shalt  }
0x66: {  	_ =	shalt  }
0x67: {  	_ =	shalt  }
0x68: {  	_ =	shalt  }
0x69: {  	_ =	shalt  }
0x6a: {  	_ =	shalt  }
0x6b: {  	_ =	shalt  }
0x6c: {  	_ =	shalt  }
0x6d: {  	_ =	shalt  }
0x6e: {  	_ =	shalt  }
0x6f: {  	_ =	shalt  }
0x70: {  	_ =	shalt  }
0x71: {  	_ =	shalt  }
0x72: {  	_ =	shalt  }
0x73: {  	_ =	shalt  }
0x74: {  	_ =	shalt  }
0x75: {  	_ =	shalt  }
0x76: {  	_ =	shalt  }
0x77: {  	_ =	shalt  }
0x78: {  	_ =	shalt  }
0x79: {  	_ =	shalt  }
0x7a: {  	_ =	shalt  }
0x7b: {  	_ =	shalt  }
0x7c: {  	_ =	shalt  }
0x7d: {  	_ =	shalt  }
0x7e: {  	_ =	shalt  }
0x7f: {  	_ =	shalt  }
0x80: {  	_ =	shalt  }
0x81: {  	_ =	shalt  }
0x82: {  	_ =	shalt  }
0x83: {  	_ =	shalt  }
0x84: {  	_ =	shalt  }
0x85: {  	_ =	shalt  }
0x86: {  	_ =	shalt  }
0x87: {  	_ =	shalt  }
.Lfunc_end0:
.L_simem_size_0:
called_computation.2_lowered:
.L_overlay_start_0:
0x88: {  	s2 =	sld [smem:$0x3FD9]  }
0x89: {  	s3 =	sld [smem:$0x3FFE];
	_ =	sdelay $0x1  }
0x8a: {  	s1 =	srdreg.scid  }
0x8b: {  	s0 =	sand.u32 $0x1, s1  }
0x8c: {  	s16 =	sshll.u32 s0, $0xA;
	s2 =	sadd.s32 s3, s2  }
0x8d: {  	s2 =	sadd.s32 s2, s16  }
0x8e: {  	[smem:$0x3FB7] =	sst s2  }
0x8f: {  	_ = 	snop  }
0x90: {  	(tm) =	ssettm $0x1  }
0x91: {  	s17 =	sld [smem:$0x3FFB];
	_ =	sdelay $0x3  }
0x92: {  	_ =	strace s17  }
0x93: {  	s2 =	sld [smem:$0x3FFC];
	_ =	sdelay $0x3  }
0x94: {  	_ =	strace s2  }
0x95: {  	s2 =	sld [smem:$0x3FFD];
	_ =	sdelay $0x3  }
0x96: {  	_ =	strace s2  }
0x97: {  	_ =	strace $0x8FFFFFFF  }
0x98: {  	s18 =	sld [smem:$0x3FDB];
	_ =	sdelay $0x1  }
0x99: {  	s19 =	simm.s32 $_scs_section_size  }
0x9a: {  	s4 =	simm.s32 $_size__tile_overlayer_lowered;
	s5 =	simm.s32 $_tile_overlayer_lowered  }
0x9b: {  	s22 =	simm.s32 $0x1BFF;
	s21 =	sshll.u32 s5, $0x1;
	s2 =	sadd.s32 s19, s18  }
0x9c: {  	s6 =	simm.s32 $0x0;
	s20 =	sshll.u32 s4, $0x1;
	s4 =	sadd.s32 s21, s2  }
0x9d: {  	[timem:s6], [sflag:s22] =	dma.local [hbm:s4], s20  }
0x9e: {  	_ =	swait.ge [sflag:s22], s20  }
0x9f: {  	s3 =	ssub.s32 $0x0, s20;
	[sflag:s22] =	ssyncset.done $0x0  }
0xa0: {  	[sflag:s22] =	ssyncadd.s32 s3;
	_ =	sdelay $0x1  }
0xa1: {  	s23 =	simm.s32 $0x1B8B  }
0xa2: {  	_ =	swait.ge [sflag:s23], $0x1  }
0xa3: {  	[sflag:s23] =	ssyncset.done $0x0  }
0xa4: {  	s25 =	simm.s32 $0x1B8E;
	s24 =	sld [smem:$0x3FFE];
	[sflag:s23] =	ssyncadd.s32 $0xFFFFFFFF  }
0xa5: {  	s26 =	simm.s32 $execute0_lowered;
	[smem:$0x3FD2] =	sst s25  }
0xa6: {  	s4 =	sshll.u32 s26, $0x1;
	_ =	strace $0x8000004C;
	[dreg:$0x1] =	wrdreg $0xFFFFFFFF  }
0xa7: {  	s28 =	simm.s32 $_size_execute0_lowered;
	s2 =	sadd.s32 s2, s4;
	[dreg:$0x0] =	wrdreg $0x0  }
0xa8: {  	s4 =	sshll.u32 s28, $0x1;
	[dreg:$0x2] =	wrdreg s2  }
0xa9: {  	[dreg:$0x3] =	wrdreg s4  }
0xaa: {  	[dreg:$0x4] =	wrdreg $0xC0  }
0xab: {  	_ =	task [dreg:s6], $0x5FFFF  }
0xac: {  	[dreg:$0x1] =	wrdreg $0xFFFFFFFF  }
0xad: {  	[dreg:$0x0] =	wrdreg $0x60  }
0xae: {  	[dreg:$0x2] =	wrdreg s24  }
0xaf: {  	[dreg:$0x3] =	wrdreg $0x9A00  }
0xb0: {  	[dreg:$0x4] =	wrdreg $0x9  }
0xb1: {  	_ =	task.clear_ibuf [dreg:s6], $0x5FFFF;
	_ =	strace $0x9000004C  }
0xb2: {  	s29 =	simm.s32 $0x9;
	_ =	strace $0x8000004E  }
0xb3: {  	_ =	swait.ge [sflag:s29], $0x1  }
0xb4: {  	[sflag:s29] =	ssyncadd.s32 $0xFFFFFFFF  }
0xb5: {  	_ =	strace $0x9000004E  }
0xb6: {  	_ =	sfence  }
0xb7: {  	s30 =	sld [smem:$0x0];
	_ =	sdelay $0x2  }
0xb8: {  	s31 =	sshll.u32 s1, $0xD;
	s1 =	sshrl.u32 s1, $0x2  }
0xb9: {  	s3 =	sand.u32 $0x4000, s31;
	s1 =	sadd.s32 s1, s30  }
0xba: {  	s0 =	sor.u32 s3, s0;
	s1 =	sshll.u32 s1, $0x11  }
0xbb: {  	s0 =	sor.u32 s1, s0  }
0xbc: {  	s0 =	sadd.s32 $0x8F2B, s0  }
0xbd: {  	[sflag:s0] =	ssyncadd.remote.s32 $0x1  }
0xbe: {  	_ =	sfence.sel $0xFFFF  }
0xbf: {  	[dreg:$0x0] =	wrdreg $0xFFFFFFFF;
	(pc) =	sbr.abs _section_cstart, $3  }
0xc0: {  	[dreg:$0x1] =	wrdreg $0xFFFFFFFF  }
0xc1: {  	_ =	task.clear_ibuf [dreg:s6], $0x2FFFF;
	_ =	strace $0x9FFFFFFF  }
0xc2: {  	(tm) =	ssettm $0x7FFFFFFF  }
0xc3: {  	_ =	shalt  }
tec
execute0_lowered:
.L_overlay_start_1:
0x0: {  	(tag) =	ssettag $0x1  }
0x1: {  	s9 =	rddreg [dreg:$0x0]  }
0x2: {  	s1 =	rddreg [dreg:$0x1];
	s3 =	srdreg.scid  }
0x3: {  	s2 =	simm.s32 $0x0;
	s14 =	stileid.u32;
	s15 =	simm.s32 $0x400  }
0x4: {  	s16 =	simm.s32 $0x450;
	s17 =	simm.s32 $0x50;
	s18 =	simm.s32 $0x4A0  }
0x5: {  	s19 =	simm.s32 $0x0;
	s7 =	sand.u32 $0x1, s3;
	[smem:$0x7FF] =	sst s2  }
0x6: {  	s4 =	sadd.s32 $0x3400, s9;
	s5 =	sadd.s32 $0x17000, s9;
	s6 =	sadd.s32 $0x21200, s9  }
0x7: {  	s12 =	smul.u32 $0x5000, s14;
	s0 =	sadd.s32 $0x2B400, s9;
	s24 =	sadd.s32 $0x8400, s9  }
0x8: {  	s30 =	sshll.u32 s14, $0x6;
	_ =	strace $0x8000004D;
	[dreg:$0x3] =	wrdreg s0  }
0x9: {  	s3 =	sshll.u32 s7, $0x4;
	s11 =	ssub.s32 $0x2, s7;
	[dreg:$0x4] =	wrdreg s24  }
0xa: {  	s3 =	sor.u32 s14, s3;
	s13 =	sshrl.u32 s11, $0x1;
	s26 =	sshrl.u32 s12, $0x2  }
0xb: {  	s12 =	sor.u32 $0x1C02, s30;
	s10 =	smul.u32 $0x280, s3;
	s25 =	ssub.s32 s11, s13  }
0xc: {  	s28 =	sadd.s32 s26, s1;
	p0 =	seq.s32 s3, $0x0;
	s31 =	smax.u32 s25, $0x1  }
.Ltmp0:
0xd: {  	s0 =	simm.s32 @!p0 $0x0;
	s9 =	sadd.s32 s10, s9;
	(pc) =	sbr.rel .LBB2_1-.Ltmp0, $4  }
0xe: {  	[dreg:$0x6] =	wrdreg s31;
	s0 =	simm.s32 @p0 $0x1;
	p0 =	sne.s32 s14, $0x0  }
0xf: {  	v0 =	vlaneseq.u32;
	s29 =	sadd.s32 $0x8800, s9;
	[smem:$0x7FC] =	sst s0;
	s0 =	simm.s32 @!p0 $0x0  }
0x10: {  	v1 =	vadd.s32 $0x1, v0;
	v2 =	vadd.s32 $0x11, v0;
	s11 =	simm.s32 $0x2;
	[dreg:$0x5] =	wrdreg s29;
	s0 =	simm.s32 @p0 $0x1  }
0x11: {  	v3 =	vadd.s32 $0x21, v0;
	v4 =	vadd.s32 $0x31, v0;
	v5 =	vadd.s32 $0x41, v0;
	s13 =	sshrl.u32 s28, $0x3;
	s14 =	simm.s32 $0x1;
	[smem:$0x7FD] =	sst s0  }
.LBB2_19:
0x12: {  	s0 =	rddreg [dreg:$0x5]  }
0x13: {  	[hbm:s0], [sflag:s12] =	dma.local [spmem:s13], $0x280  }
0x14: {  	_ =	swait.ge [sflag:s11], $0x280  }
0x15: {  	s19 =	sadd.s32 $0x1, s19;
	s31 =	rddreg [dreg:$0x6]  }
0x16: {  	p0 =	sne.s32 s19, s31  }
.Ltmp1:
0x17: {  	_ = 	snop;
	(pc) =	sbr.rel @!p0 .LBB2_20-.Ltmp1, $3  }
0x18: {  	_ =	sdelay $0x1  }
0x19: {  	[sflag:s11] =	ssyncset.done $0x0  }
0x1a: {  	[sflag:s11] =	ssyncadd.s32 $0xFFFFFD80  }
.LBB2_1:
0x1b: {  	s0 =	rddreg [dreg:$0x3]  }
0x1c: {  	[tilespmem:s2], [sflag:$0x2] =	stream.linear.gather [hbm4b:s0+s2], $0x400, $0x38;
	[tilespmem:$0x1DA8] =	vst v63  }
0x1d: {  	_ =	swait.ge [sflag:s11], $0x400  }
0x1e: {  	[sflag:s11] =	ssyncset.done $0x0  }
.Ltmp2:
0x1f: {  	s31 =	rddreg [dreg:$0x4];
	[sflag:s11] =	ssyncadd.s32 $0xFFFFFC00;
	(pc) =	sbr.rel .LBB2_2-.Ltmp2, $4  }
0x20: {  	[spmem:s13], [sflag:s12] =	dma.local [hbm:s31], $0x280  }
0x21: {  	_ =	swait.ge [sflag:s11], $0x280  }
0x22: {  	s20 =	simm.s32 $0x0;
	[sflag:s11] =	ssyncset.done $0x0  }
0x23: {  	s21 =	simm.s32 $0x0;
	s22 =	simm.s32 $0x0;
	[sflag:s11] =	ssyncadd.s32 $0xFFFFFD80  }
.LBB2_17:
0x24: {  	v6 =	vsel vm0, $0x0, v6;
	[tilespmem:$0x450] =	vst v7  }
0x25: {  	[tilespmem:$0x400] =	vst v6  }
0x26: {  	[tilespmem:s18], [sflag:$0x1] =	stream.indirect.gather [hbm4b:s4+s17], $0x10, s15, s17, $0xb8;
	[tilespmem:$0x1DA8] =	vst v63  }
0x27: {  	_ =	swait.ge [sflag:s14], $0x500  }
0x28: {  	[sflag:s14] =	ssyncset.done $0x0  }
0x29: {  	[sflag:s14] =	ssyncadd.s32 $0xFFFFFB00  }
0x2a: {  	[spmem:s1] =	stream.indirect.scatter.add.f32 [tilespmem:s18], [sflag:$0x2], $0x10, s16, s17, $0xb8;
	[tilespmem:$0x1DA8] =	vst v63  }
0x2b: {  	_ =	swait.ge [sflag:s11], $0x500  }
0x2c: {  	[sflag:s11] =	ssyncset.done $0x0  }
0x2d: {  	[sflag:s11] =	ssyncadd.s32 $0xFFFFFB00  }
.LBB2_18:
0x2e: {  	s22 =	sadd.s32 $0x1, s22  }
0x2f: {  	p0 =	sne.s32 s22, $0x20  }
.Ltmp3:
0x30: {  	_ = 	snop;
	(pc) =	sbr.rel @!p0 .LBB2_19-.Ltmp3, $2  }
0x31: {  	_ =	sdelay $0x2  }
0x32: {  	s21 =	sadd.s32 $0x20, s21;
	s20 =	sadd.s32 $0x2850, s20  }
.LBB2_2:
0x33: {  	s0 =	sld [smem:$0x7FD]  }
0x34: {  	s23 =	sshll.u32 s22, $0x5  }
0x35: {  	s23 =	sor.u32 s3, s23  }
0x36: {  	p2 =	seq.s32 s23, $0x0;
	p0 =	seq.s32 s0, $0x1  }
0x37: {  	p2 =	por !p0, !p2  }
0x38: {  	s24 =	simm.s32 $0xFFFFFFFF;
	p2 =	por !p2, !p2  }
0x39: {  	s24 =	simm.s32 @!p2 $0x0  }
0x3a: {  	s24 =	sshll.u32 s24, $0x4  }
0x3b: {  	s24 =	sadd.s32 s23, s24  }
0x3c: {  	s24 =	sand.u32 $0xFFFFFFF0, s24  }
0x3d: {  	v6 =	vld [tilespmem:s24+$0x0];
	_ =	sdelay $0x2  }
0x3e: {  	s23 =	ssub.s32 s23, s24  }
0x3f: {  	v7 =	vmov s23  }
0x40: {  	vm0 =	veq.s32 v7, v0;
	v6 =	vxor.u32 $0x80000000, v6  }
0x41: {  	v6 =	vnsel vm0, $0x0, v6  }
0x42: {  	(xrf0) =	vmax.scan.msk.u32 $0xffff, v6;
	_ =	sdelay $0x5  }
0x43: {  	v6, _, _ =	vpop (xrf0)  }
0x44: {  	(v2sf) =	vpush v6, $0xF;
	_ =	sdelay $0x6  }
0x45: {  	s31 =	sld [smem:$0x7FC];
	_ =	sdelay $0x2  }
0x46: {  	p0 =	seq.s32 s31, $0x1  }
.Ltmp4:
0x47: {  	_ = 	snop;
	(pc) =	sbr.rel @p0 .LBB2_14-.Ltmp4, $2  }
0x48: {  	_ =	sdelay $0x2  }
0x49: {  	s24 =	simm.s32 $0x0;
	s23 =	spop (v2sf)  }
0x4a: {  	p5 =	sne.s32 s3, $0x1  }
.Ltmp5:
0x4b: {  	s28 =	sadd.s32 $0x0, s21;
	s25 =	sand.u32 $0xF, s24;
	(pc) =	sbr.rel @!p5 .LBB2_4-.Ltmp5, $4  }
0x4c: {  	p2 =	seq.s32 s28, $0x0;
	p3 =	sne.s32 s25, $0x0  }
0x4d: {  	s29 =	simm.s32 $0xFFFFFFFF;
	p2 =	por !p2, !p3  }
0x4e: {  	p4 =	por $0x0, $0x0;
	s25 =	simm.s32 $0x1;
	p2 =	por !p2, !p2  }
0x4f: {  	p3 =	por $0x0, $0x0;
	s29 =	simm.s32 @!p2 $0x0;
	p2 =	por $0x0, $0x0  }
0x50: {  	s26 =	sshll.u32 s29, $0x4  }
0x51: {  	s29 =	sadd.s32 s26, s28  }
0x52: {  	s29 =	sand.u32 $0xFFFFFFF0, s29  }
0x53: {  	s25 =	sand.u32 $0xF, s25;
	v6 =	vld [tilespmem:s29+$0x0];
	s29 =	sadd.s32 s26, s21;
	s26 =	sadd.s32 $0x1, s21  }
0x54: {  	p5 =	sne.s32 s25, $0x0;
	p2 =	seq.s32 s26, $0x0  }
0x55: {  	p2 =	por !p2, !p5;
	p5 =	sne.s32 s3, $0x2  }
.Ltmp6:
0x56: {  	s29 =	sand.u32 $0xFFFFFFF0, s29;
	(pc) =	sbr.rel @!p5 .LBB2_6-.Ltmp6, $4  }
0x57: {  	s31 =	ssub.s32 s28, s29  }
0x58: {  	v7 =	vmov s31  }
0x59: {  	s30 =	simm.s32 $0x2;
	s29 =	simm.s32 $0xFFFFFFFF;
	p2 =	por !p2, !p2;
	vm0 =	veq.s32 v7, v0;
	v6 =	vxor.u32 $0x80000000, v6  }
0x5a: {  	s25 =	sadd.s32 $0x1, s21;
	s29 =	simm.s32 @!p2 $0x0;
	p2 =	por $0x1, $0x1;
	v6 =	vnsel vm0, $0x0, v6  }
0x5b: {  	s28 =	sshll.u32 s29, $0x4  }
0x5c: {  	s29 =	sadd.s32 s28, s26  }
0x5d: {  	s29 =	sand.u32 $0xFFFFFFF0, s29  }
0x5e: {  	(xrf0) =	vmax.scan.msk.u32 $0xffff, v6;
	v6 =	vld [tilespmem:s29+$0x0];
	s29 =	sadd.s32 s28, s25  }
0x5f: {  	s29 =	sand.u32 $0xFFFFFFF0, s29  }
0x60: {  	s29 =	ssub.s32 s26, s29  }
0x61: {  	v7 =	vmov s29;
	_ =	sdelay $0x2  }
0x62: {  	vm0 =	veq.s32 v7, v0;
	v7, _, _ =	vpop (xrf0)  }
0x63: {  	(v2sf) =	vpush v7, $0xF;
	_ =	sdelay $0x5  }
0x64: {  	s30 =	sand.u32 $0xF, s30;
	s28 =	sadd.s32 $0x2, s21  }
0x65: {  	p5 =	sne.s32 s30, $0x0;
	p3 =	seq.s32 s28, $0x0  }
0x66: {  	p3 =	por !p3, !p5;
	p5 =	sne.s32 s3, $0x3  }
.Ltmp7:
0x67: {  	_ = 	snop;
	(pc) =	sbr.rel @!p5 .LBB2_8-.Ltmp7, $3  }
0x68: {  	_ =	sdelay $0x1  }
0x69: {  	s25 =	sadd.s32 $0x1, s25;
	p3 =	por !p3, !p3;
	s29 =	simm.s32 $0xFFFFFFFF;
	v6 =	vxor.u32 $0x80000000, v6  }
0x6a: {  	s26 =	simm.s32 $0x3;
	s29 =	simm.s32 @!p3 $0x0;
	p3 =	por $0x1, $0x1;
	v6 =	vnsel vm0, $0x0, v6  }
0x6b: {  	s29 =	sshll.u32 s29, $0x4  }
0x6c: {  	(xrf0) =	vmax.scan.msk.u32 $0xffff, v6;
	s30 =	sadd.s32 s29, s28;
	s29 =	sadd.s32 s29, s25  }
0x6d: {  	s26 =	sand.u32 $0xF, s26;
	s30 =	sand.u32 $0xFFFFFFF0, s30;
	s31 =	sand.u32 $0xFFFFFFF0, s29  }
0x6e: {  	p5 =	sne.s32 s26, $0x0;
	v6 =	vld [tilespmem:s30+$0x0];
	s30 =	sadd.s32 $0x3, s21;
	s26 =	ssub.s32 s28, s31  }
0x6f: {  	p4 =	seq.s32 s30, $0x0;
	v7 =	vmov s26  }
0x70: {  	p4 =	por !p4, !p5;
	p5 =	sne.s32 s3, $0x4  }
.Ltmp8:
0x71: {  	_ = 	snop;
	(pc) =	sbr.rel @!p5 .LBB2_10-.Ltmp8, $4  }
0x72: {  	vm0 =	veq.s32 v7, v0;
	v7, _, _ =	vpop (xrf0)  }
0x73: {  	s25 =	sadd.s32 $0x1, s25;
	(v2sf) =	vpush v7, $0xF  }
0x74: {  	s29 =	simm.s32 $0xFFFFFFFF;
	s28 =	simm.s32 $0x4;
	p4 =	por !p4, !p4;
	v6 =	vxor.u32 $0x80000000, v6  }
0x75: {  	s26 =	simm.s32 $0x0;
	s29 =	simm.s32 @!p4 $0x0;
	p4 =	por $0x1, $0x1;
	v6 =	vnsel vm0, $0x0, v6  }
.LBB2_11:
0x76: {  	s31 =	sadd.s32 s28, s21  }
0x77: {  	s29 =	sshll.u32 s29, $0x4;
	s0 =	spop (v2sf);
	s7 =	sand.u32 $0xF, s28  }
0x78: {  	(xrf0) =	vmax.scan.msk.u32 $0xffff, v6;
	s28 =	sadd.s32 $0x1, s28;
	s8 =	sadd.s32 s29, s30;
	s0 =	sadd.s32 $0x80000007, s0  }
0x79: {  	p5 =	seq.s32 s31, $0x0;
	s8 =	sand.u32 $0xFFFFFFF0, s8;
	s9 =	sand.u32 $0x7, s0  }
0x7a: {  	s10 =	sshra.s32 s0, $0x1F;
	p0 =	slt.s32 s0, $0x1;
	p1 =	sne.s32 s9, $0x0  }
0x7b: {  	p6 =	sne.s32 s7, $0x0;
	s7 =	sshrl.u32 s10, $0x1D;
	p0 =	por !p0, !p1  }
0x7c: {  	v6 =	vld [tilespmem:s8+$0x0];
	s8 =	sadd.s32 s29, s25;
	s0 =	sadd.s32 s7, s0;
	p1 =	sne.s32 s3, s28  }
0x7d: {  	p0 =	por !p0, !p0;
	s7 =	sand.u32 $0xFFFFFFF0, s8;
	s8 =	simm.s32 $0x1  }
.Ltmp9:
0x7e: {  	s0 =	sshrl.u32 s0, $0x3;
	v7, _, _ =	vpop (xrf0);
	s8 =	simm.s32 @!p0 $0x0;
	(pc) =	sbr.rel @p1 .LBB2_11-.Ltmp9, $4  }
0x7f: {  	s7 =	ssub.s32 s30, s7;
	(v2sf) =	vpush v7, $0xF;
	s0 =	ssub.s32 s0, s8  }
0x80: {  	s29 =	simm.s32 $0xFFFFFFFF;
	p0 =	por !p5, !p6;
	v7 =	vmov s7;
	s0 =	sshll.u32 s0, $0x3  }
0x81: {  	s30 =	smov.u32 s31;
	p0 =	por !p0, !p0;
	vm0 =	veq.s32 v7, v0;
	v6 =	vxor.u32 $0x80000000, v6;
	s26 =	sadd.s32 s26, s0  }
0x82: {  	s25 =	sadd.s32 $0x1, s25;
	s29 =	simm.s32 @!p0 $0x0;
	v6 =	vnsel vm0, $0x0, v6  }
0x83: {  	s28 =	smov.u32 s30  }
.LBB2_13:
0x84: {  	s0 =	sshll.u32 s29, $0x4  }
0x85: {  	s7 =	sadd.s32 s0, s28  }
0x86: {  	s7 =	sand.u32 $0xFFFFFFF0, s7  }
0x87: {  	v7 =	vld [tilespmem:s7+$0x0]  }
0x88: {  	s0 =	sadd.s32 s0, s25  }
0x89: {  	s0 =	sand.u32 $0xFFFFFFF0, s0  }
0x8a: {  	(xrf0) =	vmax.scan.msk.u32 @p2 $0xffff, v6;
	s0 =	ssub.s32 s28, s0  }
0x8b: {  	v6 =	vmov s0  }
0x8c: {  	vm0 =	veq.s32 v6, v0;
	v6 =	vxor.u32 $0x80000000, v7  }
0x8d: {  	v6 =	vnsel vm0, $0x0, v6;
	_ =	sdelay $0x1  }
0x8e: {  	(xrf0) =	vmax.scan.msk.u32 $0xffff, v6  }
0x8f: {  	v6, _, _ =	vpop @p2 (xrf0)  }
0x90: {  	(v2sf) =	vpush @p2 v6, $0xF;
	_ =	sdelay $0x2  }
0x91: {  	s0 =	spop @p4 (v2sf)  }
0x92: {  	s0 =	sadd.s32 @p4 $0x80000007, s0;
	v6, _, _ =	vpop (xrf0)  }
0x93: {  	s7 =	sand.u32 @p4 $0x7, s0;
	s8 =	sshra.s32 @p4 s0, $0x1F;
	(v2sf) =	vpush v6, $0xF  }
0x94: {  	p0 =	slt.s32 @p4 s0, $0x1;
	p1 =	sne.s32 @p4 s7, $0x0;
	s7 =	sshrl.u32 @p4 s8, $0x1D  }
0x95: {  	p0 =	por @p4 !p0, !p1;
	s0 =	sadd.s32 @p4 s7, s0;
	s8 =	spop @p3 (v2sf)  }
0x96: {  	p0 =	por @p4 !p0, !p0;
	s0 =	sshrl.u32 @p4 s0, $0x3;
	s7 =	sadd.s32 @p3 $0x80000007, s8  }
0x97: {  	p0 =	por !p0, !p4;
	s8 =	simm.s32 $0x1;
	s9 =	sand.u32 @p3 $0x7, s7  }
0x98: {  	s8 =	simm.s32 @p0 $0x0;
	p0 =	slt.s32 @p3 s7, $0x1;
	p1 =	sne.s32 @p3 s9, $0x0  }
0x99: {  	s0 =	ssub.s32 @p4 s0, s8;
	s8 =	sshra.s32 @p3 s7, $0x1F;
	p0 =	por @p3 !p0, !p1  }
0x9a: {  	s9 =	simm.s32 $0x0;
	s8 =	sshrl.u32 @p3 s8, $0x1D;
	p0 =	por @p3 !p0, !p0  }
0x9b: {  	s7 =	sadd.s32 @p3 s8, s7;
	s8 =	simm.s32 $0x1;
	p0 =	por !p0, !p3  }
0x9c: {  	s0 =	sshll.u32 @p4 s0, $0x3;
	s7 =	sshrl.u32 @p3 s7, $0x3;
	s8 =	simm.s32 @p0 $0x0  }
0x9d: {  	s0 =	sadd.s32 @p4 s26, s0;
	s7 =	ssub.s32 @p3 s7, s8;
	s8 =	spop @p2 (v2sf)  }
0x9e: {  	s9 =	smov.u32 @p4 s0;
	s0 =	sshll.u32 @p3 s7, $0x3;
	s7 =	sadd.s32 @p2 $0x80000007, s8  }
0x9f: {  	s0 =	sadd.s32 @p3 s9, s0;
	s8 =	simm.s32 $0x0;
	s9 =	sand.u32 @p2 $0x7, s7  }
0xa0: {  	s10 =	sshra.s32 @p2 s7, $0x1F;
	p0 =	slt.s32 @p2 s7, $0x1;
	s8 =	smov.u32 @p3 s0  }
0xa1: {  	p1 =	sne.s32 @p2 s9, $0x0;
	s0 =	sshrl.u32 @p2 s10, $0x1D;
	s9 =	simm.s32 $0x1  }
0xa2: {  	p0 =	por @p2 !p0, !p1;
	s0 =	sadd.s32 @p2 s0, s7;
	s26 =	spop (v2sf)  }
0xa3: {  	p0 =	por @p2 !p0, !p0;
	s7 =	sadd.s32 $0x80000007, s26;
	s0 =	sshrl.u32 @p2 s0, $0x3  }
0xa4: {  	p0 =	por !p0, !p2;
	s28 =	sand.u32 $0x7, s7;
	s29 =	sshra.s32 s7, $0x1F  }
0xa5: {  	p5 =	slt.s32 s7, $0x1;
	s9 =	simm.s32 @p0 $0x0;
	p6 =	sne.s32 s28, $0x0  }
0xa6: {  	s30 =	sshrl.u32 s29, $0x1D;
	s0 =	ssub.s32 @p2 s0, s9;
	p0 =	por !p5, !p6  }
0xa7: {  	s7 =	sadd.s32 s30, s7;
	s9 =	simm.s32 $0x1;
	p0 =	por !p0, !p0  }
0xa8: {  	s0 =	sshll.u32 @p2 s0, $0x3;
	s7 =	sshrl.u32 s7, $0x3;
	s9 =	simm.s32 @!p0 $0x0  }
0xa9: {  	s0 =	sadd.s32 @p2 s8, s0;
	s7 =	ssub.s32 s7, s9  }
0xaa: {  	s24 =	smov.u32 @p2 s0;
	s31 =	sshll.u32 s7, $0x3  }
0xab: {  	s24 =	sadd.s32 s24, s31  }
.LBB2_14:
0xac: {  	s0 =	sadd.s32 $0x8000004F, s23  }
0xad: {  	s7 =	smulhi.u32 $0x66666667, s0;
	s8 =	sshra.s32 s0, $0x1F  }
0xae: {  	s8 =	smul.u32 $0x66666667, s8;
	_ =	sdelay $0x1  }
0xaf: {  	s7 =	sadd.s32 s8, s7  }
0xb0: {  	s8 =	sshrl.u32 s7, $0x1F;
	s7 =	sshra.s32 s7, $0x5  }
0xb1: {  	s7 =	sadd.s32 s8, s7  }
0xb2: {  	s8 =	smul.u32 $0xFFFFFFB0, s7  }
0xb3: {  	s9 =	ssub.s32 $0x7FFFFFB1, s23  }
0xb4: {  	p0 =	slt.s32 s0, $0x1;
	p1 =	sne.s32 s8, s9  }
0xb5: {  	p0 =	por !p0, !p1  }
0xb6: {  	s0 =	simm.s32 $0x1;
	p0 =	por !p0, !p0  }
0xb7: {  	s0 =	simm.s32 @!p0 $0x0  }
0xb8: {  	s25 =	ssub.s32 s7, s0  }
0xb9: {  	p0 =	slt.s32 s25, $0x1  }
.Ltmp10:
0xba: {  	_ = 	snop;
	(pc) =	sbr.rel @p0 .LBB2_18-.Ltmp10, $1  }
0xbb: {  	_ =	sdelay $0x3  }
0xbc: {  	s24 =	sadd.s32 s20, s24  }
0xbd: {  	s0 =	sshrl.u32 s24, $0x3  }
0xbe: {  	s7 =	sadd.s32 s5, s0  }
0xbf: {  	[tilespmem:s15], [sflag:$0x2] =	stream.linear.gather [hbm4b:s7+s2], $0x50, $0x38;
	[tilespmem:$0x1DA8] =	vst v63  }
0xc0: {  	_ =	swait.ge [sflag:s11], $0x50  }
0xc1: {  	[sflag:s11] =	ssyncset.done $0x0  }
0xc2: {  	s0 =	sadd.s32 s6, s0;
	[sflag:s11] =	ssyncadd.s32 $0xFFFFFFB0  }
0xc3: {  	[tilespmem:s16], [sflag:$0x2] =	stream.linear.gather [hbm4b:s0+s2], $0x50, $0x38;
	[tilespmem:$0x1DA8] =	vst v63  }
0xc4: {  	_ =	swait.ge [sflag:s11], $0x50  }
0xc5: {  	[sflag:s11] =	ssyncset.done $0x0  }
0xc6: {  	[sflag:s11] =	ssyncadd.s32 $0xFFFFFFB0  }
0xc7: {  	s23 =	sxor.u32 $0x80000000, s23;
	v6 =	vld [tilespmem:$0x490]  }
0xc8: {  	p0 =	slt.s32 s23, $0x50;
	s0 =	smov.u32 s23  }
0xc9: {  	s0 =	simm.s32 @!p0 $0x50;
	v7 =	vld [tilespmem:$0x460]  }
0xca: {  	v9 =	vmov s0;
	v8 =	vld [tilespmem:$0x440]  }
0xcb: {  	vm0 =	vlt.s32 v9, v5;
	v10 =	vld [tilespmem:$0x430]  }
0xcc: {  	v11 =	vld [tilespmem:$0x470];
	v6 =	vsel vm0, $0x1400, v6  }
0xcd: {  	[tilespmem:$0x490] =	vst v6;
	v6 =	vld [tilespmem:$0x410]  }
0xce: {  	vm1 =	vlt.s32 v9, v2;
	v12 =	vld [tilespmem:$0x420]  }
0xcf: {  	vm2 =	vlt.s32 v9, v4;
	v13 =	vld [tilespmem:$0x480];
	v7 =	vsel vm1, $0x1400, v7  }
0xd0: {  	v10 =	vsel vm2, $0x0, v10;
	[tilespmem:$0x460] =	vst v7  }
0xd1: {  	p0 =	sne.s32 s25, $0x1;
	v7 =	vsel vm0, $0x0, v8;
	v8 =	vld [tilespmem:$0x450];
	vm0 =	vlt.s32 v9, v3;
	[tilespmem:$0x430] =	vst v10  }
.Ltmp11:
0xd2: {  	[tilespmem:$0x440] =	vst v7;
	v7 =	vsel vm0, $0x1400, v11;
	v63 =	vsel vm1, $0x0, v6;
	v6 =	vld [tilespmem:$0x400];
	(pc) =	sbr.rel @!p0 .LBB2_17-.Ltmp11, $4  }
0xd3: {  	v62 =	vsel vm0, $0x0, v12;
	[tilespmem:$0x470] =	vst v7  }
0xd4: {  	[tilespmem:$0x420] =	vst v62;
	v7 =	vsel vm2, $0x1400, v13  }
0xd5: {  	vm0 =	vlt.s32 v9, v1;
	[tilespmem:$0x480] =	vst v7  }
0xd6: {  	s25 =	sadd.s32 $0xFFFFFFFF, s25;
	v7 =	vsel vm0, $0x1400, v8;
	[tilespmem:$0x410] =	vst v63  }
.LBB2_16:
0xd7: {  	p2 =	sne.s32 s25, $0x1;
	v6 =	vsel vm0, $0x0, v6;
	[tilespmem:$0x450] =	vst v7;
	s23 =	sadd.s32 $0xFFFFFFB0, s23;
	s24 =	sadd.s32 $0x50, s24  }
0xd8: {  	s25 =	sadd.s32 $0xFFFFFFFF, s25;
	[tilespmem:$0x400] =	vst v6  }
0xd9: {  	[tilespmem:s18], [sflag:$0x1] =	stream.indirect.gather [hbm4b:s4+s17], $0x10, s15, s17, $0xb8;
	[tilespmem:$0x1DA8] =	vst v63  }
0xda: {  	_ =	swait.ge [sflag:s14], $0x500  }
0xdb: {  	[sflag:s14] =	ssyncset.done $0x0  }
0xdc: {  	[sflag:s14] =	ssyncadd.s32 $0xFFFFFB00  }
0xdd: {  	[spmem:s1] =	stream.indirect.scatter.add.f32 [tilespmem:s18], [sflag:$0x2], $0x10, s16, s17, $0xb8;
	[tilespmem:$0x1DA8] =	vst v63  }
0xde: {  	_ =	swait.ge [sflag:s11], $0x500  }
0xdf: {  	s0 =	sshrl.u32 s24, $0x3;
	[sflag:s11] =	ssyncset.done $0x0  }
0xe0: {  	s7 =	sadd.s32 s5, s0;
	[sflag:s11] =	ssyncadd.s32 $0xFFFFFB00  }
0xe1: {  	[tilespmem:s15], [sflag:$0x2] =	stream.linear.gather [hbm4b:s7+s2], $0x50, $0x38;
	[tilespmem:$0x1DA8] =	vst v63  }
0xe2: {  	_ =	swait.ge [sflag:s11], $0x50  }
0xe3: {  	[sflag:s11] =	ssyncset.done $0x0  }
0xe4: {  	s0 =	sadd.s32 s6, s0;
	[sflag:s11] =	ssyncadd.s32 $0xFFFFFFB0  }
0xe5: {  	[tilespmem:s16], [sflag:$0x2] =	stream.linear.gather [hbm4b:s0+s2], $0x50, $0x38;
	[tilespmem:$0x1DA8] =	vst v63  }
0xe6: {  	_ =	swait.ge [sflag:s11], $0x50  }
0xe7: {  	[sflag:s11] =	ssyncset.done $0x0  }
0xe8: {  	[sflag:s11] =	ssyncadd.s32 $0xFFFFFFB0  }
0xe9: {  	v6 =	vld [tilespmem:$0x490]  }
0xea: {  	p0 =	slt.s32 s23, $0x50;
	s0 =	smov.u32 s23;
	v7 =	vld [tilespmem:$0x460]  }
0xeb: {  	s0 =	simm.s32 @!p0 $0x50;
	v8 =	vld [tilespmem:$0x440]  }
0xec: {  	v9 =	vmov s0;
	v10 =	vld [tilespmem:$0x430]  }
0xed: {  	vm0 =	vlt.s32 v9, v5;
	v11 =	vld [tilespmem:$0x470]  }
0xee: {  	vm1 =	vlt.s32 v9, v2;
	v12 =	vld [tilespmem:$0x420];
	v6 =	vsel vm0, $0x1400, v6  }
0xef: {  	v7 =	vsel vm1, $0x1400, v7;
	v13 =	vld [tilespmem:$0x480];
	[tilespmem:$0x490] =	vst v6  }
0xf0: {  	vm2 =	vlt.s32 v9, v4;
	v14 =	vld [tilespmem:$0x410];
	[tilespmem:$0x460] =	vst v7;
	v6 =	vsel vm0, $0x0, v8  }
0xf1: {  	vm0 =	vlt.s32 v9, v3;
	v7 =	vld [tilespmem:$0x450];
	v8 =	vsel vm2, $0x0, v10;
	[tilespmem:$0x440] =	vst v6  }
.Ltmp12:
0xf2: {  	v6 =	vld [tilespmem:$0x400];
	v10 =	vsel vm0, $0x1400, v11;
	[tilespmem:$0x430] =	vst v8;
	(pc) =	sbr.rel @p2 .LBB2_16-.Ltmp12, $4  }
0xf3: {  	v8 =	vsel vm0, $0x0, v12;
	[tilespmem:$0x470] =	vst v10  }
0xf4: {  	[tilespmem:$0x420] =	vst v8;
	v8 =	vsel vm2, $0x1400, v13  }
0xf5: {  	vm0 =	vlt.s32 v9, v1;
	v9 =	vsel vm1, $0x0, v14;
	[tilespmem:$0x480] =	vst v8  }
0xf6: {  	v7 =	vsel vm0, $0x1400, v7;
	[tilespmem:$0x410] =	vst v9  }
.Ltmp13:
0xf7: {  	_ = 	snop;
	(pc) =	sbr.rel .LBB2_17-.Ltmp13, $1  }
0xf8: {  	_ =	sdelay $0x3  }
.LBB2_4:
.Ltmp14:
0xf9: {  	(pc) =	sbr.rel .LBB2_13-.Ltmp14, $2  }
0xfa: {  	_ =	sdelay $0x2  }
0xfb: {  	s25 =	smov.u32 s21;
	s26 =	simm.s32 $0x0  }
.LBB2_6:
.Ltmp15:
0xfc: {  	(pc) =	sbr.rel .LBB2_13-.Ltmp15, $2  }
0xfd: {  	_ =	sdelay $0x2  }
0xfe: {  	s28 =	smov.u32 s26;
	s26 =	simm.s32 $0x0  }
.LBB2_8:
.Ltmp16:
0xff: {  	(pc) =	sbr.rel .LBB2_13-.Ltmp16, $2  }
0x100: {  	_ =	sdelay $0x2  }
0x101: {  	s26 =	simm.s32 $0x0  }
.LBB2_10:
.Ltmp17:
0x102: {  	(pc) =	sbr.rel .LBB2_13-.Ltmp17, $2  }
0x103: {  	_ =	sdelay $0x2  }
0x104: {  	s28 =	smov.u32 s30;
	s26 =	simm.s32 $0x0  }
.LBB2_20:
0x105: {  	_ =	sfence.sel $0x180000  }
0x106: {  	[bflag:$0x0] =	sbarrier.arrive $0xFFFF  }
0x107: {  	_ =	strace $0x9000004D  }
0x108: {  	[bflag:$0x2] =	sbarrier.arrive $0xFFFF  }
0x109: {  	s1 =	sld [smem:$0x7FD];
	_ =	sdelay $0x2  }
0x10a: {  	s0 =	rddreg [dreg:$0x2];
	p0 =	seq.s32 s1, $0x1  }
0x10b: {  	s0 =	sadd.s32 @!p0 $0x100000, s0  }
0x10c: {  	[sflag:s0] =	ssyncadd.tile.s32 @!p0 $0x1;
	_ =	shalt  }
.Lfunc_end2:
_tile_overlayer_lowered:
.L_overlay_start_2:
0x10d: {  	(tag) =	ssettag $0x2  }
0x10e: {  	s0 =	rddreg [dreg:$0x0];
	s2 =	stileid.u32  }
0x10f: {  	s1 =	rddreg [dreg:$0x1];
	p0 =	sne.s32 s2, $0x0  }
0x110: {  	s3 =	rddreg [dreg:$0x2];
	[bflag:$0x3] =	sbarrier.arrive $0xFFFF;
	s2 =	simm.s32 @!p0 $0x1C02  }
0x111: {  	[timem:s3], [sflag:s2] =	dma.local @!p0 [hbm:s0], s1  }
0x112: {  	s0 =	simm.s32 @!p0 $0x2  }
0x113: {  	_ =	swait.ge @!p0 [sflag:s0], s1  }
0x114: {  	s1 =	ssub.s32 @!p0 $0x0, s1;
	[sflag:s0] =	ssyncset.done @!p0 $0x0  }
0x115: {  	[sflag:s0] =	ssyncadd.s32 @!p0 s1  }
0x116: {  	[bflag:$0x3] =	sbarrier.arrive $0xFFFF  }
0x117: {  	_ =	shalt  }

// kernel: kernel.19.cloned.1.call-start
scs
__scs_entry_jumppad:
0x0: {  	(pc) =	sbr.rel $0x88, $3  }
0x1: {  	(tag) =	ssettag $0x0;
	lr =	simm.s32 $0x1  }
0x2: {  	[smem:$0x3F90] =	sst lr;
	_ =	strace $0xD0000000  }
0x3: {  	_ = 	snop  }
0x4: {  	_ = 	snop  }
0x5: {  	_ = 	snop  }
0x6: {  	_ = 	snop  }
0x7: {  	_ = 	snop  }
__scs_overlays_trampoline_lowered:
0x8: {  	[smem:$0x3F9F] =	sst s0  }
0x9: {  	[smem:$0x3FA0] =	sst s1  }
0xa: {  	[smem:$0x3FA1] =	sst s2  }
0xb: {  	[smem:$0x3FA2] =	sst s3  }
0xc: {  	[smem:$0x3FA3] =	sst s4  }
0xd: {  	[smem:$0x3FA4] =	sst s5  }
0xe: {  	[smem:$0x3FA5] =	sst s6  }
0xf: {  	[smem:$0x3FA6] =	sst s7  }
0x10: {  	[smem:$0x3FA7] =	sst s8  }
0x11: {  	[smem:$0x3FA8] =	sst s9;
	s0 =	simm.s32 @!p0 $0x0  }
0x12: {  	s1 =	sld [smem:$0x3F8E];
	s0 =	simm.s32 @p0 $0x1  }
0x13: {  	[smem:$0x3FA9] =	sst s0;
	s0 =	simm.s32 @!p1 $0x0  }
0x14: {  	s2 =	sld [smem:$0x3F8D];
	s0 =	simm.s32 @p1 $0x1  }
0x15: {  	[smem:$0x3FAA] =	sst s0;
	s0 =	simm.s32 @!p2 $0x0  }
0x16: {  	s3 =	sld [smem:$0x3FDB];
	s0 =	simm.s32 @p2 $0x1  }
0x17: {  	s4 =	simm.s32 $0x1BF5;
	[smem:$0x3FAC] =	sst s0  }
0x18: {  	s0 =	sld [smem:$0x3F8F];
	_ =	swait.ge [sflag:s4], $0x0  }
0x19: {  	s7 =	sld [smem:$0x3F90]  }
0x1a: {  	s8 =	sadd.s32 $0xFFFFE003, lr  }
0x1b: {  	s9 =	sadd.s32 $0xFFFFFEF7, lr;
	s5 =	simm.s32 $0xFFFFFFFF;
	p2 =	slt.u32 s8, $0xFFFFF086  }
0x1c: {  	p1 =	slt.u32 s9, $0xF7A;
	s5 =	simm.s32 @!p2 $0x0  }
0x1d: {  	s5 =	simm.s32 @p1 $0x1;
	p0 =	seq.s32 s7, s2  }
0x1e: {  	s7 =	smul.u32 @!p0 $0xF7A, s2;
	p2 =	seq.s32 @!p0 s5, $0x0  }
0x1f: {  	s9 =	smul.u32 $0xF7A, s1;
	s8 =	simm.s32 @!p0 $0x1BF5;
	p2 =	por !p2, p0  }
0x20: {  	[sflag:s8] =	ssyncset.s32 @!p0 $0xFFFFF086;
	s6 =	sadd.s32 @!p0 s3, s7;
	s7 =	simm.s32 @!p0 $0x108  }
0x21: {  	s3 =	sadd.s32 s3, s9;
	s6 =	sadd.s32 @!p0 $0x88, s6;
	s7 =	simm.s32 @p2 $0x1082  }
0x22: {  	[simem:s7], [sflag:s8] =	dma.local @!p0 [hbm:s6], $0xF7A  }
0x23: {  	s9 =	sor.u32 $0xD0000000, s2;
	s6 =	simm.s32 $0x108;
	_ =	swait.ge @!p0 [sflag:s8], $0x0  }
0x24: {  	s3 =	sadd.s32 $0x88, s3;
	s6 =	simm.s32 @!p1 $0x1082;
	[sflag:s4] =	ssyncset.s32 $0xFFFFF086  }
0x25: {  	[simem:s6], [sflag:s4] =	dma.local [hbm:s3], $0xF7A  }
0x26: {  	[smem:$0x3F90] =	sst s1;
	(tag) =	ssettag s2;
	_ =	strace s9  }
0x27: {  	s1 =	sld [smem:$0x3FA0]  }
0x28: {  	s2 =	sld [smem:$0x3FA1]  }
0x29: {  	s4 =	sld [smem:$0x3FA3]  }
0x2a: {  	p0 =	seq.s32 s5, $0x0;
	s5 =	sld [smem:$0x3FA4]  }
0x2b: {  	s6 =	sld [smem:$0x3FA5]  }
0x2c: {  	s7 =	sld [smem:$0x3FA6]  }
0x2d: {  	s3 =	simm.s32 $0x108;
	s8 =	sld [smem:$0x3FA7]  }
0x2e: {  	s3 =	simm.s32 @!p0 $0x1082;
	s9 =	sld [smem:$0x3FA8]  }
0x2f: {  	lr =	sadd.s32 s0, s3;
	s0 =	sld [smem:$0x3F9F]  }
0x30: {  	s3 =	sld [smem:$0x3FA2]  }
0x31: {  	[smem:$0x3FAB] =	sst s10  }
0x32: {  	s10 =	sld [smem:$0x3FA9];
	_ =	sdelay $0x3  }
0x33: {  	p0 =	seq.s32 s10, $0x1;
	s10 =	sld [smem:$0x3FAB];
	_ =	sdelay $0x3  }
0x34: {  	[smem:$0x3FAB] =	sst s10  }
0x35: {  	s10 =	sld [smem:$0x3FAA];
	_ =	sdelay $0x3  }
0x36: {  	p1 =	seq.s32 s10, $0x1;
	s10 =	sld [smem:$0x3FAB];
	_ =	sdelay $0x3  }
0x37: {  	[smem:$0x3FAB] =	sst s10  }
0x38: {  	s10 =	sld [smem:$0x3FAC]  }
0x39: {  	_ = 	snop;
	(pc) =	sbr.ind lr, $3  }
0x3a: {  	_ = 	snop  }
0x3b: {  	_ = 	snop  }
0x3c: {  	p2 =	seq.s32 s10, $0x1;
	s10 =	sld [smem:$0x3FAB]  }
0x3d: {  	_ =	shalt  }
0x3e: {  	_ =	shalt  }
0x3f: {  	_ =	shalt  }
0x40: {  	_ =	shalt  }
0x41: {  	_ =	shalt  }
0x42: {  	_ =	shalt  }
0x43: {  	_ =	shalt  }
0x44: {  	_ =	shalt  }
0x45: {  	_ =	shalt  }
0x46: {  	_ =	shalt  }
0x47: {  	_ =	shalt  }
0x48: {  	_ =	shalt  }
0x49: {  	_ =	shalt  }
0x4a: {  	_ =	shalt  }
0x4b: {  	_ =	shalt  }
0x4c: {  	_ =	shalt  }
0x4d: {  	_ =	shalt  }
0x4e: {  	_ =	shalt  }
0x4f: {  	_ =	shalt  }
0x50: {  	_ =	shalt  }
0x51: {  	_ =	shalt  }
0x52: {  	_ =	shalt  }
0x53: {  	_ =	shalt  }
0x54: {  	_ =	shalt  }
0x55: {  	_ =	shalt  }
0x56: {  	_ =	shalt  }
0x57: {  	_ =	shalt  }
0x58: {  	_ =	shalt  }
0x59: {  	_ =	shalt  }
0x5a: {  	_ =	shalt  }
0x5b: {  	_ =	shalt  }
0x5c: {  	_ =	shalt  }
0x5d: {  	_ =	shalt  }
0x5e: {  	_ =	shalt  }
0x5f: {  	_ =	shalt  }
0x60: {  	_ =	shalt  }
0x61: {  	_ =	shalt  }
0x62: {  	_ =	shalt  }
0x63: {  	_ =	shalt  }
0x64: {  	_ =	shalt  }
0x65: {  	_ =	shalt  }
0x66: {  	_ =	shalt  }
0x67: {  	_ =	shalt  }
0x68: {  	_ =	shalt  }
0x69: {  	_ =	shalt  }
0x6a: {  	_ =	shalt  }
0x6b: {  	_ =	shalt  }
0x6c: {  	_ =	shalt  }
0x6d: {  	_ =	shalt  }
0x6e: {  	_ =	shalt  }
0x6f: {  	_ =	shalt  }
0x70: {  	_ =	shalt  }
0x71: {  	_ =	shalt  }
0x72: {  	_ =	shalt  }
0x73: {  	_ =	shalt  }
0x74: {  	_ =	shalt  }
0x75: {  	_ =	shalt  }
0x76: {  	_ =	shalt  }
0x77: {  	_ =	shalt  }
0x78: {  	_ =	shalt  }
0x79: {  	_ =	shalt  }
0x7a: {  	_ =	shalt  }
0x7b: {  	_ =	shalt  }
0x7c: {  	_ =	shalt  }
0x7d: {  	_ =	shalt  }
0x7e: {  	_ =	shalt  }
0x7f: {  	_ =	shalt  }
0x80: {  	_ =	shalt  }
0x81: {  	_ =	shalt  }
0x82: {  	_ =	shalt  }
0x83: {  	_ =	shalt  }
0x84: {  	_ =	shalt  }
0x85: {  	_ =	shalt  }
0x86: {  	_ =	shalt  }
0x87: {  	_ =	shalt  }
.Lfunc_end0:
.L_simem_size_0:
called_computation.3_lowered:
.L_overlay_start_0:
0x88: {  	s2 =	sld [smem:$0x3FD9]  }
0x89: {  	s3 =	sld [smem:$0x3FFE];
	_ =	sdelay $0x1  }
0x8a: {  	s1 =	srdreg.scid  }
0x8b: {  	s0 =	sand.u32 $0x1, s1  }
0x8c: {  	s16 =	sshll.u32 s0, $0xA;
	s2 =	sadd.s32 s3, s2  }
0x8d: {  	s2 =	sadd.s32 s2, s16  }
0x8e: {  	[smem:$0x3FB7] =	sst s2  }
0x8f: {  	_ = 	snop  }
0x90: {  	(tm) =	ssettm $0x1  }
0x91: {  	s17 =	sld [smem:$0x3FFB];
	_ =	sdelay $0x3  }
0x92: {  	_ =	strace s17  }
0x93: {  	s2 =	sld [smem:$0x3FFC];
	_ =	sdelay $0x3  }
0x94: {  	_ =	strace s2  }
0x95: {  	s2 =	sld [smem:$0x3FFD];
	_ =	sdelay $0x3  }
0x96: {  	_ =	strace s2  }
0x97: {  	_ =	strace $0x8FFFFFFF  }
0x98: {  	s18 =	sld [smem:$0x3FDB];
	_ =	sdelay $0x1  }
0x99: {  	s19 =	simm.s32 $_scs_section_size  }
0x9a: {  	s4 =	simm.s32 $_size__tile_overlayer_lowered;
	s5 =	simm.s32 $_tile_overlayer_lowered  }
0x9b: {  	s22 =	simm.s32 $0x1BFF;
	s21 =	sshll.u32 s5, $0x1;
	s2 =	sadd.s32 s19, s18  }
0x9c: {  	s6 =	simm.s32 $0x0;
	s20 =	sshll.u32 s4, $0x1;
	s4 =	sadd.s32 s21, s2  }
0x9d: {  	[timem:s6], [sflag:s22] =	dma.local [hbm:s4], s20  }
0x9e: {  	_ =	swait.ge [sflag:s22], s20  }
0x9f: {  	s3 =	ssub.s32 $0x0, s20;
	[sflag:s22] =	ssyncset.done $0x0  }
0xa0: {  	[sflag:s22] =	ssyncadd.s32 s3;
	_ =	sdelay $0x1  }
0xa1: {  	s23 =	simm.s32 $0x1B8B  }
0xa2: {  	_ =	swait.ge [sflag:s23], $0x1  }
0xa3: {  	[sflag:s23] =	ssyncset.done $0x0  }
0xa4: {  	s25 =	simm.s32 $0x1B8E;
	s24 =	sld [smem:$0x3FFE];
	[sflag:s23] =	ssyncadd.s32 $0xFFFFFFFF  }
0xa5: {  	s26 =	simm.s32 $execute0_lowered;
	[smem:$0x3FD2] =	sst s25  }
0xa6: {  	s4 =	sshll.u32 s26, $0x1;
	_ =	strace $0x8000004F;
	[dreg:$0x1] =	wrdreg $0xFFFFFFFF  }
0xa7: {  	s28 =	simm.s32 $_size_execute0_lowered;
	s2 =	sadd.s32 s2, s4;
	[dreg:$0x0] =	wrdreg $0x0  }
0xa8: {  	s4 =	sshll.u32 s28, $0x1;
	[dreg:$0x2] =	wrdreg s2  }
0xa9: {  	[dreg:$0x3] =	wrdreg s4  }
0xaa: {  	[dreg:$0x4] =	wrdreg $0xC0  }
0xab: {  	_ =	task [dreg:s6], $0x5FFFF  }
0xac: {  	[dreg:$0x1] =	wrdreg $0xFFFFFFFF  }
0xad: {  	[dreg:$0x0] =	wrdreg $0x60  }
0xae: {  	[dreg:$0x2] =	wrdreg s24  }
0xaf: {  	[dreg:$0x3] =	wrdreg $0x9A00  }
0xb0: {  	[dreg:$0x4] =	wrdreg $0x9  }
0xb1: {  	_ =	task.clear_ibuf [dreg:s6], $0x5FFFF;
	_ =	strace $0x9000004F  }
0xb2: {  	s29 =	simm.s32 $0x9;
	_ =	strace $0x80000051  }
0xb3: {  	_ =	swait.ge [sflag:s29], $0x1  }
0xb4: {  	[sflag:s29] =	ssyncadd.s32 $0xFFFFFFFF  }
0xb5: {  	_ =	strace $0x90000051  }
0xb6: {  	_ =	sfence  }
0xb7: {  	s30 =	sld [smem:$0x0];
	_ =	sdelay $0x2  }
0xb8: {  	s31 =	sshll.u32 s1, $0xD;
	s1 =	sshrl.u32 s1, $0x2  }
0xb9: {  	s3 =	sand.u32 $0x4000, s31;
	s1 =	sadd.s32 s1, s30  }
0xba: {  	s0 =	sor.u32 s3, s0;
	s1 =	sshll.u32 s1, $0x11  }
0xbb: {  	s0 =	sor.u32 s1, s0  }
0xbc: {  	s0 =	sadd.s32 $0x8F2B, s0  }
0xbd: {  	[sflag:s0] =	ssyncadd.remote.s32 $0x1  }
0xbe: {  	_ =	sfence.sel $0xFFFF  }
0xbf: {  	[dreg:$0x0] =	wrdreg $0xFFFFFFFF;
	(pc) =	sbr.abs _section_cstart, $3  }
0xc0: {  	[dreg:$0x1] =	wrdreg $0xFFFFFFFF  }
0xc1: {  	_ =	task.clear_ibuf [dreg:s6], $0x2FFFF;
	_ =	strace $0x9FFFFFFF  }
0xc2: {  	(tm) =	ssettm $0x7FFFFFFF  }
0xc3: {  	_ =	shalt  }
tec
execute0_lowered:
.L_overlay_start_1:
0x0: {  	(tag) =	ssettag $0x1  }
0x1: {  	s9 =	rddreg [dreg:$0x0]  }
0x2: {  	s1 =	rddreg [dreg:$0x1];
	s3 =	srdreg.scid  }
0x3: {  	s2 =	simm.s32 $0x0;
	s14 =	stileid.u32;
	s15 =	simm.s32 $0x400  }
0x4: {  	s16 =	simm.s32 $0x450;
	s17 =	simm.s32 $0x50;
	s18 =	simm.s32 $0x4A0  }
0x5: {  	s19 =	simm.s32 $0x0;
	s7 =	sand.u32 $0x1, s3;
	[smem:$0x7FF] =	sst s2  }
0x6: {  	s4 =	sadd.s32 $0x3400, s9;
	s5 =	sadd.s32 $0x17000, s9;
	s6 =	sadd.s32 $0x21200, s9  }
0x7: {  	s12 =	smul.u32 $0x5000, s14;
	s0 =	sadd.s32 $0x2B400, s9;
	s24 =	sadd.s32 $0x8400, s9  }
0x8: {  	s30 =	sshll.u32 s14, $0x6;
	_ =	strace $0x80000050;
	[dreg:$0x3] =	wrdreg s0  }
0x9: {  	s3 =	sshll.u32 s7, $0x4;
	s11 =	ssub.s32 $0x2, s7;
	[dreg:$0x4] =	wrdreg s24  }
0xa: {  	s3 =	sor.u32 s14, s3;
	s13 =	sshrl.u32 s11, $0x1;
	s26 =	sshrl.u32 s12, $0x2  }
0xb: {  	s12 =	sor.u32 $0x1C02, s30;
	s10 =	smul.u32 $0x280, s3;
	s25 =	ssub.s32 s11, s13  }
0xc: {  	s28 =	sadd.s32 s26, s1;
	p0 =	seq.s32 s3, $0x0;
	s31 =	smax.u32 s25, $0x1  }
.Ltmp0:
0xd: {  	s0 =	simm.s32 @!p0 $0x0;
	s9 =	sadd.s32 s10, s9;
	(pc) =	sbr.rel .LBB2_1-.Ltmp0, $4  }
0xe: {  	[dreg:$0x6] =	wrdreg s31;
	s0 =	simm.s32 @p0 $0x1;
	p0 =	sne.s32 s14, $0x0  }
0xf: {  	v0 =	vlaneseq.u32;
	s29 =	sadd.s32 $0x8800, s9;
	[smem:$0x7FC] =	sst s0;
	s0 =	simm.s32 @!p0 $0x0  }
0x10: {  	v1 =	vadd.s32 $0x1, v0;
	v2 =	vadd.s32 $0x11, v0;
	s11 =	simm.s32 $0x2;
	[dreg:$0x5] =	wrdreg s29;
	s0 =	simm.s32 @p0 $0x1  }
0x11: {  	v3 =	vadd.s32 $0x21, v0;
	v4 =	vadd.s32 $0x31, v0;
	v5 =	vadd.s32 $0x41, v0;
	s13 =	sshrl.u32 s28, $0x3;
	s14 =	simm.s32 $0x1;
	[smem:$0x7FD] =	sst s0  }
.LBB2_19:
0x12: {  	s0 =	rddreg [dreg:$0x5]  }
0x13: {  	[hbm:s0], [sflag:s12] =	dma.local [spmem:s13], $0x280  }
0x14: {  	_ =	swait.ge [sflag:s11], $0x280  }
0x15: {  	s19 =	sadd.s32 $0x1, s19;
	s31 =	rddreg [dreg:$0x6]  }
0x16: {  	p0 =	sne.s32 s19, s31  }
.Ltmp1:
0x17: {  	_ = 	snop;
	(pc) =	sbr.rel @!p0 .LBB2_20-.Ltmp1, $3  }
0x18: {  	_ =	sdelay $0x1  }
0x19: {  	[sflag:s11] =	ssyncset.done $0x0  }
0x1a: {  	[sflag:s11] =	ssyncadd.s32 $0xFFFFFD80  }
.LBB2_1:
0x1b: {  	s0 =	rddreg [dreg:$0x3]  }
0x1c: {  	[tilespmem:s2], [sflag:$0x2] =	stream.linear.gather [hbm4b:s0+s2], $0x400, $0x38;
	[tilespmem:$0x1DA8] =	vst v63  }
0x1d: {  	_ =	swait.ge [sflag:s11], $0x400  }
0x1e: {  	[sflag:s11] =	ssyncset.done $0x0  }
.Ltmp2:
0x1f: {  	s31 =	rddreg [dreg:$0x4];
	[sflag:s11] =	ssyncadd.s32 $0xFFFFFC00;
	(pc) =	sbr.rel .LBB2_2-.Ltmp2, $4  }
0x20: {  	[spmem:s13], [sflag:s12] =	dma.local [hbm:s31], $0x280  }
0x21: {  	_ =	swait.ge [sflag:s11], $0x280  }
0x22: {  	s20 =	simm.s32 $0x0;
	[sflag:s11] =	ssyncset.done $0x0  }
0x23: {  	s21 =	simm.s32 $0x0;
	s22 =	simm.s32 $0x0;
	[sflag:s11] =	ssyncadd.s32 $0xFFFFFD80  }
.LBB2_17:
0x24: {  	v6 =	vsel vm0, $0x0, v6;
	[tilespmem:$0x450] =	vst v7  }
0x25: {  	[tilespmem:$0x400] =	vst v6  }
0x26: {  	[tilespmem:s18], [sflag:$0x1] =	stream.indirect.gather [hbm4b:s4+s17], $0x10, s15, s17, $0xb8;
	[tilespmem:$0x1DA8] =	vst v63  }
0x27: {  	_ =	swait.ge [sflag:s14], $0x500  }
0x28: {  	[sflag:s14] =	ssyncset.done $0x0  }
0x29: {  	[sflag:s14] =	ssyncadd.s32 $0xFFFFFB00  }
0x2a: {  	[spmem:s1] =	stream.indirect.scatter.add.f32 [tilespmem:s18], [sflag:$0x2], $0x10, s16, s17, $0xb8;
	[tilespmem:$0x1DA8] =	vst v63  }
0x2b: {  	_ =	swait.ge [sflag:s11], $0x500  }
0x2c: {  	[sflag:s11] =	ssyncset.done $0x0  }
0x2d: {  	[sflag:s11] =	ssyncadd.s32 $0xFFFFFB00  }
.LBB2_18:
0x2e: {  	s22 =	sadd.s32 $0x1, s22  }
0x2f: {  	p0 =	sne.s32 s22, $0x20  }
.Ltmp3:
0x30: {  	_ = 	snop;
	(pc) =	sbr.rel @!p0 .LBB2_19-.Ltmp3, $2  }
0x31: {  	_ =	sdelay $0x2  }
0x32: {  	s21 =	sadd.s32 $0x20, s21;
	s20 =	sadd.s32 $0x2850, s20  }
.LBB2_2:
0x33: {  	s0 =	sld [smem:$0x7FD]  }
0x34: {  	s23 =	sshll.u32 s22, $0x5  }
0x35: {  	s23 =	sor.u32 s3, s23  }
0x36: {  	p2 =	seq.s32 s23, $0x0;
	p0 =	seq.s32 s0, $0x1  }
0x37: {  	p2 =	por !p0, !p2  }
0x38: {  	s24 =	simm.s32 $0xFFFFFFFF;
	p2 =	por !p2, !p2  }
0x39: {  	s24 =	simm.s32 @!p2 $0x0  }
0x3a: {  	s24 =	sshll.u32 s24, $0x4  }
0x3b: {  	s24 =	sadd.s32 s23, s24  }
0x3c: {  	s24 =	sand.u32 $0xFFFFFFF0, s24  }
0x3d: {  	v6 =	vld [tilespmem:s24+$0x0];
	_ =	sdelay $0x2  }
0x3e: {  	s23 =	ssub.s32 s23, s24  }
0x3f: {  	v7 =	vmov s23  }
0x40: {  	vm0 =	veq.s32 v7, v0;
	v6 =	vxor.u32 $0x80000000, v6  }
0x41: {  	v6 =	vnsel vm0, $0x0, v6  }
0x42: {  	(xrf0) =	vmax.scan.msk.u32 $0xffff, v6;
	_ =	sdelay $0x5  }
0x43: {  	v6, _, _ =	vpop (xrf0)  }
0x44: {  	(v2sf) =	vpush v6, $0xF;
	_ =	sdelay $0x6  }
0x45: {  	s31 =	sld [smem:$0x7FC];
	_ =	sdelay $0x2  }
0x46: {  	p0 =	seq.s32 s31, $0x1  }
.Ltmp4:
0x47: {  	_ = 	snop;
	(pc) =	sbr.rel @p0 .LBB2_14-.Ltmp4, $2  }
0x48: {  	_ =	sdelay $0x2  }
0x49: {  	s24 =	simm.s32 $0x0;
	s23 =	spop (v2sf)  }
0x4a: {  	p5 =	sne.s32 s3, $0x1  }
.Ltmp5:
0x4b: {  	s28 =	sadd.s32 $0x0, s21;
	s25 =	sand.u32 $0xF, s24;
	(pc) =	sbr.rel @!p5 .LBB2_4-.Ltmp5, $4  }
0x4c: {  	p2 =	seq.s32 s28, $0x0;
	p3 =	sne.s32 s25, $0x0  }
0x4d: {  	s29 =	simm.s32 $0xFFFFFFFF;
	p2 =	por !p2, !p3  }
0x4e: {  	p4 =	por $0x0, $0x0;
	s25 =	simm.s32 $0x1;
	p2 =	por !p2, !p2  }
0x4f: {  	p3 =	por $0x0, $0x0;
	s29 =	simm.s32 @!p2 $0x0;
	p2 =	por $0x0, $0x0  }
0x50: {  	s26 =	sshll.u32 s29, $0x4  }
0x51: {  	s29 =	sadd.s32 s26, s28  }
0x52: {  	s29 =	sand.u32 $0xFFFFFFF0, s29  }
0x53: {  	s25 =	sand.u32 $0xF, s25;
	v6 =	vld [tilespmem:s29+$0x0];
	s29 =	sadd.s32 s26, s21;
	s26 =	sadd.s32 $0x1, s21  }
0x54: {  	p5 =	sne.s32 s25, $0x0;
	p2 =	seq.s32 s26, $0x0  }
0x55: {  	p2 =	por !p2, !p5;
	p5 =	sne.s32 s3, $0x2  }
.Ltmp6:
0x56: {  	s29 =	sand.u32 $0xFFFFFFF0, s29;
	(pc) =	sbr.rel @!p5 .LBB2_6-.Ltmp6, $4  }
0x57: {  	s31 =	ssub.s32 s28, s29  }
0x58: {  	v7 =	vmov s31  }
0x59: {  	s30 =	simm.s32 $0x2;
	s29 =	simm.s32 $0xFFFFFFFF;
	p2 =	por !p2, !p2;
	vm0 =	veq.s32 v7, v0;
	v6 =	vxor.u32 $0x80000000, v6  }
0x5a: {  	s25 =	sadd.s32 $0x1, s21;
	s29 =	simm.s32 @!p2 $0x0;
	p2 =	por $0x1, $0x1;
	v6 =	vnsel vm0, $0x0, v6  }
0x5b: {  	s28 =	sshll.u32 s29, $0x4  }
0x5c: {  	s29 =	sadd.s32 s28, s26  }
0x5d: {  	s29 =	sand.u32 $0xFFFFFFF0, s29  }
0x5e: {  	(xrf0) =	vmax.scan.msk.u32 $0xffff, v6;
	v6 =	vld [tilespmem:s29+$0x0];
	s29 =	sadd.s32 s28, s25  }
0x5f: {  	s29 =	sand.u32 $0xFFFFFFF0, s29  }
0x60: {  	s29 =	ssub.s32 s26, s29  }
0x61: {  	v7 =	vmov s29;
	_ =	sdelay $0x2  }
0x62: {  	vm0 =	veq.s32 v7, v0;
	v7, _, _ =	vpop (xrf0)  }
0x63: {  	(v2sf) =	vpush v7, $0xF;
	_ =	sdelay $0x5  }
0x64: {  	s30 =	sand.u32 $0xF, s30;
	s28 =	sadd.s32 $0x2, s21  }
0x65: {  	p5 =	sne.s32 s30, $0x0;
	p3 =	seq.s32 s28, $0x0  }
0x66: {  	p3 =	por !p3, !p5;
	p5 =	sne.s32 s3, $0x3  }
.Ltmp7:
0x67: {  	_ = 	snop;
	(pc) =	sbr.rel @!p5 .LBB2_8-.Ltmp7, $3  }
0x68: {  	_ =	sdelay $0x1  }
0x69: {  	s25 =	sadd.s32 $0x1, s25;
	p3 =	por !p3, !p3;
	s29 =	simm.s32 $0xFFFFFFFF;
	v6 =	vxor.u32 $0x80000000, v6  }
0x6a: {  	s26 =	simm.s32 $0x3;
	s29 =	simm.s32 @!p3 $0x0;
	p3 =	por $0x1, $0x1;
	v6 =	vnsel vm0, $0x0, v6  }
0x6b: {  	s29 =	sshll.u32 s29, $0x4  }
0x6c: {  	(xrf0) =	vmax.scan.msk.u32 $0xffff, v6;
	s30 =	sadd.s32 s29, s28;
	s29 =	sadd.s32 s29, s25  }
0x6d: {  	s26 =	sand.u32 $0xF, s26;
	s30 =	sand.u32 $0xFFFFFFF0, s30;
	s31 =	sand.u32 $0xFFFFFFF0, s29  }
0x6e: {  	p5 =	sne.s32 s26, $0x0;
	v6 =	vld [tilespmem:s30+$0x0];
	s30 =	sadd.s32 $0x3, s21;
	s26 =	ssub.s32 s28, s31  }
0x6f: {  	p4 =	seq.s32 s30, $0x0;
	v7 =	vmov s26  }
0x70: {  	p4 =	por !p4, !p5;
	p5 =	sne.s32 s3, $0x4  }
.Ltmp8:
0x71: {  	_ = 	snop;
	(pc) =	sbr.rel @!p5 .LBB2_10-.Ltmp8, $4  }
0x72: {  	vm0 =	veq.s32 v7, v0;
	v7, _, _ =	vpop (xrf0)  }
0x73: {  	s25 =	sadd.s32 $0x1, s25;
	(v2sf) =	vpush v7, $0xF  }
0x74: {  	s29 =	simm.s32 $0xFFFFFFFF;
	s28 =	simm.s32 $0x4;
	p4 =	por !p4, !p4;
	v6 =	vxor.u32 $0x80000000, v6  }
0x75: {  	s26 =	simm.s32 $0x0;
	s29 =	simm.s32 @!p4 $0x0;
	p4 =	por $0x1, $0x1;
	v6 =	vnsel vm0, $0x0, v6  }
.LBB2_11:
0x76: {  	s31 =	sadd.s32 s28, s21  }
0x77: {  	s29 =	sshll.u32 s29, $0x4;
	s0 =	spop (v2sf);
	s7 =	sand.u32 $0xF, s28  }
0x78: {  	(xrf0) =	vmax.scan.msk.u32 $0xffff, v6;
	s28 =	sadd.s32 $0x1, s28;
	s8 =	sadd.s32 s29, s30;
	s0 =	sadd.s32 $0x80000007, s0  }
0x79: {  	p5 =	seq.s32 s31, $0x0;
	s8 =	sand.u32 $0xFFFFFFF0, s8;
	s9 =	sand.u32 $0x7, s0  }
0x7a: {  	s10 =	sshra.s32 s0, $0x1F;
	p0 =	slt.s32 s0, $0x1;
	p1 =	sne.s32 s9, $0x0  }
0x7b: {  	p6 =	sne.s32 s7, $0x0;
	s7 =	sshrl.u32 s10, $0x1D;
	p0 =	por !p0, !p1  }
0x7c: {  	v6 =	vld [tilespmem:s8+$0x0];
	s8 =	sadd.s32 s29, s25;
	s0 =	sadd.s32 s7, s0;
	p1 =	sne.s32 s3, s28  }
0x7d: {  	p0 =	por !p0, !p0;
	s7 =	sand.u32 $0xFFFFFFF0, s8;
	s8 =	simm.s32 $0x1  }
.Ltmp9:
0x7e: {  	s0 =	sshrl.u32 s0, $0x3;
	v7, _, _ =	vpop (xrf0);
	s8 =	simm.s32 @!p0 $0x0;
	(pc) =	sbr.rel @p1 .LBB2_11-.Ltmp9, $4  }
0x7f: {  	s7 =	ssub.s32 s30, s7;
	(v2sf) =	vpush v7, $0xF;
	s0 =	ssub.s32 s0, s8  }
0x80: {  	s29 =	simm.s32 $0xFFFFFFFF;
	p0 =	por !p5, !p6;
	v7 =	vmov s7;
	s0 =	sshll.u32 s0, $0x3  }
0x81: {  	s30 =	smov.u32 s31;
	p0 =	por !p0, !p0;
	vm0 =	veq.s32 v7, v0;
	v6 =	vxor.u32 $0x80000000, v6;
	s26 =	sadd.s32 s26, s0  }
0x82: {  	s25 =	sadd.s32 $0x1, s25;
	s29 =	simm.s32 @!p0 $0x0;
	v6 =	vnsel vm0, $0x0, v6  }
0x83: {  	s28 =	smov.u32 s30  }
.LBB2_13:
0x84: {  	s0 =	sshll.u32 s29, $0x4  }
0x85: {  	s7 =	sadd.s32 s0, s28  }
0x86: {  	s7 =	sand.u32 $0xFFFFFFF0, s7  }
0x87: {  	v7 =	vld [tilespmem:s7+$0x0]  }
0x88: {  	s0 =	sadd.s32 s0, s25  }
0x89: {  	s0 =	sand.u32 $0xFFFFFFF0, s0  }
0x8a: {  	(xrf0) =	vmax.scan.msk.u32 @p2 $0xffff, v6;
	s0 =	ssub.s32 s28, s0  }
0x8b: {  	v6 =	vmov s0  }
0x8c: {  	vm0 =	veq.s32 v6, v0;
	v6 =	vxor.u32 $0x80000000, v7  }
0x8d: {  	v6 =	vnsel vm0, $0x0, v6;
	_ =	sdelay $0x1  }
0x8e: {  	(xrf0) =	vmax.scan.msk.u32 $0xffff, v6  }
0x8f: {  	v6, _, _ =	vpop @p2 (xrf0)  }
0x90: {  	(v2sf) =	vpush @p2 v6, $0xF;
	_ =	sdelay $0x2  }
0x91: {  	s0 =	spop @p4 (v2sf)  }
0x92: {  	s0 =	sadd.s32 @p4 $0x80000007, s0;
	v6, _, _ =	vpop (xrf0)  }
0x93: {  	s7 =	sand.u32 @p4 $0x7, s0;
	s8 =	sshra.s32 @p4 s0, $0x1F;
	(v2sf) =	vpush v6, $0xF  }
0x94: {  	p0 =	slt.s32 @p4 s0, $0x1;
	p1 =	sne.s32 @p4 s7, $0x0;
	s7 =	sshrl.u32 @p4 s8, $0x1D  }
0x95: {  	p0 =	por @p4 !p0, !p1;
	s0 =	sadd.s32 @p4 s7, s0;
	s8 =	spop @p3 (v2sf)  }
0x96: {  	p0 =	por @p4 !p0, !p0;
	s0 =	sshrl.u32 @p4 s0, $0x3;
	s7 =	sadd.s32 @p3 $0x80000007, s8  }
0x97: {  	p0 =	por !p0, !p4;
	s8 =	simm.s32 $0x1;
	s9 =	sand.u32 @p3 $0x7, s7  }
0x98: {  	s8 =	simm.s32 @p0 $0x0;
	p0 =	slt.s32 @p3 s7, $0x1;
	p1 =	sne.s32 @p3 s9, $0x0  }
0x99: {  	s0 =	ssub.s32 @p4 s0, s8;
	s8 =	sshra.s32 @p3 s7, $0x1F;
	p0 =	por @p3 !p0, !p1  }
0x9a: {  	s9 =	simm.s32 $0x0;
	s8 =	sshrl.u32 @p3 s8, $0x1D;
	p0 =	por @p3 !p0, !p0  }
0x9b: {  	s7 =	sadd.s32 @p3 s8, s7;
	s8 =	simm.s32 $0x1;
	p0 =	por !p0, !p3  }
0x9c: {  	s0 =	sshll.u32 @p4 s0, $0x3;
	s7 =	sshrl.u32 @p3 s7, $0x3;
	s8 =	simm.s32 @p0 $0x0  }
0x9d: {  	s0 =	sadd.s32 @p4 s26, s0;
	s7 =	ssub.s32 @p3 s7, s8;
	s8 =	spop @p2 (v2sf)  }
0x9e: {  	s9 =	smov.u32 @p4 s0;
	s0 =	sshll.u32 @p3 s7, $0x3;
	s7 =	sadd.s32 @p2 $0x80000007, s8  }
0x9f: {  	s0 =	sadd.s32 @p3 s9, s0;
	s8 =	simm.s32 $0x0;
	s9 =	sand.u32 @p2 $0x7, s7  }
0xa0: {  	s10 =	sshra.s32 @p2 s7, $0x1F;
	p0 =	slt.s32 @p2 s7, $0x1;
	s8 =	smov.u32 @p3 s0  }
0xa1: {  	p1 =	sne.s32 @p2 s9, $0x0;
	s0 =	sshrl.u32 @p2 s10, $0x1D;
	s9 =	simm.s32 $0x1  }
0xa2: {  	p0 =	por @p2 !p0, !p1;
	s0 =	sadd.s32 @p2 s0, s7;
	s26 =	spop (v2sf)  }
0xa3: {  	p0 =	por @p2 !p0, !p0;
	s7 =	sadd.s32 $0x80000007, s26;
	s0 =	sshrl.u32 @p2 s0, $0x3  }
0xa4: {  	p0 =	por !p0, !p2;
	s28 =	sand.u32 $0x7, s7;
	s29 =	sshra.s32 s7, $0x1F  }
0xa5: {  	p5 =	slt.s32 s7, $0x1;
	s9 =	simm.s32 @p0 $0x0;
	p6 =	sne.s32 s28, $0x0  }
0xa6: {  	s30 =	sshrl.u32 s29, $0x1D;
	s0 =	ssub.s32 @p2 s0, s9;
	p0 =	por !p5, !p6  }
0xa7: {  	s7 =	sadd.s32 s30, s7;
	s9 =	simm.s32 $0x1;
	p0 =	por !p0, !p0  }
0xa8: {  	s0 =	sshll.u32 @p2 s0, $0x3;
	s7 =	sshrl.u32 s7, $0x3;
	s9 =	simm.s32 @!p0 $0x0  }
0xa9: {  	s0 =	sadd.s32 @p2 s8, s0;
	s7 =	ssub.s32 s7, s9  }
0xaa: {  	s24 =	smov.u32 @p2 s0;
	s31 =	sshll.u32 s7, $0x3  }
0xab: {  	s24 =	sadd.s32 s24, s31  }
.LBB2_14:
0xac: {  	s0 =	sadd.s32 $0x8000004F, s23  }
0xad: {  	s7 =	smulhi.u32 $0x66666667, s0;
	s8 =	sshra.s32 s0, $0x1F  }
0xae: {  	s8 =	smul.u32 $0x66666667, s8;
	_ =	sdelay $0x1  }
0xaf: {  	s7 =	sadd.s32 s8, s7  }
0xb0: {  	s8 =	sshrl.u32 s7, $0x1F;
	s7 =	sshra.s32 s7, $0x5  }
0xb1: {  	s7 =	sadd.s32 s8, s7  }
0xb2: {  	s8 =	smul.u32 $0xFFFFFFB0, s7  }
0xb3: {  	s9 =	ssub.s32 $0x7FFFFFB1, s23  }
0xb4: {  	p0 =	slt.s32 s0, $0x1;
	p1 =	sne.s32 s8, s9  }
0xb5: {  	p0 =	por !p0, !p1  }
0xb6: {  	s0 =	simm.s32 $0x1;
	p0 =	por !p0, !p0  }
0xb7: {  	s0 =	simm.s32 @!p0 $0x0  }
0xb8: {  	s25 =	ssub.s32 s7, s0  }
0xb9: {  	p0 =	slt.s32 s25, $0x1  }
.Ltmp10:
0xba: {  	_ = 	snop;
	(pc) =	sbr.rel @p0 .LBB2_18-.Ltmp10, $1  }
0xbb: {  	_ =	sdelay $0x3  }
0xbc: {  	s24 =	sadd.s32 s20, s24  }
0xbd: {  	s0 =	sshrl.u32 s24, $0x3  }
0xbe: {  	s7 =	sadd.s32 s5, s0  }
0xbf: {  	[tilespmem:s15], [sflag:$0x2] =	stream.linear.gather [hbm4b:s7+s2], $0x50, $0x38;
	[tilespmem:$0x1DA8] =	vst v63  }
0xc0: {  	_ =	swait.ge [sflag:s11], $0x50  }
0xc1: {  	[sflag:s11] =	ssyncset.done $0x0  }
0xc2: {  	s0 =	sadd.s32 s6, s0;
	[sflag:s11] =	ssyncadd.s32 $0xFFFFFFB0  }
0xc3: {  	[tilespmem:s16], [sflag:$0x2] =	stream.linear.gather [hbm4b:s0+s2], $0x50, $0x38;
	[tilespmem:$0x1DA8] =	vst v63  }
0xc4: {  	_ =	swait.ge [sflag:s11], $0x50  }
0xc5: {  	[sflag:s11] =	ssyncset.done $0x0  }
0xc6: {  	[sflag:s11] =	ssyncadd.s32 $0xFFFFFFB0  }
0xc7: {  	s23 =	sxor.u32 $0x80000000, s23;
	v6 =	vld [tilespmem:$0x490]  }
0xc8: {  	p0 =	slt.s32 s23, $0x50;
	s0 =	smov.u32 s23  }
0xc9: {  	s0 =	simm.s32 @!p0 $0x50;
	v7 =	vld [tilespmem:$0x460]  }
0xca: {  	v9 =	vmov s0;
	v8 =	vld [tilespmem:$0x440]  }
0xcb: {  	vm0 =	vlt.s32 v9, v5;
	v10 =	vld [tilespmem:$0x430]  }
0xcc: {  	v11 =	vld [tilespmem:$0x470];
	v6 =	vsel vm0, $0x1400, v6  }
0xcd: {  	[tilespmem:$0x490] =	vst v6;
	v6 =	vld [tilespmem:$0x410]  }
0xce: {  	vm1 =	vlt.s32 v9, v2;
	v12 =	vld [tilespmem:$0x420]  }
0xcf: {  	vm2 =	vlt.s32 v9, v4;
	v13 =	vld [tilespmem:$0x480];
	v7 =	vsel vm1, $0x1400, v7  }
0xd0: {  	v10 =	vsel vm2, $0x0, v10;
	[tilespmem:$0x460] =	vst v7  }
0xd1: {  	p0 =	sne.s32 s25, $0x1;
	v7 =	vsel vm0, $0x0, v8;
	v8 =	vld [tilespmem:$0x450];
	vm0 =	vlt.s32 v9, v3;
	[tilespmem:$0x430] =	vst v10  }
.Ltmp11:
0xd2: {  	[tilespmem:$0x440] =	vst v7;
	v7 =	vsel vm0, $0x1400, v11;
	v63 =	vsel vm1, $0x0, v6;
	v6 =	vld [tilespmem:$0x400];
	(pc) =	sbr.rel @!p0 .LBB2_17-.Ltmp11, $4  }
0xd3: {  	v62 =	vsel vm0, $0x0, v12;
	[tilespmem:$0x470] =	vst v7  }
0xd4: {  	[tilespmem:$0x420] =	vst v62;
	v7 =	vsel vm2, $0x1400, v13  }
0xd5: {  	vm0 =	vlt.s32 v9, v1;
	[tilespmem:$0x480] =	vst v7  }
0xd6: {  	s25 =	sadd.s32 $0xFFFFFFFF, s25;
	v7 =	vsel vm0, $0x1400, v8;
	[tilespmem:$0x410] =	vst v63  }
.LBB2_16:
0xd7: {  	p2 =	sne.s32 s25, $0x1;
	v6 =	vsel vm0, $0x0, v6;
	[tilespmem:$0x450] =	vst v7;
	s23 =	sadd.s32 $0xFFFFFFB0, s23;
	s24 =	sadd.s32 $0x50, s24  }
0xd8: {  	s25 =	sadd.s32 $0xFFFFFFFF, s25;
	[tilespmem:$0x400] =	vst v6  }
0xd9: {  	[tilespmem:s18], [sflag:$0x1] =	stream.indirect.gather [hbm4b:s4+s17], $0x10, s15, s17, $0xb8;
	[tilespmem:$0x1DA8] =	vst v63  }
0xda: {  	_ =	swait.ge [sflag:s14], $0x500  }
0xdb: {  	[sflag:s14] =	ssyncset.done $0x0  }
0xdc: {  	[sflag:s14] =	ssyncadd.s32 $0xFFFFFB00  }
0xdd: {  	[spmem:s1] =	stream.indirect.scatter.add.f32 [tilespmem:s18], [sflag:$0x2], $0x10, s16, s17, $0xb8;
	[tilespmem:$0x1DA8] =	vst v63  }
0xde: {  	_ =	swait.ge [sflag:s11], $0x500  }
0xdf: {  	s0 =	sshrl.u32 s24, $0x3;
	[sflag:s11] =	ssyncset.done $0x0  }
0xe0: {  	s7 =	sadd.s32 s5, s0;
	[sflag:s11] =	ssyncadd.s32 $0xFFFFFB00  }
0xe1: {  	[tilespmem:s15], [sflag:$0x2] =	stream.linear.gather [hbm4b:s7+s2], $0x50, $0x38;
	[tilespmem:$0x1DA8] =	vst v63  }
0xe2: {  	_ =	swait.ge [sflag:s11], $0x50  }
0xe3: {  	[sflag:s11] =	ssyncset.done $0x0  }
0xe4: {  	s0 =	sadd.s32 s6, s0;
	[sflag:s11] =	ssyncadd.s32 $0xFFFFFFB0  }
0xe5: {  	[tilespmem:s16], [sflag:$0x2] =	stream.linear.gather [hbm4b:s0+s2], $0x50, $0x38;
	[tilespmem:$0x1DA8] =	vst v63  }
0xe6: {  	_ =	swait.ge [sflag:s11], $0x50  }
0xe7: {  	[sflag:s11] =	ssyncset.done $0x0  }
0xe8: {  	[sflag:s11] =	ssyncadd.s32 $0xFFFFFFB0  }
0xe9: {  	v6 =	vld [tilespmem:$0x490]  }
0xea: {  	p0 =	slt.s32 s23, $0x50;
	s0 =	smov.u32 s23;
	v7 =	vld [tilespmem:$0x460]  }
0xeb: {  	s0 =	simm.s32 @!p0 $0x50;
	v8 =	vld [tilespmem:$0x440]  }
0xec: {  	v9 =	vmov s0;
	v10 =	vld [tilespmem:$0x430]  }
0xed: {  	vm0 =	vlt.s32 v9, v5;
	v11 =	vld [tilespmem:$0x470]  }
0xee: {  	vm1 =	vlt.s32 v9, v2;
	v12 =	vld [tilespmem:$0x420];
	v6 =	vsel vm0, $0x1400, v6  }
0xef: {  	v7 =	vsel vm1, $0x1400, v7;
	v13 =	vld [tilespmem:$0x480];
	[tilespmem:$0x490] =	vst v6  }
0xf0: {  	vm2 =	vlt.s32 v9, v4;
	v14 =	vld [tilespmem:$0x410];
	[tilespmem:$0x460] =	vst v7;
	v6 =	vsel vm0, $0x0, v8  }
0xf1: {  	vm0 =	vlt.s32 v9, v3;
	v7 =	vld [tilespmem:$0x450];
	v8 =	vsel vm2, $0x0, v10;
	[tilespmem:$0x440] =	vst v6  }
.Ltmp12:
0xf2: {  	v6 =	vld [tilespmem:$0x400];
	v10 =	vsel vm0, $0x1400, v11;
	[tilespmem:$0x430] =	vst v8;
	(pc) =	sbr.rel @p2 .LBB2_16-.Ltmp12, $4  }
0xf3: {  	v8 =	vsel vm0, $0x0, v12;
	[tilespmem:$0x470] =	vst v10  }
0xf4: {  	[tilespmem:$0x420] =	vst v8;
	v8 =	vsel vm2, $0x1400, v13  }
0xf5: {  	vm0 =	vlt.s32 v9, v1;
	v9 =	vsel vm1, $0x0, v14;
	[tilespmem:$0x480] =	vst v8  }
0xf6: {  	v7 =	vsel vm0, $0x1400, v7;
	[tilespmem:$0x410] =	vst v9  }
.Ltmp13:
0xf7: {  	_ = 	snop;
	(pc) =	sbr.rel .LBB2_17-.Ltmp13, $1  }
0xf8: {  	_ =	sdelay $0x3  }
.LBB2_4:
.Ltmp14:
0xf9: {  	(pc) =	sbr.rel .LBB2_13-.Ltmp14, $2  }
0xfa: {  	_ =	sdelay $0x2  }
0xfb: {  	s25 =	smov.u32 s21;
	s26 =	simm.s32 $0x0  }
.LBB2_6:
.Ltmp15:
0xfc: {  	(pc) =	sbr.rel .LBB2_13-.Ltmp15, $2  }
0xfd: {  	_ =	sdelay $0x2  }
0xfe: {  	s28 =	smov.u32 s26;
	s26 =	simm.s32 $0x0  }
.LBB2_8:
.Ltmp16:
0xff: {  	(pc) =	sbr.rel .LBB2_13-.Ltmp16, $2  }
0x100: {  	_ =	sdelay $0x2  }
0x101: {  	s26 =	simm.s32 $0x0  }
.LBB2_10:
.Ltmp17:
0x102: {  	(pc) =	sbr.rel .LBB2_13-.Ltmp17, $2  }
0x103: {  	_ =	sdelay $0x2  }
0x104: {  	s28 =	smov.u32 s30;
	s26 =	simm.s32 $0x0  }
.LBB2_20:
0x105: {  	_ =	sfence.sel $0x180000  }
0x106: {  	[bflag:$0x0] =	sbarrier.arrive $0xFFFF  }
0x107: {  	_ =	strace $0x90000050  }
0x108: {  	[bflag:$0x2] =	sbarrier.arrive $0xFFFF  }
0x109: {  	s1 =	sld [smem:$0x7FD];
	_ =	sdelay $0x2  }
0x10a: {  	s0 =	rddreg [dreg:$0x2];
	p0 =	seq.s32 s1, $0x1  }
0x10b: {  	s0 =	sadd.s32 @!p0 $0x100000, s0  }
0x10c: {  	[sflag:s0] =	ssyncadd.tile.s32 @!p0 $0x1;
	_ =	shalt  }
.Lfunc_end2:
_tile_overlayer_lowered:
.L_overlay_start_2:
0x10d: {  	(tag) =	ssettag $0x2  }
0x10e: {  	s0 =	rddreg [dreg:$0x0];
	s2 =	stileid.u32  }
0x10f: {  	s1 =	rddreg [dreg:$0x1];
	p0 =	sne.s32 s2, $0x0  }
0x110: {  	s3 =	rddreg [dreg:$0x2];
	[bflag:$0x3] =	sbarrier.arrive $0xFFFF;
	s2 =	simm.s32 @!p0 $0x1C02  }
0x111: {  	[timem:s3], [sflag:s2] =	dma.local @!p0 [hbm:s0], s1  }
0x112: {  	s0 =	simm.s32 @!p0 $0x2  }
0x113: {  	_ =	swait.ge @!p0 [sflag:s0], s1  }
0x114: {  	s1 =	ssub.s32 @!p0 $0x0, s1;
	[sflag:s0] =	ssyncset.done @!p0 $0x0  }
0x115: {  	[sflag:s0] =	ssyncadd.s32 @!p0 s1  }
0x116: {  	[bflag:$0x3] =	sbarrier.arrive $0xFFFF  }
0x117: {  	_ =	shalt  }

</sc_bundles>
